<compile_context>
chip_gen: v7x
topology: tpu7x:2x2x1
jax: 0.10.2.dev20260603
libtpu: 0.0.44.dev20260713+nightly
codegen_flags: <defaults>
</compile_context>

<pallas_src>
import functools

import jax
import jax.numpy as jnp
from jax import lax
from jax.experimental import pallas as pl
from jax.experimental.pallas import tpu as pltpu
from jax.experimental.pallas import tpu_sc as plsc

NUM_NODES = 100000
EMB = 128
EMB_U = 16
T = 4
DIM_A = 20
B = 16384
NEIGH = 10

NTILES = 32
BT = B // NTILES
SUB = 8
BSUB = BT // SUB
RSUB = BSUB * T * NEIGH
CHUNK = 128
NCH = RSUB // CHUNK
NE_CH = 128
NE_NCH = BT // NE_CH


NSUB_T = BSUB * NEIGH


def _sc_body(neigh_hbm, ti_hbm, nte_tab, ne_tab, tpat_hbm, tab_p, nte_out, ne_out,
             idx_raw, idx2, rows, ti_idx, ne_rows, pat_v, sem, sem2):
    pltpu.sync_copy(tab_p.at[0, 0, pl.ds(0, 16)], rows.at[0])
    cid = lax.axis_index("c")
    sid = lax.axis_index("s")
    wid = cid * 16 + sid

    pltpu.sync_copy(tpat_hbm, pat_v)

    for sub in range(SUB):
        b0 = wid * BT + sub * BSUB
        nbase = pl.multiple_of(b0 * (T * NEIGH), RSUB)
        pltpu.sync_copy(neigh_hbm.at[pl.ds(nbase, RSUB)], idx_raw)

        def idxbody(j, _):
            o = j * 16
            v = idx_raw[pl.ds(o, 16)]
            idx2[pl.ds(o, 16)] = v * T + pat_v[pl.ds(o, 16)]
            return 0

        lax.fori_loop(0, RSUB // 16, idxbody, 0)

        cps = [
            pltpu.async_copy(
                nte_tab.at[idx2.at[pl.ds(c * CHUNK, CHUNK)]],
                rows.at[pl.ds(c * CHUNK, CHUNK)],
                sem,
            )
            for c in range(NCH)
        ]
        for cp in cps:
            cp.wait()
        pltpu.sync_copy(rows, nte_out.at[pl.ds(nbase, RSUB)])

    tbase = pl.multiple_of(wid * BT, BT)
    pltpu.sync_copy(ti_hbm.at[pl.ds(tbase, BT)], ti_idx)
    for c in range(NE_NCH):
        pltpu.async_copy(
            ne_tab.at[ti_idx.at[pl.ds(c * NE_CH, NE_CH)]], ne_rows, sem2
        ).wait()
        nbase2 = pl.multiple_of(wid * BT + c * NE_CH, NE_CH)
        pltpu.sync_copy(ne_rows, ne_out.at[pl.ds(nbase2, NE_CH)])


@functools.cache
def _sc_gather_fn():
    return functools.partial(
        pl.kernel,
        out_type=[
            jax.ShapeDtypeStruct((B * T * NEIGH, EMB_U), jnp.float32),
            jax.ShapeDtypeStruct((B, EMB), jnp.float32),
        ],
        mesh=plsc.VectorSubcoreMesh(core_axis_name="c", subcore_axis_name="s"),
        compiler_params=pltpu.CompilerParams(use_tc_tiling_on_sc=False),
        scratch_types=[
            pltpu.VMEM((RSUB,), jnp.int32),
            pltpu.VMEM((RSUB,), jnp.int32),
            pltpu.VMEM((RSUB, EMB_U), jnp.float32),
            pltpu.VMEM((BT,), jnp.int32),
            pltpu.VMEM((NE_CH, EMB), jnp.float32),
            pltpu.VMEM((RSUB,), jnp.int32),
            pltpu.SemaphoreType.DMA,
            pltpu.SemaphoreType.DMA,
        ],
    )(_sc_body)


def _tc_body(ntr_ref, ne_ref, oh_ref, segm_ref, s1b_ref, s2b_ref, selm_ref,
             exp4_ref, tile_ref, fold_ref, w_ref, out_ref):
    f32 = jnp.float32
    nte = jnp.dot(ntr_ref[...], segm_ref[...], preferred_element_type=f32)
    oh = oh_ref[...]
    z = jnp.tanh(jnp.dot(nte, s1b_ref[...], preferred_element_type=f32))
    sall = jnp.dot(z, s2b_ref[...], preferred_element_type=f32)
    oh4 = jnp.concatenate([oh, oh, oh, oh], axis=1)
    scores = jnp.dot(sall * oh4, selm_ref[...], preferred_element_type=f32)
    m = jnp.max(scores, axis=1, keepdims=True)
    e = jnp.exp(scores - m)
    att = e / jnp.sum(e, axis=1, keepdims=True)
    att_exp = jnp.dot(att, exp4_ref[...], preferred_element_type=f32)
    att_emb = jnp.dot(nte * att_exp, fold_ref[...], preferred_element_type=f32)
    oh_exp = jnp.dot(oh, exp4_ref[...], preferred_element_type=f32)
    att_rep = jnp.dot(att_emb, tile_ref[...], preferred_element_type=f32)
    x = oh_exp * att_rep
    out = ne_ref[...] + jnp.dot(x, w_ref[...], preferred_element_type=f32)
    nrm = jnp.maximum(jnp.sqrt(jnp.sum(out * out, axis=1, keepdims=True)), 1e-12)
    out_ref[...] = out / nrm


def _tc_dense(ntr, ne, oh, segm, s1b, s2b, selm, exp4, tile_m, fold, wcat):
    bs = 2048
    grid = (B // bs,)
    full = lambda a: pl.BlockSpec(a.shape, lambda i: (0,) * a.ndim)
    return pl.pallas_call(
        _tc_body,
        grid=grid,
        in_specs=[
            pl.BlockSpec((bs, T * NEIGH * EMB_U), lambda i: (i, 0)),
            pl.BlockSpec((bs, EMB), lambda i: (i, 0)),
            pl.BlockSpec((bs, T), lambda i: (i, 0)),
            full(segm), full(s1b), full(s2b), full(selm), full(exp4),
            full(tile_m), full(fold), full(wcat),
        ],
        out_specs=pl.BlockSpec((bs, EMB), lambda i: (i, 0)),
        out_shape=jax.ShapeDtypeStruct((B, EMB), jnp.float32),
    )(ntr, ne, oh, segm, s1b, s2b, selm, exp4, tile_m, fold, wcat)


def kernel(train_inputs, train_types, node_neigh, node_embeddings,
           node_type_embeddings, trans_weights, trans_weights_s1,
           trans_weights_s2):
    f32 = jnp.float32
    neigh_flat = node_neigh.astype(jnp.int32).reshape(B * T * NEIGH)
    ti = train_inputs.astype(jnp.int32)
    nte_tab = node_type_embeddings.reshape(NUM_NODES * T, EMB_U)
    tpat = ((jnp.arange(RSUB, dtype=jnp.int32) % (T * NEIGH)) // NEIGH)

    tab_p = node_type_embeddings.transpose(1, 2, 0)
    ntr, ne = _sc_gather_fn()(neigh_flat, ti, nte_tab, node_embeddings, tpat, tab_p)
    ntr_flat = ntr.reshape(B, T * NEIGH * EMB_U)

    oh = (train_types[:, None] == jnp.arange(T)[None, :]).astype(f32)

    eyeT = jnp.eye(T, dtype=f32)
    eyeU = jnp.eye(EMB_U, dtype=f32)
    segm = jnp.kron(eyeT, jnp.kron(jnp.ones((NEIGH, 1), f32), eyeU))
    s1cat = trans_weights_s1.transpose(1, 0, 2).reshape(EMB_U, T * DIM_A)
    s1b = jnp.kron(eyeT, s1cat)
    s2sq = trans_weights_s2[:, :, 0]
    s2small = (eyeT[:, None, :] * s2sq[:, :, None]).reshape(T * DIM_A, T)
    s2b = jnp.kron(eyeT, s2small)
    selm = jnp.kron(eyeT, jnp.ones((T, 1), f32))
    exp4 = jnp.kron(eyeT, jnp.ones((1, EMB_U), f32))
    tile_m = jnp.kron(jnp.ones((1, T), f32), eyeU)
    fold = jnp.kron(jnp.ones((T, 1), f32), eyeU)
    wcat = trans_weights.reshape(T * EMB_U, EMB)

    return _tc_dense(ntr_flat, ne, oh, segm, s1b, s2b, selm, exp4, tile_m, fold, wcat)

# --- scband reference (transcript-rebuilt; emitter-appended) ---
"""Pipeline reference for scband-gatne-86260123173588 (READ-ONLY COPY).

The authoritative reference and input builder live on the scoring server;
editing this copy changes nothing except your own understanding.
"""

import jax, jax.numpy as jnp
import numpy as np

NUM_NODES = 100000
EMB = 128
EMB_U = 16
T = 4
DIM_A = 20
B = 16384
NEIGH = 10


def setup_inputs(seed: int = 0) -> dict:
    key = jax.random.key(seed)
    ks = jax.random.split(key, 8)
    return {
        "train_inputs": jax.random.randint(ks[0], (B,), 0, NUM_NODES),
        "train_types": jax.random.randint(ks[1], (B,), 0, T),
        "node_neigh": jax.random.randint(ks[2], (B, T, NEIGH), 0, NUM_NODES),
        "node_embeddings": jax.random.uniform(ks[3], (NUM_NODES, EMB), minval=-1.0, maxval=1.0, dtype=jnp.float32),
        "node_type_embeddings": jax.random.uniform(ks[4], (NUM_NODES, T, EMB_U), minval=-1.0, maxval=1.0, dtype=jnp.float32),
        "trans_weights": jax.random.normal(ks[5], (T, EMB_U, EMB), dtype=jnp.float32) / np.sqrt(EMB),
        "trans_weights_s1": jax.random.normal(ks[6], (T, EMB_U, DIM_A), dtype=jnp.float32) / np.sqrt(EMB),
        "trans_weights_s2": jax.random.normal(ks[7], (T, DIM_A, 1), dtype=jnp.float32) / np.sqrt(EMB),
    }


def reference(train_inputs, train_types, node_neigh, node_embeddings,
              node_type_embeddings, trans_weights, trans_weights_s1, trans_weights_s2):
    # node_embed: [B, EMB]
    node_embed = jnp.take(node_embeddings, train_inputs, axis=0)
    # node_embed_neighbors: [B, T, NEIGH, T, EMB_U]
    node_embed_neighbors = jnp.take(node_type_embeddings, node_neigh, axis=0)
    # torch.cat([x[:, i, :, i, :].unsqueeze(1) for i ...], dim=1) == stack over type diag
    node_embed_tmp = jnp.stack([node_embed_neighbors[:, i, :, i, :] for i in range(T)], axis=1)  # [B, T, NEIGH, EMB_U]
    node_type_embed = jnp.sum(node_embed_tmp, axis=2)  # [B, T, EMB_U]
    trans_w = jnp.take(trans_weights, train_types, axis=0)        # [B, EMB_U, EMB]
    trans_w_s1 = jnp.take(trans_weights_s1, train_types, axis=0)  # [B, EMB_U, DIM_A]
    trans_w_s2 = jnp.take(trans_weights_s2, train_types, axis=0)  # [B, DIM_A, 1]
    scores = jnp.squeeze(jnp.matmul(jnp.tanh(jnp.matmul(node_type_embed, trans_w_s1)), trans_w_s2), axis=-1)  # [B, T]
    attention = jax.nn.softmax(scores, axis=-1)[:, None, :]  # [B, 1, T]
    node_type_embed_att = jnp.matmul(attention, node_type_embed)  # [B, 1, EMB_U]
    node_embed = node_embed + jnp.squeeze(jnp.matmul(node_type_embed_att, trans_w), axis=1)  # [B, EMB]
    norm = jnp.maximum(jnp.linalg.norm(node_embed, axis=1, keepdims=True), 1e-12)
    last_node_embed = node_embed / norm
    return last_node_embed

if __name__ == "__main__":
    import jax
    _d = setup_inputs()
    print(jax.jit(kernel)(*tuple(_d.values())))

</pallas_src>

<mosaic_0001>
#map = affine_map<(d0, d1) -> (0)>
#map1 = affine_map<(d0, d1) -> (0, 0)>
#map2 = affine_map<(d0, d1) -> (0, 0, 0)>
module attributes {stable_mosaic.version = 14 : i64} {
  func.func @_sc_body(%arg0: i32, %arg1: i32, %arg2: memref<655360xi32, #tpu.memory_space<hbm>>, %arg3: memref<16384xi32, #tpu.memory_space<hbm>>, %arg4: memref<400000x16xf32, #tpu.memory_space<hbm>>, %arg5: memref<100000x128xf32, #tpu.memory_space<hbm>>, %arg6: memref<2560xi32, #tpu.memory_space<hbm>>, %arg7: memref<4x16x100000xf32, #tpu.memory_space<hbm>>, %arg8: memref<655360x16xf32, #tpu.memory_space<hbm>>, %arg9: memref<16384x128xf32, #tpu.memory_space<hbm>>, %arg10: memref<2560xi32, #tpu.memory_space<vmem>>, %arg11: memref<2560xi32, #tpu.memory_space<vmem>>, %arg12: memref<2560x16xf32, #tpu.memory_space<vmem>>, %arg13: memref<512xi32, #tpu.memory_space<vmem>>, %arg14: memref<128x128xf32, #tpu.memory_space<vmem>>, %arg15: memref<2560xi32, #tpu.memory_space<vmem>>, %arg16: memref<!tpu.dma_semaphore, #tpu.memory_space<semaphore_mem>>, %arg17: memref<!tpu.dma_semaphore, #tpu.memory_space<semaphore_mem>>) attributes {dimension_semantics = [#tpu.dimension_semantics<core_parallel>, #tpu.dimension_semantics<subcore_parallel>], iteration_bounds = array<i64: 2, 16>, scalar_prefetch = 0 : i64, scratch_operands = 8 : i64, tpu.core_type = #tpu.core_type<sc_vector_subcore>, window_params = [{transform_indices = #map}, {transform_indices = #map}, {transform_indices = #map1}, {transform_indices = #map1}, {transform_indices = #map}, {transform_indices = #map2}, {transform_indices = #map1}, {transform_indices = #map1}]} {
    %run_scoped3A = arith.constant 0 : i32
    %run_scoped3A_0 = arith.constant 0 : i32
    %run_scoped3A_1 = arith.constant 0 : i32
    "tpu.region"() ({
      %run_scoped3A_2734 = tpu.sem_alloc : memref<!tpu.dma_semaphore, #tpu.memory_space<semaphore_mem>>
      %dma_start3A_2735 = arith.constant 0 : i32
      %dma_start3A_2736 = tpu.memref_slice %arg12[%run_scoped3A_1, %dma_start3A_2735] : memref<2560x16xf32, #tpu.memory_space<vmem>> -> memref<1x16xf32, #tpu.memory_space<vmem>>
      %dma_start3A_2737 = tpu.memref_squeeze %dma_start3A_2736 : memref<1x16xf32, #tpu.memory_space<vmem>> -> memref<16xf32, #tpu.memory_space<vmem>>
      %dma_start3A_2738 = arith.constant 0 : i32
      %dma_start3A_2739 = tpu.memref_slice %arg7[%run_scoped3A, %run_scoped3A_0, %dma_start3A_2738] : memref<4x16x100000xf32, #tpu.memory_space<hbm>> -> memref<1x1x16xf32, #tpu.memory_space<hbm>>
      %dma_start3A_2740 = tpu.memref_squeeze %dma_start3A_2739 : memref<1x1x16xf32, #tpu.memory_space<hbm>> -> memref<16xf32, #tpu.memory_space<hbm>>
      %dma_start3A_2741 = arith.constant 0 : i32
      %dma_start3A_2742 = tpu.memref_slice %arg12[%run_scoped3A_1, %dma_start3A_2741] : memref<2560x16xf32, #tpu.memory_space<vmem>> -> memref<1x16xf32, #tpu.memory_space<vmem>>
      %dma_start3A_2743 = tpu.memref_squeeze %dma_start3A_2742 : memref<1x16xf32, #tpu.memory_space<vmem>> -> memref<16xf32, #tpu.memory_space<vmem>>
      %dma_start3A_2744 = arith.constant 0 : i32
      %dma_start3A_2745 = tpu.memref_slice %arg7[%run_scoped3A, %run_scoped3A_0, %dma_start3A_2744] : memref<4x16x100000xf32, #tpu.memory_space<hbm>> -> memref<1x1x16xf32, #tpu.memory_space<hbm>>
      %dma_start3A_2746 = tpu.memref_squeeze %dma_start3A_2745 : memref<1x1x16xf32, #tpu.memory_space<hbm>> -> memref<16xf32, #tpu.memory_space<hbm>>
      tpu.enqueue_dma source(%dma_start3A_2746 : memref<16xf32, #tpu.memory_space<hbm>>) target(%dma_start3A_2743 : memref<16xf32, #tpu.memory_space<vmem>>) target_semaphore(%run_scoped3A_2734 : memref<!tpu.dma_semaphore, #tpu.memory_space<semaphore_mem>>)
      %dma_wait3A_2747 = arith.constant 0 : i32
      %dma_wait3A_2748 = tpu.memref_slice %arg12[%run_scoped3A_1, %dma_wait3A_2747] : memref<2560x16xf32, #tpu.memory_space<vmem>> -> memref<1x16xf32, #tpu.memory_space<vmem>>
      %dma_wait3A_2749 = tpu.memref_squeeze %dma_wait3A_2748 : memref<1x16xf32, #tpu.memory_space<vmem>> -> memref<16xf32, #tpu.memory_space<vmem>>
      %dma_wait3A_2750 = arith.constant 0 : i32
      %dma_wait3A_2751 = tpu.memref_slice %arg7[%run_scoped3A, %run_scoped3A_0, %dma_wait3A_2750] : memref<4x16x100000xf32, #tpu.memory_space<hbm>> -> memref<1x1x16xf32, #tpu.memory_space<hbm>>
      %dma_wait3A_2752 = tpu.memref_squeeze %dma_wait3A_2751 : memref<1x1x16xf32, #tpu.memory_space<hbm>> -> memref<16xf32, #tpu.memory_space<hbm>>
      %dma_wait3A_2753 = arith.constant 0 : i32
      %dma_wait3A_2754 = tpu.memref_slice %arg12[%run_scoped3A_1, %dma_wait3A_2753] : memref<2560x16xf32, #tpu.memory_space<vmem>> -> memref<1x16xf32, #tpu.memory_space<vmem>>
      %dma_wait3A_2755 = tpu.memref_squeeze %dma_wait3A_2754 : memref<1x16xf32, #tpu.memory_space<vmem>> -> memref<16xf32, #tpu.memory_space<vmem>>
      %dma_wait3A_2756 = arith.constant 0 : i32
      %dma_wait3A_2757 = tpu.memref_slice %arg7[%run_scoped3A, %run_scoped3A_0, %dma_wait3A_2756] : memref<4x16x100000xf32, #tpu.memory_space<hbm>> -> memref<1x1x16xf32, #tpu.memory_space<hbm>>
      %dma_wait3A_2758 = tpu.memref_squeeze %dma_wait3A_2757 : memref<1x1x16xf32, #tpu.memory_space<hbm>> -> memref<16xf32, #tpu.memory_space<hbm>>
      tpu.wait_dma2 semaphore(%run_scoped3A_2734 : memref<!tpu.dma_semaphore, #tpu.memory_space<semaphore_mem>>) src(%dma_wait3A_2758 : memref<16xf32, #tpu.memory_space<hbm>>) dst(%dma_wait3A_2755 : memref<16xf32, #tpu.memory_space<vmem>>)
      tpu.yield
    }) : () -> ()
    %mul3A = arith.constant 16 : i32
    %mul3A_2 = arith.muli %arg0, %mul3A : i32
    %add3A = arith.addi %mul3A_2, %arg1 : i32
    "tpu.region"() ({
      %run_scoped3A_2734 = tpu.sem_alloc : memref<!tpu.dma_semaphore, #tpu.memory_space<semaphore_mem>>
      tpu.enqueue_dma source(%arg6 : memref<2560xi32, #tpu.memory_space<hbm>>) target(%arg15 : memref<2560xi32, #tpu.memory_space<vmem>>) target_semaphore(%run_scoped3A_2734 : memref<!tpu.dma_semaphore, #tpu.memory_space<semaphore_mem>>)
      tpu.wait_dma2 semaphore(%run_scoped3A_2734 : memref<!tpu.dma_semaphore, #tpu.memory_space<semaphore_mem>>) src(%arg6 : memref<2560xi32, #tpu.memory_space<hbm>>) dst(%arg15 : memref<2560xi32, #tpu.memory_space<vmem>>)
      tpu.yield
    }) : () -> ()
    %mul3A_3 = arith.constant 512 : i32
    %mul3A_4 = arith.muli %add3A, %mul3A_3 : i32
    %add3A_5 = arith.constant 0 : i32
    %add3A_6 = arith.addi %mul3A_4, %add3A_5 : i32
    %mul3A_7 = arith.constant 40 : i32
    %mul3A_8 = arith.muli %add3A_6, %mul3A_7 : i32
    %multiple_of3A = tpu.assume_multiple %mul3A_8, 2560 : i32
    "tpu.region"() ({
      %run_scoped3A_2734 = tpu.sem_alloc : memref<!tpu.dma_semaphore, #tpu.memory_space<semaphore_mem>>
      %dma_start3A_2735 = tpu.memref_slice %arg2[%multiple_of3A] : memref<655360xi32, #tpu.memory_space<hbm>> -> memref<2560xi32, #tpu.memory_space<hbm>>
      %dma_start3A_2736 = tpu.memref_slice %arg2[%multiple_of3A] : memref<655360xi32, #tpu.memory_space<hbm>> -> memref<2560xi32, #tpu.memory_space<hbm>>
      tpu.enqueue_dma source(%dma_start3A_2736 : memref<2560xi32, #tpu.memory_space<hbm>>) target(%arg10 : memref<2560xi32, #tpu.memory_space<vmem>>) target_semaphore(%run_scoped3A_2734 : memref<!tpu.dma_semaphore, #tpu.memory_space<semaphore_mem>>)
      %dma_wait3A_2737 = tpu.memref_slice %arg2[%multiple_of3A] : memref<655360xi32, #tpu.memory_space<hbm>> -> memref<2560xi32, #tpu.memory_space<hbm>>
      %dma_wait3A_2738 = tpu.memref_slice %arg2[%multiple_of3A] : memref<655360xi32, #tpu.memory_space<hbm>> -> memref<2560xi32, #tpu.memory_space<hbm>>
      tpu.wait_dma2 semaphore(%run_scoped3A_2734 : memref<!tpu.dma_semaphore, #tpu.memory_space<semaphore_mem>>) src(%dma_wait3A_2738 : memref<2560xi32, #tpu.memory_space<hbm>>) dst(%arg10 : memref<2560xi32, #tpu.memory_space<vmem>>)
      tpu.yield
    }) : () -> ()
    %scan3A = arith.constant 0 : i32
    %scan3A_9 = arith.constant 0 : i32
    %scan3A_10 = arith.constant 160 : i32
    %scan3A_11 = arith.addi %scan3A_9, %scan3A_10 : i32
    %scan3A_12 = arith.constant 1 : i32
    %scan3A_13 = scf.for %scan3A_2734 = %scan3A_9 to %scan3A_11 step %scan3A_12 iter_args(%scan3A_2735 = %scan3A) -> (i32)  : i32 {
      %mul3A_2736 = arith.constant 16 : i32
      %mul3A_2737 = arith.muli %scan3A_2734, %mul3A_2736 : i32
      %get3A = arith.index_cast %mul3A_2737 : i32 to index
      %get3A_2738 = tpu.vector_load %arg10[%get3A] {strides = array<i32>} : memref<2560xi32, #tpu.memory_space<vmem>>, vector<16xi32>,
      %get3A_2739 = vector.shape_cast %get3A_2738 : vector<16xi32> to vector<16xi32>
      %mul3A_2740 = arith.constant 4 : i32
      %mul3A_2741 = vector.broadcast %mul3A_2740 : i32 to vector<16xi32>
      %mul3A_2742 = arith.muli %get3A_2739, %mul3A_2741 : vector<16xi32>
      %get3A_2743 = arith.index_cast %mul3A_2737 : i32 to index
      %get3A_2744 = tpu.vector_load %arg15[%get3A_2743] {strides = array<i32>} : memref<2560xi32, #tpu.memory_space<vmem>>, vector<16xi32>,
      %get3A_2745 = vector.shape_cast %get3A_2744 : vector<16xi32> to vector<16xi32>
      %add3A_2746 = arith.addi %mul3A_2742, %get3A_2745 : vector<16xi32>
      %swap3A = arith.index_cast %mul3A_2737 : i32 to index
      %swap3A_2747 = tpu.vector_load %arg11[%swap3A] {strides = array<i32>} : memref<2560xi32, #tpu.memory_space<vmem>>, vector<16xi32>,
      %swap3A_2748 = vector.shape_cast %swap3A_2747 : vector<16xi32> to vector<16xi32>
      %swap3A_2749 = vector.shape_cast %add3A_2746 : vector<16xi32> to vector<16xi32>
      tpu.vector_store %arg11[%swap3A], %swap3A_2749 {strides = array<i32>} : memref<2560xi32, #tpu.memory_space<vmem>>, vector<16xi32>,
      %scan3A_2750 = arith.constant 0 : i32
      scf.yield %scan3A_2750 : i32
    }
    %scan3A_14 = arith.constant 160 : i32
    %dma_start3A = arith.constant 0 : i32
    %dma_start3A_15 = arith.constant 0 : i32
    %dma_start3A_16 = tpu.memref_slice %arg12[%dma_start3A, %dma_start3A_15] : memref<2560x16xf32, #tpu.memory_space<vmem>> -> memref<128x16xf32, #tpu.memory_space<vmem>>
    %dma_start3A_17 = arith.constant 0 : i32
    %dma_start3A_18 = tpu.memref_slice %arg11[%dma_start3A_17] : memref<2560xi32, #tpu.memory_space<vmem>> -> memref<128xi32, #tpu.memory_space<vmem>>
    %dma_start3A_19 = arith.constant 0 : i32
    %dma_start3A_20 = arith.constant 0 : i32
    %dma_start3A_21 = tpu.memref_slice %arg4[%dma_start3A_19, %dma_start3A_20] : memref<400000x16xf32, #tpu.memory_space<hbm>> -> memref<400000x16xf32, #tpu.memory_space<hbm>>
    tpu.enqueue_indirect_dma source(%dma_start3A_21 : memref<400000x16xf32, #tpu.memory_space<hbm>>) target(%dma_start3A_16 : memref<128x16xf32, #tpu.memory_space<vmem>>) offsets(%dma_start3A_18 : memref<128xi32, #tpu.memory_space<vmem>>) semaphore(%arg16 : memref<!tpu.dma_semaphore, #tpu.memory_space<semaphore_mem>>)
    %dma_start3A_22 = arith.constant 128 : i32
    %dma_start3A_23 = arith.constant 0 : i32
    %dma_start3A_24 = tpu.memref_slice %arg12[%dma_start3A_22, %dma_start3A_23] : memref<2560x16xf32, #tpu.memory_space<vmem>> -> memref<128x16xf32, #tpu.memory_space<vmem>>
    %dma_start3A_25 = arith.constant 128 : i32
    %dma_start3A_26 = tpu.memref_slice %arg11[%dma_start3A_25] : memref<2560xi32, #tpu.memory_space<vmem>> -> memref<128xi32, #tpu.memory_space<vmem>>
    %dma_start3A_27 = arith.constant 0 : i32
    %dma_start3A_28 = arith.constant 0 : i32
    %dma_start3A_29 = tpu.memref_slice %arg4[%dma_start3A_27, %dma_start3A_28] : memref<400000x16xf32, #tpu.memory_space<hbm>> -> memref<400000x16xf32, #tpu.memory_space<hbm>>
    tpu.enqueue_indirect_dma source(%dma_start3A_29 : memref<400000x16xf32, #tpu.memory_space<hbm>>) target(%dma_start3A_24 : memref<128x16xf32, #tpu.memory_space<vmem>>) offsets(%dma_start3A_26 : memref<128xi32, #tpu.memory_space<vmem>>) semaphore(%arg16 : memref<!tpu.dma_semaphore, #tpu.memory_space<semaphore_mem>>)
    %dma_start3A_30 = arith.constant 256 : i32
    %dma_start3A_31 = arith.constant 0 : i32
    %dma_start3A_32 = tpu.memref_slice %arg12[%dma_start3A_30, %dma_start3A_31] : memref<2560x16xf32, #tpu.memory_space<vmem>> -> memref<128x16xf32, #tpu.memory_space<vmem>>
    %dma_start3A_33 = arith.constant 256 : i32
    %dma_start3A_34 = tpu.memref_slice %arg11[%dma_start3A_33] : memref<2560xi32, #tpu.memory_space<vmem>> -> memref<128xi32, #tpu.memory_space<vmem>>
    %dma_start3A_35 = arith.constant 0 : i32
    %dma_start3A_36 = arith.constant 0 : i32
    %dma_start3A_37 = tpu.memref_slice %arg4[%dma_start3A_35, %dma_start3A_36] : memref<400000x16xf32, #tpu.memory_space<hbm>> -> memref<400000x16xf32, #tpu.memory_space<hbm>>
    tpu.enqueue_indirect_dma source(%dma_start3A_37 : memref<400000x16xf32, #tpu.memory_space<hbm>>) target(%dma_start3A_32 : memref<128x16xf32, #tpu.memory_space<vmem>>) offsets(%dma_start3A_34 : memref<128xi32, #tpu.memory_space<vmem>>) semaphore(%arg16 : memref<!tpu.dma_semaphore, #tpu.memory_space<semaphore_mem>>)
    %dma_start3A_38 = arith.constant 384 : i32
    %dma_start3A_39 = arith.constant 0 : i32
    %dma_start3A_40 = tpu.memref_slice %arg12[%dma_start3A_38, %dma_start3A_39] : memref<2560x16xf32, #tpu.memory_space<vmem>> -> memref<128x16xf32, #tpu.memory_space<vmem>>
    %dma_start3A_41 = arith.constant 384 : i32
    %dma_start3A_42 = tpu.memref_slice %arg11[%dma_start3A_41] : memref<2560xi32, #tpu.memory_space<vmem>> -> memref<128xi32, #tpu.memory_space<vmem>>
    %dma_start3A_43 = arith.constant 0 : i32
    %dma_start3A_44 = arith.constant 0 : i32
    %dma_start3A_45 = tpu.memref_slice %arg4[%dma_start3A_43, %dma_start3A_44] : memref<400000x16xf32, #tpu.memory_space<hbm>> -> memref<400000x16xf32, #tpu.memory_space<hbm>>
    tpu.enqueue_indirect_dma source(%dma_start3A_45 : memref<400000x16xf32, #tpu.memory_space<hbm>>) target(%dma_start3A_40 : memref<128x16xf32, #tpu.memory_space<vmem>>) offsets(%dma_start3A_42 : memref<128xi32, #tpu.memory_space<vmem>>) semaphore(%arg16 : memref<!tpu.dma_semaphore, #tpu.memory_space<semaphore_mem>>)
    %dma_start3A_46 = arith.constant 512 : i32
    %dma_start3A_47 = arith.constant 0 : i32
    %dma_start3A_48 = tpu.memref_slice %arg12[%dma_start3A_46, %dma_start3A_47] : memref<2560x16xf32, #tpu.memory_space<vmem>> -> memref<128x16xf32, #tpu.memory_space<vmem>>
    %dma_start3A_49 = arith.constant 512 : i32
    %dma_start3A_50 = tpu.memref_slice %arg11[%dma_start3A_49] : memref<2560xi32, #tpu.memory_space<vmem>> -> memref<128xi32, #tpu.memory_space<vmem>>
    %dma_start3A_51 = arith.constant 0 : i32
    %dma_start3A_52 = arith.constant 0 : i32
    %dma_start3A_53 = tpu.memref_slice %arg4[%dma_start3A_51, %dma_start3A_52] : memref<400000x16xf32, #tpu.memory_space<hbm>> -> memref<400000x16xf32, #tpu.memory_space<hbm>>
    tpu.enqueue_indirect_dma source(%dma_start3A_53 : memref<400000x16xf32, #tpu.memory_space<hbm>>) target(%dma_start3A_48 : memref<128x16xf32, #tpu.memory_space<vmem>>) offsets(%dma_start3A_50 : memref<128xi32, #tpu.memory_space<vmem>>) semaphore(%arg16 : memref<!tpu.dma_semaphore, #tpu.memory_space<semaphore_mem>>)
    %dma_start3A_54 = arith.constant 640 : i32
    %dma_start3A_55 = arith.constant 0 : i32
    %dma_start3A_56 = tpu.memref_slice %arg12[%dma_start3A_54, %dma_start3A_55] : memref<2560x16xf32, #tpu.memory_space<vmem>> -> memref<128x16xf32, #tpu.memory_space<vmem>>
    %dma_start3A_57 = arith.constant 640 : i32
    %dma_start3A_58 = tpu.memref_slice %arg11[%dma_start3A_57] : memref<2560xi32, #tpu.memory_space<vmem>> -> memref<128xi32, #tpu.memory_space<vmem>>
    %dma_start3A_59 = arith.constant 0 : i32
    %dma_start3A_60 = arith.constant 0 : i32
    %dma_start3A_61 = tpu.memref_slice %arg4[%dma_start3A_59, %dma_start3A_60] : memref<400000x16xf32, #tpu.memory_space<hbm>> -> memref<400000x16xf32, #tpu.memory_space<hbm>>
    tpu.enqueue_indirect_dma source(%dma_start3A_61 : memref<400000x16xf32, #tpu.memory_space<hbm>>) target(%dma_start3A_56 : memref<128x16xf32, #tpu.memory_space<vmem>>) offsets(%dma_start3A_58 : memref<128xi32, #tpu.memory_space<vmem>>) semaphore(%arg16 : memref<!tpu.dma_semaphore, #tpu.memory_space<semaphore_mem>>)
    %dma_start3A_62 = arith.constant 768 : i32
    %dma_start3A_63 = arith.constant 0 : i32
    %dma_start3A_64 = tpu.memref_slice %arg12[%dma_start3A_62, %dma_start3A_63] : memref<2560x16xf32, #tpu.memory_space<vmem>> -> memref<128x16xf32, #tpu.memory_space<vmem>>
    %dma_start3A_65 = arith.constant 768 : i32
    %dma_start3A_66 = tpu.memref_slice %arg11[%dma_start3A_65] : memref<2560xi32, #tpu.memory_space<vmem>> -> memref<128xi32, #tpu.memory_space<vmem>>
    %dma_start3A_67 = arith.constant 0 : i32
    %dma_start3A_68 = arith.constant 0 : i32
    %dma_start3A_69 = tpu.memref_slice %arg4[%dma_start3A_67, %dma_start3A_68] : memref<400000x16xf32, #tpu.memory_space<hbm>> -> memref<400000x16xf32, #tpu.memory_space<hbm>>
    tpu.enqueue_indirect_dma source(%dma_start3A_69 : memref<400000x16xf32, #tpu.memory_space<hbm>>) target(%dma_start3A_64 : memref<128x16xf32, #tpu.memory_space<vmem>>) offsets(%dma_start3A_66 : memref<128xi32, #tpu.memory_space<vmem>>) semaphore(%arg16 : memref<!tpu.dma_semaphore, #tpu.memory_space<semaphore_mem>>)
    %dma_start3A_70 = arith.constant 896 : i32
    %dma_start3A_71 = arith.constant 0 : i32
    %dma_start3A_72 = tpu.memref_slice %arg12[%dma_start3A_70, %dma_start3A_71] : memref<2560x16xf32, #tpu.memory_space<vmem>> -> memref<128x16xf32, #tpu.memory_space<vmem>>
    %dma_start3A_73 = arith.constant 896 : i32
    %dma_start3A_74 = tpu.memref_slice %arg11[%dma_start3A_73] : memref<2560xi32, #tpu.memory_space<vmem>> -> memref<128xi32, #tpu.memory_space<vmem>>
    %dma_start3A_75 = arith.constant 0 : i32
    %dma_start3A_76 = arith.constant 0 : i32
    %dma_start3A_77 = tpu.memref_slice %arg4[%dma_start3A_75, %dma_start3A_76] : memref<400000x16xf32, #tpu.memory_space<hbm>> -> memref<400000x16xf32, #tpu.memory_space<hbm>>
    tpu.enqueue_indirect_dma source(%dma_start3A_77 : memref<400000x16xf32, #tpu.memory_space<hbm>>) target(%dma_start3A_72 : memref<128x16xf32, #tpu.memory_space<vmem>>) offsets(%dma_start3A_74 : memref<128xi32, #tpu.memory_space<vmem>>) semaphore(%arg16 : memref<!tpu.dma_semaphore, #tpu.memory_space<semaphore_mem>>)
    %dma_start3A_78 = arith.constant 1024 : i32
    %dma_start3A_79 = arith.constant 0 : i32
    %dma_start3A_80 = tpu.memref_slice %arg12[%dma_start3A_78, %dma_start3A_79] : memref<2560x16xf32, #tpu.memory_space<vmem>> -> memref<128x16xf32, #tpu.memory_space<vmem>>
    %dma_start3A_81 = arith.constant 1024 : i32
    %dma_start3A_82 = tpu.memref_slice %arg11[%dma_start3A_81] : memref<2560xi32, #tpu.memory_space<vmem>> -> memref<128xi32, #tpu.memory_space<vmem>>
    %dma_start3A_83 = arith.constant 0 : i32
    %dma_start3A_84 = arith.constant 0 : i32
    %dma_start3A_85 = tpu.memref_slice %arg4[%dma_start3A_83, %dma_start3A_84] : memref<400000x16xf32, #tpu.memory_space<hbm>> -> memref<400000x16xf32, #tpu.memory_space<hbm>>
    tpu.enqueue_indirect_dma source(%dma_start3A_85 : memref<400000x16xf32, #tpu.memory_space<hbm>>) target(%dma_start3A_80 : memref<128x16xf32, #tpu.memory_space<vmem>>) offsets(%dma_start3A_82 : memref<128xi32, #tpu.memory_space<vmem>>) semaphore(%arg16 : memref<!tpu.dma_semaphore, #tpu.memory_space<semaphore_mem>>)
    %dma_start3A_86 = arith.constant 1152 : i32
    %dma_start3A_87 = arith.constant 0 : i32
    %dma_start3A_88 = tpu.memref_slice %arg12[%dma_start3A_86, %dma_start3A_87] : memref<2560x16xf32, #tpu.memory_space<vmem>> -> memref<128x16xf32, #tpu.memory_space<vmem>>
    %dma_start3A_89 = arith.constant 1152 : i32
    %dma_start3A_90 = tpu.memref_slice %arg11[%dma_start3A_89] : memref<2560xi32, #tpu.memory_space<vmem>> -> memref<128xi32, #tpu.memory_space<vmem>>
    %dma_start3A_91 = arith.constant 0 : i32
    %dma_start3A_92 = arith.constant 0 : i32
    %dma_start3A_93 = tpu.memref_slice %arg4[%dma_start3A_91, %dma_start3A_92] : memref<400000x16xf32, #tpu.memory_space<hbm>> -> memref<400000x16xf32, #tpu.memory_space<hbm>>
    tpu.enqueue_indirect_dma source(%dma_start3A_93 : memref<400000x16xf32, #tpu.memory_space<hbm>>) target(%dma_start3A_88 : memref<128x16xf32, #tpu.memory_space<vmem>>) offsets(%dma_start3A_90 : memref<128xi32, #tpu.memory_space<vmem>>) semaphore(%arg16 : memref<!tpu.dma_semaphore, #tpu.memory_space<semaphore_mem>>)
    %dma_start3A_94 = arith.constant 1280 : i32
    %dma_start3A_95 = arith.constant 0 : i32
    %dma_start3A_96 = tpu.memref_slice %arg12[%dma_start3A_94, %dma_start3A_95] : memref<2560x16xf32, #tpu.memory_space<vmem>> -> memref<128x16xf32, #tpu.memory_space<vmem>>
    %dma_start3A_97 = arith.constant 1280 : i32
    %dma_start3A_98 = tpu.memref_slice %arg11[%dma_start3A_97] : memref<2560xi32, #tpu.memory_space<vmem>> -> memref<128xi32, #tpu.memory_space<vmem>>
    %dma_start3A_99 = arith.constant 0 : i32
    %dma_start3A_100 = arith.constant 0 : i32
    %dma_start3A_101 = tpu.memref_slice %arg4[%dma_start3A_99, %dma_start3A_100] : memref<400000x16xf32, #tpu.memory_space<hbm>> -> memref<400000x16xf32, #tpu.memory_space<hbm>>
    tpu.enqueue_indirect_dma source(%dma_start3A_101 : memref<400000x16xf32, #tpu.memory_space<hbm>>) target(%dma_start3A_96 : memref<128x16xf32, #tpu.memory_space<vmem>>) offsets(%dma_start3A_98 : memref<128xi32, #tpu.memory_space<vmem>>) semaphore(%arg16 : memref<!tpu.dma_semaphore, #tpu.memory_space<semaphore_mem>>)
    %dma_start3A_102 = arith.constant 1408 : i32
    %dma_start3A_103 = arith.constant 0 : i32
    %dma_start3A_104 = tpu.memref_slice %arg12[%dma_start3A_102, %dma_start3A_103] : memref<2560x16xf32, #tpu.memory_space<vmem>> -> memref<128x16xf32, #tpu.memory_space<vmem>>
    %dma_start3A_105 = arith.constant 1408 : i32
    %dma_start3A_106 = tpu.memref_slice %arg11[%dma_start3A_105] : memref<2560xi32, #tpu.memory_space<vmem>> -> memref<128xi32, #tpu.memory_space<vmem>>
    %dma_start3A_107 = arith.constant 0 : i32
    %dma_start3A_108 = arith.constant 0 : i32
    %dma_start3A_109 = tpu.memref_slice %arg4[%dma_start3A_107, %dma_start3A_108] : memref<400000x16xf32, #tpu.memory_space<hbm>> -> memref<400000x16xf32, #tpu.memory_space<hbm>>
    tpu.enqueue_indirect_dma source(%dma_start3A_109 : memref<400000x16xf32, #tpu.memory_space<hbm>>) target(%dma_start3A_104 : memref<128x16xf32, #tpu.memory_space<vmem>>) offsets(%dma_start3A_106 : memref<128xi32, #tpu.memory_space<vmem>>) semaphore(%arg16 : memref<!tpu.dma_semaphore, #tpu.memory_space<semaphore_mem>>)
    %dma_start3A_110 = arith.constant 1536 : i32
    %dma_start3A_111 = arith.constant 0 : i32
    %dma_start3A_112 = tpu.memref_slice %arg12[%dma_start3A_110, %dma_start3A_111] : memref<2560x16xf32, #tpu.memory_space<vmem>> -> memref<128x16xf32, #tpu.memory_space<vmem>>
    %dma_start3A_113 = arith.constant 1536 : i32
    %dma_start3A_114 = tpu.memref_slice %arg11[%dma_start3A_113] : memref<2560xi32, #tpu.memory_space<vmem>> -> memref<128xi32, #tpu.memory_space<vmem>>
    %dma_start3A_115 = arith.constant 0 : i32
    %dma_start3A_116 = arith.constant 0 : i32
    %dma_start3A_117 = tpu.memref_slice %arg4[%dma_start3A_115, %dma_start3A_116] : memref<400000x16xf32, #tpu.memory_space<hbm>> -> memref<400000x16xf32, #tpu.memory_space<hbm>>
    tpu.enqueue_indirect_dma source(%dma_start3A_117 : memref<400000x16xf32, #tpu.memory_space<hbm>>) target(%dma_start3A_112 : memref<128x16xf32, #tpu.memory_space<vmem>>) offsets(%dma_start3A_114 : memref<128xi32, #tpu.memory_space<vmem>>) semaphore(%arg16 : memref<!tpu.dma_semaphore, #tpu.memory_space<semaphore_mem>>)
    %dma_start3A_118 = arith.constant 1664 : i32
    %dma_start3A_119 = arith.constant 0 : i32
    %dma_start3A_120 = tpu.memref_slice %arg12[%dma_start3A_118, %dma_start3A_119] : memref<2560x16xf32, #tpu.memory_space<vmem>> -> memref<128x16xf32, #tpu.memory_space<vmem>>
    %dma_start3A_121 = arith.constant 1664 : i32
    %dma_start3A_122 = tpu.memref_slice %arg11[%dma_start3A_121] : memref<2560xi32, #tpu.memory_space<vmem>> -> memref<128xi32, #tpu.memory_space<vmem>>
    %dma_start3A_123 = arith.constant 0 : i32
    %dma_start3A_124 = arith.constant 0 : i32
    %dma_start3A_125 = tpu.memref_slice %arg4[%dma_start3A_123, %dma_start3A_124] : memref<400000x16xf32, #tpu.memory_space<hbm>> -> memref<400000x16xf32, #tpu.memory_space<hbm>>
    tpu.enqueue_indirect_dma source(%dma_start3A_125 : memref<400000x16xf32, #tpu.memory_space<hbm>>) target(%dma_start3A_120 : memref<128x16xf32, #tpu.memory_space<vmem>>) offsets(%dma_start3A_122 : memref<128xi32, #tpu.memory_space<vmem>>) semaphore(%arg16 : memref<!tpu.dma_semaphore, #tpu.memory_space<semaphore_mem>>)
    %dma_start3A_126 = arith.constant 1792 : i32
    %dma_start3A_127 = arith.constant 0 : i32
    %dma_start3A_128 = tpu.memref_slice %arg12[%dma_start3A_126, %dma_start3A_127] : memref<2560x16xf32, #tpu.memory_space<vmem>> -> memref<128x16xf32, #tpu.memory_space<vmem>>
    %dma_start3A_129 = arith.constant 1792 : i32
    %dma_start3A_130 = tpu.memref_slice %arg11[%dma_start3A_129] : memref<2560xi32, #tpu.memory_space<vmem>> -> memref<128xi32, #tpu.memory_space<vmem>>
    %dma_start3A_131 = arith.constant 0 : i32
    %dma_start3A_132 = arith.constant 0 : i32
    %dma_start3A_133 = tpu.memref_slice %arg4[%dma_start3A_131, %dma_start3A_132] : memref<400000x16xf32, #tpu.memory_space<hbm>> -> memref<400000x16xf32, #tpu.memory_space<hbm>>
    tpu.enqueue_indirect_dma source(%dma_start3A_133 : memref<400000x16xf32, #tpu.memory_space<hbm>>) target(%dma_start3A_128 : memref<128x16xf32, #tpu.memory_space<vmem>>) offsets(%dma_start3A_130 : memref<128xi32, #tpu.memory_space<vmem>>) semaphore(%arg16 : memref<!tpu.dma_semaphore, #tpu.memory_space<semaphore_mem>>)
    %dma_start3A_134 = arith.constant 1920 : i32
    %dma_start3A_135 = arith.constant 0 : i32
    %dma_start3A_136 = tpu.memref_slice %arg12[%dma_start3A_134, %dma_start3A_135] : memref<2560x16xf32, #tpu.memory_space<vmem>> -> memref<128x16xf32, #tpu.memory_space<vmem>>
    %dma_start3A_137 = arith.constant 1920 : i32
    %dma_start3A_138 = tpu.memref_slice %arg11[%dma_start3A_137] : memref<2560xi32, #tpu.memory_space<vmem>> -> memref<128xi32, #tpu.memory_space<vmem>>
    %dma_start3A_139 = arith.constant 0 : i32
    %dma_start3A_140 = arith.constant 0 : i32
    %dma_start3A_141 = tpu.memref_slice %arg4[%dma_start3A_139, %dma_start3A_140] : memref<400000x16xf32, #tpu.memory_space<hbm>> -> memref<400000x16xf32, #tpu.memory_space<hbm>>
    tpu.enqueue_indirect_dma source(%dma_start3A_141 : memref<400000x16xf32, #tpu.memory_space<hbm>>) target(%dma_start3A_136 : memref<128x16xf32, #tpu.memory_space<vmem>>) offsets(%dma_start3A_138 : memref<128xi32, #tpu.memory_space<vmem>>) semaphore(%arg16 : memref<!tpu.dma_semaphore, #tpu.memory_space<semaphore_mem>>)
    %dma_start3A_142 = arith.constant 2048 : i32
    %dma_start3A_143 = arith.constant 0 : i32
    %dma_start3A_144 = tpu.memref_slice %arg12[%dma_start3A_142, %dma_start3A_143] : memref<2560x16xf32, #tpu.memory_space<vmem>> -> memref<128x16xf32, #tpu.memory_space<vmem>>
    %dma_start3A_145 = arith.constant 2048 : i32
    %dma_start3A_146 = tpu.memref_slice %arg11[%dma_start3A_145] : memref<2560xi32, #tpu.memory_space<vmem>> -> memref<128xi32, #tpu.memory_space<vmem>>
    %dma_start3A_147 = arith.constant 0 : i32
    %dma_start3A_148 = arith.constant 0 : i32
    %dma_start3A_149 = tpu.memref_slice %arg4[%dma_start3A_147, %dma_start3A_148] : memref<400000x16xf32, #tpu.memory_space<hbm>> -> memref<400000x16xf32, #tpu.memory_space<hbm>>
    tpu.enqueue_indirect_dma source(%dma_start3A_149 : memref<400000x16xf32, #tpu.memory_space<hbm>>) target(%dma_start3A_144 : memref<128x16xf32, #tpu.memory_space<vmem>>) offsets(%dma_start3A_146 : memref<128xi32, #tpu.memory_space<vmem>>) semaphore(%arg16 : memref<!tpu.dma_semaphore, #tpu.memory_space<semaphore_mem>>)
    %dma_start3A_150 = arith.constant 2176 : i32
    %dma_start3A_151 = arith.constant 0 : i32
    %dma_start3A_152 = tpu.memref_slice %arg12[%dma_start3A_150, %dma_start3A_151] : memref<2560x16xf32, #tpu.memory_space<vmem>> -> memref<128x16xf32, #tpu.memory_space<vmem>>
    %dma_start3A_153 = arith.constant 2176 : i32
    %dma_start3A_154 = tpu.memref_slice %arg11[%dma_start3A_153] : memref<2560xi32, #tpu.memory_space<vmem>> -> memref<128xi32, #tpu.memory_space<vmem>>
    %dma_start3A_155 = arith.constant 0 : i32
    %dma_start3A_156 = arith.constant 0 : i32
    %dma_start3A_157 = tpu.memref_slice %arg4[%dma_start3A_155, %dma_start3A_156] : memref<400000x16xf32, #tpu.memory_space<hbm>> -> memref<400000x16xf32, #tpu.memory_space<hbm>>
    tpu.enqueue_indirect_dma source(%dma_start3A_157 : memref<400000x16xf32, #tpu.memory_space<hbm>>) target(%dma_start3A_152 : memref<128x16xf32, #tpu.memory_space<vmem>>) offsets(%dma_start3A_154 : memref<128xi32, #tpu.memory_space<vmem>>) semaphore(%arg16 : memref<!tpu.dma_semaphore, #tpu.memory_space<semaphore_mem>>)
    %dma_start3A_158 = arith.constant 2304 : i32
    %dma_start3A_159 = arith.constant 0 : i32
    %dma_start3A_160 = tpu.memref_slice %arg12[%dma_start3A_158, %dma_start3A_159] : memref<2560x16xf32, #tpu.memory_space<vmem>> -> memref<128x16xf32, #tpu.memory_space<vmem>>
    %dma_start3A_161 = arith.constant 2304 : i32
    %dma_start3A_162 = tpu.memref_slice %arg11[%dma_start3A_161] : memref<2560xi32, #tpu.memory_space<vmem>> -> memref<128xi32, #tpu.memory_space<vmem>>
    %dma_start3A_163 = arith.constant 0 : i32
    %dma_start3A_164 = arith.constant 0 : i32
    %dma_start3A_165 = tpu.memref_slice %arg4[%dma_start3A_163, %dma_start3A_164] : memref<400000x16xf32, #tpu.memory_space<hbm>> -> memref<400000x16xf32, #tpu.memory_space<hbm>>
    tpu.enqueue_indirect_dma source(%dma_start3A_165 : memref<400000x16xf32, #tpu.memory_space<hbm>>) target(%dma_start3A_160 : memref<128x16xf32, #tpu.memory_space<vmem>>) offsets(%dma_start3A_162 : memref<128xi32, #tpu.memory_space<vmem>>) semaphore(%arg16 : memref<!tpu.dma_semaphore, #tpu.memory_space<semaphore_mem>>)
    %dma_start3A_166 = arith.constant 2432 : i32
    %dma_start3A_167 = arith.constant 0 : i32
    %dma_start3A_168 = tpu.memref_slice %arg12[%dma_start3A_166, %dma_start3A_167] : memref<2560x16xf32, #tpu.memory_space<vmem>> -> memref<128x16xf32, #tpu.memory_space<vmem>>
    %dma_start3A_169 = arith.constant 2432 : i32
    %dma_start3A_170 = tpu.memref_slice %arg11[%dma_start3A_169] : memref<2560xi32, #tpu.memory_space<vmem>> -> memref<128xi32, #tpu.memory_space<vmem>>
    %dma_start3A_171 = arith.constant 0 : i32
    %dma_start3A_172 = arith.constant 0 : i32
    %dma_start3A_173 = tpu.memref_slice %arg4[%dma_start3A_171, %dma_start3A_172] : memref<400000x16xf32, #tpu.memory_space<hbm>> -> memref<400000x16xf32, #tpu.memory_space<hbm>>
    tpu.enqueue_indirect_dma source(%dma_start3A_173 : memref<400000x16xf32, #tpu.memory_space<hbm>>) target(%dma_start3A_168 : memref<128x16xf32, #tpu.memory_space<vmem>>) offsets(%dma_start3A_170 : memref<128xi32, #tpu.memory_space<vmem>>) semaphore(%arg16 : memref<!tpu.dma_semaphore, #tpu.memory_space<semaphore_mem>>)
    %dma_wait3A = arith.constant 0 : i32
    %dma_wait3A_174 = arith.constant 0 : i32
    %dma_wait3A_175 = tpu.memref_slice %arg12[%dma_wait3A, %dma_wait3A_174] : memref<2560x16xf32, #tpu.memory_space<vmem>> -> memref<128x16xf32, #tpu.memory_space<vmem>>
    %dma_wait3A_176 = arith.constant 0 : i32
    %dma_wait3A_177 = tpu.memref_slice %arg11[%dma_wait3A_176] : memref<2560xi32, #tpu.memory_space<vmem>> -> memref<128xi32, #tpu.memory_space<vmem>>
    %dma_wait3A_178 = arith.constant 0 : i32
    %dma_wait3A_179 = arith.constant 0 : i32
    %dma_wait3A_180 = tpu.memref_slice %arg4[%dma_wait3A_178, %dma_wait3A_179] : memref<400000x16xf32, #tpu.memory_space<hbm>> -> memref<400000x16xf32, #tpu.memory_space<hbm>>
    tpu.wait_indirect_dma semaphore(%arg16 : memref<!tpu.dma_semaphore, #tpu.memory_space<semaphore_mem>>) src(%dma_wait3A_180 : memref<400000x16xf32, #tpu.memory_space<hbm>>) dst(%dma_wait3A_175 : memref<128x16xf32, #tpu.memory_space<vmem>>)
    %dma_wait3A_181 = arith.constant 128 : i32
    %dma_wait3A_182 = arith.constant 0 : i32
    %dma_wait3A_183 = tpu.memref_slice %arg12[%dma_wait3A_181, %dma_wait3A_182] : memref<2560x16xf32, #tpu.memory_space<vmem>> -> memref<128x16xf32, #tpu.memory_space<vmem>>
    %dma_wait3A_184 = arith.constant 128 : i32
    %dma_wait3A_185 = tpu.memref_slice %arg11[%dma_wait3A_184] : memref<2560xi32, #tpu.memory_space<vmem>> -> memref<128xi32, #tpu.memory_space<vmem>>
    %dma_wait3A_186 = arith.constant 0 : i32
    %dma_wait3A_187 = arith.constant 0 : i32
    %dma_wait3A_188 = tpu.memref_slice %arg4[%dma_wait3A_186, %dma_wait3A_187] : memref<400000x16xf32, #tpu.memory_space<hbm>> -> memref<400000x16xf32, #tpu.memory_space<hbm>>
    tpu.wait_indirect_dma semaphore(%arg16 : memref<!tpu.dma_semaphore, #tpu.memory_space<semaphore_mem>>) src(%dma_wait3A_188 : memref<400000x16xf32, #tpu.memory_space<hbm>>) dst(%dma_wait3A_183 : memref<128x16xf32, #tpu.memory_space<vmem>>)
    %dma_wait3A_189 = arith.constant 256 : i32
    %dma_wait3A_190 = arith.constant 0 : i32
    %dma_wait3A_191 = tpu.memref_slice %arg12[%dma_wait3A_189, %dma_wait3A_190] : memref<2560x16xf32, #tpu.memory_space<vmem>> -> memref<128x16xf32, #tpu.memory_space<vmem>>
    %dma_wait3A_192 = arith.constant 256 : i32
    %dma_wait3A_193 = tpu.memref_slice %arg11[%dma_wait3A_192] : memref<2560xi32, #tpu.memory_space<vmem>> -> memref<128xi32, #tpu.memory_space<vmem>>
    %dma_wait3A_194 = arith.constant 0 : i32
    %dma_wait3A_195 = arith.constant 0 : i32
    %dma_wait3A_196 = tpu.memref_slice %arg4[%dma_wait3A_194, %dma_wait3A_195] : memref<400000x16xf32, #tpu.memory_space<hbm>> -> memref<400000x16xf32, #tpu.memory_space<hbm>>
    tpu.wait_indirect_dma semaphore(%arg16 : memref<!tpu.dma_semaphore, #tpu.memory_space<semaphore_mem>>) src(%dma_wait3A_196 : memref<400000x16xf32, #tpu.memory_space<hbm>>) dst(%dma_wait3A_191 : memref<128x16xf32, #tpu.memory_space<vmem>>)
    %dma_wait3A_197 = arith.constant 384 : i32
    %dma_wait3A_198 = arith.constant 0 : i32
    %dma_wait3A_199 = tpu.memref_slice %arg12[%dma_wait3A_197, %dma_wait3A_198] : memref<2560x16xf32, #tpu.memory_space<vmem>> -> memref<128x16xf32, #tpu.memory_space<vmem>>
    %dma_wait3A_200 = arith.constant 384 : i32
    %dma_wait3A_201 = tpu.memref_slice %arg11[%dma_wait3A_200] : memref<2560xi32, #tpu.memory_space<vmem>> -> memref<128xi32, #tpu.memory_space<vmem>>
    %dma_wait3A_202 = arith.constant 0 : i32
    %dma_wait3A_203 = arith.constant 0 : i32
    %dma_wait3A_204 = tpu.memref_slice %arg4[%dma_wait3A_202, %dma_wait3A_203] : memref<400000x16xf32, #tpu.memory_space<hbm>> -> memref<400000x16xf32, #tpu.memory_space<hbm>>
    tpu.wait_indirect_dma semaphore(%arg16 : memref<!tpu.dma_semaphore, #tpu.memory_space<semaphore_mem>>) src(%dma_wait3A_204 : memref<400000x16xf32, #tpu.memory_space<hbm>>) dst(%dma_wait3A_199 : memref<128x16xf32, #tpu.memory_space<vmem>>)
    %dma_wait3A_205 = arith.constant 512 : i32
    %dma_wait3A_206 = arith.constant 0 : i32
    %dma_wait3A_207 = tpu.memref_slice %arg12[%dma_wait3A_205, %dma_wait3A_206] : memref<2560x16xf32, #tpu.memory_space<vmem>> -> memref<128x16xf32, #tpu.memory_space<vmem>>
    %dma_wait3A_208 = arith.constant 512 : i32
    %dma_wait3A_209 = tpu.memref_slice %arg11[%dma_wait3A_208] : memref<2560xi32, #tpu.memory_space<vmem>> -> memref<128xi32, #tpu.memory_space<vmem>>
    %dma_wait3A_210 = arith.constant 0 : i32
    %dma_wait3A_211 = arith.constant 0 : i32
    %dma_wait3A_212 = tpu.memref_slice %arg4[%dma_wait3A_210, %dma_wait3A_211] : memref<400000x16xf32, #tpu.memory_space<hbm>> -> memref<400000x16xf32, #tpu.memory_space<hbm>>
    tpu.wait_indirect_dma semaphore(%arg16 : memref<!tpu.dma_semaphore, #tpu.memory_space<semaphore_mem>>) src(%dma_wait3A_212 : memref<400000x16xf32, #tpu.memory_space<hbm>>) dst(%dma_wait3A_207 : memref<128x16xf32, #tpu.memory_space<vmem>>)
    %dma_wait3A_213 = arith.constant 640 : i32
    %dma_wait3A_214 = arith.constant 0 : i32
    %dma_wait3A_215 = tpu.memref_slice %arg12[%dma_wait3A_213, %dma_wait3A_214] : memref<2560x16xf32, #tpu.memory_space<vmem>> -> memref<128x16xf32, #tpu.memory_space<vmem>>
    %dma_wait3A_216 = arith.constant 640 : i32
    %dma_wait3A_217 = tpu.memref_slice %arg11[%dma_wait3A_216] : memref<2560xi32, #tpu.memory_space<vmem>> -> memref<128xi32, #tpu.memory_space<vmem>>
    %dma_wait3A_218 = arith.constant 0 : i32
    %dma_wait3A_219 = arith.constant 0 : i32
    %dma_wait3A_220 = tpu.memref_slice %arg4[%dma_wait3A_218, %dma_wait3A_219] : memref<400000x16xf32, #tpu.memory_space<hbm>> -> memref<400000x16xf32, #tpu.memory_space<hbm>>
    tpu.wait_indirect_dma semaphore(%arg16 : memref<!tpu.dma_semaphore, #tpu.memory_space<semaphore_mem>>) src(%dma_wait3A_220 : memref<400000x16xf32, #tpu.memory_space<hbm>>) dst(%dma_wait3A_215 : memref<128x16xf32, #tpu.memory_space<vmem>>)
    %dma_wait3A_221 = arith.constant 768 : i32
    %dma_wait3A_222 = arith.constant 0 : i32
    %dma_wait3A_223 = tpu.memref_slice %arg12[%dma_wait3A_221, %dma_wait3A_222] : memref<2560x16xf32, #tpu.memory_space<vmem>> -> memref<128x16xf32, #tpu.memory_space<vmem>>
    %dma_wait3A_224 = arith.constant 768 : i32
    %dma_wait3A_225 = tpu.memref_slice %arg11[%dma_wait3A_224] : memref<2560xi32, #tpu.memory_space<vmem>> -> memref<128xi32, #tpu.memory_space<vmem>>
    %dma_wait3A_226 = arith.constant 0 : i32
    %dma_wait3A_227 = arith.constant 0 : i32
    %dma_wait3A_228 = tpu.memref_slice %arg4[%dma_wait3A_226, %dma_wait3A_227] : memref<400000x16xf32, #tpu.memory_space<hbm>> -> memref<400000x16xf32, #tpu.memory_space<hbm>>
    tpu.wait_indirect_dma semaphore(%arg16 : memref<!tpu.dma_semaphore, #tpu.memory_space<semaphore_mem>>) src(%dma_wait3A_228 : memref<400000x16xf32, #tpu.memory_space<hbm>>) dst(%dma_wait3A_223 : memref<128x16xf32, #tpu.memory_space<vmem>>)
    %dma_wait3A_229 = arith.constant 896 : i32
    %dma_wait3A_230 = arith.constant 0 : i32
    %dma_wait3A_231 = tpu.memref_slice %arg12[%dma_wait3A_229, %dma_wait3A_230] : memref<2560x16xf32, #tpu.memory_space<vmem>> -> memref<128x16xf32, #tpu.memory_space<vmem>>
    %dma_wait3A_232 = arith.constant 896 : i32
    %dma_wait3A_233 = tpu.memref_slice %arg11[%dma_wait3A_232] : memref<2560xi32, #tpu.memory_space<vmem>> -> memref<128xi32, #tpu.memory_space<vmem>>
    %dma_wait3A_234 = arith.constant 0 : i32
    %dma_wait3A_235 = arith.constant 0 : i32
    %dma_wait3A_236 = tpu.memref_slice %arg4[%dma_wait3A_234, %dma_wait3A_235] : memref<400000x16xf32, #tpu.memory_space<hbm>> -> memref<400000x16xf32, #tpu.memory_space<hbm>>
    tpu.wait_indirect_dma semaphore(%arg16 : memref<!tpu.dma_semaphore, #tpu.memory_space<semaphore_mem>>) src(%dma_wait3A_236 : memref<400000x16xf32, #tpu.memory_space<hbm>>) dst(%dma_wait3A_231 : memref<128x16xf32, #tpu.memory_space<vmem>>)
    %dma_wait3A_237 = arith.constant 1024 : i32
    %dma_wait3A_238 = arith.constant 0 : i32
    %dma_wait3A_239 = tpu.memref_slice %arg12[%dma_wait3A_237, %dma_wait3A_238] : memref<2560x16xf32, #tpu.memory_space<vmem>> -> memref<128x16xf32, #tpu.memory_space<vmem>>
    %dma_wait3A_240 = arith.constant 1024 : i32
    %dma_wait3A_241 = tpu.memref_slice %arg11[%dma_wait3A_240] : memref<2560xi32, #tpu.memory_space<vmem>> -> memref<128xi32, #tpu.memory_space<vmem>>
    %dma_wait3A_242 = arith.constant 0 : i32
    %dma_wait3A_243 = arith.constant 0 : i32
    %dma_wait3A_244 = tpu.memref_slice %arg4[%dma_wait3A_242, %dma_wait3A_243] : memref<400000x16xf32, #tpu.memory_space<hbm>> -> memref<400000x16xf32, #tpu.memory_space<hbm>>
    tpu.wait_indirect_dma semaphore(%arg16 : memref<!tpu.dma_semaphore, #tpu.memory_space<semaphore_mem>>) src(%dma_wait3A_244 : memref<400000x16xf32, #tpu.memory_space<hbm>>) dst(%dma_wait3A_239 : memref<128x16xf32, #tpu.memory_space<vmem>>)
    %dma_wait3A_245 = arith.constant 1152 : i32
    %dma_wait3A_246 = arith.constant 0 : i32
    %dma_wait3A_247 = tpu.memref_slice %arg12[%dma_wait3A_245, %dma_wait3A_246] : memref<2560x16xf32, #tpu.memory_space<vmem>> -> memref<128x16xf32, #tpu.memory_space<vmem>>
    %dma_wait3A_248 = arith.constant 1152 : i32
    %dma_wait3A_249 = tpu.memref_slice %arg11[%dma_wait3A_248] : memref<2560xi32, #tpu.memory_space<vmem>> -> memref<128xi32, #tpu.memory_space<vmem>>
    %dma_wait3A_250 = arith.constant 0 : i32
    %dma_wait3A_251 = arith.constant 0 : i32
    %dma_wait3A_252 = tpu.memref_slice %arg4[%dma_wait3A_250, %dma_wait3A_251] : memref<400000x16xf32, #tpu.memory_space<hbm>> -> memref<400000x16xf32, #tpu.memory_space<hbm>>
    tpu.wait_indirect_dma semaphore(%arg16 : memref<!tpu.dma_semaphore, #tpu.memory_space<semaphore_mem>>) src(%dma_wait3A_252 : memref<400000x16xf32, #tpu.memory_space<hbm>>) dst(%dma_wait3A_247 : memref<128x16xf32, #tpu.memory_space<vmem>>)
    %dma_wait3A_253 = arith.constant 1280 : i32
    %dma_wait3A_254 = arith.constant 0 : i32
    %dma_wait3A_255 = tpu.memref_slice %arg12[%dma_wait3A_253, %dma_wait3A_254] : memref<2560x16xf32, #tpu.memory_space<vmem>> -> memref<128x16xf32, #tpu.memory_space<vmem>>
    %dma_wait3A_256 = arith.constant 1280 : i32
    %dma_wait3A_257 = tpu.memref_slice %arg11[%dma_wait3A_256] : memref<2560xi32, #tpu.memory_space<vmem>> -> memref<128xi32, #tpu.memory_space<vmem>>
    %dma_wait3A_258 = arith.constant 0 : i32
    %dma_wait3A_259 = arith.constant 0 : i32
    %dma_wait3A_260 = tpu.memref_slice %arg4[%dma_wait3A_258, %dma_wait3A_259] : memref<400000x16xf32, #tpu.memory_space<hbm>> -> memref<400000x16xf32, #tpu.memory_space<hbm>>
    tpu.wait_indirect_dma semaphore(%arg16 : memref<!tpu.dma_semaphore, #tpu.memory_space<semaphore_mem>>) src(%dma_wait3A_260 : memref<400000x16xf32, #tpu.memory_space<hbm>>) dst(%dma_wait3A_255 : memref<128x16xf32, #tpu.memory_space<vmem>>)
    %dma_wait3A_261 = arith.constant 1408 : i32
    %dma_wait3A_262 = arith.constant 0 : i32
    %dma_wait3A_263 = tpu.memref_slice %arg12[%dma_wait3A_261, %dma_wait3A_262] : memref<2560x16xf32, #tpu.memory_space<vmem>> -> memref<128x16xf32, #tpu.memory_space<vmem>>
    %dma_wait3A_264 = arith.constant 1408 : i32
    %dma_wait3A_265 = tpu.memref_slice %arg11[%dma_wait3A_264] : memref<2560xi32, #tpu.memory_space<vmem>> -> memref<128xi32, #tpu.memory_space<vmem>>
    %dma_wait3A_266 = arith.constant 0 : i32
    %dma_wait3A_267 = arith.constant 0 : i32
    %dma_wait3A_268 = tpu.memref_slice %arg4[%dma_wait3A_266, %dma_wait3A_267] : memref<400000x16xf32, #tpu.memory_space<hbm>> -> memref<400000x16xf32, #tpu.memory_space<hbm>>
    tpu.wait_indirect_dma semaphore(%arg16 : memref<!tpu.dma_semaphore, #tpu.memory_space<semaphore_mem>>) src(%dma_wait3A_268 : memref<400000x16xf32, #tpu.memory_space<hbm>>) dst(%dma_wait3A_263 : memref<128x16xf32, #tpu.memory_space<vmem>>)
    %dma_wait3A_269 = arith.constant 1536 : i32
    %dma_wait3A_270 = arith.constant 0 : i32
    %dma_wait3A_271 = tpu.memref_slice %arg12[%dma_wait3A_269, %dma_wait3A_270] : memref<2560x16xf32, #tpu.memory_space<vmem>> -> memref<128x16xf32, #tpu.memory_space<vmem>>
    %dma_wait3A_272 = arith.constant 1536 : i32
    %dma_wait3A_273 = tpu.memref_slice %arg11[%dma_wait3A_272] : memref<2560xi32, #tpu.memory_space<vmem>> -> memref<128xi32, #tpu.memory_space<vmem>>
    %dma_wait3A_274 = arith.constant 0 : i32
    %dma_wait3A_275 = arith.constant 0 : i32
    %dma_wait3A_276 = tpu.memref_slice %arg4[%dma_wait3A_274, %dma_wait3A_275] : memref<400000x16xf32, #tpu.memory_space<hbm>> -> memref<400000x16xf32, #tpu.memory_space<hbm>>
    tpu.wait_indirect_dma semaphore(%arg16 : memref<!tpu.dma_semaphore, #tpu.memory_space<semaphore_mem>>) src(%dma_wait3A_276 : memref<400000x16xf32, #tpu.memory_space<hbm>>) dst(%dma_wait3A_271 : memref<128x16xf32, #tpu.memory_space<vmem>>)
    %dma_wait3A_277 = arith.constant 1664 : i32
    %dma_wait3A_278 = arith.constant 0 : i32
    %dma_wait3A_279 = tpu.memref_slice %arg12[%dma_wait3A_277, %dma_wait3A_278] : memref<2560x16xf32, #tpu.memory_space<vmem>> -> memref<128x16xf32, #tpu.memory_space<vmem>>
    %dma_wait3A_280 = arith.constant 1664 : i32
    %dma_wait3A_281 = tpu.memref_slice %arg11[%dma_wait3A_280] : memref<2560xi32, #tpu.memory_space<vmem>> -> memref<128xi32, #tpu.memory_space<vmem>>
    %dma_wait3A_282 = arith.constant 0 : i32
    %dma_wait3A_283 = arith.constant 0 : i32
    %dma_wait3A_284 = tpu.memref_slice %arg4[%dma_wait3A_282, %dma_wait3A_283] : memref<400000x16xf32, #tpu.memory_space<hbm>> -> memref<400000x16xf32, #tpu.memory_space<hbm>>
    tpu.wait_indirect_dma semaphore(%arg16 : memref<!tpu.dma_semaphore, #tpu.memory_space<semaphore_mem>>) src(%dma_wait3A_284 : memref<400000x16xf32, #tpu.memory_space<hbm>>) dst(%dma_wait3A_279 : memref<128x16xf32, #tpu.memory_space<vmem>>)
    %dma_wait3A_285 = arith.constant 1792 : i32
    %dma_wait3A_286 = arith.constant 0 : i32
    %dma_wait3A_287 = tpu.memref_slice %arg12[%dma_wait3A_285, %dma_wait3A_286] : memref<2560x16xf32, #tpu.memory_space<vmem>> -> memref<128x16xf32, #tpu.memory_space<vmem>>
    %dma_wait3A_288 = arith.constant 1792 : i32
    %dma_wait3A_289 = tpu.memref_slice %arg11[%dma_wait3A_288] : memref<2560xi32, #tpu.memory_space<vmem>> -> memref<128xi32, #tpu.memory_space<vmem>>
    %dma_wait3A_290 = arith.constant 0 : i32
    %dma_wait3A_291 = arith.constant 0 : i32
    %dma_wait3A_292 = tpu.memref_slice %arg4[%dma_wait3A_290, %dma_wait3A_291] : memref<400000x16xf32, #tpu.memory_space<hbm>> -> memref<400000x16xf32, #tpu.memory_space<hbm>>
    tpu.wait_indirect_dma semaphore(%arg16 : memref<!tpu.dma_semaphore, #tpu.memory_space<semaphore_mem>>) src(%dma_wait3A_292 : memref<400000x16xf32, #tpu.memory_space<hbm>>) dst(%dma_wait3A_287 : memref<128x16xf32, #tpu.memory_space<vmem>>)
    %dma_wait3A_293 = arith.constant 1920 : i32
    %dma_wait3A_294 = arith.constant 0 : i32
    %dma_wait3A_295 = tpu.memref_slice %arg12[%dma_wait3A_293, %dma_wait3A_294] : memref<2560x16xf32, #tpu.memory_space<vmem>> -> memref<128x16xf32, #tpu.memory_space<vmem>>
    %dma_wait3A_296 = arith.constant 1920 : i32
    %dma_wait3A_297 = tpu.memref_slice %arg11[%dma_wait3A_296] : memref<2560xi32, #tpu.memory_space<vmem>> -> memref<128xi32, #tpu.memory_space<vmem>>
    %dma_wait3A_298 = arith.constant 0 : i32
    %dma_wait3A_299 = arith.constant 0 : i32
    %dma_wait3A_300 = tpu.memref_slice %arg4[%dma_wait3A_298, %dma_wait3A_299] : memref<400000x16xf32, #tpu.memory_space<hbm>> -> memref<400000x16xf32, #tpu.memory_space<hbm>>
    tpu.wait_indirect_dma semaphore(%arg16 : memref<!tpu.dma_semaphore, #tpu.memory_space<semaphore_mem>>) src(%dma_wait3A_300 : memref<400000x16xf32, #tpu.memory_space<hbm>>) dst(%dma_wait3A_295 : memref<128x16xf32, #tpu.memory_space<vmem>>)
    %dma_wait3A_301 = arith.constant 2048 : i32
    %dma_wait3A_302 = arith.constant 0 : i32
    %dma_wait3A_303 = tpu.memref_slice %arg12[%dma_wait3A_301, %dma_wait3A_302] : memref<2560x16xf32, #tpu.memory_space<vmem>> -> memref<128x16xf32, #tpu.memory_space<vmem>>
    %dma_wait3A_304 = arith.constant 2048 : i32
    %dma_wait3A_305 = tpu.memref_slice %arg11[%dma_wait3A_304] : memref<2560xi32, #tpu.memory_space<vmem>> -> memref<128xi32, #tpu.memory_space<vmem>>
    %dma_wait3A_306 = arith.constant 0 : i32
    %dma_wait3A_307 = arith.constant 0 : i32
    %dma_wait3A_308 = tpu.memref_slice %arg4[%dma_wait3A_306, %dma_wait3A_307] : memref<400000x16xf32, #tpu.memory_space<hbm>> -> memref<400000x16xf32, #tpu.memory_space<hbm>>
    tpu.wait_indirect_dma semaphore(%arg16 : memref<!tpu.dma_semaphore, #tpu.memory_space<semaphore_mem>>) src(%dma_wait3A_308 : memref<400000x16xf32, #tpu.memory_space<hbm>>) dst(%dma_wait3A_303 : memref<128x16xf32, #tpu.memory_space<vmem>>)
    %dma_wait3A_309 = arith.constant 2176 : i32
    %dma_wait3A_310 = arith.constant 0 : i32
    %dma_wait3A_311 = tpu.memref_slice %arg12[%dma_wait3A_309, %dma_wait3A_310] : memref<2560x16xf32, #tpu.memory_space<vmem>> -> memref<128x16xf32, #tpu.memory_space<vmem>>
    %dma_wait3A_312 = arith.constant 2176 : i32
    %dma_wait3A_313 = tpu.memref_slice %arg11[%dma_wait3A_312] : memref<2560xi32, #tpu.memory_space<vmem>> -> memref<128xi32, #tpu.memory_space<vmem>>
    %dma_wait3A_314 = arith.constant 0 : i32
    %dma_wait3A_315 = arith.constant 0 : i32
    %dma_wait3A_316 = tpu.memref_slice %arg4[%dma_wait3A_314, %dma_wait3A_315] : memref<400000x16xf32, #tpu.memory_space<hbm>> -> memref<400000x16xf32, #tpu.memory_space<hbm>>
    tpu.wait_indirect_dma semaphore(%arg16 : memref<!tpu.dma_semaphore, #tpu.memory_space<semaphore_mem>>) src(%dma_wait3A_316 : memref<400000x16xf32, #tpu.memory_space<hbm>>) dst(%dma_wait3A_311 : memref<128x16xf32, #tpu.memory_space<vmem>>)
    %dma_wait3A_317 = arith.constant 2304 : i32
    %dma_wait3A_318 = arith.constant 0 : i32
    %dma_wait3A_319 = tpu.memref_slice %arg12[%dma_wait3A_317, %dma_wait3A_318] : memref<2560x16xf32, #tpu.memory_space<vmem>> -> memref<128x16xf32, #tpu.memory_space<vmem>>
    %dma_wait3A_320 = arith.constant 2304 : i32
    %dma_wait3A_321 = tpu.memref_slice %arg11[%dma_wait3A_320] : memref<2560xi32, #tpu.memory_space<vmem>> -> memref<128xi32, #tpu.memory_space<vmem>>
    %dma_wait3A_322 = arith.constant 0 : i32
    %dma_wait3A_323 = arith.constant 0 : i32
    %dma_wait3A_324 = tpu.memref_slice %arg4[%dma_wait3A_322, %dma_wait3A_323] : memref<400000x16xf32, #tpu.memory_space<hbm>> -> memref<400000x16xf32, #tpu.memory_space<hbm>>
    tpu.wait_indirect_dma semaphore(%arg16 : memref<!tpu.dma_semaphore, #tpu.memory_space<semaphore_mem>>) src(%dma_wait3A_324 : memref<400000x16xf32, #tpu.memory_space<hbm>>) dst(%dma_wait3A_319 : memref<128x16xf32, #tpu.memory_space<vmem>>)
    %dma_wait3A_325 = arith.constant 2432 : i32
    %dma_wait3A_326 = arith.constant 0 : i32
    %dma_wait3A_327 = tpu.memref_slice %arg12[%dma_wait3A_325, %dma_wait3A_326] : memref<2560x16xf32, #tpu.memory_space<vmem>> -> memref<128x16xf32, #tpu.memory_space<vmem>>
    %dma_wait3A_328 = arith.constant 2432 : i32
    %dma_wait3A_329 = tpu.memref_slice %arg11[%dma_wait3A_328] : memref<2560xi32, #tpu.memory_space<vmem>> -> memref<128xi32, #tpu.memory_space<vmem>>
    %dma_wait3A_330 = arith.constant 0 : i32
    %dma_wait3A_331 = arith.constant 0 : i32
    %dma_wait3A_332 = tpu.memref_slice %arg4[%dma_wait3A_330, %dma_wait3A_331] : memref<400000x16xf32, #tpu.memory_space<hbm>> -> memref<400000x16xf32, #tpu.memory_space<hbm>>
    tpu.wait_indirect_dma semaphore(%arg16 : memref<!tpu.dma_semaphore, #tpu.memory_space<semaphore_mem>>) src(%dma_wait3A_332 : memref<400000x16xf32, #tpu.memory_space<hbm>>) dst(%dma_wait3A_327 : memref<128x16xf32, #tpu.memory_space<vmem>>)
    "tpu.region"() ({
      %run_scoped3A_2734 = tpu.sem_alloc : memref<!tpu.dma_semaphore, #tpu.memory_space<semaphore_mem>>
      %dma_start3A_2735 = arith.constant 0 : i32
      %dma_start3A_2736 = tpu.memref_slice %arg8[%multiple_of3A, %dma_start3A_2735] : memref<655360x16xf32, #tpu.memory_space<hbm>> -> memref<2560x16xf32, #tpu.memory_space<hbm>>
      %dma_start3A_2737 = arith.constant 0 : i32
      %dma_start3A_2738 = tpu.memref_slice %arg8[%multiple_of3A, %dma_start3A_2737] : memref<655360x16xf32, #tpu.memory_space<hbm>> -> memref<2560x16xf32, #tpu.memory_space<hbm>>
      tpu.enqueue_dma source(%arg12 : memref<2560x16xf32, #tpu.memory_space<vmem>>) target(%dma_start3A_2738 : memref<2560x16xf32, #tpu.memory_space<hbm>>) target_semaphore(%run_scoped3A_2734 : memref<!tpu.dma_semaphore, #tpu.memory_space<semaphore_mem>>)
      %dma_wait3A_2739 = arith.constant 0 : i32
      %dma_wait3A_2740 = tpu.memref_slice %arg8[%multiple_of3A, %dma_wait3A_2739] : memref<655360x16xf32, #tpu.memory_space<hbm>> -> memref<2560x16xf32, #tpu.memory_space<hbm>>
      %dma_wait3A_2741 = arith.constant 0 : i32
      %dma_wait3A_2742 = tpu.memref_slice %arg8[%multiple_of3A, %dma_wait3A_2741] : memref<655360x16xf32, #tpu.memory_space<hbm>> -> memref<2560x16xf32, #tpu.memory_space<hbm>>
      tpu.wait_dma2 semaphore(%run_scoped3A_2734 : memref<!tpu.dma_semaphore, #tpu.memory_space<semaphore_mem>>) src(%arg12 : memref<2560x16xf32, #tpu.memory_space<vmem>>) dst(%dma_wait3A_2742 : memref<2560x16xf32, #tpu.memory_space<hbm>>)
      tpu.yield
    }) : () -> ()
    %mul3A_333 = arith.constant 512 : i32
    %mul3A_334 = arith.muli %add3A, %mul3A_333 : i32
    %add3A_335 = arith.constant 64 : i32
    %add3A_336 = arith.addi %mul3A_334, %add3A_335 : i32
    %mul3A_337 = arith.constant 40 : i32
    %mul3A_338 = arith.muli %add3A_336, %mul3A_337 : i32
    %multiple_of3A_339 = tpu.assume_multiple %mul3A_338, 2560 : i32
    "tpu.region"() ({
      %run_scoped3A_2734 = tpu.sem_alloc : memref<!tpu.dma_semaphore, #tpu.memory_space<semaphore_mem>>
      %dma_start3A_2735 = tpu.memref_slice %arg2[%multiple_of3A_339] : memref<655360xi32, #tpu.memory_space<hbm>> -> memref<2560xi32, #tpu.memory_space<hbm>>
      %dma_start3A_2736 = tpu.memref_slice %arg2[%multiple_of3A_339] : memref<655360xi32, #tpu.memory_space<hbm>> -> memref<2560xi32, #tpu.memory_space<hbm>>
      tpu.enqueue_dma source(%dma_start3A_2736 : memref<2560xi32, #tpu.memory_space<hbm>>) target(%arg10 : memref<2560xi32, #tpu.memory_space<vmem>>) target_semaphore(%run_scoped3A_2734 : memref<!tpu.dma_semaphore, #tpu.memory_space<semaphore_mem>>)
      %dma_wait3A_2737 = tpu.memref_slice %arg2[%multiple_of3A_339] : memref<655360xi32, #tpu.memory_space<hbm>> -> memref<2560xi32, #tpu.memory_space<hbm>>
      %dma_wait3A_2738 = tpu.memref_slice %arg2[%multiple_of3A_339] : memref<655360xi32, #tpu.memory_space<hbm>> -> memref<2560xi32, #tpu.memory_space<hbm>>
      tpu.wait_dma2 semaphore(%run_scoped3A_2734 : memref<!tpu.dma_semaphore, #tpu.memory_space<semaphore_mem>>) src(%dma_wait3A_2738 : memref<2560xi32, #tpu.memory_space<hbm>>) dst(%arg10 : memref<2560xi32, #tpu.memory_space<vmem>>)
      tpu.yield
    }) : () -> ()
    %scan3A_340 = arith.constant 0 : i32
    %scan3A_341 = arith.constant 0 : i32
    %scan3A_342 = arith.constant 160 : i32
    %scan3A_343 = arith.addi %scan3A_341, %scan3A_342 : i32
    %scan3A_344 = arith.constant 1 : i32
    %scan3A_345 = scf.for %scan3A_2734 = %scan3A_341 to %scan3A_343 step %scan3A_344 iter_args(%scan3A_2735 = %scan3A_340) -> (i32)  : i32 {
      %mul3A_2736 = arith.constant 16 : i32
      %mul3A_2737 = arith.muli %scan3A_2734, %mul3A_2736 : i32
      %get3A = arith.index_cast %mul3A_2737 : i32 to index
      %get3A_2738 = tpu.vector_load %arg10[%get3A] {strides = array<i32>} : memref<2560xi32, #tpu.memory_space<vmem>>, vector<16xi32>,
      %get3A_2739 = vector.shape_cast %get3A_2738 : vector<16xi32> to vector<16xi32>
      %mul3A_2740 = arith.constant 4 : i32
      %mul3A_2741 = vector.broadcast %mul3A_2740 : i32 to vector<16xi32>
      %mul3A_2742 = arith.muli %get3A_2739, %mul3A_2741 : vector<16xi32>
      %get3A_2743 = arith.index_cast %mul3A_2737 : i32 to index
      %get3A_2744 = tpu.vector_load %arg15[%get3A_2743] {strides = array<i32>} : memref<2560xi32, #tpu.memory_space<vmem>>, vector<16xi32>,
      %get3A_2745 = vector.shape_cast %get3A_2744 : vector<16xi32> to vector<16xi32>
      %add3A_2746 = arith.addi %mul3A_2742, %get3A_2745 : vector<16xi32>
      %swap3A = arith.index_cast %mul3A_2737 : i32 to index
      %swap3A_2747 = tpu.vector_load %arg11[%swap3A] {strides = array<i32>} : memref<2560xi32, #tpu.memory_space<vmem>>, vector<16xi32>,
      %swap3A_2748 = vector.shape_cast %swap3A_2747 : vector<16xi32> to vector<16xi32>
      %swap3A_2749 = vector.shape_cast %add3A_2746 : vector<16xi32> to vector<16xi32>
      tpu.vector_store %arg11[%swap3A], %swap3A_2749 {strides = array<i32>} : memref<2560xi32, #tpu.memory_space<vmem>>, vector<16xi32>,
      %scan3A_2750 = arith.constant 0 : i32
      scf.yield %scan3A_2750 : i32
    }
    %scan3A_346 = arith.constant 160 : i32
    %dma_start3A_347 = arith.constant 0 : i32
    %dma_start3A_348 = arith.constant 0 : i32
    %dma_start3A_349 = tpu.memref_slice %arg12[%dma_start3A_347, %dma_start3A_348] : memref<2560x16xf32, #tpu.memory_space<vmem>> -> memref<128x16xf32, #tpu.memory_space<vmem>>
    %dma_start3A_350 = arith.constant 0 : i32
    %dma_start3A_351 = tpu.memref_slice %arg11[%dma_start3A_350] : memref<2560xi32, #tpu.memory_space<vmem>> -> memref<128xi32, #tpu.memory_space<vmem>>
    %dma_start3A_352 = arith.constant 0 : i32
    %dma_start3A_353 = arith.constant 0 : i32
    %dma_start3A_354 = tpu.memref_slice %arg4[%dma_start3A_352, %dma_start3A_353] : memref<400000x16xf32, #tpu.memory_space<hbm>> -> memref<400000x16xf32, #tpu.memory_space<hbm>>
    tpu.enqueue_indirect_dma source(%dma_start3A_354 : memref<400000x16xf32, #tpu.memory_space<hbm>>) target(%dma_start3A_349 : memref<128x16xf32, #tpu.memory_space<vmem>>) offsets(%dma_start3A_351 : memref<128xi32, #tpu.memory_space<vmem>>) semaphore(%arg16 : memref<!tpu.dma_semaphore, #tpu.memory_space<semaphore_mem>>)
    %dma_start3A_355 = arith.constant 128 : i32
    %dma_start3A_356 = arith.constant 0 : i32
    %dma_start3A_357 = tpu.memref_slice %arg12[%dma_start3A_355, %dma_start3A_356] : memref<2560x16xf32, #tpu.memory_space<vmem>> -> memref<128x16xf32, #tpu.memory_space<vmem>>
    %dma_start3A_358 = arith.constant 128 : i32
    %dma_start3A_359 = tpu.memref_slice %arg11[%dma_start3A_358] : memref<2560xi32, #tpu.memory_space<vmem>> -> memref<128xi32, #tpu.memory_space<vmem>>
    %dma_start3A_360 = arith.constant 0 : i32
    %dma_start3A_361 = arith.constant 0 : i32
    %dma_start3A_362 = tpu.memref_slice %arg4[%dma_start3A_360, %dma_start3A_361] : memref<400000x16xf32, #tpu.memory_space<hbm>> -> memref<400000x16xf32, #tpu.memory_space<hbm>>
    tpu.enqueue_indirect_dma source(%dma_start3A_362 : memref<400000x16xf32, #tpu.memory_space<hbm>>) target(%dma_start3A_357 : memref<128x16xf32, #tpu.memory_space<vmem>>) offsets(%dma_start3A_359 : memref<128xi32, #tpu.memory_space<vmem>>) semaphore(%arg16 : memref<!tpu.dma_semaphore, #tpu.memory_space<semaphore_mem>>)
    %dma_start3A_363 = arith.constant 256 : i32
    %dma_start3A_364 = arith.constant 0 : i32
    %dma_start3A_365 = tpu.memref_slice %arg12[%dma_start3A_363, %dma_start3A_364] : memref<2560x16xf32, #tpu.memory_space<vmem>> -> memref<128x16xf32, #tpu.memory_space<vmem>>
    %dma_start3A_366 = arith.constant 256 : i32
    %dma_start3A_367 = tpu.memref_slice %arg11[%dma_start3A_366] : memref<2560xi32, #tpu.memory_space<vmem>> -> memref<128xi32, #tpu.memory_space<vmem>>
    %dma_start3A_368 = arith.constant 0 : i32
    %dma_start3A_369 = arith.constant 0 : i32
    %dma_start3A_370 = tpu.memref_slice %arg4[%dma_start3A_368, %dma_start3A_369] : memref<400000x16xf32, #tpu.memory_space<hbm>> -> memref<400000x16xf32, #tpu.memory_space<hbm>>
    tpu.enqueue_indirect_dma source(%dma_start3A_370 : memref<400000x16xf32, #tpu.memory_space<hbm>>) target(%dma_start3A_365 : memref<128x16xf32, #tpu.memory_space<vmem>>) offsets(%dma_start3A_367 : memref<128xi32, #tpu.memory_space<vmem>>) semaphore(%arg16 : memref<!tpu.dma_semaphore, #tpu.memory_space<semaphore_mem>>)
    %dma_start3A_371 = arith.constant 384 : i32
    %dma_start3A_372 = arith.constant 0 : i32
    %dma_start3A_373 = tpu.memref_slice %arg12[%dma_start3A_371, %dma_start3A_372] : memref<2560x16xf32, #tpu.memory_space<vmem>> -> memref<128x16xf32, #tpu.memory_space<vmem>>
    %dma_start3A_374 = arith.constant 384 : i32
    %dma_start3A_375 = tpu.memref_slice %arg11[%dma_start3A_374] : memref<2560xi32, #tpu.memory_space<vmem>> -> memref<128xi32, #tpu.memory_space<vmem>>
    %dma_start3A_376 = arith.constant 0 : i32
    %dma_start3A_377 = arith.constant 0 : i32
    %dma_start3A_378 = tpu.memref_slice %arg4[%dma_start3A_376, %dma_start3A_377] : memref<400000x16xf32, #tpu.memory_space<hbm>> -> memref<400000x16xf32, #tpu.memory_space<hbm>>
    tpu.enqueue_indirect_dma source(%dma_start3A_378 : memref<400000x16xf32, #tpu.memory_space<hbm>>) target(%dma_start3A_373 : memref<128x16xf32, #tpu.memory_space<vmem>>) offsets(%dma_start3A_375 : memref<128xi32, #tpu.memory_space<vmem>>) semaphore(%arg16 : memref<!tpu.dma_semaphore, #tpu.memory_space<semaphore_mem>>)
    %dma_start3A_379 = arith.constant 512 : i32
    %dma_start3A_380 = arith.constant 0 : i32
    %dma_start3A_381 = tpu.memref_slice %arg12[%dma_start3A_379, %dma_start3A_380] : memref<2560x16xf32, #tpu.memory_space<vmem>> -> memref<128x16xf32, #tpu.memory_space<vmem>>
    %dma_start3A_382 = arith.constant 512 : i32
    %dma_start3A_383 = tpu.memref_slice %arg11[%dma_start3A_382] : memref<2560xi32, #tpu.memory_space<vmem>> -> memref<128xi32, #tpu.memory_space<vmem>>
    %dma_start3A_384 = arith.constant 0 : i32
    %dma_start3A_385 = arith.constant 0 : i32
    %dma_start3A_386 = tpu.memref_slice %arg4[%dma_start3A_384, %dma_start3A_385] : memref<400000x16xf32, #tpu.memory_space<hbm>> -> memref<400000x16xf32, #tpu.memory_space<hbm>>
    tpu.enqueue_indirect_dma source(%dma_start3A_386 : memref<400000x16xf32, #tpu.memory_space<hbm>>) target(%dma_start3A_381 : memref<128x16xf32, #tpu.memory_space<vmem>>) offsets(%dma_start3A_383 : memref<128xi32, #tpu.memory_space<vmem>>) semaphore(%arg16 : memref<!tpu.dma_semaphore, #tpu.memory_space<semaphore_mem>>)
    %dma_start3A_387 = arith.constant 640 : i32
    %dma_start3A_388 = arith.constant 0 : i32
    %dma_start3A_389 = tpu.memref_slice %arg12[%dma_start3A_387, %dma_start3A_388] : memref<2560x16xf32, #tpu.memory_space<vmem>> -> memref<128x16xf32, #tpu.memory_space<vmem>>
    %dma_start3A_390 = arith.constant 640 : i32
    %dma_start3A_391 = tpu.memref_slice %arg11[%dma_start3A_390] : memref<2560xi32, #tpu.memory_space<vmem>> -> memref<128xi32, #tpu.memory_space<vmem>>
    %dma_start3A_392 = arith.constant 0 : i32
    %dma_start3A_393 = arith.constant 0 : i32
    %dma_start3A_394 = tpu.memref_slice %arg4[%dma_start3A_392, %dma_start3A_393] : memref<400000x16xf32, #tpu.memory_space<hbm>> -> memref<400000x16xf32, #tpu.memory_space<hbm>>
    tpu.enqueue_indirect_dma source(%dma_start3A_394 : memref<400000x16xf32, #tpu.memory_space<hbm>>) target(%dma_start3A_389 : memref<128x16xf32, #tpu.memory_space<vmem>>) offsets(%dma_start3A_391 : memref<128xi32, #tpu.memory_space<vmem>>) semaphore(%arg16 : memref<!tpu.dma_semaphore, #tpu.memory_space<semaphore_mem>>)
    %dma_start3A_395 = arith.constant 768 : i32
    %dma_start3A_396 = arith.constant 0 : i32
    %dma_start3A_397 = tpu.memref_slice %arg12[%dma_start3A_395, %dma_start3A_396] : memref<2560x16xf32, #tpu.memory_space<vmem>> -> memref<128x16xf32, #tpu.memory_space<vmem>>
    %dma_start3A_398 = arith.constant 768 : i32
    %dma_start3A_399 = tpu.memref_slice %arg11[%dma_start3A_398] : memref<2560xi32, #tpu.memory_space<vmem>> -> memref<128xi32, #tpu.memory_space<vmem>>
    %dma_start3A_400 = arith.constant 0 : i32
    %dma_start3A_401 = arith.constant 0 : i32
    %dma_start3A_402 = tpu.memref_slice %arg4[%dma_start3A_400, %dma_start3A_401] : memref<400000x16xf32, #tpu.memory_space<hbm>> -> memref<400000x16xf32, #tpu.memory_space<hbm>>
    tpu.enqueue_indirect_dma source(%dma_start3A_402 : memref<400000x16xf32, #tpu.memory_space<hbm>>) target(%dma_start3A_397 : memref<128x16xf32, #tpu.memory_space<vmem>>) offsets(%dma_start3A_399 : memref<128xi32, #tpu.memory_space<vmem>>) semaphore(%arg16 : memref<!tpu.dma_semaphore, #tpu.memory_space<semaphore_mem>>)
    %dma_start3A_403 = arith.constant 896 : i32
    %dma_start3A_404 = arith.constant 0 : i32
    %dma_start3A_405 = tpu.memref_slice %arg12[%dma_start3A_403, %dma_start3A_404] : memref<2560x16xf32, #tpu.memory_space<vmem>> -> memref<128x16xf32, #tpu.memory_space<vmem>>
    %dma_start3A_406 = arith.constant 896 : i32
    %dma_start3A_407 = tpu.memref_slice %arg11[%dma_start3A_406] : memref<2560xi32, #tpu.memory_space<vmem>> -> memref<128xi32, #tpu.memory_space<vmem>>
    %dma_start3A_408 = arith.constant 0 : i32
    %dma_start3A_409 = arith.constant 0 : i32
    %dma_start3A_410 = tpu.memref_slice %arg4[%dma_start3A_408, %dma_start3A_409] : memref<400000x16xf32, #tpu.memory_space<hbm>> -> memref<400000x16xf32, #tpu.memory_space<hbm>>
    tpu.enqueue_indirect_dma source(%dma_start3A_410 : memref<400000x16xf32, #tpu.memory_space<hbm>>) target(%dma_start3A_405 : memref<128x16xf32, #tpu.memory_space<vmem>>) offsets(%dma_start3A_407 : memref<128xi32, #tpu.memory_space<vmem>>) semaphore(%arg16 : memref<!tpu.dma_semaphore, #tpu.memory_space<semaphore_mem>>)
    %dma_start3A_411 = arith.constant 1024 : i32
    %dma_start3A_412 = arith.constant 0 : i32
    %dma_start3A_413 = tpu.memref_slice %arg12[%dma_start3A_411, %dma_start3A_412] : memref<2560x16xf32, #tpu.memory_space<vmem>> -> memref<128x16xf32, #tpu.memory_space<vmem>>
    %dma_start3A_414 = arith.constant 1024 : i32
    %dma_start3A_415 = tpu.memref_slice %arg11[%dma_start3A_414] : memref<2560xi32, #tpu.memory_space<vmem>> -> memref<128xi32, #tpu.memory_space<vmem>>
    %dma_start3A_416 = arith.constant 0 : i32
    %dma_start3A_417 = arith.constant 0 : i32
    %dma_start3A_418 = tpu.memref_slice %arg4[%dma_start3A_416, %dma_start3A_417] : memref<400000x16xf32, #tpu.memory_space<hbm>> -> memref<400000x16xf32, #tpu.memory_space<hbm>>
    tpu.enqueue_indirect_dma source(%dma_start3A_418 : memref<400000x16xf32, #tpu.memory_space<hbm>>) target(%dma_start3A_413 : memref<128x16xf32, #tpu.memory_space<vmem>>) offsets(%dma_start3A_415 : memref<128xi32, #tpu.memory_space<vmem>>) semaphore(%arg16 : memref<!tpu.dma_semaphore, #tpu.memory_space<semaphore_mem>>)
    %dma_start3A_419 = arith.constant 1152 : i32
    %dma_start3A_420 = arith.constant 0 : i32
    %dma_start3A_421 = tpu.memref_slice %arg12[%dma_start3A_419, %dma_start3A_420] : memref<2560x16xf32, #tpu.memory_space<vmem>> -> memref<128x16xf32, #tpu.memory_space<vmem>>
    %dma_start3A_422 = arith.constant 1152 : i32
    %dma_start3A_423 = tpu.memref_slice %arg11[%dma_start3A_422] : memref<2560xi32, #tpu.memory_space<vmem>> -> memref<128xi32, #tpu.memory_space<vmem>>
    %dma_start3A_424 = arith.constant 0 : i32
    %dma_start3A_425 = arith.constant 0 : i32
    %dma_start3A_426 = tpu.memref_slice %arg4[%dma_start3A_424, %dma_start3A_425] : memref<400000x16xf32, #tpu.memory_space<hbm>> -> memref<400000x16xf32, #tpu.memory_space<hbm>>
    tpu.enqueue_indirect_dma source(%dma_start3A_426 : memref<400000x16xf32, #tpu.memory_space<hbm>>) target(%dma_start3A_421 : memref<128x16xf32, #tpu.memory_space<vmem>>) offsets(%dma_start3A_423 : memref<128xi32, #tpu.memory_space<vmem>>) semaphore(%arg16 : memref<!tpu.dma_semaphore, #tpu.memory_space<semaphore_mem>>)
    %dma_start3A_427 = arith.constant 1280 : i32
    %dma_start3A_428 = arith.constant 0 : i32
    %dma_start3A_429 = tpu.memref_slice %arg12[%dma_start3A_427, %dma_start3A_428] : memref<2560x16xf32, #tpu.memory_space<vmem>> -> memref<128x16xf32, #tpu.memory_space<vmem>>
    %dma_start3A_430 = arith.constant 1280 : i32
    %dma_start3A_431 = tpu.memref_slice %arg11[%dma_start3A_430] : memref<2560xi32, #tpu.memory_space<vmem>> -> memref<128xi32, #tpu.memory_space<vmem>>
    %dma_start3A_432 = arith.constant 0 : i32
    %dma_start3A_433 = arith.constant 0 : i32
    %dma_start3A_434 = tpu.memref_slice %arg4[%dma_start3A_432, %dma_start3A_433] : memref<400000x16xf32, #tpu.memory_space<hbm>> -> memref<400000x16xf32, #tpu.memory_space<hbm>>
    tpu.enqueue_indirect_dma source(%dma_start3A_434 : memref<400000x16xf32, #tpu.memory_space<hbm>>) target(%dma_start3A_429 : memref<128x16xf32, #tpu.memory_space<vmem>>) offsets(%dma_start3A_431 : memref<128xi32, #tpu.memory_space<vmem>>) semaphore(%arg16 : memref<!tpu.dma_semaphore, #tpu.memory_space<semaphore_mem>>)
    %dma_start3A_435 = arith.constant 1408 : i32
    %dma_start3A_436 = arith.constant 0 : i32
    %dma_start3A_437 = tpu.memref_slice %arg12[%dma_start3A_435, %dma_start3A_436] : memref<2560x16xf32, #tpu.memory_space<vmem>> -> memref<128x16xf32, #tpu.memory_space<vmem>>
    %dma_start3A_438 = arith.constant 1408 : i32
    %dma_start3A_439 = tpu.memref_slice %arg11[%dma_start3A_438] : memref<2560xi32, #tpu.memory_space<vmem>> -> memref<128xi32, #tpu.memory_space<vmem>>
    %dma_start3A_440 = arith.constant 0 : i32
    %dma_start3A_441 = arith.constant 0 : i32
    %dma_start3A_442 = tpu.memref_slice %arg4[%dma_start3A_440, %dma_start3A_441] : memref<400000x16xf32, #tpu.memory_space<hbm>> -> memref<400000x16xf32, #tpu.memory_space<hbm>>
    tpu.enqueue_indirect_dma source(%dma_start3A_442 : memref<400000x16xf32, #tpu.memory_space<hbm>>) target(%dma_start3A_437 : memref<128x16xf32, #tpu.memory_space<vmem>>) offsets(%dma_start3A_439 : memref<128xi32, #tpu.memory_space<vmem>>) semaphore(%arg16 : memref<!tpu.dma_semaphore, #tpu.memory_space<semaphore_mem>>)
    %dma_start3A_443 = arith.constant 1536 : i32
    %dma_start3A_444 = arith.constant 0 : i32
    %dma_start3A_445 = tpu.memref_slice %arg12[%dma_start3A_443, %dma_start3A_444] : memref<2560x16xf32, #tpu.memory_space<vmem>> -> memref<128x16xf32, #tpu.memory_space<vmem>>
    %dma_start3A_446 = arith.constant 1536 : i32
    %dma_start3A_447 = tpu.memref_slice %arg11[%dma_start3A_446] : memref<2560xi32, #tpu.memory_space<vmem>> -> memref<128xi32, #tpu.memory_space<vmem>>
    %dma_start3A_448 = arith.constant 0 : i32
    %dma_start3A_449 = arith.constant 0 : i32
    %dma_start3A_450 = tpu.memref_slice %arg4[%dma_start3A_448, %dma_start3A_449] : memref<400000x16xf32, #tpu.memory_space<hbm>> -> memref<400000x16xf32, #tpu.memory_space<hbm>>
    tpu.enqueue_indirect_dma source(%dma_start3A_450 : memref<400000x16xf32, #tpu.memory_space<hbm>>) target(%dma_start3A_445 : memref<128x16xf32, #tpu.memory_space<vmem>>) offsets(%dma_start3A_447 : memref<128xi32, #tpu.memory_space<vmem>>) semaphore(%arg16 : memref<!tpu.dma_semaphore, #tpu.memory_space<semaphore_mem>>)
    %dma_start3A_451 = arith.constant 1664 : i32
    %dma_start3A_452 = arith.constant 0 : i32
    %dma_start3A_453 = tpu.memref_slice %arg12[%dma_start3A_451, %dma_start3A_452] : memref<2560x16xf32, #tpu.memory_space<vmem>> -> memref<128x16xf32, #tpu.memory_space<vmem>>
    %dma_start3A_454 = arith.constant 1664 : i32
    %dma_start3A_455 = tpu.memref_slice %arg11[%dma_start3A_454] : memref<2560xi32, #tpu.memory_space<vmem>> -> memref<128xi32, #tpu.memory_space<vmem>>
    %dma_start3A_456 = arith.constant 0 : i32
    %dma_start3A_457 = arith.constant 0 : i32
    %dma_start3A_458 = tpu.memref_slice %arg4[%dma_start3A_456, %dma_start3A_457] : memref<400000x16xf32, #tpu.memory_space<hbm>> -> memref<400000x16xf32, #tpu.memory_space<hbm>>
    tpu.enqueue_indirect_dma source(%dma_start3A_458 : memref<400000x16xf32, #tpu.memory_space<hbm>>) target(%dma_start3A_453 : memref<128x16xf32, #tpu.memory_space<vmem>>) offsets(%dma_start3A_455 : memref<128xi32, #tpu.memory_space<vmem>>) semaphore(%arg16 : memref<!tpu.dma_semaphore, #tpu.memory_space<semaphore_mem>>)
    %dma_start3A_459 = arith.constant 1792 : i32
    %dma_start3A_460 = arith.constant 0 : i32
    %dma_start3A_461 = tpu.memref_slice %arg12[%dma_start3A_459, %dma_start3A_460] : memref<2560x16xf32, #tpu.memory_space<vmem>> -> memref<128x16xf32, #tpu.memory_space<vmem>>
    %dma_start3A_462 = arith.constant 1792 : i32
    %dma_start3A_463 = tpu.memref_slice %arg11[%dma_start3A_462] : memref<2560xi32, #tpu.memory_space<vmem>> -> memref<128xi32, #tpu.memory_space<vmem>>
    %dma_start3A_464 = arith.constant 0 : i32
    %dma_start3A_465 = arith.constant 0 : i32
    %dma_start3A_466 = tpu.memref_slice %arg4[%dma_start3A_464, %dma_start3A_465] : memref<400000x16xf32, #tpu.memory_space<hbm>> -> memref<400000x16xf32, #tpu.memory_space<hbm>>
    tpu.enqueue_indirect_dma source(%dma_start3A_466 : memref<400000x16xf32, #tpu.memory_space<hbm>>) target(%dma_start3A_461 : memref<128x16xf32, #tpu.memory_space<vmem>>) offsets(%dma_start3A_463 : memref<128xi32, #tpu.memory_space<vmem>>) semaphore(%arg16 : memref<!tpu.dma_semaphore, #tpu.memory_space<semaphore_mem>>)
    %dma_start3A_467 = arith.constant 1920 : i32
    %dma_start3A_468 = arith.constant 0 : i32
    %dma_start3A_469 = tpu.memref_slice %arg12[%dma_start3A_467, %dma_start3A_468] : memref<2560x16xf32, #tpu.memory_space<vmem>> -> memref<128x16xf32, #tpu.memory_space<vmem>>
    %dma_start3A_470 = arith.constant 1920 : i32
    %dma_start3A_471 = tpu.memref_slice %arg11[%dma_start3A_470] : memref<2560xi32, #tpu.memory_space<vmem>> -> memref<128xi32, #tpu.memory_space<vmem>>
    %dma_start3A_472 = arith.constant 0 : i32
    %dma_start3A_473 = arith.constant 0 : i32
    %dma_start3A_474 = tpu.memref_slice %arg4[%dma_start3A_472, %dma_start3A_473] : memref<400000x16xf32, #tpu.memory_space<hbm>> -> memref<400000x16xf32, #tpu.memory_space<hbm>>
    tpu.enqueue_indirect_dma source(%dma_start3A_474 : memref<400000x16xf32, #tpu.memory_space<hbm>>) target(%dma_start3A_469 : memref<128x16xf32, #tpu.memory_space<vmem>>) offsets(%dma_start3A_471 : memref<128xi32, #tpu.memory_space<vmem>>) semaphore(%arg16 : memref<!tpu.dma_semaphore, #tpu.memory_space<semaphore_mem>>)
    %dma_start3A_475 = arith.constant 2048 : i32
    %dma_start3A_476 = arith.constant 0 : i32
    %dma_start3A_477 = tpu.memref_slice %arg12[%dma_start3A_475, %dma_start3A_476] : memref<2560x16xf32, #tpu.memory_space<vmem>> -> memref<128x16xf32, #tpu.memory_space<vmem>>
    %dma_start3A_478 = arith.constant 2048 : i32
    %dma_start3A_479 = tpu.memref_slice %arg11[%dma_start3A_478] : memref<2560xi32, #tpu.memory_space<vmem>> -> memref<128xi32, #tpu.memory_space<vmem>>
    %dma_start3A_480 = arith.constant 0 : i32
    %dma_start3A_481 = arith.constant 0 : i32
    %dma_start3A_482 = tpu.memref_slice %arg4[%dma_start3A_480, %dma_start3A_481] : memref<400000x16xf32, #tpu.memory_space<hbm>> -> memref<400000x16xf32, #tpu.memory_space<hbm>>
    tpu.enqueue_indirect_dma source(%dma_start3A_482 : memref<400000x16xf32, #tpu.memory_space<hbm>>) target(%dma_start3A_477 : memref<128x16xf32, #tpu.memory_space<vmem>>) offsets(%dma_start3A_479 : memref<128xi32, #tpu.memory_space<vmem>>) semaphore(%arg16 : memref<!tpu.dma_semaphore, #tpu.memory_space<semaphore_mem>>)
    %dma_start3A_483 = arith.constant 2176 : i32
    %dma_start3A_484 = arith.constant 0 : i32
    %dma_start3A_485 = tpu.memref_slice %arg12[%dma_start3A_483, %dma_start3A_484] : memref<2560x16xf32, #tpu.memory_space<vmem>> -> memref<128x16xf32, #tpu.memory_space<vmem>>
    %dma_start3A_486 = arith.constant 2176 : i32
    %dma_start3A_487 = tpu.memref_slice %arg11[%dma_start3A_486] : memref<2560xi32, #tpu.memory_space<vmem>> -> memref<128xi32, #tpu.memory_space<vmem>>
    %dma_start3A_488 = arith.constant 0 : i32
    %dma_start3A_489 = arith.constant 0 : i32
    %dma_start3A_490 = tpu.memref_slice %arg4[%dma_start3A_488, %dma_start3A_489] : memref<400000x16xf32, #tpu.memory_space<hbm>> -> memref<400000x16xf32, #tpu.memory_space<hbm>>
    tpu.enqueue_indirect_dma source(%dma_start3A_490 : memref<400000x16xf32, #tpu.memory_space<hbm>>) target(%dma_start3A_485 : memref<128x16xf32, #tpu.memory_space<vmem>>) offsets(%dma_start3A_487 : memref<128xi32, #tpu.memory_space<vmem>>) semaphore(%arg16 : memref<!tpu.dma_semaphore, #tpu.memory_space<semaphore_mem>>)
    %dma_start3A_491 = arith.constant 2304 : i32
    %dma_start3A_492 = arith.constant 0 : i32
    %dma_start3A_493 = tpu.memref_slice %arg12[%dma_start3A_491, %dma_start3A_492] : memref<2560x16xf32, #tpu.memory_space<vmem>> -> memref<128x16xf32, #tpu.memory_space<vmem>>
    %dma_start3A_494 = arith.constant 2304 : i32
    %dma_start3A_495 = tpu.memref_slice %arg11[%dma_start3A_494] : memref<2560xi32, #tpu.memory_space<vmem>> -> memref<128xi32, #tpu.memory_space<vmem>>
    %dma_start3A_496 = arith.constant 0 : i32
    %dma_start3A_497 = arith.constant 0 : i32
    %dma_start3A_498 = tpu.memref_slice %arg4[%dma_start3A_496, %dma_start3A_497] : memref<400000x16xf32, #tpu.memory_space<hbm>> -> memref<400000x16xf32, #tpu.memory_space<hbm>>
    tpu.enqueue_indirect_dma source(%dma_start3A_498 : memref<400000x16xf32, #tpu.memory_space<hbm>>) target(%dma_start3A_493 : memref<128x16xf32, #tpu.memory_space<vmem>>) offsets(%dma_start3A_495 : memref<128xi32, #tpu.memory_space<vmem>>) semaphore(%arg16 : memref<!tpu.dma_semaphore, #tpu.memory_space<semaphore_mem>>)
    %dma_start3A_499 = arith.constant 2432 : i32
    %dma_start3A_500 = arith.constant 0 : i32
    %dma_start3A_501 = tpu.memref_slice %arg12[%dma_start3A_499, %dma_start3A_500] : memref<2560x16xf32, #tpu.memory_space<vmem>> -> memref<128x16xf32, #tpu.memory_space<vmem>>
    %dma_start3A_502 = arith.constant 2432 : i32
    %dma_start3A_503 = tpu.memref_slice %arg11[%dma_start3A_502] : memref<2560xi32, #tpu.memory_space<vmem>> -> memref<128xi32, #tpu.memory_space<vmem>>
    %dma_start3A_504 = arith.constant 0 : i32
    %dma_start3A_505 = arith.constant 0 : i32
    %dma_start3A_506 = tpu.memref_slice %arg4[%dma_start3A_504, %dma_start3A_505] : memref<400000x16xf32, #tpu.memory_space<hbm>> -> memref<400000x16xf32, #tpu.memory_space<hbm>>
    tpu.enqueue_indirect_dma source(%dma_start3A_506 : memref<400000x16xf32, #tpu.memory_space<hbm>>) target(%dma_start3A_501 : memref<128x16xf32, #tpu.memory_space<vmem>>) offsets(%dma_start3A_503 : memref<128xi32, #tpu.memory_space<vmem>>) semaphore(%arg16 : memref<!tpu.dma_semaphore, #tpu.memory_space<semaphore_mem>>)
    %dma_wait3A_507 = arith.constant 0 : i32
    %dma_wait3A_508 = arith.constant 0 : i32
    %dma_wait3A_509 = tpu.memref_slice %arg12[%dma_wait3A_507, %dma_wait3A_508] : memref<2560x16xf32, #tpu.memory_space<vmem>> -> memref<128x16xf32, #tpu.memory_space<vmem>>
    %dma_wait3A_510 = arith.constant 0 : i32
    %dma_wait3A_511 = tpu.memref_slice %arg11[%dma_wait3A_510] : memref<2560xi32, #tpu.memory_space<vmem>> -> memref<128xi32, #tpu.memory_space<vmem>>
    %dma_wait3A_512 = arith.constant 0 : i32
    %dma_wait3A_513 = arith.constant 0 : i32
    %dma_wait3A_514 = tpu.memref_slice %arg4[%dma_wait3A_512, %dma_wait3A_513] : memref<400000x16xf32, #tpu.memory_space<hbm>> -> memref<400000x16xf32, #tpu.memory_space<hbm>>
    tpu.wait_indirect_dma semaphore(%arg16 : memref<!tpu.dma_semaphore, #tpu.memory_space<semaphore_mem>>) src(%dma_wait3A_514 : memref<400000x16xf32, #tpu.memory_space<hbm>>) dst(%dma_wait3A_509 : memref<128x16xf32, #tpu.memory_space<vmem>>)
    %dma_wait3A_515 = arith.constant 128 : i32
    %dma_wait3A_516 = arith.constant 0 : i32
    %dma_wait3A_517 = tpu.memref_slice %arg12[%dma_wait3A_515, %dma_wait3A_516] : memref<2560x16xf32, #tpu.memory_space<vmem>> -> memref<128x16xf32, #tpu.memory_space<vmem>>
    %dma_wait3A_518 = arith.constant 128 : i32
    %dma_wait3A_519 = tpu.memref_slice %arg11[%dma_wait3A_518] : memref<2560xi32, #tpu.memory_space<vmem>> -> memref<128xi32, #tpu.memory_space<vmem>>
    %dma_wait3A_520 = arith.constant 0 : i32
    %dma_wait3A_521 = arith.constant 0 : i32
    %dma_wait3A_522 = tpu.memref_slice %arg4[%dma_wait3A_520, %dma_wait3A_521] : memref<400000x16xf32, #tpu.memory_space<hbm>> -> memref<400000x16xf32, #tpu.memory_space<hbm>>
    tpu.wait_indirect_dma semaphore(%arg16 : memref<!tpu.dma_semaphore, #tpu.memory_space<semaphore_mem>>) src(%dma_wait3A_522 : memref<400000x16xf32, #tpu.memory_space<hbm>>) dst(%dma_wait3A_517 : memref<128x16xf32, #tpu.memory_space<vmem>>)
    %dma_wait3A_523 = arith.constant 256 : i32
    %dma_wait3A_524 = arith.constant 0 : i32
    %dma_wait3A_525 = tpu.memref_slice %arg12[%dma_wait3A_523, %dma_wait3A_524] : memref<2560x16xf32, #tpu.memory_space<vmem>> -> memref<128x16xf32, #tpu.memory_space<vmem>>
    %dma_wait3A_526 = arith.constant 256 : i32
    %dma_wait3A_527 = tpu.memref_slice %arg11[%dma_wait3A_526] : memref<2560xi32, #tpu.memory_space<vmem>> -> memref<128xi32, #tpu.memory_space<vmem>>
    %dma_wait3A_528 = arith.constant 0 : i32
    %dma_wait3A_529 = arith.constant 0 : i32
    %dma_wait3A_530 = tpu.memref_slice %arg4[%dma_wait3A_528, %dma_wait3A_529] : memref<400000x16xf32, #tpu.memory_space<hbm>> -> memref<400000x16xf32, #tpu.memory_space<hbm>>
    tpu.wait_indirect_dma semaphore(%arg16 : memref<!tpu.dma_semaphore, #tpu.memory_space<semaphore_mem>>) src(%dma_wait3A_530 : memref<400000x16xf32, #tpu.memory_space<hbm>>) dst(%dma_wait3A_525 : memref<128x16xf32, #tpu.memory_space<vmem>>)
    %dma_wait3A_531 = arith.constant 384 : i32
    %dma_wait3A_532 = arith.constant 0 : i32
    %dma_wait3A_533 = tpu.memref_slice %arg12[%dma_wait3A_531, %dma_wait3A_532] : memref<2560x16xf32, #tpu.memory_space<vmem>> -> memref<128x16xf32, #tpu.memory_space<vmem>>
    %dma_wait3A_534 = arith.constant 384 : i32
    %dma_wait3A_535 = tpu.memref_slice %arg11[%dma_wait3A_534] : memref<2560xi32, #tpu.memory_space<vmem>> -> memref<128xi32, #tpu.memory_space<vmem>>
    %dma_wait3A_536 = arith.constant 0 : i32
    %dma_wait3A_537 = arith.constant 0 : i32
    %dma_wait3A_538 = tpu.memref_slice %arg4[%dma_wait3A_536, %dma_wait3A_537] : memref<400000x16xf32, #tpu.memory_space<hbm>> -> memref<400000x16xf32, #tpu.memory_space<hbm>>
    tpu.wait_indirect_dma semaphore(%arg16 : memref<!tpu.dma_semaphore, #tpu.memory_space<semaphore_mem>>) src(%dma_wait3A_538 : memref<400000x16xf32, #tpu.memory_space<hbm>>) dst(%dma_wait3A_533 : memref<128x16xf32, #tpu.memory_space<vmem>>)
    %dma_wait3A_539 = arith.constant 512 : i32
    %dma_wait3A_540 = arith.constant 0 : i32
    %dma_wait3A_541 = tpu.memref_slice %arg12[%dma_wait3A_539, %dma_wait3A_540] : memref<2560x16xf32, #tpu.memory_space<vmem>> -> memref<128x16xf32, #tpu.memory_space<vmem>>
    %dma_wait3A_542 = arith.constant 512 : i32
    %dma_wait3A_543 = tpu.memref_slice %arg11[%dma_wait3A_542] : memref<2560xi32, #tpu.memory_space<vmem>> -> memref<128xi32, #tpu.memory_space<vmem>>
    %dma_wait3A_544 = arith.constant 0 : i32
    %dma_wait3A_545 = arith.constant 0 : i32
    %dma_wait3A_546 = tpu.memref_slice %arg4[%dma_wait3A_544, %dma_wait3A_545] : memref<400000x16xf32, #tpu.memory_space<hbm>> -> memref<400000x16xf32, #tpu.memory_space<hbm>>
    tpu.wait_indirect_dma semaphore(%arg16 : memref<!tpu.dma_semaphore, #tpu.memory_space<semaphore_mem>>) src(%dma_wait3A_546 : memref<400000x16xf32, #tpu.memory_space<hbm>>) dst(%dma_wait3A_541 : memref<128x16xf32, #tpu.memory_space<vmem>>)
    %dma_wait3A_547 = arith.constant 640 : i32
    %dma_wait3A_548 = arith.constant 0 : i32
    %dma_wait3A_549 = tpu.memref_slice %arg12[%dma_wait3A_547, %dma_wait3A_548] : memref<2560x16xf32, #tpu.memory_space<vmem>> -> memref<128x16xf32, #tpu.memory_space<vmem>>
    %dma_wait3A_550 = arith.constant 640 : i32
    %dma_wait3A_551 = tpu.memref_slice %arg11[%dma_wait3A_550] : memref<2560xi32, #tpu.memory_space<vmem>> -> memref<128xi32, #tpu.memory_space<vmem>>
    %dma_wait3A_552 = arith.constant 0 : i32
    %dma_wait3A_553 = arith.constant 0 : i32
    %dma_wait3A_554 = tpu.memref_slice %arg4[%dma_wait3A_552, %dma_wait3A_553] : memref<400000x16xf32, #tpu.memory_space<hbm>> -> memref<400000x16xf32, #tpu.memory_space<hbm>>
    tpu.wait_indirect_dma semaphore(%arg16 : memref<!tpu.dma_semaphore, #tpu.memory_space<semaphore_mem>>) src(%dma_wait3A_554 : memref<400000x16xf32, #tpu.memory_space<hbm>>) dst(%dma_wait3A_549 : memref<128x16xf32, #tpu.memory_space<vmem>>)
    %dma_wait3A_555 = arith.constant 768 : i32
    %dma_wait3A_556 = arith.constant 0 : i32
    %dma_wait3A_557 = tpu.memref_slice %arg12[%dma_wait3A_555, %dma_wait3A_556] : memref<2560x16xf32, #tpu.memory_space<vmem>> -> memref<128x16xf32, #tpu.memory_space<vmem>>
    %dma_wait3A_558 = arith.constant 768 : i32
    %dma_wait3A_559 = tpu.memref_slice %arg11[%dma_wait3A_558] : memref<2560xi32, #tpu.memory_space<vmem>> -> memref<128xi32, #tpu.memory_space<vmem>>
    %dma_wait3A_560 = arith.constant 0 : i32
    %dma_wait3A_561 = arith.constant 0 : i32
    %dma_wait3A_562 = tpu.memref_slice %arg4[%dma_wait3A_560, %dma_wait3A_561] : memref<400000x16xf32, #tpu.memory_space<hbm>> -> memref<400000x16xf32, #tpu.memory_space<hbm>>
    tpu.wait_indirect_dma semaphore(%arg16 : memref<!tpu.dma_semaphore, #tpu.memory_space<semaphore_mem>>) src(%dma_wait3A_562 : memref<400000x16xf32, #tpu.memory_space<hbm>>) dst(%dma_wait3A_557 : memref<128x16xf32, #tpu.memory_space<vmem>>)
    %dma_wait3A_563 = arith.constant 896 : i32
    %dma_wait3A_564 = arith.constant 0 : i32
    %dma_wait3A_565 = tpu.memref_slice %arg12[%dma_wait3A_563, %dma_wait3A_564] : memref<2560x16xf32, #tpu.memory_space<vmem>> -> memref<128x16xf32, #tpu.memory_space<vmem>>
    %dma_wait3A_566 = arith.constant 896 : i32
    %dma_wait3A_567 = tpu.memref_slice %arg11[%dma_wait3A_566] : memref<2560xi32, #tpu.memory_space<vmem>> -> memref<128xi32, #tpu.memory_space<vmem>>
    %dma_wait3A_568 = arith.constant 0 : i32
    %dma_wait3A_569 = arith.constant 0 : i32
    %dma_wait3A_570 = tpu.memref_slice %arg4[%dma_wait3A_568, %dma_wait3A_569] : memref<400000x16xf32, #tpu.memory_space<hbm>> -> memref<400000x16xf32, #tpu.memory_space<hbm>>
    tpu.wait_indirect_dma semaphore(%arg16 : memref<!tpu.dma_semaphore, #tpu.memory_space<semaphore_mem>>) src(%dma_wait3A_570 : memref<400000x16xf32, #tpu.memory_space<hbm>>) dst(%dma_wait3A_565 : memref<128x16xf32, #tpu.memory_space<vmem>>)
    %dma_wait3A_571 = arith.constant 1024 : i32
    %dma_wait3A_572 = arith.constant 0 : i32
    %dma_wait3A_573 = tpu.memref_slice %arg12[%dma_wait3A_571, %dma_wait3A_572] : memref<2560x16xf32, #tpu.memory_space<vmem>> -> memref<128x16xf32, #tpu.memory_space<vmem>>
    %dma_wait3A_574 = arith.constant 1024 : i32
    %dma_wait3A_575 = tpu.memref_slice %arg11[%dma_wait3A_574] : memref<2560xi32, #tpu.memory_space<vmem>> -> memref<128xi32, #tpu.memory_space<vmem>>
    %dma_wait3A_576 = arith.constant 0 : i32
    %dma_wait3A_577 = arith.constant 0 : i32
    %dma_wait3A_578 = tpu.memref_slice %arg4[%dma_wait3A_576, %dma_wait3A_577] : memref<400000x16xf32, #tpu.memory_space<hbm>> -> memref<400000x16xf32, #tpu.memory_space<hbm>>
    tpu.wait_indirect_dma semaphore(%arg16 : memref<!tpu.dma_semaphore, #tpu.memory_space<semaphore_mem>>) src(%dma_wait3A_578 : memref<400000x16xf32, #tpu.memory_space<hbm>>) dst(%dma_wait3A_573 : memref<128x16xf32, #tpu.memory_space<vmem>>)
    %dma_wait3A_579 = arith.constant 1152 : i32
    %dma_wait3A_580 = arith.constant 0 : i32
    %dma_wait3A_581 = tpu.memref_slice %arg12[%dma_wait3A_579, %dma_wait3A_580] : memref<2560x16xf32, #tpu.memory_space<vmem>> -> memref<128x16xf32, #tpu.memory_space<vmem>>
    %dma_wait3A_582 = arith.constant 1152 : i32
    %dma_wait3A_583 = tpu.memref_slice %arg11[%dma_wait3A_582] : memref<2560xi32, #tpu.memory_space<vmem>> -> memref<128xi32, #tpu.memory_space<vmem>>
    %dma_wait3A_584 = arith.constant 0 : i32
    %dma_wait3A_585 = arith.constant 0 : i32
    %dma_wait3A_586 = tpu.memref_slice %arg4[%dma_wait3A_584, %dma_wait3A_585] : memref<400000x16xf32, #tpu.memory_space<hbm>> -> memref<400000x16xf32, #tpu.memory_space<hbm>>
    tpu.wait_indirect_dma semaphore(%arg16 : memref<!tpu.dma_semaphore, #tpu.memory_space<semaphore_mem>>) src(%dma_wait3A_586 : memref<400000x16xf32, #tpu.memory_space<hbm>>) dst(%dma_wait3A_581 : memref<128x16xf32, #tpu.memory_space<vmem>>)
    %dma_wait3A_587 = arith.constant 1280 : i32
    %dma_wait3A_588 = arith.constant 0 : i32
    %dma_wait3A_589 = tpu.memref_slice %arg12[%dma_wait3A_587, %dma_wait3A_588] : memref<2560x16xf32, #tpu.memory_space<vmem>> -> memref<128x16xf32, #tpu.memory_space<vmem>>
    %dma_wait3A_590 = arith.constant 1280 : i32
    %dma_wait3A_591 = tpu.memref_slice %arg11[%dma_wait3A_590] : memref<2560xi32, #tpu.memory_space<vmem>> -> memref<128xi32, #tpu.memory_space<vmem>>
    %dma_wait3A_592 = arith.constant 0 : i32
    %dma_wait3A_593 = arith.constant 0 : i32
    %dma_wait3A_594 = tpu.memref_slice %arg4[%dma_wait3A_592, %dma_wait3A_593] : memref<400000x16xf32, #tpu.memory_space<hbm>> -> memref<400000x16xf32, #tpu.memory_space<hbm>>
    tpu.wait_indirect_dma semaphore(%arg16 : memref<!tpu.dma_semaphore, #tpu.memory_space<semaphore_mem>>) src(%dma_wait3A_594 : memref<400000x16xf32, #tpu.memory_space<hbm>>) dst(%dma_wait3A_589 : memref<128x16xf32, #tpu.memory_space<vmem>>)
    %dma_wait3A_595 = arith.constant 1408 : i32
    %dma_wait3A_596 = arith.constant 0 : i32
    %dma_wait3A_597 = tpu.memref_slice %arg12[%dma_wait3A_595, %dma_wait3A_596] : memref<2560x16xf32, #tpu.memory_space<vmem>> -> memref<128x16xf32, #tpu.memory_space<vmem>>
    %dma_wait3A_598 = arith.constant 1408 : i32
    %dma_wait3A_599 = tpu.memref_slice %arg11[%dma_wait3A_598] : memref<2560xi32, #tpu.memory_space<vmem>> -> memref<128xi32, #tpu.memory_space<vmem>>
    %dma_wait3A_600 = arith.constant 0 : i32
    %dma_wait3A_601 = arith.constant 0 : i32
    %dma_wait3A_602 = tpu.memref_slice %arg4[%dma_wait3A_600, %dma_wait3A_601] : memref<400000x16xf32, #tpu.memory_space<hbm>> -> memref<400000x16xf32, #tpu.memory_space<hbm>>
    tpu.wait_indirect_dma semaphore(%arg16 : memref<!tpu.dma_semaphore, #tpu.memory_space<semaphore_mem>>) src(%dma_wait3A_602 : memref<400000x16xf32, #tpu.memory_space<hbm>>) dst(%dma_wait3A_597 : memref<128x16xf32, #tpu.memory_space<vmem>>)
    %dma_wait3A_603 = arith.constant 1536 : i32
    %dma_wait3A_604 = arith.constant 0 : i32
    %dma_wait3A_605 = tpu.memref_slice %arg12[%dma_wait3A_603, %dma_wait3A_604] : memref<2560x16xf32, #tpu.memory_space<vmem>> -> memref<128x16xf32, #tpu.memory_space<vmem>>
    %dma_wait3A_606 = arith.constant 1536 : i32
    %dma_wait3A_607 = tpu.memref_slice %arg11[%dma_wait3A_606] : memref<2560xi32, #tpu.memory_space<vmem>> -> memref<128xi32, #tpu.memory_space<vmem>>
    %dma_wait3A_608 = arith.constant 0 : i32
    %dma_wait3A_609 = arith.constant 0 : i32
    %dma_wait3A_610 = tpu.memref_slice %arg4[%dma_wait3A_608, %dma_wait3A_609] : memref<400000x16xf32, #tpu.memory_space<hbm>> -> memref<400000x16xf32, #tpu.memory_space<hbm>>
    tpu.wait_indirect_dma semaphore(%arg16 : memref<!tpu.dma_semaphore, #tpu.memory_space<semaphore_mem>>) src(%dma_wait3A_610 : memref<400000x16xf32, #tpu.memory_space<hbm>>) dst(%dma_wait3A_605 : memref<128x16xf32, #tpu.memory_space<vmem>>)
    %dma_wait3A_611 = arith.constant 1664 : i32
    %dma_wait3A_612 = arith.constant 0 : i32
    %dma_wait3A_613 = tpu.memref_slice %arg12[%dma_wait3A_611, %dma_wait3A_612] : memref<2560x16xf32, #tpu.memory_space<vmem>> -> memref<128x16xf32, #tpu.memory_space<vmem>>
    %dma_wait3A_614 = arith.constant 1664 : i32
    %dma_wait3A_615 = tpu.memref_slice %arg11[%dma_wait3A_614] : memref<2560xi32, #tpu.memory_space<vmem>> -> memref<128xi32, #tpu.memory_space<vmem>>
    %dma_wait3A_616 = arith.constant 0 : i32
    %dma_wait3A_617 = arith.constant 0 : i32
    %dma_wait3A_618 = tpu.memref_slice %arg4[%dma_wait3A_616, %dma_wait3A_617] : memref<400000x16xf32, #tpu.memory_space<hbm>> -> memref<400000x16xf32, #tpu.memory_space<hbm>>
    tpu.wait_indirect_dma semaphore(%arg16 : memref<!tpu.dma_semaphore, #tpu.memory_space<semaphore_mem>>) src(%dma_wait3A_618 : memref<400000x16xf32, #tpu.memory_space<hbm>>) dst(%dma_wait3A_613 : memref<128x16xf32, #tpu.memory_space<vmem>>)
    %dma_wait3A_619 = arith.constant 1792 : i32
    %dma_wait3A_620 = arith.constant 0 : i32
    %dma_wait3A_621 = tpu.memref_slice %arg12[%dma_wait3A_619, %dma_wait3A_620] : memref<2560x16xf32, #tpu.memory_space<vmem>> -> memref<128x16xf32, #tpu.memory_space<vmem>>
    %dma_wait3A_622 = arith.constant 1792 : i32
    %dma_wait3A_623 = tpu.memref_slice %arg11[%dma_wait3A_622] : memref<2560xi32, #tpu.memory_space<vmem>> -> memref<128xi32, #tpu.memory_space<vmem>>
    %dma_wait3A_624 = arith.constant 0 : i32
    %dma_wait3A_625 = arith.constant 0 : i32
    %dma_wait3A_626 = tpu.memref_slice %arg4[%dma_wait3A_624, %dma_wait3A_625] : memref<400000x16xf32, #tpu.memory_space<hbm>> -> memref<400000x16xf32, #tpu.memory_space<hbm>>
    tpu.wait_indirect_dma semaphore(%arg16 : memref<!tpu.dma_semaphore, #tpu.memory_space<semaphore_mem>>) src(%dma_wait3A_626 : memref<400000x16xf32, #tpu.memory_space<hbm>>) dst(%dma_wait3A_621 : memref<128x16xf32, #tpu.memory_space<vmem>>)
    %dma_wait3A_627 = arith.constant 1920 : i32
    %dma_wait3A_628 = arith.constant 0 : i32
    %dma_wait3A_629 = tpu.memref_slice %arg12[%dma_wait3A_627, %dma_wait3A_628] : memref<2560x16xf32, #tpu.memory_space<vmem>> -> memref<128x16xf32, #tpu.memory_space<vmem>>
    %dma_wait3A_630 = arith.constant 1920 : i32
    %dma_wait3A_631 = tpu.memref_slice %arg11[%dma_wait3A_630] : memref<2560xi32, #tpu.memory_space<vmem>> -> memref<128xi32, #tpu.memory_space<vmem>>
    %dma_wait3A_632 = arith.constant 0 : i32
    %dma_wait3A_633 = arith.constant 0 : i32
    %dma_wait3A_634 = tpu.memref_slice %arg4[%dma_wait3A_632, %dma_wait3A_633] : memref<400000x16xf32, #tpu.memory_space<hbm>> -> memref<400000x16xf32, #tpu.memory_space<hbm>>
    tpu.wait_indirect_dma semaphore(%arg16 : memref<!tpu.dma_semaphore, #tpu.memory_space<semaphore_mem>>) src(%dma_wait3A_634 : memref<400000x16xf32, #tpu.memory_space<hbm>>) dst(%dma_wait3A_629 : memref<128x16xf32, #tpu.memory_space<vmem>>)
    %dma_wait3A_635 = arith.constant 2048 : i32
    %dma_wait3A_636 = arith.constant 0 : i32
    %dma_wait3A_637 = tpu.memref_slice %arg12[%dma_wait3A_635, %dma_wait3A_636] : memref<2560x16xf32, #tpu.memory_space<vmem>> -> memref<128x16xf32, #tpu.memory_space<vmem>>
    %dma_wait3A_638 = arith.constant 2048 : i32
    %dma_wait3A_639 = tpu.memref_slice %arg11[%dma_wait3A_638] : memref<2560xi32, #tpu.memory_space<vmem>> -> memref<128xi32, #tpu.memory_space<vmem>>
    %dma_wait3A_640 = arith.constant 0 : i32
    %dma_wait3A_641 = arith.constant 0 : i32
    %dma_wait3A_642 = tpu.memref_slice %arg4[%dma_wait3A_640, %dma_wait3A_641] : memref<400000x16xf32, #tpu.memory_space<hbm>> -> memref<400000x16xf32, #tpu.memory_space<hbm>>
    tpu.wait_indirect_dma semaphore(%arg16 : memref<!tpu.dma_semaphore, #tpu.memory_space<semaphore_mem>>) src(%dma_wait3A_642 : memref<400000x16xf32, #tpu.memory_space<hbm>>) dst(%dma_wait3A_637 : memref<128x16xf32, #tpu.memory_space<vmem>>)
    %dma_wait3A_643 = arith.constant 2176 : i32
    %dma_wait3A_644 = arith.constant 0 : i32
    %dma_wait3A_645 = tpu.memref_slice %arg12[%dma_wait3A_643, %dma_wait3A_644] : memref<2560x16xf32, #tpu.memory_space<vmem>> -> memref<128x16xf32, #tpu.memory_space<vmem>>
    %dma_wait3A_646 = arith.constant 2176 : i32
    %dma_wait3A_647 = tpu.memref_slice %arg11[%dma_wait3A_646] : memref<2560xi32, #tpu.memory_space<vmem>> -> memref<128xi32, #tpu.memory_space<vmem>>
    %dma_wait3A_648 = arith.constant 0 : i32
    %dma_wait3A_649 = arith.constant 0 : i32
    %dma_wait3A_650 = tpu.memref_slice %arg4[%dma_wait3A_648, %dma_wait3A_649] : memref<400000x16xf32, #tpu.memory_space<hbm>> -> memref<400000x16xf32, #tpu.memory_space<hbm>>
    tpu.wait_indirect_dma semaphore(%arg16 : memref<!tpu.dma_semaphore, #tpu.memory_space<semaphore_mem>>) src(%dma_wait3A_650 : memref<400000x16xf32, #tpu.memory_space<hbm>>) dst(%dma_wait3A_645 : memref<128x16xf32, #tpu.memory_space<vmem>>)
    %dma_wait3A_651 = arith.constant 2304 : i32
    %dma_wait3A_652 = arith.constant 0 : i32
    %dma_wait3A_653 = tpu.memref_slice %arg12[%dma_wait3A_651, %dma_wait3A_652] : memref<2560x16xf32, #tpu.memory_space<vmem>> -> memref<128x16xf32, #tpu.memory_space<vmem>>
    %dma_wait3A_654 = arith.constant 2304 : i32
    %dma_wait3A_655 = tpu.memref_slice %arg11[%dma_wait3A_654] : memref<2560xi32, #tpu.memory_space<vmem>> -> memref<128xi32, #tpu.memory_space<vmem>>
    %dma_wait3A_656 = arith.constant 0 : i32
    %dma_wait3A_657 = arith.constant 0 : i32
    %dma_wait3A_658 = tpu.memref_slice %arg4[%dma_wait3A_656, %dma_wait3A_657] : memref<400000x16xf32, #tpu.memory_space<hbm>> -> memref<400000x16xf32, #tpu.memory_space<hbm>>
    tpu.wait_indirect_dma semaphore(%arg16 : memref<!tpu.dma_semaphore, #tpu.memory_space<semaphore_mem>>) src(%dma_wait3A_658 : memref<400000x16xf32, #tpu.memory_space<hbm>>) dst(%dma_wait3A_653 : memref<128x16xf32, #tpu.memory_space<vmem>>)
    %dma_wait3A_659 = arith.constant 2432 : i32
    %dma_wait3A_660 = arith.constant 0 : i32
    %dma_wait3A_661 = tpu.memref_slice %arg12[%dma_wait3A_659, %dma_wait3A_660] : memref<2560x16xf32, #tpu.memory_space<vmem>> -> memref<128x16xf32, #tpu.memory_space<vmem>>
    %dma_wait3A_662 = arith.constant 2432 : i32
    %dma_wait3A_663 = tpu.memref_slice %arg11[%dma_wait3A_662] : memref<2560xi32, #tpu.memory_space<vmem>> -> memref<128xi32, #tpu.memory_space<vmem>>
    %dma_wait3A_664 = arith.constant 0 : i32
    %dma_wait3A_665 = arith.constant 0 : i32
    %dma_wait3A_666 = tpu.memref_slice %arg4[%dma_wait3A_664, %dma_wait3A_665] : memref<400000x16xf32, #tpu.memory_space<hbm>> -> memref<400000x16xf32, #tpu.memory_space<hbm>>
    tpu.wait_indirect_dma semaphore(%arg16 : memref<!tpu.dma_semaphore, #tpu.memory_space<semaphore_mem>>) src(%dma_wait3A_666 : memref<400000x16xf32, #tpu.memory_space<hbm>>) dst(%dma_wait3A_661 : memref<128x16xf32, #tpu.memory_space<vmem>>)
    "tpu.region"() ({
      %run_scoped3A_2734 = tpu.sem_alloc : memref<!tpu.dma_semaphore, #tpu.memory_space<semaphore_mem>>
      %dma_start3A_2735 = arith.constant 0 : i32
      %dma_start3A_2736 = tpu.memref_slice %arg8[%multiple_of3A_339, %dma_start3A_2735] : memref<655360x16xf32, #tpu.memory_space<hbm>> -> memref<2560x16xf32, #tpu.memory_space<hbm>>
      %dma_start3A_2737 = arith.constant 0 : i32
      %dma_start3A_2738 = tpu.memref_slice %arg8[%multiple_of3A_339, %dma_start3A_2737] : memref<655360x16xf32, #tpu.memory_space<hbm>> -> memref<2560x16xf32, #tpu.memory_space<hbm>>
      tpu.enqueue_dma source(%arg12 : memref<2560x16xf32, #tpu.memory_space<vmem>>) target(%dma_start3A_2738 : memref<2560x16xf32, #tpu.memory_space<hbm>>) target_semaphore(%run_scoped3A_2734 : memref<!tpu.dma_semaphore, #tpu.memory_space<semaphore_mem>>)
      %dma_wait3A_2739 = arith.constant 0 : i32
      %dma_wait3A_2740 = tpu.memref_slice %arg8[%multiple_of3A_339, %dma_wait3A_2739] : memref<655360x16xf32, #tpu.memory_space<hbm>> -> memref<2560x16xf32, #tpu.memory_space<hbm>>
      %dma_wait3A_2741 = arith.constant 0 : i32
      %dma_wait3A_2742 = tpu.memref_slice %arg8[%multiple_of3A_339, %dma_wait3A_2741] : memref<655360x16xf32, #tpu.memory_space<hbm>> -> memref<2560x16xf32, #tpu.memory_space<hbm>>
      tpu.wait_dma2 semaphore(%run_scoped3A_2734 : memref<!tpu.dma_semaphore, #tpu.memory_space<semaphore_mem>>) src(%arg12 : memref<2560x16xf32, #tpu.memory_space<vmem>>) dst(%dma_wait3A_2742 : memref<2560x16xf32, #tpu.memory_space<hbm>>)
      tpu.yield
    }) : () -> ()
    %mul3A_667 = arith.constant 512 : i32
    %mul3A_668 = arith.muli %add3A, %mul3A_667 : i32
    %add3A_669 = arith.constant 128 : i32
    %add3A_670 = arith.addi %mul3A_668, %add3A_669 : i32
    %mul3A_671 = arith.constant 40 : i32
    %mul3A_672 = arith.muli %add3A_670, %mul3A_671 : i32
    %multiple_of3A_673 = tpu.assume_multiple %mul3A_672, 2560 : i32
    "tpu.region"() ({
      %run_scoped3A_2734 = tpu.sem_alloc : memref<!tpu.dma_semaphore, #tpu.memory_space<semaphore_mem>>
      %dma_start3A_2735 = tpu.memref_slice %arg2[%multiple_of3A_673] : memref<655360xi32, #tpu.memory_space<hbm>> -> memref<2560xi32, #tpu.memory_space<hbm>>
      %dma_start3A_2736 = tpu.memref_slice %arg2[%multiple_of3A_673] : memref<655360xi32, #tpu.memory_space<hbm>> -> memref<2560xi32, #tpu.memory_space<hbm>>
      tpu.enqueue_dma source(%dma_start3A_2736 : memref<2560xi32, #tpu.memory_space<hbm>>) target(%arg10 : memref<2560xi32, #tpu.memory_space<vmem>>) target_semaphore(%run_scoped3A_2734 : memref<!tpu.dma_semaphore, #tpu.memory_space<semaphore_mem>>)
      %dma_wait3A_2737 = tpu.memref_slice %arg2[%multiple_of3A_673] : memref<655360xi32, #tpu.memory_space<hbm>> -> memref<2560xi32, #tpu.memory_space<hbm>>
      %dma_wait3A_2738 = tpu.memref_slice %arg2[%multiple_of3A_673] : memref<655360xi32, #tpu.memory_space<hbm>> -> memref<2560xi32, #tpu.memory_space<hbm>>
      tpu.wait_dma2 semaphore(%run_scoped3A_2734 : memref<!tpu.dma_semaphore, #tpu.memory_space<semaphore_mem>>) src(%dma_wait3A_2738 : memref<2560xi32, #tpu.memory_space<hbm>>) dst(%arg10 : memref<2560xi32, #tpu.memory_space<vmem>>)
      tpu.yield
    }) : () -> ()
    %scan3A_674 = arith.constant 0 : i32
    %scan3A_675 = arith.constant 0 : i32
    %scan3A_676 = arith.constant 160 : i32
    %scan3A_677 = arith.addi %scan3A_675, %scan3A_676 : i32
    %scan3A_678 = arith.constant 1 : i32
    %scan3A_679 = scf.for %scan3A_2734 = %scan3A_675 to %scan3A_677 step %scan3A_678 iter_args(%scan3A_2735 = %scan3A_674) -> (i32)  : i32 {
      %mul3A_2736 = arith.constant 16 : i32
      %mul3A_2737 = arith.muli %scan3A_2734, %mul3A_2736 : i32
      %get3A = arith.index_cast %mul3A_2737 : i32 to index
      %get3A_2738 = tpu.vector_load %arg10[%get3A] {strides = array<i32>} : memref<2560xi32, #tpu.memory_space<vmem>>, vector<16xi32>,
      %get3A_2739 = vector.shape_cast %get3A_2738 : vector<16xi32> to vector<16xi32>
      %mul3A_2740 = arith.constant 4 : i32
      %mul3A_2741 = vector.broadcast %mul3A_2740 : i32 to vector<16xi32>
      %mul3A_2742 = arith.muli %get3A_2739, %mul3A_2741 : vector<16xi32>
      %get3A_2743 = arith.index_cast %mul3A_2737 : i32 to index
      %get3A_2744 = tpu.vector_load %arg15[%get3A_2743] {strides = array<i32>} : memref<2560xi32, #tpu.memory_space<vmem>>, vector<16xi32>,
      %get3A_2745 = vector.shape_cast %get3A_2744 : vector<16xi32> to vector<16xi32>
      %add3A_2746 = arith.addi %mul3A_2742, %get3A_2745 : vector<16xi32>
      %swap3A = arith.index_cast %mul3A_2737 : i32 to index
      %swap3A_2747 = tpu.vector_load %arg11[%swap3A] {strides = array<i32>} : memref<2560xi32, #tpu.memory_space<vmem>>, vector<16xi32>,
      %swap3A_2748 = vector.shape_cast %swap3A_2747 : vector<16xi32> to vector<16xi32>
      %swap3A_2749 = vector.shape_cast %add3A_2746 : vector<16xi32> to vector<16xi32>
      tpu.vector_store %arg11[%swap3A], %swap3A_2749 {strides = array<i32>} : memref<2560xi32, #tpu.memory_space<vmem>>, vector<16xi32>,
      %scan3A_2750 = arith.constant 0 : i32
      scf.yield %scan3A_2750 : i32
    }
    %scan3A_680 = arith.constant 160 : i32
    %dma_start3A_681 = arith.constant 0 : i32
    %dma_start3A_682 = arith.constant 0 : i32
    %dma_start3A_683 = tpu.memref_slice %arg12[%dma_start3A_681, %dma_start3A_682] : memref<2560x16xf32, #tpu.memory_space<vmem>> -> memref<128x16xf32, #tpu.memory_space<vmem>>
    %dma_start3A_684 = arith.constant 0 : i32
    %dma_start3A_685 = tpu.memref_slice %arg11[%dma_start3A_684] : memref<2560xi32, #tpu.memory_space<vmem>> -> memref<128xi32, #tpu.memory_space<vmem>>
    %dma_start3A_686 = arith.constant 0 : i32
    %dma_start3A_687 = arith.constant 0 : i32
    %dma_start3A_688 = tpu.memref_slice %arg4[%dma_start3A_686, %dma_start3A_687] : memref<400000x16xf32, #tpu.memory_space<hbm>> -> memref<400000x16xf32, #tpu.memory_space<hbm>>
    tpu.enqueue_indirect_dma source(%dma_start3A_688 : memref<400000x16xf32, #tpu.memory_space<hbm>>) target(%dma_start3A_683 : memref<128x16xf32, #tpu.memory_space<vmem>>) offsets(%dma_start3A_685 : memref<128xi32, #tpu.memory_space<vmem>>) semaphore(%arg16 : memref<!tpu.dma_semaphore, #tpu.memory_space<semaphore_mem>>)
    %dma_start3A_689 = arith.constant 128 : i32
    %dma_start3A_690 = arith.constant 0 : i32
    %dma_start3A_691 = tpu.memref_slice %arg12[%dma_start3A_689, %dma_start3A_690] : memref<2560x16xf32, #tpu.memory_space<vmem>> -> memref<128x16xf32, #tpu.memory_space<vmem>>
    %dma_start3A_692 = arith.constant 128 : i32
    %dma_start3A_693 = tpu.memref_slice %arg11[%dma_start3A_692] : memref<2560xi32, #tpu.memory_space<vmem>> -> memref<128xi32, #tpu.memory_space<vmem>>
    %dma_start3A_694 = arith.constant 0 : i32
    %dma_start3A_695 = arith.constant 0 : i32
    %dma_start3A_696 = tpu.memref_slice %arg4[%dma_start3A_694, %dma_start3A_695] : memref<400000x16xf32, #tpu.memory_space<hbm>> -> memref<400000x16xf32, #tpu.memory_space<hbm>>
    tpu.enqueue_indirect_dma source(%dma_start3A_696 : memref<400000x16xf32, #tpu.memory_space<hbm>>) target(%dma_start3A_691 : memref<128x16xf32, #tpu.memory_space<vmem>>) offsets(%dma_start3A_693 : memref<128xi32, #tpu.memory_space<vmem>>) semaphore(%arg16 : memref<!tpu.dma_semaphore, #tpu.memory_space<semaphore_mem>>)
    %dma_start3A_697 = arith.constant 256 : i32
    %dma_start3A_698 = arith.constant 0 : i32
    %dma_start3A_699 = tpu.memref_slice %arg12[%dma_start3A_697, %dma_start3A_698] : memref<2560x16xf32, #tpu.memory_space<vmem>> -> memref<128x16xf32, #tpu.memory_space<vmem>>
    %dma_start3A_700 = arith.constant 256 : i32
    %dma_start3A_701 = tpu.memref_slice %arg11[%dma_start3A_700] : memref<2560xi32, #tpu.memory_space<vmem>> -> memref<128xi32, #tpu.memory_space<vmem>>
    %dma_start3A_702 = arith.constant 0 : i32
    %dma_start3A_703 = arith.constant 0 : i32
    %dma_start3A_704 = tpu.memref_slice %arg4[%dma_start3A_702, %dma_start3A_703] : memref<400000x16xf32, #tpu.memory_space<hbm>> -> memref<400000x16xf32, #tpu.memory_space<hbm>>
    tpu.enqueue_indirect_dma source(%dma_start3A_704 : memref<400000x16xf32, #tpu.memory_space<hbm>>) target(%dma_start3A_699 : memref<128x16xf32, #tpu.memory_space<vmem>>) offsets(%dma_start3A_701 : memref<128xi32, #tpu.memory_space<vmem>>) semaphore(%arg16 : memref<!tpu.dma_semaphore, #tpu.memory_space<semaphore_mem>>)
    %dma_start3A_705 = arith.constant 384 : i32
    %dma_start3A_706 = arith.constant 0 : i32
    %dma_start3A_707 = tpu.memref_slice %arg12[%dma_start3A_705, %dma_start3A_706] : memref<2560x16xf32, #tpu.memory_space<vmem>> -> memref<128x16xf32, #tpu.memory_space<vmem>>
    %dma_start3A_708 = arith.constant 384 : i32
    %dma_start3A_709 = tpu.memref_slice %arg11[%dma_start3A_708] : memref<2560xi32, #tpu.memory_space<vmem>> -> memref<128xi32, #tpu.memory_space<vmem>>
    %dma_start3A_710 = arith.constant 0 : i32
    %dma_start3A_711 = arith.constant 0 : i32
    %dma_start3A_712 = tpu.memref_slice %arg4[%dma_start3A_710, %dma_start3A_711] : memref<400000x16xf32, #tpu.memory_space<hbm>> -> memref<400000x16xf32, #tpu.memory_space<hbm>>
    tpu.enqueue_indirect_dma source(%dma_start3A_712 : memref<400000x16xf32, #tpu.memory_space<hbm>>) target(%dma_start3A_707 : memref<128x16xf32, #tpu.memory_space<vmem>>) offsets(%dma_start3A_709 : memref<128xi32, #tpu.memory_space<vmem>>) semaphore(%arg16 : memref<!tpu.dma_semaphore, #tpu.memory_space<semaphore_mem>>)
    %dma_start3A_713 = arith.constant 512 : i32
    %dma_start3A_714 = arith.constant 0 : i32
    %dma_start3A_715 = tpu.memref_slice %arg12[%dma_start3A_713, %dma_start3A_714] : memref<2560x16xf32, #tpu.memory_space<vmem>> -> memref<128x16xf32, #tpu.memory_space<vmem>>
    %dma_start3A_716 = arith.constant 512 : i32
    %dma_start3A_717 = tpu.memref_slice %arg11[%dma_start3A_716] : memref<2560xi32, #tpu.memory_space<vmem>> -> memref<128xi32, #tpu.memory_space<vmem>>
    %dma_start3A_718 = arith.constant 0 : i32
    %dma_start3A_719 = arith.constant 0 : i32
    %dma_start3A_720 = tpu.memref_slice %arg4[%dma_start3A_718, %dma_start3A_719] : memref<400000x16xf32, #tpu.memory_space<hbm>> -> memref<400000x16xf32, #tpu.memory_space<hbm>>
    tpu.enqueue_indirect_dma source(%dma_start3A_720 : memref<400000x16xf32, #tpu.memory_space<hbm>>) target(%dma_start3A_715 : memref<128x16xf32, #tpu.memory_space<vmem>>) offsets(%dma_start3A_717 : memref<128xi32, #tpu.memory_space<vmem>>) semaphore(%arg16 : memref<!tpu.dma_semaphore, #tpu.memory_space<semaphore_mem>>)
    %dma_start3A_721 = arith.constant 640 : i32
    %dma_start3A_722 = arith.constant 0 : i32
    %dma_start3A_723 = tpu.memref_slice %arg12[%dma_start3A_721, %dma_start3A_722] : memref<2560x16xf32, #tpu.memory_space<vmem>> -> memref<128x16xf32, #tpu.memory_space<vmem>>
    %dma_start3A_724 = arith.constant 640 : i32
    %dma_start3A_725 = tpu.memref_slice %arg11[%dma_start3A_724] : memref<2560xi32, #tpu.memory_space<vmem>> -> memref<128xi32, #tpu.memory_space<vmem>>
    %dma_start3A_726 = arith.constant 0 : i32
    %dma_start3A_727 = arith.constant 0 : i32
    %dma_start3A_728 = tpu.memref_slice %arg4[%dma_start3A_726, %dma_start3A_727] : memref<400000x16xf32, #tpu.memory_space<hbm>> -> memref<400000x16xf32, #tpu.memory_space<hbm>>
    tpu.enqueue_indirect_dma source(%dma_start3A_728 : memref<400000x16xf32, #tpu.memory_space<hbm>>) target(%dma_start3A_723 : memref<128x16xf32, #tpu.memory_space<vmem>>) offsets(%dma_start3A_725 : memref<128xi32, #tpu.memory_space<vmem>>) semaphore(%arg16 : memref<!tpu.dma_semaphore, #tpu.memory_space<semaphore_mem>>)
    %dma_start3A_729 = arith.constant 768 : i32
    %dma_start3A_730 = arith.constant 0 : i32
    %dma_start3A_731 = tpu.memref_slice %arg12[%dma_start3A_729, %dma_start3A_730] : memref<2560x16xf32, #tpu.memory_space<vmem>> -> memref<128x16xf32, #tpu.memory_space<vmem>>
    %dma_start3A_732 = arith.constant 768 : i32
    %dma_start3A_733 = tpu.memref_slice %arg11[%dma_start3A_732] : memref<2560xi32, #tpu.memory_space<vmem>> -> memref<128xi32, #tpu.memory_space<vmem>>
    %dma_start3A_734 = arith.constant 0 : i32
    %dma_start3A_735 = arith.constant 0 : i32
    %dma_start3A_736 = tpu.memref_slice %arg4[%dma_start3A_734, %dma_start3A_735] : memref<400000x16xf32, #tpu.memory_space<hbm>> -> memref<400000x16xf32, #tpu.memory_space<hbm>>
    tpu.enqueue_indirect_dma source(%dma_start3A_736 : memref<400000x16xf32, #tpu.memory_space<hbm>>) target(%dma_start3A_731 : memref<128x16xf32, #tpu.memory_space<vmem>>) offsets(%dma_start3A_733 : memref<128xi32, #tpu.memory_space<vmem>>) semaphore(%arg16 : memref<!tpu.dma_semaphore, #tpu.memory_space<semaphore_mem>>)
    %dma_start3A_737 = arith.constant 896 : i32
    %dma_start3A_738 = arith.constant 0 : i32
    %dma_start3A_739 = tpu.memref_slice %arg12[%dma_start3A_737, %dma_start3A_738] : memref<2560x16xf32, #tpu.memory_space<vmem>> -> memref<128x16xf32, #tpu.memory_space<vmem>>
    %dma_start3A_740 = arith.constant 896 : i32
    %dma_start3A_741 = tpu.memref_slice %arg11[%dma_start3A_740] : memref<2560xi32, #tpu.memory_space<vmem>> -> memref<128xi32, #tpu.memory_space<vmem>>
    %dma_start3A_742 = arith.constant 0 : i32
    %dma_start3A_743 = arith.constant 0 : i32
    %dma_start3A_744 = tpu.memref_slice %arg4[%dma_start3A_742, %dma_start3A_743] : memref<400000x16xf32, #tpu.memory_space<hbm>> -> memref<400000x16xf32, #tpu.memory_space<hbm>>
    tpu.enqueue_indirect_dma source(%dma_start3A_744 : memref<400000x16xf32, #tpu.memory_space<hbm>>) target(%dma_start3A_739 : memref<128x16xf32, #tpu.memory_space<vmem>>) offsets(%dma_start3A_741 : memref<128xi32, #tpu.memory_space<vmem>>) semaphore(%arg16 : memref<!tpu.dma_semaphore, #tpu.memory_space<semaphore_mem>>)
    %dma_start3A_745 = arith.constant 1024 : i32
    %dma_start3A_746 = arith.constant 0 : i32
    %dma_start3A_747 = tpu.memref_slice %arg12[%dma_start3A_745, %dma_start3A_746] : memref<2560x16xf32, #tpu.memory_space<vmem>> -> memref<128x16xf32, #tpu.memory_space<vmem>>
    %dma_start3A_748 = arith.constant 1024 : i32
    %dma_start3A_749 = tpu.memref_slice %arg11[%dma_start3A_748] : memref<2560xi32, #tpu.memory_space<vmem>> -> memref<128xi32, #tpu.memory_space<vmem>>
    %dma_start3A_750 = arith.constant 0 : i32
    %dma_start3A_751 = arith.constant 0 : i32
    %dma_start3A_752 = tpu.memref_slice %arg4[%dma_start3A_750, %dma_start3A_751] : memref<400000x16xf32, #tpu.memory_space<hbm>> -> memref<400000x16xf32, #tpu.memory_space<hbm>>
    tpu.enqueue_indirect_dma source(%dma_start3A_752 : memref<400000x16xf32, #tpu.memory_space<hbm>>) target(%dma_start3A_747 : memref<128x16xf32, #tpu.memory_space<vmem>>) offsets(%dma_start3A_749 : memref<128xi32, #tpu.memory_space<vmem>>) semaphore(%arg16 : memref<!tpu.dma_semaphore, #tpu.memory_space<semaphore_mem>>)
    %dma_start3A_753 = arith.constant 1152 : i32
    %dma_start3A_754 = arith.constant 0 : i32
    %dma_start3A_755 = tpu.memref_slice %arg12[%dma_start3A_753, %dma_start3A_754] : memref<2560x16xf32, #tpu.memory_space<vmem>> -> memref<128x16xf32, #tpu.memory_space<vmem>>
    %dma_start3A_756 = arith.constant 1152 : i32
    %dma_start3A_757 = tpu.memref_slice %arg11[%dma_start3A_756] : memref<2560xi32, #tpu.memory_space<vmem>> -> memref<128xi32, #tpu.memory_space<vmem>>
    %dma_start3A_758 = arith.constant 0 : i32
    %dma_start3A_759 = arith.constant 0 : i32
    %dma_start3A_760 = tpu.memref_slice %arg4[%dma_start3A_758, %dma_start3A_759] : memref<400000x16xf32, #tpu.memory_space<hbm>> -> memref<400000x16xf32, #tpu.memory_space<hbm>>
    tpu.enqueue_indirect_dma source(%dma_start3A_760 : memref<400000x16xf32, #tpu.memory_space<hbm>>) target(%dma_start3A_755 : memref<128x16xf32, #tpu.memory_space<vmem>>) offsets(%dma_start3A_757 : memref<128xi32, #tpu.memory_space<vmem>>) semaphore(%arg16 : memref<!tpu.dma_semaphore, #tpu.memory_space<semaphore_mem>>)
    %dma_start3A_761 = arith.constant 1280 : i32
    %dma_start3A_762 = arith.constant 0 : i32
    %dma_start3A_763 = tpu.memref_slice %arg12[%dma_start3A_761, %dma_start3A_762] : memref<2560x16xf32, #tpu.memory_space<vmem>> -> memref<128x16xf32, #tpu.memory_space<vmem>>
    %dma_start3A_764 = arith.constant 1280 : i32
    %dma_start3A_765 = tpu.memref_slice %arg11[%dma_start3A_764] : memref<2560xi32, #tpu.memory_space<vmem>> -> memref<128xi32, #tpu.memory_space<vmem>>
    %dma_start3A_766 = arith.constant 0 : i32
    %dma_start3A_767 = arith.constant 0 : i32
    %dma_start3A_768 = tpu.memref_slice %arg4[%dma_start3A_766, %dma_start3A_767] : memref<400000x16xf32, #tpu.memory_space<hbm>> -> memref<400000x16xf32, #tpu.memory_space<hbm>>
    tpu.enqueue_indirect_dma source(%dma_start3A_768 : memref<400000x16xf32, #tpu.memory_space<hbm>>) target(%dma_start3A_763 : memref<128x16xf32, #tpu.memory_space<vmem>>) offsets(%dma_start3A_765 : memref<128xi32, #tpu.memory_space<vmem>>) semaphore(%arg16 : memref<!tpu.dma_semaphore, #tpu.memory_space<semaphore_mem>>)
    %dma_start3A_769 = arith.constant 1408 : i32
    %dma_start3A_770 = arith.constant 0 : i32
    %dma_start3A_771 = tpu.memref_slice %arg12[%dma_start3A_769, %dma_start3A_770] : memref<2560x16xf32, #tpu.memory_space<vmem>> -> memref<128x16xf32, #tpu.memory_space<vmem>>
    %dma_start3A_772 = arith.constant 1408 : i32
    %dma_start3A_773 = tpu.memref_slice %arg11[%dma_start3A_772] : memref<2560xi32, #tpu.memory_space<vmem>> -> memref<128xi32, #tpu.memory_space<vmem>>
    %dma_start3A_774 = arith.constant 0 : i32
    %dma_start3A_775 = arith.constant 0 : i32
    %dma_start3A_776 = tpu.memref_slice %arg4[%dma_start3A_774, %dma_start3A_775] : memref<400000x16xf32, #tpu.memory_space<hbm>> -> memref<400000x16xf32, #tpu.memory_space<hbm>>
    tpu.enqueue_indirect_dma source(%dma_start3A_776 : memref<400000x16xf32, #tpu.memory_space<hbm>>) target(%dma_start3A_771 : memref<128x16xf32, #tpu.memory_space<vmem>>) offsets(%dma_start3A_773 : memref<128xi32, #tpu.memory_space<vmem>>) semaphore(%arg16 : memref<!tpu.dma_semaphore, #tpu.memory_space<semaphore_mem>>)
    %dma_start3A_777 = arith.constant 1536 : i32
    %dma_start3A_778 = arith.constant 0 : i32
    %dma_start3A_779 = tpu.memref_slice %arg12[%dma_start3A_777, %dma_start3A_778] : memref<2560x16xf32, #tpu.memory_space<vmem>> -> memref<128x16xf32, #tpu.memory_space<vmem>>
    %dma_start3A_780 = arith.constant 1536 : i32
    %dma_start3A_781 = tpu.memref_slice %arg11[%dma_start3A_780] : memref<2560xi32, #tpu.memory_space<vmem>> -> memref<128xi32, #tpu.memory_space<vmem>>
    %dma_start3A_782 = arith.constant 0 : i32
    %dma_start3A_783 = arith.constant 0 : i32
    %dma_start3A_784 = tpu.memref_slice %arg4[%dma_start3A_782, %dma_start3A_783] : memref<400000x16xf32, #tpu.memory_space<hbm>> -> memref<400000x16xf32, #tpu.memory_space<hbm>>
    tpu.enqueue_indirect_dma source(%dma_start3A_784 : memref<400000x16xf32, #tpu.memory_space<hbm>>) target(%dma_start3A_779 : memref<128x16xf32, #tpu.memory_space<vmem>>) offsets(%dma_start3A_781 : memref<128xi32, #tpu.memory_space<vmem>>) semaphore(%arg16 : memref<!tpu.dma_semaphore, #tpu.memory_space<semaphore_mem>>)
    %dma_start3A_785 = arith.constant 1664 : i32
    %dma_start3A_786 = arith.constant 0 : i32
    %dma_start3A_787 = tpu.memref_slice %arg12[%dma_start3A_785, %dma_start3A_786] : memref<2560x16xf32, #tpu.memory_space<vmem>> -> memref<128x16xf32, #tpu.memory_space<vmem>>
    %dma_start3A_788 = arith.constant 1664 : i32
    %dma_start3A_789 = tpu.memref_slice %arg11[%dma_start3A_788] : memref<2560xi32, #tpu.memory_space<vmem>> -> memref<128xi32, #tpu.memory_space<vmem>>
    %dma_start3A_790 = arith.constant 0 : i32
    %dma_start3A_791 = arith.constant 0 : i32
    %dma_start3A_792 = tpu.memref_slice %arg4[%dma_start3A_790, %dma_start3A_791] : memref<400000x16xf32, #tpu.memory_space<hbm>> -> memref<400000x16xf32, #tpu.memory_space<hbm>>
    tpu.enqueue_indirect_dma source(%dma_start3A_792 : memref<400000x16xf32, #tpu.memory_space<hbm>>) target(%dma_start3A_787 : memref<128x16xf32, #tpu.memory_space<vmem>>) offsets(%dma_start3A_789 : memref<128xi32, #tpu.memory_space<vmem>>) semaphore(%arg16 : memref<!tpu.dma_semaphore, #tpu.memory_space<semaphore_mem>>)
    %dma_start3A_793 = arith.constant 1792 : i32
    %dma_start3A_794 = arith.constant 0 : i32
    %dma_start3A_795 = tpu.memref_slice %arg12[%dma_start3A_793, %dma_start3A_794] : memref<2560x16xf32, #tpu.memory_space<vmem>> -> memref<128x16xf32, #tpu.memory_space<vmem>>
    %dma_start3A_796 = arith.constant 1792 : i32
    %dma_start3A_797 = tpu.memref_slice %arg11[%dma_start3A_796] : memref<2560xi32, #tpu.memory_space<vmem>> -> memref<128xi32, #tpu.memory_space<vmem>>
    %dma_start3A_798 = arith.constant 0 : i32
    %dma_start3A_799 = arith.constant 0 : i32
    %dma_start3A_800 = tpu.memref_slice %arg4[%dma_start3A_798, %dma_start3A_799] : memref<400000x16xf32, #tpu.memory_space<hbm>> -> memref<400000x16xf32, #tpu.memory_space<hbm>>
    tpu.enqueue_indirect_dma source(%dma_start3A_800 : memref<400000x16xf32, #tpu.memory_space<hbm>>) target(%dma_start3A_795 : memref<128x16xf32, #tpu.memory_space<vmem>>) offsets(%dma_start3A_797 : memref<128xi32, #tpu.memory_space<vmem>>) semaphore(%arg16 : memref<!tpu.dma_semaphore, #tpu.memory_space<semaphore_mem>>)
    %dma_start3A_801 = arith.constant 1920 : i32
    %dma_start3A_802 = arith.constant 0 : i32
    %dma_start3A_803 = tpu.memref_slice %arg12[%dma_start3A_801, %dma_start3A_802] : memref<2560x16xf32, #tpu.memory_space<vmem>> -> memref<128x16xf32, #tpu.memory_space<vmem>>
    %dma_start3A_804 = arith.constant 1920 : i32
    %dma_start3A_805 = tpu.memref_slice %arg11[%dma_start3A_804] : memref<2560xi32, #tpu.memory_space<vmem>> -> memref<128xi32, #tpu.memory_space<vmem>>
    %dma_start3A_806 = arith.constant 0 : i32
    %dma_start3A_807 = arith.constant 0 : i32
    %dma_start3A_808 = tpu.memref_slice %arg4[%dma_start3A_806, %dma_start3A_807] : memref<400000x16xf32, #tpu.memory_space<hbm>> -> memref<400000x16xf32, #tpu.memory_space<hbm>>
    tpu.enqueue_indirect_dma source(%dma_start3A_808 : memref<400000x16xf32, #tpu.memory_space<hbm>>) target(%dma_start3A_803 : memref<128x16xf32, #tpu.memory_space<vmem>>) offsets(%dma_start3A_805 : memref<128xi32, #tpu.memory_space<vmem>>) semaphore(%arg16 : memref<!tpu.dma_semaphore, #tpu.memory_space<semaphore_mem>>)
    %dma_start3A_809 = arith.constant 2048 : i32
    %dma_start3A_810 = arith.constant 0 : i32
    %dma_start3A_811 = tpu.memref_slice %arg12[%dma_start3A_809, %dma_start3A_810] : memref<2560x16xf32, #tpu.memory_space<vmem>> -> memref<128x16xf32, #tpu.memory_space<vmem>>
    %dma_start3A_812 = arith.constant 2048 : i32
    %dma_start3A_813 = tpu.memref_slice %arg11[%dma_start3A_812] : memref<2560xi32, #tpu.memory_space<vmem>> -> memref<128xi32, #tpu.memory_space<vmem>>
    %dma_start3A_814 = arith.constant 0 : i32
    %dma_start3A_815 = arith.constant 0 : i32
    %dma_start3A_816 = tpu.memref_slice %arg4[%dma_start3A_814, %dma_start3A_815] : memref<400000x16xf32, #tpu.memory_space<hbm>> -> memref<400000x16xf32, #tpu.memory_space<hbm>>
    tpu.enqueue_indirect_dma source(%dma_start3A_816 : memref<400000x16xf32, #tpu.memory_space<hbm>>) target(%dma_start3A_811 : memref<128x16xf32, #tpu.memory_space<vmem>>) offsets(%dma_start3A_813 : memref<128xi32, #tpu.memory_space<vmem>>) semaphore(%arg16 : memref<!tpu.dma_semaphore, #tpu.memory_space<semaphore_mem>>)
    %dma_start3A_817 = arith.constant 2176 : i32
    %dma_start3A_818 = arith.constant 0 : i32
    %dma_start3A_819 = tpu.memref_slice %arg12[%dma_start3A_817, %dma_start3A_818] : memref<2560x16xf32, #tpu.memory_space<vmem>> -> memref<128x16xf32, #tpu.memory_space<vmem>>
    %dma_start3A_820 = arith.constant 2176 : i32
    %dma_start3A_821 = tpu.memref_slice %arg11[%dma_start3A_820] : memref<2560xi32, #tpu.memory_space<vmem>> -> memref<128xi32, #tpu.memory_space<vmem>>
    %dma_start3A_822 = arith.constant 0 : i32
    %dma_start3A_823 = arith.constant 0 : i32
    %dma_start3A_824 = tpu.memref_slice %arg4[%dma_start3A_822, %dma_start3A_823] : memref<400000x16xf32, #tpu.memory_space<hbm>> -> memref<400000x16xf32, #tpu.memory_space<hbm>>
    tpu.enqueue_indirect_dma source(%dma_start3A_824 : memref<400000x16xf32, #tpu.memory_space<hbm>>) target(%dma_start3A_819 : memref<128x16xf32, #tpu.memory_space<vmem>>) offsets(%dma_start3A_821 : memref<128xi32, #tpu.memory_space<vmem>>) semaphore(%arg16 : memref<!tpu.dma_semaphore, #tpu.memory_space<semaphore_mem>>)
    %dma_start3A_825 = arith.constant 2304 : i32
    %dma_start3A_826 = arith.constant 0 : i32
    %dma_start3A_827 = tpu.memref_slice %arg12[%dma_start3A_825, %dma_start3A_826] : memref<2560x16xf32, #tpu.memory_space<vmem>> -> memref<128x16xf32, #tpu.memory_space<vmem>>
    %dma_start3A_828 = arith.constant 2304 : i32
    %dma_start3A_829 = tpu.memref_slice %arg11[%dma_start3A_828] : memref<2560xi32, #tpu.memory_space<vmem>> -> memref<128xi32, #tpu.memory_space<vmem>>
    %dma_start3A_830 = arith.constant 0 : i32
    %dma_start3A_831 = arith.constant 0 : i32
    %dma_start3A_832 = tpu.memref_slice %arg4[%dma_start3A_830, %dma_start3A_831] : memref<400000x16xf32, #tpu.memory_space<hbm>> -> memref<400000x16xf32, #tpu.memory_space<hbm>>
    tpu.enqueue_indirect_dma source(%dma_start3A_832 : memref<400000x16xf32, #tpu.memory_space<hbm>>) target(%dma_start3A_827 : memref<128x16xf32, #tpu.memory_space<vmem>>) offsets(%dma_start3A_829 : memref<128xi32, #tpu.memory_space<vmem>>) semaphore(%arg16 : memref<!tpu.dma_semaphore, #tpu.memory_space<semaphore_mem>>)
    %dma_start3A_833 = arith.constant 2432 : i32
    %dma_start3A_834 = arith.constant 0 : i32
    %dma_start3A_835 = tpu.memref_slice %arg12[%dma_start3A_833, %dma_start3A_834] : memref<2560x16xf32, #tpu.memory_space<vmem>> -> memref<128x16xf32, #tpu.memory_space<vmem>>
    %dma_start3A_836 = arith.constant 2432 : i32
    %dma_start3A_837 = tpu.memref_slice %arg11[%dma_start3A_836] : memref<2560xi32, #tpu.memory_space<vmem>> -> memref<128xi32, #tpu.memory_space<vmem>>
    %dma_start3A_838 = arith.constant 0 : i32
    %dma_start3A_839 = arith.constant 0 : i32
    %dma_start3A_840 = tpu.memref_slice %arg4[%dma_start3A_838, %dma_start3A_839] : memref<400000x16xf32, #tpu.memory_space<hbm>> -> memref<400000x16xf32, #tpu.memory_space<hbm>>
    tpu.enqueue_indirect_dma source(%dma_start3A_840 : memref<400000x16xf32, #tpu.memory_space<hbm>>) target(%dma_start3A_835 : memref<128x16xf32, #tpu.memory_space<vmem>>) offsets(%dma_start3A_837 : memref<128xi32, #tpu.memory_space<vmem>>) semaphore(%arg16 : memref<!tpu.dma_semaphore, #tpu.memory_space<semaphore_mem>>)
    %dma_wait3A_841 = arith.constant 0 : i32
    %dma_wait3A_842 = arith.constant 0 : i32
    %dma_wait3A_843 = tpu.memref_slice %arg12[%dma_wait3A_841, %dma_wait3A_842] : memref<2560x16xf32, #tpu.memory_space<vmem>> -> memref<128x16xf32, #tpu.memory_space<vmem>>
    %dma_wait3A_844 = arith.constant 0 : i32
    %dma_wait3A_845 = tpu.memref_slice %arg11[%dma_wait3A_844] : memref<2560xi32, #tpu.memory_space<vmem>> -> memref<128xi32, #tpu.memory_space<vmem>>
    %dma_wait3A_846 = arith.constant 0 : i32
    %dma_wait3A_847 = arith.constant 0 : i32
    %dma_wait3A_848 = tpu.memref_slice %arg4[%dma_wait3A_846, %dma_wait3A_847] : memref<400000x16xf32, #tpu.memory_space<hbm>> -> memref<400000x16xf32, #tpu.memory_space<hbm>>
    tpu.wait_indirect_dma semaphore(%arg16 : memref<!tpu.dma_semaphore, #tpu.memory_space<semaphore_mem>>) src(%dma_wait3A_848 : memref<400000x16xf32, #tpu.memory_space<hbm>>) dst(%dma_wait3A_843 : memref<128x16xf32, #tpu.memory_space<vmem>>)
    %dma_wait3A_849 = arith.constant 128 : i32
    %dma_wait3A_850 = arith.constant 0 : i32
    %dma_wait3A_851 = tpu.memref_slice %arg12[%dma_wait3A_849, %dma_wait3A_850] : memref<2560x16xf32, #tpu.memory_space<vmem>> -> memref<128x16xf32, #tpu.memory_space<vmem>>
    %dma_wait3A_852 = arith.constant 128 : i32
    %dma_wait3A_853 = tpu.memref_slice %arg11[%dma_wait3A_852] : memref<2560xi32, #tpu.memory_space<vmem>> -> memref<128xi32, #tpu.memory_space<vmem>>
    %dma_wait3A_854 = arith.constant 0 : i32
    %dma_wait3A_855 = arith.constant 0 : i32
    %dma_wait3A_856 = tpu.memref_slice %arg4[%dma_wait3A_854, %dma_wait3A_855] : memref<400000x16xf32, #tpu.memory_space<hbm>> -> memref<400000x16xf32, #tpu.memory_space<hbm>>
    tpu.wait_indirect_dma semaphore(%arg16 : memref<!tpu.dma_semaphore, #tpu.memory_space<semaphore_mem>>) src(%dma_wait3A_856 : memref<400000x16xf32, #tpu.memory_space<hbm>>) dst(%dma_wait3A_851 : memref<128x16xf32, #tpu.memory_space<vmem>>)
    %dma_wait3A_857 = arith.constant 256 : i32
    %dma_wait3A_858 = arith.constant 0 : i32
    %dma_wait3A_859 = tpu.memref_slice %arg12[%dma_wait3A_857, %dma_wait3A_858] : memref<2560x16xf32, #tpu.memory_space<vmem>> -> memref<128x16xf32, #tpu.memory_space<vmem>>
    %dma_wait3A_860 = arith.constant 256 : i32
    %dma_wait3A_861 = tpu.memref_slice %arg11[%dma_wait3A_860] : memref<2560xi32, #tpu.memory_space<vmem>> -> memref<128xi32, #tpu.memory_space<vmem>>
    %dma_wait3A_862 = arith.constant 0 : i32
    %dma_wait3A_863 = arith.constant 0 : i32
    %dma_wait3A_864 = tpu.memref_slice %arg4[%dma_wait3A_862, %dma_wait3A_863] : memref<400000x16xf32, #tpu.memory_space<hbm>> -> memref<400000x16xf32, #tpu.memory_space<hbm>>
    tpu.wait_indirect_dma semaphore(%arg16 : memref<!tpu.dma_semaphore, #tpu.memory_space<semaphore_mem>>) src(%dma_wait3A_864 : memref<400000x16xf32, #tpu.memory_space<hbm>>) dst(%dma_wait3A_859 : memref<128x16xf32, #tpu.memory_space<vmem>>)
    %dma_wait3A_865 = arith.constant 384 : i32
    %dma_wait3A_866 = arith.constant 0 : i32
    %dma_wait3A_867 = tpu.memref_slice %arg12[%dma_wait3A_865, %dma_wait3A_866] : memref<2560x16xf32, #tpu.memory_space<vmem>> -> memref<128x16xf32, #tpu.memory_space<vmem>>
    %dma_wait3A_868 = arith.constant 384 : i32
    %dma_wait3A_869 = tpu.memref_slice %arg11[%dma_wait3A_868] : memref<2560xi32, #tpu.memory_space<vmem>> -> memref<128xi32, #tpu.memory_space<vmem>>
    %dma_wait3A_870 = arith.constant 0 : i32
    %dma_wait3A_871 = arith.constant 0 : i32
    %dma_wait3A_872 = tpu.memref_slice %arg4[%dma_wait3A_870, %dma_wait3A_871] : memref<400000x16xf32, #tpu.memory_space<hbm>> -> memref<400000x16xf32, #tpu.memory_space<hbm>>
    tpu.wait_indirect_dma semaphore(%arg16 : memref<!tpu.dma_semaphore, #tpu.memory_space<semaphore_mem>>) src(%dma_wait3A_872 : memref<400000x16xf32, #tpu.memory_space<hbm>>) dst(%dma_wait3A_867 : memref<128x16xf32, #tpu.memory_space<vmem>>)
    %dma_wait3A_873 = arith.constant 512 : i32
    %dma_wait3A_874 = arith.constant 0 : i32
    %dma_wait3A_875 = tpu.memref_slice %arg12[%dma_wait3A_873, %dma_wait3A_874] : memref<2560x16xf32, #tpu.memory_space<vmem>> -> memref<128x16xf32, #tpu.memory_space<vmem>>
    %dma_wait3A_876 = arith.constant 512 : i32
    %dma_wait3A_877 = tpu.memref_slice %arg11[%dma_wait3A_876] : memref<2560xi32, #tpu.memory_space<vmem>> -> memref<128xi32, #tpu.memory_space<vmem>>
    %dma_wait3A_878 = arith.constant 0 : i32
    %dma_wait3A_879 = arith.constant 0 : i32
    %dma_wait3A_880 = tpu.memref_slice %arg4[%dma_wait3A_878, %dma_wait3A_879] : memref<400000x16xf32, #tpu.memory_space<hbm>> -> memref<400000x16xf32, #tpu.memory_space<hbm>>
    tpu.wait_indirect_dma semaphore(%arg16 : memref<!tpu.dma_semaphore, #tpu.memory_space<semaphore_mem>>) src(%dma_wait3A_880 : memref<400000x16xf32, #tpu.memory_space<hbm>>) dst(%dma_wait3A_875 : memref<128x16xf32, #tpu.memory_space<vmem>>)
    %dma_wait3A_881 = arith.constant 640 : i32
    %dma_wait3A_882 = arith.constant 0 : i32
    %dma_wait3A_883 = tpu.memref_slice %arg12[%dma_wait3A_881, %dma_wait3A_882] : memref<2560x16xf32, #tpu.memory_space<vmem>> -> memref<128x16xf32, #tpu.memory_space<vmem>>
    %dma_wait3A_884 = arith.constant 640 : i32
    %dma_wait3A_885 = tpu.memref_slice %arg11[%dma_wait3A_884] : memref<2560xi32, #tpu.memory_space<vmem>> -> memref<128xi32, #tpu.memory_space<vmem>>
    %dma_wait3A_886 = arith.constant 0 : i32
    %dma_wait3A_887 = arith.constant 0 : i32
    %dma_wait3A_888 = tpu.memref_slice %arg4[%dma_wait3A_886, %dma_wait3A_887] : memref<400000x16xf32, #tpu.memory_space<hbm>> -> memref<400000x16xf32, #tpu.memory_space<hbm>>
    tpu.wait_indirect_dma semaphore(%arg16 : memref<!tpu.dma_semaphore, #tpu.memory_space<semaphore_mem>>) src(%dma_wait3A_888 : memref<400000x16xf32, #tpu.memory_space<hbm>>) dst(%dma_wait3A_883 : memref<128x16xf32, #tpu.memory_space<vmem>>)
    %dma_wait3A_889 = arith.constant 768 : i32
    %dma_wait3A_890 = arith.constant 0 : i32
    %dma_wait3A_891 = tpu.memref_slice %arg12[%dma_wait3A_889, %dma_wait3A_890] : memref<2560x16xf32, #tpu.memory_space<vmem>> -> memref<128x16xf32, #tpu.memory_space<vmem>>
    %dma_wait3A_892 = arith.constant 768 : i32
    %dma_wait3A_893 = tpu.memref_slice %arg11[%dma_wait3A_892] : memref<2560xi32, #tpu.memory_space<vmem>> -> memref<128xi32, #tpu.memory_space<vmem>>
    %dma_wait3A_894 = arith.constant 0 : i32
    %dma_wait3A_895 = arith.constant 0 : i32
    %dma_wait3A_896 = tpu.memref_slice %arg4[%dma_wait3A_894, %dma_wait3A_895] : memref<400000x16xf32, #tpu.memory_space<hbm>> -> memref<400000x16xf32, #tpu.memory_space<hbm>>
    tpu.wait_indirect_dma semaphore(%arg16 : memref<!tpu.dma_semaphore, #tpu.memory_space<semaphore_mem>>) src(%dma_wait3A_896 : memref<400000x16xf32, #tpu.memory_space<hbm>>) dst(%dma_wait3A_891 : memref<128x16xf32, #tpu.memory_space<vmem>>)
    %dma_wait3A_897 = arith.constant 896 : i32
    %dma_wait3A_898 = arith.constant 0 : i32
    %dma_wait3A_899 = tpu.memref_slice %arg12[%dma_wait3A_897, %dma_wait3A_898] : memref<2560x16xf32, #tpu.memory_space<vmem>> -> memref<128x16xf32, #tpu.memory_space<vmem>>
    %dma_wait3A_900 = arith.constant 896 : i32
    %dma_wait3A_901 = tpu.memref_slice %arg11[%dma_wait3A_900] : memref<2560xi32, #tpu.memory_space<vmem>> -> memref<128xi32, #tpu.memory_space<vmem>>
    %dma_wait3A_902 = arith.constant 0 : i32
    %dma_wait3A_903 = arith.constant 0 : i32
    %dma_wait3A_904 = tpu.memref_slice %arg4[%dma_wait3A_902, %dma_wait3A_903] : memref<400000x16xf32, #tpu.memory_space<hbm>> -> memref<400000x16xf32, #tpu.memory_space<hbm>>
    tpu.wait_indirect_dma semaphore(%arg16 : memref<!tpu.dma_semaphore, #tpu.memory_space<semaphore_mem>>) src(%dma_wait3A_904 : memref<400000x16xf32, #tpu.memory_space<hbm>>) dst(%dma_wait3A_899 : memref<128x16xf32, #tpu.memory_space<vmem>>)
    %dma_wait3A_905 = arith.constant 1024 : i32
    %dma_wait3A_906 = arith.constant 0 : i32
    %dma_wait3A_907 = tpu.memref_slice %arg12[%dma_wait3A_905, %dma_wait3A_906] : memref<2560x16xf32, #tpu.memory_space<vmem>> -> memref<128x16xf32, #tpu.memory_space<vmem>>
    %dma_wait3A_908 = arith.constant 1024 : i32
    %dma_wait3A_909 = tpu.memref_slice %arg11[%dma_wait3A_908] : memref<2560xi32, #tpu.memory_space<vmem>> -> memref<128xi32, #tpu.memory_space<vmem>>
    %dma_wait3A_910 = arith.constant 0 : i32
    %dma_wait3A_911 = arith.constant 0 : i32
    %dma_wait3A_912 = tpu.memref_slice %arg4[%dma_wait3A_910, %dma_wait3A_911] : memref<400000x16xf32, #tpu.memory_space<hbm>> -> memref<400000x16xf32, #tpu.memory_space<hbm>>
    tpu.wait_indirect_dma semaphore(%arg16 : memref<!tpu.dma_semaphore, #tpu.memory_space<semaphore_mem>>) src(%dma_wait3A_912 : memref<400000x16xf32, #tpu.memory_space<hbm>>) dst(%dma_wait3A_907 : memref<128x16xf32, #tpu.memory_space<vmem>>)
    %dma_wait3A_913 = arith.constant 1152 : i32
    %dma_wait3A_914 = arith.constant 0 : i32
    %dma_wait3A_915 = tpu.memref_slice %arg12[%dma_wait3A_913, %dma_wait3A_914] : memref<2560x16xf32, #tpu.memory_space<vmem>> -> memref<128x16xf32, #tpu.memory_space<vmem>>
    %dma_wait3A_916 = arith.constant 1152 : i32
    %dma_wait3A_917 = tpu.memref_slice %arg11[%dma_wait3A_916] : memref<2560xi32, #tpu.memory_space<vmem>> -> memref<128xi32, #tpu.memory_space<vmem>>
    %dma_wait3A_918 = arith.constant 0 : i32
    %dma_wait3A_919 = arith.constant 0 : i32
    %dma_wait3A_920 = tpu.memref_slice %arg4[%dma_wait3A_918, %dma_wait3A_919] : memref<400000x16xf32, #tpu.memory_space<hbm>> -> memref<400000x16xf32, #tpu.memory_space<hbm>>
    tpu.wait_indirect_dma semaphore(%arg16 : memref<!tpu.dma_semaphore, #tpu.memory_space<semaphore_mem>>) src(%dma_wait3A_920 : memref<400000x16xf32, #tpu.memory_space<hbm>>) dst(%dma_wait3A_915 : memref<128x16xf32, #tpu.memory_space<vmem>>)
    %dma_wait3A_921 = arith.constant 1280 : i32
    %dma_wait3A_922 = arith.constant 0 : i32
    %dma_wait3A_923 = tpu.memref_slice %arg12[%dma_wait3A_921, %dma_wait3A_922] : memref<2560x16xf32, #tpu.memory_space<vmem>> -> memref<128x16xf32, #tpu.memory_space<vmem>>
    %dma_wait3A_924 = arith.constant 1280 : i32
    %dma_wait3A_925 = tpu.memref_slice %arg11[%dma_wait3A_924] : memref<2560xi32, #tpu.memory_space<vmem>> -> memref<128xi32, #tpu.memory_space<vmem>>
    %dma_wait3A_926 = arith.constant 0 : i32
    %dma_wait3A_927 = arith.constant 0 : i32
    %dma_wait3A_928 = tpu.memref_slice %arg4[%dma_wait3A_926, %dma_wait3A_927] : memref<400000x16xf32, #tpu.memory_space<hbm>> -> memref<400000x16xf32, #tpu.memory_space<hbm>>
    tpu.wait_indirect_dma semaphore(%arg16 : memref<!tpu.dma_semaphore, #tpu.memory_space<semaphore_mem>>) src(%dma_wait3A_928 : memref<400000x16xf32, #tpu.memory_space<hbm>>) dst(%dma_wait3A_923 : memref<128x16xf32, #tpu.memory_space<vmem>>)
    %dma_wait3A_929 = arith.constant 1408 : i32
    %dma_wait3A_930 = arith.constant 0 : i32
    %dma_wait3A_931 = tpu.memref_slice %arg12[%dma_wait3A_929, %dma_wait3A_930] : memref<2560x16xf32, #tpu.memory_space<vmem>> -> memref<128x16xf32, #tpu.memory_space<vmem>>
    %dma_wait3A_932 = arith.constant 1408 : i32
    %dma_wait3A_933 = tpu.memref_slice %arg11[%dma_wait3A_932] : memref<2560xi32, #tpu.memory_space<vmem>> -> memref<128xi32, #tpu.memory_space<vmem>>
    %dma_wait3A_934 = arith.constant 0 : i32
    %dma_wait3A_935 = arith.constant 0 : i32
    %dma_wait3A_936 = tpu.memref_slice %arg4[%dma_wait3A_934, %dma_wait3A_935] : memref<400000x16xf32, #tpu.memory_space<hbm>> -> memref<400000x16xf32, #tpu.memory_space<hbm>>
    tpu.wait_indirect_dma semaphore(%arg16 : memref<!tpu.dma_semaphore, #tpu.memory_space<semaphore_mem>>) src(%dma_wait3A_936 : memref<400000x16xf32, #tpu.memory_space<hbm>>) dst(%dma_wait3A_931 : memref<128x16xf32, #tpu.memory_space<vmem>>)
    %dma_wait3A_937 = arith.constant 1536 : i32
    %dma_wait3A_938 = arith.constant 0 : i32
    %dma_wait3A_939 = tpu.memref_slice %arg12[%dma_wait3A_937, %dma_wait3A_938] : memref<2560x16xf32, #tpu.memory_space<vmem>> -> memref<128x16xf32, #tpu.memory_space<vmem>>
    %dma_wait3A_940 = arith.constant 1536 : i32
    %dma_wait3A_941 = tpu.memref_slice %arg11[%dma_wait3A_940] : memref<2560xi32, #tpu.memory_space<vmem>> -> memref<128xi32, #tpu.memory_space<vmem>>
    %dma_wait3A_942 = arith.constant 0 : i32
    %dma_wait3A_943 = arith.constant 0 : i32
    %dma_wait3A_944 = tpu.memref_slice %arg4[%dma_wait3A_942, %dma_wait3A_943] : memref<400000x16xf32, #tpu.memory_space<hbm>> -> memref<400000x16xf32, #tpu.memory_space<hbm>>
    tpu.wait_indirect_dma semaphore(%arg16 : memref<!tpu.dma_semaphore, #tpu.memory_space<semaphore_mem>>) src(%dma_wait3A_944 : memref<400000x16xf32, #tpu.memory_space<hbm>>) dst(%dma_wait3A_939 : memref<128x16xf32, #tpu.memory_space<vmem>>)
    %dma_wait3A_945 = arith.constant 1664 : i32
    %dma_wait3A_946 = arith.constant 0 : i32
    %dma_wait3A_947 = tpu.memref_slice %arg12[%dma_wait3A_945, %dma_wait3A_946] : memref<2560x16xf32, #tpu.memory_space<vmem>> -> memref<128x16xf32, #tpu.memory_space<vmem>>
    %dma_wait3A_948 = arith.constant 1664 : i32
    %dma_wait3A_949 = tpu.memref_slice %arg11[%dma_wait3A_948] : memref<2560xi32, #tpu.memory_space<vmem>> -> memref<128xi32, #tpu.memory_space<vmem>>
    %dma_wait3A_950 = arith.constant 0 : i32
    %dma_wait3A_951 = arith.constant 0 : i32
    %dma_wait3A_952 = tpu.memref_slice %arg4[%dma_wait3A_950, %dma_wait3A_951] : memref<400000x16xf32, #tpu.memory_space<hbm>> -> memref<400000x16xf32, #tpu.memory_space<hbm>>
    tpu.wait_indirect_dma semaphore(%arg16 : memref<!tpu.dma_semaphore, #tpu.memory_space<semaphore_mem>>) src(%dma_wait3A_952 : memref<400000x16xf32, #tpu.memory_space<hbm>>) dst(%dma_wait3A_947 : memref<128x16xf32, #tpu.memory_space<vmem>>)
    %dma_wait3A_953 = arith.constant 1792 : i32
    %dma_wait3A_954 = arith.constant 0 : i32
    %dma_wait3A_955 = tpu.memref_slice %arg12[%dma_wait3A_953, %dma_wait3A_954] : memref<2560x16xf32, #tpu.memory_space<vmem>> -> memref<128x16xf32, #tpu.memory_space<vmem>>
    %dma_wait3A_956 = arith.constant 1792 : i32
    %dma_wait3A_957 = tpu.memref_slice %arg11[%dma_wait3A_956] : memref<2560xi32, #tpu.memory_space<vmem>> -> memref<128xi32, #tpu.memory_space<vmem>>
    %dma_wait3A_958 = arith.constant 0 : i32
    %dma_wait3A_959 = arith.constant 0 : i32
    %dma_wait3A_960 = tpu.memref_slice %arg4[%dma_wait3A_958, %dma_wait3A_959] : memref<400000x16xf32, #tpu.memory_space<hbm>> -> memref<400000x16xf32, #tpu.memory_space<hbm>>
    tpu.wait_indirect_dma semaphore(%arg16 : memref<!tpu.dma_semaphore, #tpu.memory_space<semaphore_mem>>) src(%dma_wait3A_960 : memref<400000x16xf32, #tpu.memory_space<hbm>>) dst(%dma_wait3A_955 : memref<128x16xf32, #tpu.memory_space<vmem>>)
    %dma_wait3A_961 = arith.constant 1920 : i32
    %dma_wait3A_962 = arith.constant 0 : i32
    %dma_wait3A_963 = tpu.memref_slice %arg12[%dma_wait3A_961, %dma_wait3A_962] : memref<2560x16xf32, #tpu.memory_space<vmem>> -> memref<128x16xf32, #tpu.memory_space<vmem>>
    %dma_wait3A_964 = arith.constant 1920 : i32
    %dma_wait3A_965 = tpu.memref_slice %arg11[%dma_wait3A_964] : memref<2560xi32, #tpu.memory_space<vmem>> -> memref<128xi32, #tpu.memory_space<vmem>>
    %dma_wait3A_966 = arith.constant 0 : i32
    %dma_wait3A_967 = arith.constant 0 : i32
    %dma_wait3A_968 = tpu.memref_slice %arg4[%dma_wait3A_966, %dma_wait3A_967] : memref<400000x16xf32, #tpu.memory_space<hbm>> -> memref<400000x16xf32, #tpu.memory_space<hbm>>
    tpu.wait_indirect_dma semaphore(%arg16 : memref<!tpu.dma_semaphore, #tpu.memory_space<semaphore_mem>>) src(%dma_wait3A_968 : memref<400000x16xf32, #tpu.memory_space<hbm>>) dst(%dma_wait3A_963 : memref<128x16xf32, #tpu.memory_space<vmem>>)
    %dma_wait3A_969 = arith.constant 2048 : i32
    %dma_wait3A_970 = arith.constant 0 : i32
    %dma_wait3A_971 = tpu.memref_slice %arg12[%dma_wait3A_969, %dma_wait3A_970] : memref<2560x16xf32, #tpu.memory_space<vmem>> -> memref<128x16xf32, #tpu.memory_space<vmem>>
    %dma_wait3A_972 = arith.constant 2048 : i32
    %dma_wait3A_973 = tpu.memref_slice %arg11[%dma_wait3A_972] : memref<2560xi32, #tpu.memory_space<vmem>> -> memref<128xi32, #tpu.memory_space<vmem>>
    %dma_wait3A_974 = arith.constant 0 : i32
    %dma_wait3A_975 = arith.constant 0 : i32
    %dma_wait3A_976 = tpu.memref_slice %arg4[%dma_wait3A_974, %dma_wait3A_975] : memref<400000x16xf32, #tpu.memory_space<hbm>> -> memref<400000x16xf32, #tpu.memory_space<hbm>>
    tpu.wait_indirect_dma semaphore(%arg16 : memref<!tpu.dma_semaphore, #tpu.memory_space<semaphore_mem>>) src(%dma_wait3A_976 : memref<400000x16xf32, #tpu.memory_space<hbm>>) dst(%dma_wait3A_971 : memref<128x16xf32, #tpu.memory_space<vmem>>)
    %dma_wait3A_977 = arith.constant 2176 : i32
    %dma_wait3A_978 = arith.constant 0 : i32
    %dma_wait3A_979 = tpu.memref_slice %arg12[%dma_wait3A_977, %dma_wait3A_978] : memref<2560x16xf32, #tpu.memory_space<vmem>> -> memref<128x16xf32, #tpu.memory_space<vmem>>
    %dma_wait3A_980 = arith.constant 2176 : i32
    %dma_wait3A_981 = tpu.memref_slice %arg11[%dma_wait3A_980] : memref<2560xi32, #tpu.memory_space<vmem>> -> memref<128xi32, #tpu.memory_space<vmem>>
    %dma_wait3A_982 = arith.constant 0 : i32
    %dma_wait3A_983 = arith.constant 0 : i32
    %dma_wait3A_984 = tpu.memref_slice %arg4[%dma_wait3A_982, %dma_wait3A_983] : memref<400000x16xf32, #tpu.memory_space<hbm>> -> memref<400000x16xf32, #tpu.memory_space<hbm>>
    tpu.wait_indirect_dma semaphore(%arg16 : memref<!tpu.dma_semaphore, #tpu.memory_space<semaphore_mem>>) src(%dma_wait3A_984 : memref<400000x16xf32, #tpu.memory_space<hbm>>) dst(%dma_wait3A_979 : memref<128x16xf32, #tpu.memory_space<vmem>>)
    %dma_wait3A_985 = arith.constant 2304 : i32
    %dma_wait3A_986 = arith.constant 0 : i32
    %dma_wait3A_987 = tpu.memref_slice %arg12[%dma_wait3A_985, %dma_wait3A_986] : memref<2560x16xf32, #tpu.memory_space<vmem>> -> memref<128x16xf32, #tpu.memory_space<vmem>>
    %dma_wait3A_988 = arith.constant 2304 : i32
    %dma_wait3A_989 = tpu.memref_slice %arg11[%dma_wait3A_988] : memref<2560xi32, #tpu.memory_space<vmem>> -> memref<128xi32, #tpu.memory_space<vmem>>
    %dma_wait3A_990 = arith.constant 0 : i32
    %dma_wait3A_991 = arith.constant 0 : i32
    %dma_wait3A_992 = tpu.memref_slice %arg4[%dma_wait3A_990, %dma_wait3A_991] : memref<400000x16xf32, #tpu.memory_space<hbm>> -> memref<400000x16xf32, #tpu.memory_space<hbm>>
    tpu.wait_indirect_dma semaphore(%arg16 : memref<!tpu.dma_semaphore, #tpu.memory_space<semaphore_mem>>) src(%dma_wait3A_992 : memref<400000x16xf32, #tpu.memory_space<hbm>>) dst(%dma_wait3A_987 : memref<128x16xf32, #tpu.memory_space<vmem>>)
    %dma_wait3A_993 = arith.constant 2432 : i32
    %dma_wait3A_994 = arith.constant 0 : i32
    %dma_wait3A_995 = tpu.memref_slice %arg12[%dma_wait3A_993, %dma_wait3A_994] : memref<2560x16xf32, #tpu.memory_space<vmem>> -> memref<128x16xf32, #tpu.memory_space<vmem>>
    %dma_wait3A_996 = arith.constant 2432 : i32
    %dma_wait3A_997 = tpu.memref_slice %arg11[%dma_wait3A_996] : memref<2560xi32, #tpu.memory_space<vmem>> -> memref<128xi32, #tpu.memory_space<vmem>>
    %dma_wait3A_998 = arith.constant 0 : i32
    %dma_wait3A_999 = arith.constant 0 : i32
    %dma_wait3A_1000 = tpu.memref_slice %arg4[%dma_wait3A_998, %dma_wait3A_999] : memref<400000x16xf32, #tpu.memory_space<hbm>> -> memref<400000x16xf32, #tpu.memory_space<hbm>>
    tpu.wait_indirect_dma semaphore(%arg16 : memref<!tpu.dma_semaphore, #tpu.memory_space<semaphore_mem>>) src(%dma_wait3A_1000 : memref<400000x16xf32, #tpu.memory_space<hbm>>) dst(%dma_wait3A_995 : memref<128x16xf32, #tpu.memory_space<vmem>>)
    "tpu.region"() ({
      %run_scoped3A_2734 = tpu.sem_alloc : memref<!tpu.dma_semaphore, #tpu.memory_space<semaphore_mem>>
      %dma_start3A_2735 = arith.constant 0 : i32
      %dma_start3A_2736 = tpu.memref_slice %arg8[%multiple_of3A_673, %dma_start3A_2735] : memref<655360x16xf32, #tpu.memory_space<hbm>> -> memref<2560x16xf32, #tpu.memory_space<hbm>>
      %dma_start3A_2737 = arith.constant 0 : i32
      %dma_start3A_2738 = tpu.memref_slice %arg8[%multiple_of3A_673, %dma_start3A_2737] : memref<655360x16xf32, #tpu.memory_space<hbm>> -> memref<2560x16xf32, #tpu.memory_space<hbm>>
      tpu.enqueue_dma source(%arg12 : memref<2560x16xf32, #tpu.memory_space<vmem>>) target(%dma_start3A_2738 : memref<2560x16xf32, #tpu.memory_space<hbm>>) target_semaphore(%run_scoped3A_2734 : memref<!tpu.dma_semaphore, #tpu.memory_space<semaphore_mem>>)
      %dma_wait3A_2739 = arith.constant 0 : i32
      %dma_wait3A_2740 = tpu.memref_slice %arg8[%multiple_of3A_673, %dma_wait3A_2739] : memref<655360x16xf32, #tpu.memory_space<hbm>> -> memref<2560x16xf32, #tpu.memory_space<hbm>>
      %dma_wait3A_2741 = arith.constant 0 : i32
      %dma_wait3A_2742 = tpu.memref_slice %arg8[%multiple_of3A_673, %dma_wait3A_2741] : memref<655360x16xf32, #tpu.memory_space<hbm>> -> memref<2560x16xf32, #tpu.memory_space<hbm>>
      tpu.wait_dma2 semaphore(%run_scoped3A_2734 : memref<!tpu.dma_semaphore, #tpu.memory_space<semaphore_mem>>) src(%arg12 : memref<2560x16xf32, #tpu.memory_space<vmem>>) dst(%dma_wait3A_2742 : memref<2560x16xf32, #tpu.memory_space<hbm>>)
      tpu.yield
    }) : () -> ()
    %mul3A_1001 = arith.constant 512 : i32
    %mul3A_1002 = arith.muli %add3A, %mul3A_1001 : i32
    %add3A_1003 = arith.constant 192 : i32
    %add3A_1004 = arith.addi %mul3A_1002, %add3A_1003 : i32
    %mul3A_1005 = arith.constant 40 : i32
    %mul3A_1006 = arith.muli %add3A_1004, %mul3A_1005 : i32
    %multiple_of3A_1007 = tpu.assume_multiple %mul3A_1006, 2560 : i32
    "tpu.region"() ({
      %run_scoped3A_2734 = tpu.sem_alloc : memref<!tpu.dma_semaphore, #tpu.memory_space<semaphore_mem>>
      %dma_start3A_2735 = tpu.memref_slice %arg2[%multiple_of3A_1007] : memref<655360xi32, #tpu.memory_space<hbm>> -> memref<2560xi32, #tpu.memory_space<hbm>>
      %dma_start3A_2736 = tpu.memref_slice %arg2[%multiple_of3A_1007] : memref<655360xi32, #tpu.memory_space<hbm>> -> memref<2560xi32, #tpu.memory_space<hbm>>
      tpu.enqueue_dma source(%dma_start3A_2736 : memref<2560xi32, #tpu.memory_space<hbm>>) target(%arg10 : memref<2560xi32, #tpu.memory_space<vmem>>) target_semaphore(%run_scoped3A_2734 : memref<!tpu.dma_semaphore, #tpu.memory_space<semaphore_mem>>)
      %dma_wait3A_2737 = tpu.memref_slice %arg2[%multiple_of3A_1007] : memref<655360xi32, #tpu.memory_space<hbm>> -> memref<2560xi32, #tpu.memory_space<hbm>>
      %dma_wait3A_2738 = tpu.memref_slice %arg2[%multiple_of3A_1007] : memref<655360xi32, #tpu.memory_space<hbm>> -> memref<2560xi32, #tpu.memory_space<hbm>>
      tpu.wait_dma2 semaphore(%run_scoped3A_2734 : memref<!tpu.dma_semaphore, #tpu.memory_space<semaphore_mem>>) src(%dma_wait3A_2738 : memref<2560xi32, #tpu.memory_space<hbm>>) dst(%arg10 : memref<2560xi32, #tpu.memory_space<vmem>>)
      tpu.yield
    }) : () -> ()
    %scan3A_1008 = arith.constant 0 : i32
    %scan3A_1009 = arith.constant 0 : i32
    %scan3A_1010 = arith.constant 160 : i32
    %scan3A_1011 = arith.addi %scan3A_1009, %scan3A_1010 : i32
    %scan3A_1012 = arith.constant 1 : i32
    %scan3A_1013 = scf.for %scan3A_2734 = %scan3A_1009 to %scan3A_1011 step %scan3A_1012 iter_args(%scan3A_2735 = %scan3A_1008) -> (i32)  : i32 {
      %mul3A_2736 = arith.constant 16 : i32
      %mul3A_2737 = arith.muli %scan3A_2734, %mul3A_2736 : i32
      %get3A = arith.index_cast %mul3A_2737 : i32 to index
      %get3A_2738 = tpu.vector_load %arg10[%get3A] {strides = array<i32>} : memref<2560xi32, #tpu.memory_space<vmem>>, vector<16xi32>,
      %get3A_2739 = vector.shape_cast %get3A_2738 : vector<16xi32> to vector<16xi32>
      %mul3A_2740 = arith.constant 4 : i32
      %mul3A_2741 = vector.broadcast %mul3A_2740 : i32 to vector<16xi32>
      %mul3A_2742 = arith.muli %get3A_2739, %mul3A_2741 : vector<16xi32>
      %get3A_2743 = arith.index_cast %mul3A_2737 : i32 to index
      %get3A_2744 = tpu.vector_load %arg15[%get3A_2743] {strides = array<i32>} : memref<2560xi32, #tpu.memory_space<vmem>>, vector<16xi32>,
      %get3A_2745 = vector.shape_cast %get3A_2744 : vector<16xi32> to vector<16xi32>
      %add3A_2746 = arith.addi %mul3A_2742, %get3A_2745 : vector<16xi32>
      %swap3A = arith.index_cast %mul3A_2737 : i32 to index
      %swap3A_2747 = tpu.vector_load %arg11[%swap3A] {strides = array<i32>} : memref<2560xi32, #tpu.memory_space<vmem>>, vector<16xi32>,
      %swap3A_2748 = vector.shape_cast %swap3A_2747 : vector<16xi32> to vector<16xi32>
      %swap3A_2749 = vector.shape_cast %add3A_2746 : vector<16xi32> to vector<16xi32>
      tpu.vector_store %arg11[%swap3A], %swap3A_2749 {strides = array<i32>} : memref<2560xi32, #tpu.memory_space<vmem>>, vector<16xi32>,
      %scan3A_2750 = arith.constant 0 : i32
      scf.yield %scan3A_2750 : i32
    }
    %scan3A_1014 = arith.constant 160 : i32
    %dma_start3A_1015 = arith.constant 0 : i32
    %dma_start3A_1016 = arith.constant 0 : i32
    %dma_start3A_1017 = tpu.memref_slice %arg12[%dma_start3A_1015, %dma_start3A_1016] : memref<2560x16xf32, #tpu.memory_space<vmem>> -> memref<128x16xf32, #tpu.memory_space<vmem>>
    %dma_start3A_1018 = arith.constant 0 : i32
    %dma_start3A_1019 = tpu.memref_slice %arg11[%dma_start3A_1018] : memref<2560xi32, #tpu.memory_space<vmem>> -> memref<128xi32, #tpu.memory_space<vmem>>
    %dma_start3A_1020 = arith.constant 0 : i32
    %dma_start3A_1021 = arith.constant 0 : i32
    %dma_start3A_1022 = tpu.memref_slice %arg4[%dma_start3A_1020, %dma_start3A_1021] : memref<400000x16xf32, #tpu.memory_space<hbm>> -> memref<400000x16xf32, #tpu.memory_space<hbm>>
    tpu.enqueue_indirect_dma source(%dma_start3A_1022 : memref<400000x16xf32, #tpu.memory_space<hbm>>) target(%dma_start3A_1017 : memref<128x16xf32, #tpu.memory_space<vmem>>) offsets(%dma_start3A_1019 : memref<128xi32, #tpu.memory_space<vmem>>) semaphore(%arg16 : memref<!tpu.dma_semaphore, #tpu.memory_space<semaphore_mem>>)
    %dma_start3A_1023 = arith.constant 128 : i32
    %dma_start3A_1024 = arith.constant 0 : i32
    %dma_start3A_1025 = tpu.memref_slice %arg12[%dma_start3A_1023, %dma_start3A_1024] : memref<2560x16xf32, #tpu.memory_space<vmem>> -> memref<128x16xf32, #tpu.memory_space<vmem>>
    %dma_start3A_1026 = arith.constant 128 : i32
    %dma_start3A_1027 = tpu.memref_slice %arg11[%dma_start3A_1026] : memref<2560xi32, #tpu.memory_space<vmem>> -> memref<128xi32, #tpu.memory_space<vmem>>
    %dma_start3A_1028 = arith.constant 0 : i32
    %dma_start3A_1029 = arith.constant 0 : i32
    %dma_start3A_1030 = tpu.memref_slice %arg4[%dma_start3A_1028, %dma_start3A_1029] : memref<400000x16xf32, #tpu.memory_space<hbm>> -> memref<400000x16xf32, #tpu.memory_space<hbm>>
    tpu.enqueue_indirect_dma source(%dma_start3A_1030 : memref<400000x16xf32, #tpu.memory_space<hbm>>) target(%dma_start3A_1025 : memref<128x16xf32, #tpu.memory_space<vmem>>) offsets(%dma_start3A_1027 : memref<128xi32, #tpu.memory_space<vmem>>) semaphore(%arg16 : memref<!tpu.dma_semaphore, #tpu.memory_space<semaphore_mem>>)
    %dma_start3A_1031 = arith.constant 256 : i32
    %dma_start3A_1032 = arith.constant 0 : i32
    %dma_start3A_1033 = tpu.memref_slice %arg12[%dma_start3A_1031, %dma_start3A_1032] : memref<2560x16xf32, #tpu.memory_space<vmem>> -> memref<128x16xf32, #tpu.memory_space<vmem>>
    %dma_start3A_1034 = arith.constant 256 : i32
    %dma_start3A_1035 = tpu.memref_slice %arg11[%dma_start3A_1034] : memref<2560xi32, #tpu.memory_space<vmem>> -> memref<128xi32, #tpu.memory_space<vmem>>
    %dma_start3A_1036 = arith.constant 0 : i32
    %dma_start3A_1037 = arith.constant 0 : i32
    %dma_start3A_1038 = tpu.memref_slice %arg4[%dma_start3A_1036, %dma_start3A_1037] : memref<400000x16xf32, #tpu.memory_space<hbm>> -> memref<400000x16xf32, #tpu.memory_space<hbm>>
    tpu.enqueue_indirect_dma source(%dma_start3A_1038 : memref<400000x16xf32, #tpu.memory_space<hbm>>) target(%dma_start3A_1033 : memref<128x16xf32, #tpu.memory_space<vmem>>) offsets(%dma_start3A_1035 : memref<128xi32, #tpu.memory_space<vmem>>) semaphore(%arg16 : memref<!tpu.dma_semaphore, #tpu.memory_space<semaphore_mem>>)
    %dma_start3A_1039 = arith.constant 384 : i32
    %dma_start3A_1040 = arith.constant 0 : i32
    %dma_start3A_1041 = tpu.memref_slice %arg12[%dma_start3A_1039, %dma_start3A_1040] : memref<2560x16xf32, #tpu.memory_space<vmem>> -> memref<128x16xf32, #tpu.memory_space<vmem>>
    %dma_start3A_1042 = arith.constant 384 : i32
    %dma_start3A_1043 = tpu.memref_slice %arg11[%dma_start3A_1042] : memref<2560xi32, #tpu.memory_space<vmem>> -> memref<128xi32, #tpu.memory_space<vmem>>
    %dma_start3A_1044 = arith.constant 0 : i32
    %dma_start3A_1045 = arith.constant 0 : i32
    %dma_start3A_1046 = tpu.memref_slice %arg4[%dma_start3A_1044, %dma_start3A_1045] : memref<400000x16xf32, #tpu.memory_space<hbm>> -> memref<400000x16xf32, #tpu.memory_space<hbm>>
    tpu.enqueue_indirect_dma source(%dma_start3A_1046 : memref<400000x16xf32, #tpu.memory_space<hbm>>) target(%dma_start3A_1041 : memref<128x16xf32, #tpu.memory_space<vmem>>) offsets(%dma_start3A_1043 : memref<128xi32, #tpu.memory_space<vmem>>) semaphore(%arg16 : memref<!tpu.dma_semaphore, #tpu.memory_space<semaphore_mem>>)
    %dma_start3A_1047 = arith.constant 512 : i32
    %dma_start3A_1048 = arith.constant 0 : i32
    %dma_start3A_1049 = tpu.memref_slice %arg12[%dma_start3A_1047, %dma_start3A_1048] : memref<2560x16xf32, #tpu.memory_space<vmem>> -> memref<128x16xf32, #tpu.memory_space<vmem>>
    %dma_start3A_1050 = arith.constant 512 : i32
    %dma_start3A_1051 = tpu.memref_slice %arg11[%dma_start3A_1050] : memref<2560xi32, #tpu.memory_space<vmem>> -> memref<128xi32, #tpu.memory_space<vmem>>
    %dma_start3A_1052 = arith.constant 0 : i32
    %dma_start3A_1053 = arith.constant 0 : i32
    %dma_start3A_1054 = tpu.memref_slice %arg4[%dma_start3A_1052, %dma_start3A_1053] : memref<400000x16xf32, #tpu.memory_space<hbm>> -> memref<400000x16xf32, #tpu.memory_space<hbm>>
    tpu.enqueue_indirect_dma source(%dma_start3A_1054 : memref<400000x16xf32, #tpu.memory_space<hbm>>) target(%dma_start3A_1049 : memref<128x16xf32, #tpu.memory_space<vmem>>) offsets(%dma_start3A_1051 : memref<128xi32, #tpu.memory_space<vmem>>) semaphore(%arg16 : memref<!tpu.dma_semaphore, #tpu.memory_space<semaphore_mem>>)
    %dma_start3A_1055 = arith.constant 640 : i32
    %dma_start3A_1056 = arith.constant 0 : i32
    %dma_start3A_1057 = tpu.memref_slice %arg12[%dma_start3A_1055, %dma_start3A_1056] : memref<2560x16xf32, #tpu.memory_space<vmem>> -> memref<128x16xf32, #tpu.memory_space<vmem>>
    %dma_start3A_1058 = arith.constant 640 : i32
    %dma_start3A_1059 = tpu.memref_slice %arg11[%dma_start3A_1058] : memref<2560xi32, #tpu.memory_space<vmem>> -> memref<128xi32, #tpu.memory_space<vmem>>
    %dma_start3A_1060 = arith.constant 0 : i32
    %dma_start3A_1061 = arith.constant 0 : i32
    %dma_start3A_1062 = tpu.memref_slice %arg4[%dma_start3A_1060, %dma_start3A_1061] : memref<400000x16xf32, #tpu.memory_space<hbm>> -> memref<400000x16xf32, #tpu.memory_space<hbm>>
    tpu.enqueue_indirect_dma source(%dma_start3A_1062 : memref<400000x16xf32, #tpu.memory_space<hbm>>) target(%dma_start3A_1057 : memref<128x16xf32, #tpu.memory_space<vmem>>) offsets(%dma_start3A_1059 : memref<128xi32, #tpu.memory_space<vmem>>) semaphore(%arg16 : memref<!tpu.dma_semaphore, #tpu.memory_space<semaphore_mem>>)
    %dma_start3A_1063 = arith.constant 768 : i32
    %dma_start3A_1064 = arith.constant 0 : i32
    %dma_start3A_1065 = tpu.memref_slice %arg12[%dma_start3A_1063, %dma_start3A_1064] : memref<2560x16xf32, #tpu.memory_space<vmem>> -> memref<128x16xf32, #tpu.memory_space<vmem>>
    %dma_start3A_1066 = arith.constant 768 : i32
    %dma_start3A_1067 = tpu.memref_slice %arg11[%dma_start3A_1066] : memref<2560xi32, #tpu.memory_space<vmem>> -> memref<128xi32, #tpu.memory_space<vmem>>
    %dma_start3A_1068 = arith.constant 0 : i32
    %dma_start3A_1069 = arith.constant 0 : i32
    %dma_start3A_1070 = tpu.memref_slice %arg4[%dma_start3A_1068, %dma_start3A_1069] : memref<400000x16xf32, #tpu.memory_space<hbm>> -> memref<400000x16xf32, #tpu.memory_space<hbm>>
    tpu.enqueue_indirect_dma source(%dma_start3A_1070 : memref<400000x16xf32, #tpu.memory_space<hbm>>) target(%dma_start3A_1065 : memref<128x16xf32, #tpu.memory_space<vmem>>) offsets(%dma_start3A_1067 : memref<128xi32, #tpu.memory_space<vmem>>) semaphore(%arg16 : memref<!tpu.dma_semaphore, #tpu.memory_space<semaphore_mem>>)
    %dma_start3A_1071 = arith.constant 896 : i32
    %dma_start3A_1072 = arith.constant 0 : i32
    %dma_start3A_1073 = tpu.memref_slice %arg12[%dma_start3A_1071, %dma_start3A_1072] : memref<2560x16xf32, #tpu.memory_space<vmem>> -> memref<128x16xf32, #tpu.memory_space<vmem>>
    %dma_start3A_1074 = arith.constant 896 : i32
    %dma_start3A_1075 = tpu.memref_slice %arg11[%dma_start3A_1074] : memref<2560xi32, #tpu.memory_space<vmem>> -> memref<128xi32, #tpu.memory_space<vmem>>
    %dma_start3A_1076 = arith.constant 0 : i32
    %dma_start3A_1077 = arith.constant 0 : i32
    %dma_start3A_1078 = tpu.memref_slice %arg4[%dma_start3A_1076, %dma_start3A_1077] : memref<400000x16xf32, #tpu.memory_space<hbm>> -> memref<400000x16xf32, #tpu.memory_space<hbm>>
    tpu.enqueue_indirect_dma source(%dma_start3A_1078 : memref<400000x16xf32, #tpu.memory_space<hbm>>) target(%dma_start3A_1073 : memref<128x16xf32, #tpu.memory_space<vmem>>) offsets(%dma_start3A_1075 : memref<128xi32, #tpu.memory_space<vmem>>) semaphore(%arg16 : memref<!tpu.dma_semaphore, #tpu.memory_space<semaphore_mem>>)
    %dma_start3A_1079 = arith.constant 1024 : i32
    %dma_start3A_1080 = arith.constant 0 : i32
    %dma_start3A_1081 = tpu.memref_slice %arg12[%dma_start3A_1079, %dma_start3A_1080] : memref<2560x16xf32, #tpu.memory_space<vmem>> -> memref<128x16xf32, #tpu.memory_space<vmem>>
    %dma_start3A_1082 = arith.constant 1024 : i32
    %dma_start3A_1083 = tpu.memref_slice %arg11[%dma_start3A_1082] : memref<2560xi32, #tpu.memory_space<vmem>> -> memref<128xi32, #tpu.memory_space<vmem>>
    %dma_start3A_1084 = arith.constant 0 : i32
    %dma_start3A_1085 = arith.constant 0 : i32
    %dma_start3A_1086 = tpu.memref_slice %arg4[%dma_start3A_1084, %dma_start3A_1085] : memref<400000x16xf32, #tpu.memory_space<hbm>> -> memref<400000x16xf32, #tpu.memory_space<hbm>>
    tpu.enqueue_indirect_dma source(%dma_start3A_1086 : memref<400000x16xf32, #tpu.memory_space<hbm>>) target(%dma_start3A_1081 : memref<128x16xf32, #tpu.memory_space<vmem>>) offsets(%dma_start3A_1083 : memref<128xi32, #tpu.memory_space<vmem>>) semaphore(%arg16 : memref<!tpu.dma_semaphore, #tpu.memory_space<semaphore_mem>>)
    %dma_start3A_1087 = arith.constant 1152 : i32
    %dma_start3A_1088 = arith.constant 0 : i32
    %dma_start3A_1089 = tpu.memref_slice %arg12[%dma_start3A_1087, %dma_start3A_1088] : memref<2560x16xf32, #tpu.memory_space<vmem>> -> memref<128x16xf32, #tpu.memory_space<vmem>>
    %dma_start3A_1090 = arith.constant 1152 : i32
    %dma_start3A_1091 = tpu.memref_slice %arg11[%dma_start3A_1090] : memref<2560xi32, #tpu.memory_space<vmem>> -> memref<128xi32, #tpu.memory_space<vmem>>
    %dma_start3A_1092 = arith.constant 0 : i32
    %dma_start3A_1093 = arith.constant 0 : i32
    %dma_start3A_1094 = tpu.memref_slice %arg4[%dma_start3A_1092, %dma_start3A_1093] : memref<400000x16xf32, #tpu.memory_space<hbm>> -> memref<400000x16xf32, #tpu.memory_space<hbm>>
    tpu.enqueue_indirect_dma source(%dma_start3A_1094 : memref<400000x16xf32, #tpu.memory_space<hbm>>) target(%dma_start3A_1089 : memref<128x16xf32, #tpu.memory_space<vmem>>) offsets(%dma_start3A_1091 : memref<128xi32, #tpu.memory_space<vmem>>) semaphore(%arg16 : memref<!tpu.dma_semaphore, #tpu.memory_space<semaphore_mem>>)
    %dma_start3A_1095 = arith.constant 1280 : i32
    %dma_start3A_1096 = arith.constant 0 : i32
    %dma_start3A_1097 = tpu.memref_slice %arg12[%dma_start3A_1095, %dma_start3A_1096] : memref<2560x16xf32, #tpu.memory_space<vmem>> -> memref<128x16xf32, #tpu.memory_space<vmem>>
    %dma_start3A_1098 = arith.constant 1280 : i32
    %dma_start3A_1099 = tpu.memref_slice %arg11[%dma_start3A_1098] : memref<2560xi32, #tpu.memory_space<vmem>> -> memref<128xi32, #tpu.memory_space<vmem>>
    %dma_start3A_1100 = arith.constant 0 : i32
    %dma_start3A_1101 = arith.constant 0 : i32
    %dma_start3A_1102 = tpu.memref_slice %arg4[%dma_start3A_1100, %dma_start3A_1101] : memref<400000x16xf32, #tpu.memory_space<hbm>> -> memref<400000x16xf32, #tpu.memory_space<hbm>>
    tpu.enqueue_indirect_dma source(%dma_start3A_1102 : memref<400000x16xf32, #tpu.memory_space<hbm>>) target(%dma_start3A_1097 : memref<128x16xf32, #tpu.memory_space<vmem>>) offsets(%dma_start3A_1099 : memref<128xi32, #tpu.memory_space<vmem>>) semaphore(%arg16 : memref<!tpu.dma_semaphore, #tpu.memory_space<semaphore_mem>>)
    %dma_start3A_1103 = arith.constant 1408 : i32
    %dma_start3A_1104 = arith.constant 0 : i32
    %dma_start3A_1105 = tpu.memref_slice %arg12[%dma_start3A_1103, %dma_start3A_1104] : memref<2560x16xf32, #tpu.memory_space<vmem>> -> memref<128x16xf32, #tpu.memory_space<vmem>>
    %dma_start3A_1106 = arith.constant 1408 : i32
    %dma_start3A_1107 = tpu.memref_slice %arg11[%dma_start3A_1106] : memref<2560xi32, #tpu.memory_space<vmem>> -> memref<128xi32, #tpu.memory_space<vmem>>
    %dma_start3A_1108 = arith.constant 0 : i32
    %dma_start3A_1109 = arith.constant 0 : i32
    %dma_start3A_1110 = tpu.memref_slice %arg4[%dma_start3A_1108, %dma_start3A_1109] : memref<400000x16xf32, #tpu.memory_space<hbm>> -> memref<400000x16xf32, #tpu.memory_space<hbm>>
    tpu.enqueue_indirect_dma source(%dma_start3A_1110 : memref<400000x16xf32, #tpu.memory_space<hbm>>) target(%dma_start3A_1105 : memref<128x16xf32, #tpu.memory_space<vmem>>) offsets(%dma_start3A_1107 : memref<128xi32, #tpu.memory_space<vmem>>) semaphore(%arg16 : memref<!tpu.dma_semaphore, #tpu.memory_space<semaphore_mem>>)
    %dma_start3A_1111 = arith.constant 1536 : i32
    %dma_start3A_1112 = arith.constant 0 : i32
    %dma_start3A_1113 = tpu.memref_slice %arg12[%dma_start3A_1111, %dma_start3A_1112] : memref<2560x16xf32, #tpu.memory_space<vmem>> -> memref<128x16xf32, #tpu.memory_space<vmem>>
    %dma_start3A_1114 = arith.constant 1536 : i32
    %dma_start3A_1115 = tpu.memref_slice %arg11[%dma_start3A_1114] : memref<2560xi32, #tpu.memory_space<vmem>> -> memref<128xi32, #tpu.memory_space<vmem>>
    %dma_start3A_1116 = arith.constant 0 : i32
    %dma_start3A_1117 = arith.constant 0 : i32
    %dma_start3A_1118 = tpu.memref_slice %arg4[%dma_start3A_1116, %dma_start3A_1117] : memref<400000x16xf32, #tpu.memory_space<hbm>> -> memref<400000x16xf32, #tpu.memory_space<hbm>>
    tpu.enqueue_indirect_dma source(%dma_start3A_1118 : memref<400000x16xf32, #tpu.memory_space<hbm>>) target(%dma_start3A_1113 : memref<128x16xf32, #tpu.memory_space<vmem>>) offsets(%dma_start3A_1115 : memref<128xi32, #tpu.memory_space<vmem>>) semaphore(%arg16 : memref<!tpu.dma_semaphore, #tpu.memory_space<semaphore_mem>>)
    %dma_start3A_1119 = arith.constant 1664 : i32
    %dma_start3A_1120 = arith.constant 0 : i32
    %dma_start3A_1121 = tpu.memref_slice %arg12[%dma_start3A_1119, %dma_start3A_1120] : memref<2560x16xf32, #tpu.memory_space<vmem>> -> memref<128x16xf32, #tpu.memory_space<vmem>>
    %dma_start3A_1122 = arith.constant 1664 : i32
    %dma_start3A_1123 = tpu.memref_slice %arg11[%dma_start3A_1122] : memref<2560xi32, #tpu.memory_space<vmem>> -> memref<128xi32, #tpu.memory_space<vmem>>
    %dma_start3A_1124 = arith.constant 0 : i32
    %dma_start3A_1125 = arith.constant 0 : i32
    %dma_start3A_1126 = tpu.memref_slice %arg4[%dma_start3A_1124, %dma_start3A_1125] : memref<400000x16xf32, #tpu.memory_space<hbm>> -> memref<400000x16xf32, #tpu.memory_space<hbm>>
    tpu.enqueue_indirect_dma source(%dma_start3A_1126 : memref<400000x16xf32, #tpu.memory_space<hbm>>) target(%dma_start3A_1121 : memref<128x16xf32, #tpu.memory_space<vmem>>) offsets(%dma_start3A_1123 : memref<128xi32, #tpu.memory_space<vmem>>) semaphore(%arg16 : memref<!tpu.dma_semaphore, #tpu.memory_space<semaphore_mem>>)
    %dma_start3A_1127 = arith.constant 1792 : i32
    %dma_start3A_1128 = arith.constant 0 : i32
    %dma_start3A_1129 = tpu.memref_slice %arg12[%dma_start3A_1127, %dma_start3A_1128] : memref<2560x16xf32, #tpu.memory_space<vmem>> -> memref<128x16xf32, #tpu.memory_space<vmem>>
    %dma_start3A_1130 = arith.constant 1792 : i32
    %dma_start3A_1131 = tpu.memref_slice %arg11[%dma_start3A_1130] : memref<2560xi32, #tpu.memory_space<vmem>> -> memref<128xi32, #tpu.memory_space<vmem>>
    %dma_start3A_1132 = arith.constant 0 : i32
    %dma_start3A_1133 = arith.constant 0 : i32
    %dma_start3A_1134 = tpu.memref_slice %arg4[%dma_start3A_1132, %dma_start3A_1133] : memref<400000x16xf32, #tpu.memory_space<hbm>> -> memref<400000x16xf32, #tpu.memory_space<hbm>>
    tpu.enqueue_indirect_dma source(%dma_start3A_1134 : memref<400000x16xf32, #tpu.memory_space<hbm>>) target(%dma_start3A_1129 : memref<128x16xf32, #tpu.memory_space<vmem>>) offsets(%dma_start3A_1131 : memref<128xi32, #tpu.memory_space<vmem>>) semaphore(%arg16 : memref<!tpu.dma_semaphore, #tpu.memory_space<semaphore_mem>>)
    %dma_start3A_1135 = arith.constant 1920 : i32
    %dma_start3A_1136 = arith.constant 0 : i32
    %dma_start3A_1137 = tpu.memref_slice %arg12[%dma_start3A_1135, %dma_start3A_1136] : memref<2560x16xf32, #tpu.memory_space<vmem>> -> memref<128x16xf32, #tpu.memory_space<vmem>>
    %dma_start3A_1138 = arith.constant 1920 : i32
    %dma_start3A_1139 = tpu.memref_slice %arg11[%dma_start3A_1138] : memref<2560xi32, #tpu.memory_space<vmem>> -> memref<128xi32, #tpu.memory_space<vmem>>
    %dma_start3A_1140 = arith.constant 0 : i32
    %dma_start3A_1141 = arith.constant 0 : i32
    %dma_start3A_1142 = tpu.memref_slice %arg4[%dma_start3A_1140, %dma_start3A_1141] : memref<400000x16xf32, #tpu.memory_space<hbm>> -> memref<400000x16xf32, #tpu.memory_space<hbm>>
    tpu.enqueue_indirect_dma source(%dma_start3A_1142 : memref<400000x16xf32, #tpu.memory_space<hbm>>) target(%dma_start3A_1137 : memref<128x16xf32, #tpu.memory_space<vmem>>) offsets(%dma_start3A_1139 : memref<128xi32, #tpu.memory_space<vmem>>) semaphore(%arg16 : memref<!tpu.dma_semaphore, #tpu.memory_space<semaphore_mem>>)
    %dma_start3A_1143 = arith.constant 2048 : i32
    %dma_start3A_1144 = arith.constant 0 : i32
    %dma_start3A_1145 = tpu.memref_slice %arg12[%dma_start3A_1143, %dma_start3A_1144] : memref<2560x16xf32, #tpu.memory_space<vmem>> -> memref<128x16xf32, #tpu.memory_space<vmem>>
    %dma_start3A_1146 = arith.constant 2048 : i32
    %dma_start3A_1147 = tpu.memref_slice %arg11[%dma_start3A_1146] : memref<2560xi32, #tpu.memory_space<vmem>> -> memref<128xi32, #tpu.memory_space<vmem>>
    %dma_start3A_1148 = arith.constant 0 : i32
    %dma_start3A_1149 = arith.constant 0 : i32
    %dma_start3A_1150 = tpu.memref_slice %arg4[%dma_start3A_1148, %dma_start3A_1149] : memref<400000x16xf32, #tpu.memory_space<hbm>> -> memref<400000x16xf32, #tpu.memory_space<hbm>>
    tpu.enqueue_indirect_dma source(%dma_start3A_1150 : memref<400000x16xf32, #tpu.memory_space<hbm>>) target(%dma_start3A_1145 : memref<128x16xf32, #tpu.memory_space<vmem>>) offsets(%dma_start3A_1147 : memref<128xi32, #tpu.memory_space<vmem>>) semaphore(%arg16 : memref<!tpu.dma_semaphore, #tpu.memory_space<semaphore_mem>>)
    %dma_start3A_1151 = arith.constant 2176 : i32
    %dma_start3A_1152 = arith.constant 0 : i32
    %dma_start3A_1153 = tpu.memref_slice %arg12[%dma_start3A_1151, %dma_start3A_1152] : memref<2560x16xf32, #tpu.memory_space<vmem>> -> memref<128x16xf32, #tpu.memory_space<vmem>>
    %dma_start3A_1154 = arith.constant 2176 : i32
    %dma_start3A_1155 = tpu.memref_slice %arg11[%dma_start3A_1154] : memref<2560xi32, #tpu.memory_space<vmem>> -> memref<128xi32, #tpu.memory_space<vmem>>
    %dma_start3A_1156 = arith.constant 0 : i32
    %dma_start3A_1157 = arith.constant 0 : i32
    %dma_start3A_1158 = tpu.memref_slice %arg4[%dma_start3A_1156, %dma_start3A_1157] : memref<400000x16xf32, #tpu.memory_space<hbm>> -> memref<400000x16xf32, #tpu.memory_space<hbm>>
    tpu.enqueue_indirect_dma source(%dma_start3A_1158 : memref<400000x16xf32, #tpu.memory_space<hbm>>) target(%dma_start3A_1153 : memref<128x16xf32, #tpu.memory_space<vmem>>) offsets(%dma_start3A_1155 : memref<128xi32, #tpu.memory_space<vmem>>) semaphore(%arg16 : memref<!tpu.dma_semaphore, #tpu.memory_space<semaphore_mem>>)
    %dma_start3A_1159 = arith.constant 2304 : i32
    %dma_start3A_1160 = arith.constant 0 : i32
    %dma_start3A_1161 = tpu.memref_slice %arg12[%dma_start3A_1159, %dma_start3A_1160] : memref<2560x16xf32, #tpu.memory_space<vmem>> -> memref<128x16xf32, #tpu.memory_space<vmem>>
    %dma_start3A_1162 = arith.constant 2304 : i32
    %dma_start3A_1163 = tpu.memref_slice %arg11[%dma_start3A_1162] : memref<2560xi32, #tpu.memory_space<vmem>> -> memref<128xi32, #tpu.memory_space<vmem>>
    %dma_start3A_1164 = arith.constant 0 : i32
    %dma_start3A_1165 = arith.constant 0 : i32
    %dma_start3A_1166 = tpu.memref_slice %arg4[%dma_start3A_1164, %dma_start3A_1165] : memref<400000x16xf32, #tpu.memory_space<hbm>> -> memref<400000x16xf32, #tpu.memory_space<hbm>>
    tpu.enqueue_indirect_dma source(%dma_start3A_1166 : memref<400000x16xf32, #tpu.memory_space<hbm>>) target(%dma_start3A_1161 : memref<128x16xf32, #tpu.memory_space<vmem>>) offsets(%dma_start3A_1163 : memref<128xi32, #tpu.memory_space<vmem>>) semaphore(%arg16 : memref<!tpu.dma_semaphore, #tpu.memory_space<semaphore_mem>>)
    %dma_start3A_1167 = arith.constant 2432 : i32
    %dma_start3A_1168 = arith.constant 0 : i32
    %dma_start3A_1169 = tpu.memref_slice %arg12[%dma_start3A_1167, %dma_start3A_1168] : memref<2560x16xf32, #tpu.memory_space<vmem>> -> memref<128x16xf32, #tpu.memory_space<vmem>>
    %dma_start3A_1170 = arith.constant 2432 : i32
    %dma_start3A_1171 = tpu.memref_slice %arg11[%dma_start3A_1170] : memref<2560xi32, #tpu.memory_space<vmem>> -> memref<128xi32, #tpu.memory_space<vmem>>
    %dma_start3A_1172 = arith.constant 0 : i32
    %dma_start3A_1173 = arith.constant 0 : i32
    %dma_start3A_1174 = tpu.memref_slice %arg4[%dma_start3A_1172, %dma_start3A_1173] : memref<400000x16xf32, #tpu.memory_space<hbm>> -> memref<400000x16xf32, #tpu.memory_space<hbm>>
    tpu.enqueue_indirect_dma source(%dma_start3A_1174 : memref<400000x16xf32, #tpu.memory_space<hbm>>) target(%dma_start3A_1169 : memref<128x16xf32, #tpu.memory_space<vmem>>) offsets(%dma_start3A_1171 : memref<128xi32, #tpu.memory_space<vmem>>) semaphore(%arg16 : memref<!tpu.dma_semaphore, #tpu.memory_space<semaphore_mem>>)
    %dma_wait3A_1175 = arith.constant 0 : i32
    %dma_wait3A_1176 = arith.constant 0 : i32
    %dma_wait3A_1177 = tpu.memref_slice %arg12[%dma_wait3A_1175, %dma_wait3A_1176] : memref<2560x16xf32, #tpu.memory_space<vmem>> -> memref<128x16xf32, #tpu.memory_space<vmem>>
    %dma_wait3A_1178 = arith.constant 0 : i32
    %dma_wait3A_1179 = tpu.memref_slice %arg11[%dma_wait3A_1178] : memref<2560xi32, #tpu.memory_space<vmem>> -> memref<128xi32, #tpu.memory_space<vmem>>
    %dma_wait3A_1180 = arith.constant 0 : i32
    %dma_wait3A_1181 = arith.constant 0 : i32
    %dma_wait3A_1182 = tpu.memref_slice %arg4[%dma_wait3A_1180, %dma_wait3A_1181] : memref<400000x16xf32, #tpu.memory_space<hbm>> -> memref<400000x16xf32, #tpu.memory_space<hbm>>
    tpu.wait_indirect_dma semaphore(%arg16 : memref<!tpu.dma_semaphore, #tpu.memory_space<semaphore_mem>>) src(%dma_wait3A_1182 : memref<400000x16xf32, #tpu.memory_space<hbm>>) dst(%dma_wait3A_1177 : memref<128x16xf32, #tpu.memory_space<vmem>>)
    %dma_wait3A_1183 = arith.constant 128 : i32
    %dma_wait3A_1184 = arith.constant 0 : i32
    %dma_wait3A_1185 = tpu.memref_slice %arg12[%dma_wait3A_1183, %dma_wait3A_1184] : memref<2560x16xf32, #tpu.memory_space<vmem>> -> memref<128x16xf32, #tpu.memory_space<vmem>>
    %dma_wait3A_1186 = arith.constant 128 : i32
    %dma_wait3A_1187 = tpu.memref_slice %arg11[%dma_wait3A_1186] : memref<2560xi32, #tpu.memory_space<vmem>> -> memref<128xi32, #tpu.memory_space<vmem>>
    %dma_wait3A_1188 = arith.constant 0 : i32
    %dma_wait3A_1189 = arith.constant 0 : i32
    %dma_wait3A_1190 = tpu.memref_slice %arg4[%dma_wait3A_1188, %dma_wait3A_1189] : memref<400000x16xf32, #tpu.memory_space<hbm>> -> memref<400000x16xf32, #tpu.memory_space<hbm>>
    tpu.wait_indirect_dma semaphore(%arg16 : memref<!tpu.dma_semaphore, #tpu.memory_space<semaphore_mem>>) src(%dma_wait3A_1190 : memref<400000x16xf32, #tpu.memory_space<hbm>>) dst(%dma_wait3A_1185 : memref<128x16xf32, #tpu.memory_space<vmem>>)
    %dma_wait3A_1191 = arith.constant 256 : i32
    %dma_wait3A_1192 = arith.constant 0 : i32
    %dma_wait3A_1193 = tpu.memref_slice %arg12[%dma_wait3A_1191, %dma_wait3A_1192] : memref<2560x16xf32, #tpu.memory_space<vmem>> -> memref<128x16xf32, #tpu.memory_space<vmem>>
    %dma_wait3A_1194 = arith.constant 256 : i32
    %dma_wait3A_1195 = tpu.memref_slice %arg11[%dma_wait3A_1194] : memref<2560xi32, #tpu.memory_space<vmem>> -> memref<128xi32, #tpu.memory_space<vmem>>
    %dma_wait3A_1196 = arith.constant 0 : i32
    %dma_wait3A_1197 = arith.constant 0 : i32
    %dma_wait3A_1198 = tpu.memref_slice %arg4[%dma_wait3A_1196, %dma_wait3A_1197] : memref<400000x16xf32, #tpu.memory_space<hbm>> -> memref<400000x16xf32, #tpu.memory_space<hbm>>
    tpu.wait_indirect_dma semaphore(%arg16 : memref<!tpu.dma_semaphore, #tpu.memory_space<semaphore_mem>>) src(%dma_wait3A_1198 : memref<400000x16xf32, #tpu.memory_space<hbm>>) dst(%dma_wait3A_1193 : memref<128x16xf32, #tpu.memory_space<vmem>>)
    %dma_wait3A_1199 = arith.constant 384 : i32
    %dma_wait3A_1200 = arith.constant 0 : i32
    %dma_wait3A_1201 = tpu.memref_slice %arg12[%dma_wait3A_1199, %dma_wait3A_1200] : memref<2560x16xf32, #tpu.memory_space<vmem>> -> memref<128x16xf32, #tpu.memory_space<vmem>>
    %dma_wait3A_1202 = arith.constant 384 : i32
    %dma_wait3A_1203 = tpu.memref_slice %arg11[%dma_wait3A_1202] : memref<2560xi32, #tpu.memory_space<vmem>> -> memref<128xi32, #tpu.memory_space<vmem>>
    %dma_wait3A_1204 = arith.constant 0 : i32
    %dma_wait3A_1205 = arith.constant 0 : i32
    %dma_wait3A_1206 = tpu.memref_slice %arg4[%dma_wait3A_1204, %dma_wait3A_1205] : memref<400000x16xf32, #tpu.memory_space<hbm>> -> memref<400000x16xf32, #tpu.memory_space<hbm>>
    tpu.wait_indirect_dma semaphore(%arg16 : memref<!tpu.dma_semaphore, #tpu.memory_space<semaphore_mem>>) src(%dma_wait3A_1206 : memref<400000x16xf32, #tpu.memory_space<hbm>>) dst(%dma_wait3A_1201 : memref<128x16xf32, #tpu.memory_space<vmem>>)
    %dma_wait3A_1207 = arith.constant 512 : i32
    %dma_wait3A_1208 = arith.constant 0 : i32
    %dma_wait3A_1209 = tpu.memref_slice %arg12[%dma_wait3A_1207, %dma_wait3A_1208] : memref<2560x16xf32, #tpu.memory_space<vmem>> -> memref<128x16xf32, #tpu.memory_space<vmem>>
    %dma_wait3A_1210 = arith.constant 512 : i32
    %dma_wait3A_1211 = tpu.memref_slice %arg11[%dma_wait3A_1210] : memref<2560xi32, #tpu.memory_space<vmem>> -> memref<128xi32, #tpu.memory_space<vmem>>
    %dma_wait3A_1212 = arith.constant 0 : i32
    %dma_wait3A_1213 = arith.constant 0 : i32
    %dma_wait3A_1214 = tpu.memref_slice %arg4[%dma_wait3A_1212, %dma_wait3A_1213] : memref<400000x16xf32, #tpu.memory_space<hbm>> -> memref<400000x16xf32, #tpu.memory_space<hbm>>
    tpu.wait_indirect_dma semaphore(%arg16 : memref<!tpu.dma_semaphore, #tpu.memory_space<semaphore_mem>>) src(%dma_wait3A_1214 : memref<400000x16xf32, #tpu.memory_space<hbm>>) dst(%dma_wait3A_1209 : memref<128x16xf32, #tpu.memory_space<vmem>>)
    %dma_wait3A_1215 = arith.constant 640 : i32
    %dma_wait3A_1216 = arith.constant 0 : i32
    %dma_wait3A_1217 = tpu.memref_slice %arg12[%dma_wait3A_1215, %dma_wait3A_1216] : memref<2560x16xf32, #tpu.memory_space<vmem>> -> memref<128x16xf32, #tpu.memory_space<vmem>>
    %dma_wait3A_1218 = arith.constant 640 : i32
    %dma_wait3A_1219 = tpu.memref_slice %arg11[%dma_wait3A_1218] : memref<2560xi32, #tpu.memory_space<vmem>> -> memref<128xi32, #tpu.memory_space<vmem>>
    %dma_wait3A_1220 = arith.constant 0 : i32
    %dma_wait3A_1221 = arith.constant 0 : i32
    %dma_wait3A_1222 = tpu.memref_slice %arg4[%dma_wait3A_1220, %dma_wait3A_1221] : memref<400000x16xf32, #tpu.memory_space<hbm>> -> memref<400000x16xf32, #tpu.memory_space<hbm>>
    tpu.wait_indirect_dma semaphore(%arg16 : memref<!tpu.dma_semaphore, #tpu.memory_space<semaphore_mem>>) src(%dma_wait3A_1222 : memref<400000x16xf32, #tpu.memory_space<hbm>>) dst(%dma_wait3A_1217 : memref<128x16xf32, #tpu.memory_space<vmem>>)
    %dma_wait3A_1223 = arith.constant 768 : i32
    %dma_wait3A_1224 = arith.constant 0 : i32
    %dma_wait3A_1225 = tpu.memref_slice %arg12[%dma_wait3A_1223, %dma_wait3A_1224] : memref<2560x16xf32, #tpu.memory_space<vmem>> -> memref<128x16xf32, #tpu.memory_space<vmem>>
    %dma_wait3A_1226 = arith.constant 768 : i32
    %dma_wait3A_1227 = tpu.memref_slice %arg11[%dma_wait3A_1226] : memref<2560xi32, #tpu.memory_space<vmem>> -> memref<128xi32, #tpu.memory_space<vmem>>
    %dma_wait3A_1228 = arith.constant 0 : i32
    %dma_wait3A_1229 = arith.constant 0 : i32
    %dma_wait3A_1230 = tpu.memref_slice %arg4[%dma_wait3A_1228, %dma_wait3A_1229] : memref<400000x16xf32, #tpu.memory_space<hbm>> -> memref<400000x16xf32, #tpu.memory_space<hbm>>
    tpu.wait_indirect_dma semaphore(%arg16 : memref<!tpu.dma_semaphore, #tpu.memory_space<semaphore_mem>>) src(%dma_wait3A_1230 : memref<400000x16xf32, #tpu.memory_space<hbm>>) dst(%dma_wait3A_1225 : memref<128x16xf32, #tpu.memory_space<vmem>>)
    %dma_wait3A_1231 = arith.constant 896 : i32
    %dma_wait3A_1232 = arith.constant 0 : i32
    %dma_wait3A_1233 = tpu.memref_slice %arg12[%dma_wait3A_1231, %dma_wait3A_1232] : memref<2560x16xf32, #tpu.memory_space<vmem>> -> memref<128x16xf32, #tpu.memory_space<vmem>>
    %dma_wait3A_1234 = arith.constant 896 : i32
    %dma_wait3A_1235 = tpu.memref_slice %arg11[%dma_wait3A_1234] : memref<2560xi32, #tpu.memory_space<vmem>> -> memref<128xi32, #tpu.memory_space<vmem>>
    %dma_wait3A_1236 = arith.constant 0 : i32
    %dma_wait3A_1237 = arith.constant 0 : i32
    %dma_wait3A_1238 = tpu.memref_slice %arg4[%dma_wait3A_1236, %dma_wait3A_1237] : memref<400000x16xf32, #tpu.memory_space<hbm>> -> memref<400000x16xf32, #tpu.memory_space<hbm>>
    tpu.wait_indirect_dma semaphore(%arg16 : memref<!tpu.dma_semaphore, #tpu.memory_space<semaphore_mem>>) src(%dma_wait3A_1238 : memref<400000x16xf32, #tpu.memory_space<hbm>>) dst(%dma_wait3A_1233 : memref<128x16xf32, #tpu.memory_space<vmem>>)
    %dma_wait3A_1239 = arith.constant 1024 : i32
    %dma_wait3A_1240 = arith.constant 0 : i32
    %dma_wait3A_1241 = tpu.memref_slice %arg12[%dma_wait3A_1239, %dma_wait3A_1240] : memref<2560x16xf32, #tpu.memory_space<vmem>> -> memref<128x16xf32, #tpu.memory_space<vmem>>
    %dma_wait3A_1242 = arith.constant 1024 : i32
    %dma_wait3A_1243 = tpu.memref_slice %arg11[%dma_wait3A_1242] : memref<2560xi32, #tpu.memory_space<vmem>> -> memref<128xi32, #tpu.memory_space<vmem>>
    %dma_wait3A_1244 = arith.constant 0 : i32
    %dma_wait3A_1245 = arith.constant 0 : i32
    %dma_wait3A_1246 = tpu.memref_slice %arg4[%dma_wait3A_1244, %dma_wait3A_1245] : memref<400000x16xf32, #tpu.memory_space<hbm>> -> memref<400000x16xf32, #tpu.memory_space<hbm>>
    tpu.wait_indirect_dma semaphore(%arg16 : memref<!tpu.dma_semaphore, #tpu.memory_space<semaphore_mem>>) src(%dma_wait3A_1246 : memref<400000x16xf32, #tpu.memory_space<hbm>>) dst(%dma_wait3A_1241 : memref<128x16xf32, #tpu.memory_space<vmem>>)
    %dma_wait3A_1247 = arith.constant 1152 : i32
    %dma_wait3A_1248 = arith.constant 0 : i32
    %dma_wait3A_1249 = tpu.memref_slice %arg12[%dma_wait3A_1247, %dma_wait3A_1248] : memref<2560x16xf32, #tpu.memory_space<vmem>> -> memref<128x16xf32, #tpu.memory_space<vmem>>
    %dma_wait3A_1250 = arith.constant 1152 : i32
    %dma_wait3A_1251 = tpu.memref_slice %arg11[%dma_wait3A_1250] : memref<2560xi32, #tpu.memory_space<vmem>> -> memref<128xi32, #tpu.memory_space<vmem>>
    %dma_wait3A_1252 = arith.constant 0 : i32
    %dma_wait3A_1253 = arith.constant 0 : i32
    %dma_wait3A_1254 = tpu.memref_slice %arg4[%dma_wait3A_1252, %dma_wait3A_1253] : memref<400000x16xf32, #tpu.memory_space<hbm>> -> memref<400000x16xf32, #tpu.memory_space<hbm>>
    tpu.wait_indirect_dma semaphore(%arg16 : memref<!tpu.dma_semaphore, #tpu.memory_space<semaphore_mem>>) src(%dma_wait3A_1254 : memref<400000x16xf32, #tpu.memory_space<hbm>>) dst(%dma_wait3A_1249 : memref<128x16xf32, #tpu.memory_space<vmem>>)
    %dma_wait3A_1255 = arith.constant 1280 : i32
    %dma_wait3A_1256 = arith.constant 0 : i32
    %dma_wait3A_1257 = tpu.memref_slice %arg12[%dma_wait3A_1255, %dma_wait3A_1256] : memref<2560x16xf32, #tpu.memory_space<vmem>> -> memref<128x16xf32, #tpu.memory_space<vmem>>
    %dma_wait3A_1258 = arith.constant 1280 : i32
    %dma_wait3A_1259 = tpu.memref_slice %arg11[%dma_wait3A_1258] : memref<2560xi32, #tpu.memory_space<vmem>> -> memref<128xi32, #tpu.memory_space<vmem>>
    %dma_wait3A_1260 = arith.constant 0 : i32
    %dma_wait3A_1261 = arith.constant 0 : i32
    %dma_wait3A_1262 = tpu.memref_slice %arg4[%dma_wait3A_1260, %dma_wait3A_1261] : memref<400000x16xf32, #tpu.memory_space<hbm>> -> memref<400000x16xf32, #tpu.memory_space<hbm>>
    tpu.wait_indirect_dma semaphore(%arg16 : memref<!tpu.dma_semaphore, #tpu.memory_space<semaphore_mem>>) src(%dma_wait3A_1262 : memref<400000x16xf32, #tpu.memory_space<hbm>>) dst(%dma_wait3A_1257 : memref<128x16xf32, #tpu.memory_space<vmem>>)
    %dma_wait3A_1263 = arith.constant 1408 : i32
    %dma_wait3A_1264 = arith.constant 0 : i32
    %dma_wait3A_1265 = tpu.memref_slice %arg12[%dma_wait3A_1263, %dma_wait3A_1264] : memref<2560x16xf32, #tpu.memory_space<vmem>> -> memref<128x16xf32, #tpu.memory_space<vmem>>
    %dma_wait3A_1266 = arith.constant 1408 : i32
    %dma_wait3A_1267 = tpu.memref_slice %arg11[%dma_wait3A_1266] : memref<2560xi32, #tpu.memory_space<vmem>> -> memref<128xi32, #tpu.memory_space<vmem>>
    %dma_wait3A_1268 = arith.constant 0 : i32
    %dma_wait3A_1269 = arith.constant 0 : i32
    %dma_wait3A_1270 = tpu.memref_slice %arg4[%dma_wait3A_1268, %dma_wait3A_1269] : memref<400000x16xf32, #tpu.memory_space<hbm>> -> memref<400000x16xf32, #tpu.memory_space<hbm>>
    tpu.wait_indirect_dma semaphore(%arg16 : memref<!tpu.dma_semaphore, #tpu.memory_space<semaphore_mem>>) src(%dma_wait3A_1270 : memref<400000x16xf32, #tpu.memory_space<hbm>>) dst(%dma_wait3A_1265 : memref<128x16xf32, #tpu.memory_space<vmem>>)
    %dma_wait3A_1271 = arith.constant 1536 : i32
    %dma_wait3A_1272 = arith.constant 0 : i32
    %dma_wait3A_1273 = tpu.memref_slice %arg12[%dma_wait3A_1271, %dma_wait3A_1272] : memref<2560x16xf32, #tpu.memory_space<vmem>> -> memref<128x16xf32, #tpu.memory_space<vmem>>
    %dma_wait3A_1274 = arith.constant 1536 : i32
    %dma_wait3A_1275 = tpu.memref_slice %arg11[%dma_wait3A_1274] : memref<2560xi32, #tpu.memory_space<vmem>> -> memref<128xi32, #tpu.memory_space<vmem>>
    %dma_wait3A_1276 = arith.constant 0 : i32
    %dma_wait3A_1277 = arith.constant 0 : i32
    %dma_wait3A_1278 = tpu.memref_slice %arg4[%dma_wait3A_1276, %dma_wait3A_1277] : memref<400000x16xf32, #tpu.memory_space<hbm>> -> memref<400000x16xf32, #tpu.memory_space<hbm>>
    tpu.wait_indirect_dma semaphore(%arg16 : memref<!tpu.dma_semaphore, #tpu.memory_space<semaphore_mem>>) src(%dma_wait3A_1278 : memref<400000x16xf32, #tpu.memory_space<hbm>>) dst(%dma_wait3A_1273 : memref<128x16xf32, #tpu.memory_space<vmem>>)
    %dma_wait3A_1279 = arith.constant 1664 : i32
    %dma_wait3A_1280 = arith.constant 0 : i32
    %dma_wait3A_1281 = tpu.memref_slice %arg12[%dma_wait3A_1279, %dma_wait3A_1280] : memref<2560x16xf32, #tpu.memory_space<vmem>> -> memref<128x16xf32, #tpu.memory_space<vmem>>
    %dma_wait3A_1282 = arith.constant 1664 : i32
    %dma_wait3A_1283 = tpu.memref_slice %arg11[%dma_wait3A_1282] : memref<2560xi32, #tpu.memory_space<vmem>> -> memref<128xi32, #tpu.memory_space<vmem>>
    %dma_wait3A_1284 = arith.constant 0 : i32
    %dma_wait3A_1285 = arith.constant 0 : i32
    %dma_wait3A_1286 = tpu.memref_slice %arg4[%dma_wait3A_1284, %dma_wait3A_1285] : memref<400000x16xf32, #tpu.memory_space<hbm>> -> memref<400000x16xf32, #tpu.memory_space<hbm>>
    tpu.wait_indirect_dma semaphore(%arg16 : memref<!tpu.dma_semaphore, #tpu.memory_space<semaphore_mem>>) src(%dma_wait3A_1286 : memref<400000x16xf32, #tpu.memory_space<hbm>>) dst(%dma_wait3A_1281 : memref<128x16xf32, #tpu.memory_space<vmem>>)
    %dma_wait3A_1287 = arith.constant 1792 : i32
    %dma_wait3A_1288 = arith.constant 0 : i32
    %dma_wait3A_1289 = tpu.memref_slice %arg12[%dma_wait3A_1287, %dma_wait3A_1288] : memref<2560x16xf32, #tpu.memory_space<vmem>> -> memref<128x16xf32, #tpu.memory_space<vmem>>
    %dma_wait3A_1290 = arith.constant 1792 : i32
    %dma_wait3A_1291 = tpu.memref_slice %arg11[%dma_wait3A_1290] : memref<2560xi32, #tpu.memory_space<vmem>> -> memref<128xi32, #tpu.memory_space<vmem>>
    %dma_wait3A_1292 = arith.constant 0 : i32
    %dma_wait3A_1293 = arith.constant 0 : i32
    %dma_wait3A_1294 = tpu.memref_slice %arg4[%dma_wait3A_1292, %dma_wait3A_1293] : memref<400000x16xf32, #tpu.memory_space<hbm>> -> memref<400000x16xf32, #tpu.memory_space<hbm>>
    tpu.wait_indirect_dma semaphore(%arg16 : memref<!tpu.dma_semaphore, #tpu.memory_space<semaphore_mem>>) src(%dma_wait3A_1294 : memref<400000x16xf32, #tpu.memory_space<hbm>>) dst(%dma_wait3A_1289 : memref<128x16xf32, #tpu.memory_space<vmem>>)
    %dma_wait3A_1295 = arith.constant 1920 : i32
    %dma_wait3A_1296 = arith.constant 0 : i32
    %dma_wait3A_1297 = tpu.memref_slice %arg12[%dma_wait3A_1295, %dma_wait3A_1296] : memref<2560x16xf32, #tpu.memory_space<vmem>> -> memref<128x16xf32, #tpu.memory_space<vmem>>
    %dma_wait3A_1298 = arith.constant 1920 : i32
    %dma_wait3A_1299 = tpu.memref_slice %arg11[%dma_wait3A_1298] : memref<2560xi32, #tpu.memory_space<vmem>> -> memref<128xi32, #tpu.memory_space<vmem>>
    %dma_wait3A_1300 = arith.constant 0 : i32
    %dma_wait3A_1301 = arith.constant 0 : i32
    %dma_wait3A_1302 = tpu.memref_slice %arg4[%dma_wait3A_1300, %dma_wait3A_1301] : memref<400000x16xf32, #tpu.memory_space<hbm>> -> memref<400000x16xf32, #tpu.memory_space<hbm>>
    tpu.wait_indirect_dma semaphore(%arg16 : memref<!tpu.dma_semaphore, #tpu.memory_space<semaphore_mem>>) src(%dma_wait3A_1302 : memref<400000x16xf32, #tpu.memory_space<hbm>>) dst(%dma_wait3A_1297 : memref<128x16xf32, #tpu.memory_space<vmem>>)
    %dma_wait3A_1303 = arith.constant 2048 : i32
    %dma_wait3A_1304 = arith.constant 0 : i32
    %dma_wait3A_1305 = tpu.memref_slice %arg12[%dma_wait3A_1303, %dma_wait3A_1304] : memref<2560x16xf32, #tpu.memory_space<vmem>> -> memref<128x16xf32, #tpu.memory_space<vmem>>
    %dma_wait3A_1306 = arith.constant 2048 : i32
    %dma_wait3A_1307 = tpu.memref_slice %arg11[%dma_wait3A_1306] : memref<2560xi32, #tpu.memory_space<vmem>> -> memref<128xi32, #tpu.memory_space<vmem>>
    %dma_wait3A_1308 = arith.constant 0 : i32
    %dma_wait3A_1309 = arith.constant 0 : i32
    %dma_wait3A_1310 = tpu.memref_slice %arg4[%dma_wait3A_1308, %dma_wait3A_1309] : memref<400000x16xf32, #tpu.memory_space<hbm>> -> memref<400000x16xf32, #tpu.memory_space<hbm>>
    tpu.wait_indirect_dma semaphore(%arg16 : memref<!tpu.dma_semaphore, #tpu.memory_space<semaphore_mem>>) src(%dma_wait3A_1310 : memref<400000x16xf32, #tpu.memory_space<hbm>>) dst(%dma_wait3A_1305 : memref<128x16xf32, #tpu.memory_space<vmem>>)
    %dma_wait3A_1311 = arith.constant 2176 : i32
    %dma_wait3A_1312 = arith.constant 0 : i32
    %dma_wait3A_1313 = tpu.memref_slice %arg12[%dma_wait3A_1311, %dma_wait3A_1312] : memref<2560x16xf32, #tpu.memory_space<vmem>> -> memref<128x16xf32, #tpu.memory_space<vmem>>
    %dma_wait3A_1314 = arith.constant 2176 : i32
    %dma_wait3A_1315 = tpu.memref_slice %arg11[%dma_wait3A_1314] : memref<2560xi32, #tpu.memory_space<vmem>> -> memref<128xi32, #tpu.memory_space<vmem>>
    %dma_wait3A_1316 = arith.constant 0 : i32
    %dma_wait3A_1317 = arith.constant 0 : i32
    %dma_wait3A_1318 = tpu.memref_slice %arg4[%dma_wait3A_1316, %dma_wait3A_1317] : memref<400000x16xf32, #tpu.memory_space<hbm>> -> memref<400000x16xf32, #tpu.memory_space<hbm>>
    tpu.wait_indirect_dma semaphore(%arg16 : memref<!tpu.dma_semaphore, #tpu.memory_space<semaphore_mem>>) src(%dma_wait3A_1318 : memref<400000x16xf32, #tpu.memory_space<hbm>>) dst(%dma_wait3A_1313 : memref<128x16xf32, #tpu.memory_space<vmem>>)
    %dma_wait3A_1319 = arith.constant 2304 : i32
    %dma_wait3A_1320 = arith.constant 0 : i32
    %dma_wait3A_1321 = tpu.memref_slice %arg12[%dma_wait3A_1319, %dma_wait3A_1320] : memref<2560x16xf32, #tpu.memory_space<vmem>> -> memref<128x16xf32, #tpu.memory_space<vmem>>
    %dma_wait3A_1322 = arith.constant 2304 : i32
    %dma_wait3A_1323 = tpu.memref_slice %arg11[%dma_wait3A_1322] : memref<2560xi32, #tpu.memory_space<vmem>> -> memref<128xi32, #tpu.memory_space<vmem>>
    %dma_wait3A_1324 = arith.constant 0 : i32
    %dma_wait3A_1325 = arith.constant 0 : i32
    %dma_wait3A_1326 = tpu.memref_slice %arg4[%dma_wait3A_1324, %dma_wait3A_1325] : memref<400000x16xf32, #tpu.memory_space<hbm>> -> memref<400000x16xf32, #tpu.memory_space<hbm>>
    tpu.wait_indirect_dma semaphore(%arg16 : memref<!tpu.dma_semaphore, #tpu.memory_space<semaphore_mem>>) src(%dma_wait3A_1326 : memref<400000x16xf32, #tpu.memory_space<hbm>>) dst(%dma_wait3A_1321 : memref<128x16xf32, #tpu.memory_space<vmem>>)
    %dma_wait3A_1327 = arith.constant 2432 : i32
    %dma_wait3A_1328 = arith.constant 0 : i32
    %dma_wait3A_1329 = tpu.memref_slice %arg12[%dma_wait3A_1327, %dma_wait3A_1328] : memref<2560x16xf32, #tpu.memory_space<vmem>> -> memref<128x16xf32, #tpu.memory_space<vmem>>
    %dma_wait3A_1330 = arith.constant 2432 : i32
    %dma_wait3A_1331 = tpu.memref_slice %arg11[%dma_wait3A_1330] : memref<2560xi32, #tpu.memory_space<vmem>> -> memref<128xi32, #tpu.memory_space<vmem>>
    %dma_wait3A_1332 = arith.constant 0 : i32
    %dma_wait3A_1333 = arith.constant 0 : i32
    %dma_wait3A_1334 = tpu.memref_slice %arg4[%dma_wait3A_1332, %dma_wait3A_1333] : memref<400000x16xf32, #tpu.memory_space<hbm>> -> memref<400000x16xf32, #tpu.memory_space<hbm>>
    tpu.wait_indirect_dma semaphore(%arg16 : memref<!tpu.dma_semaphore, #tpu.memory_space<semaphore_mem>>) src(%dma_wait3A_1334 : memref<400000x16xf32, #tpu.memory_space<hbm>>) dst(%dma_wait3A_1329 : memref<128x16xf32, #tpu.memory_space<vmem>>)
    "tpu.region"() ({
      %run_scoped3A_2734 = tpu.sem_alloc : memref<!tpu.dma_semaphore, #tpu.memory_space<semaphore_mem>>
      %dma_start3A_2735 = arith.constant 0 : i32
      %dma_start3A_2736 = tpu.memref_slice %arg8[%multiple_of3A_1007, %dma_start3A_2735] : memref<655360x16xf32, #tpu.memory_space<hbm>> -> memref<2560x16xf32, #tpu.memory_space<hbm>>
      %dma_start3A_2737 = arith.constant 0 : i32
      %dma_start3A_2738 = tpu.memref_slice %arg8[%multiple_of3A_1007, %dma_start3A_2737] : memref<655360x16xf32, #tpu.memory_space<hbm>> -> memref<2560x16xf32, #tpu.memory_space<hbm>>
      tpu.enqueue_dma source(%arg12 : memref<2560x16xf32, #tpu.memory_space<vmem>>) target(%dma_start3A_2738 : memref<2560x16xf32, #tpu.memory_space<hbm>>) target_semaphore(%run_scoped3A_2734 : memref<!tpu.dma_semaphore, #tpu.memory_space<semaphore_mem>>)
      %dma_wait3A_2739 = arith.constant 0 : i32
      %dma_wait3A_2740 = tpu.memref_slice %arg8[%multiple_of3A_1007, %dma_wait3A_2739] : memref<655360x16xf32, #tpu.memory_space<hbm>> -> memref<2560x16xf32, #tpu.memory_space<hbm>>
      %dma_wait3A_2741 = arith.constant 0 : i32
      %dma_wait3A_2742 = tpu.memref_slice %arg8[%multiple_of3A_1007, %dma_wait3A_2741] : memref<655360x16xf32, #tpu.memory_space<hbm>> -> memref<2560x16xf32, #tpu.memory_space<hbm>>
      tpu.wait_dma2 semaphore(%run_scoped3A_2734 : memref<!tpu.dma_semaphore, #tpu.memory_space<semaphore_mem>>) src(%arg12 : memref<2560x16xf32, #tpu.memory_space<vmem>>) dst(%dma_wait3A_2742 : memref<2560x16xf32, #tpu.memory_space<hbm>>)
      tpu.yield
    }) : () -> ()
    %mul3A_1335 = arith.constant 512 : i32
    %mul3A_1336 = arith.muli %add3A, %mul3A_1335 : i32
    %add3A_1337 = arith.constant 256 : i32
    %add3A_1338 = arith.addi %mul3A_1336, %add3A_1337 : i32
    %mul3A_1339 = arith.constant 40 : i32
    %mul3A_1340 = arith.muli %add3A_1338, %mul3A_1339 : i32
    %multiple_of3A_1341 = tpu.assume_multiple %mul3A_1340, 2560 : i32
    "tpu.region"() ({
      %run_scoped3A_2734 = tpu.sem_alloc : memref<!tpu.dma_semaphore, #tpu.memory_space<semaphore_mem>>
      %dma_start3A_2735 = tpu.memref_slice %arg2[%multiple_of3A_1341] : memref<655360xi32, #tpu.memory_space<hbm>> -> memref<2560xi32, #tpu.memory_space<hbm>>
      %dma_start3A_2736 = tpu.memref_slice %arg2[%multiple_of3A_1341] : memref<655360xi32, #tpu.memory_space<hbm>> -> memref<2560xi32, #tpu.memory_space<hbm>>
      tpu.enqueue_dma source(%dma_start3A_2736 : memref<2560xi32, #tpu.memory_space<hbm>>) target(%arg10 : memref<2560xi32, #tpu.memory_space<vmem>>) target_semaphore(%run_scoped3A_2734 : memref<!tpu.dma_semaphore, #tpu.memory_space<semaphore_mem>>)
      %dma_wait3A_2737 = tpu.memref_slice %arg2[%multiple_of3A_1341] : memref<655360xi32, #tpu.memory_space<hbm>> -> memref<2560xi32, #tpu.memory_space<hbm>>
      %dma_wait3A_2738 = tpu.memref_slice %arg2[%multiple_of3A_1341] : memref<655360xi32, #tpu.memory_space<hbm>> -> memref<2560xi32, #tpu.memory_space<hbm>>
      tpu.wait_dma2 semaphore(%run_scoped3A_2734 : memref<!tpu.dma_semaphore, #tpu.memory_space<semaphore_mem>>) src(%dma_wait3A_2738 : memref<2560xi32, #tpu.memory_space<hbm>>) dst(%arg10 : memref<2560xi32, #tpu.memory_space<vmem>>)
      tpu.yield
    }) : () -> ()
    %scan3A_1342 = arith.constant 0 : i32
    %scan3A_1343 = arith.constant 0 : i32
    %scan3A_1344 = arith.constant 160 : i32
    %scan3A_1345 = arith.addi %scan3A_1343, %scan3A_1344 : i32
    %scan3A_1346 = arith.constant 1 : i32
    %scan3A_1347 = scf.for %scan3A_2734 = %scan3A_1343 to %scan3A_1345 step %scan3A_1346 iter_args(%scan3A_2735 = %scan3A_1342) -> (i32)  : i32 {
      %mul3A_2736 = arith.constant 16 : i32
      %mul3A_2737 = arith.muli %scan3A_2734, %mul3A_2736 : i32
      %get3A = arith.index_cast %mul3A_2737 : i32 to index
      %get3A_2738 = tpu.vector_load %arg10[%get3A] {strides = array<i32>} : memref<2560xi32, #tpu.memory_space<vmem>>, vector<16xi32>,
      %get3A_2739 = vector.shape_cast %get3A_2738 : vector<16xi32> to vector<16xi32>
      %mul3A_2740 = arith.constant 4 : i32
      %mul3A_2741 = vector.broadcast %mul3A_2740 : i32 to vector<16xi32>
      %mul3A_2742 = arith.muli %get3A_2739, %mul3A_2741 : vector<16xi32>
      %get3A_2743 = arith.index_cast %mul3A_2737 : i32 to index
      %get3A_2744 = tpu.vector_load %arg15[%get3A_2743] {strides = array<i32>} : memref<2560xi32, #tpu.memory_space<vmem>>, vector<16xi32>,
      %get3A_2745 = vector.shape_cast %get3A_2744 : vector<16xi32> to vector<16xi32>
      %add3A_2746 = arith.addi %mul3A_2742, %get3A_2745 : vector<16xi32>
      %swap3A = arith.index_cast %mul3A_2737 : i32 to index
      %swap3A_2747 = tpu.vector_load %arg11[%swap3A] {strides = array<i32>} : memref<2560xi32, #tpu.memory_space<vmem>>, vector<16xi32>,
      %swap3A_2748 = vector.shape_cast %swap3A_2747 : vector<16xi32> to vector<16xi32>
      %swap3A_2749 = vector.shape_cast %add3A_2746 : vector<16xi32> to vector<16xi32>
      tpu.vector_store %arg11[%swap3A], %swap3A_2749 {strides = array<i32>} : memref<2560xi32, #tpu.memory_space<vmem>>, vector<16xi32>,
      %scan3A_2750 = arith.constant 0 : i32
      scf.yield %scan3A_2750 : i32
    }
    %scan3A_1348 = arith.constant 160 : i32
    %dma_start3A_1349 = arith.constant 0 : i32
    %dma_start3A_1350 = arith.constant 0 : i32
    %dma_start3A_1351 = tpu.memref_slice %arg12[%dma_start3A_1349, %dma_start3A_1350] : memref<2560x16xf32, #tpu.memory_space<vmem>> -> memref<128x16xf32, #tpu.memory_space<vmem>>
    %dma_start3A_1352 = arith.constant 0 : i32
    %dma_start3A_1353 = tpu.memref_slice %arg11[%dma_start3A_1352] : memref<2560xi32, #tpu.memory_space<vmem>> -> memref<128xi32, #tpu.memory_space<vmem>>
    %dma_start3A_1354 = arith.constant 0 : i32
    %dma_start3A_1355 = arith.constant 0 : i32
    %dma_start3A_1356 = tpu.memref_slice %arg4[%dma_start3A_1354, %dma_start3A_1355] : memref<400000x16xf32, #tpu.memory_space<hbm>> -> memref<400000x16xf32, #tpu.memory_space<hbm>>
    tpu.enqueue_indirect_dma source(%dma_start3A_1356 : memref<400000x16xf32, #tpu.memory_space<hbm>>) target(%dma_start3A_1351 : memref<128x16xf32, #tpu.memory_space<vmem>>) offsets(%dma_start3A_1353 : memref<128xi32, #tpu.memory_space<vmem>>) semaphore(%arg16 : memref<!tpu.dma_semaphore, #tpu.memory_space<semaphore_mem>>)
    %dma_start3A_1357 = arith.constant 128 : i32
    %dma_start3A_1358 = arith.constant 0 : i32
    %dma_start3A_1359 = tpu.memref_slice %arg12[%dma_start3A_1357, %dma_start3A_1358] : memref<2560x16xf32, #tpu.memory_space<vmem>> -> memref<128x16xf32, #tpu.memory_space<vmem>>
    %dma_start3A_1360 = arith.constant 128 : i32
    %dma_start3A_1361 = tpu.memref_slice %arg11[%dma_start3A_1360] : memref<2560xi32, #tpu.memory_space<vmem>> -> memref<128xi32, #tpu.memory_space<vmem>>
    %dma_start3A_1362 = arith.constant 0 : i32
    %dma_start3A_1363 = arith.constant 0 : i32
    %dma_start3A_1364 = tpu.memref_slice %arg4[%dma_start3A_1362, %dma_start3A_1363] : memref<400000x16xf32, #tpu.memory_space<hbm>> -> memref<400000x16xf32, #tpu.memory_space<hbm>>
    tpu.enqueue_indirect_dma source(%dma_start3A_1364 : memref<400000x16xf32, #tpu.memory_space<hbm>>) target(%dma_start3A_1359 : memref<128x16xf32, #tpu.memory_space<vmem>>) offsets(%dma_start3A_1361 : memref<128xi32, #tpu.memory_space<vmem>>) semaphore(%arg16 : memref<!tpu.dma_semaphore, #tpu.memory_space<semaphore_mem>>)
    %dma_start3A_1365 = arith.constant 256 : i32
    %dma_start3A_1366 = arith.constant 0 : i32
    %dma_start3A_1367 = tpu.memref_slice %arg12[%dma_start3A_1365, %dma_start3A_1366] : memref<2560x16xf32, #tpu.memory_space<vmem>> -> memref<128x16xf32, #tpu.memory_space<vmem>>
    %dma_start3A_1368 = arith.constant 256 : i32
    %dma_start3A_1369 = tpu.memref_slice %arg11[%dma_start3A_1368] : memref<2560xi32, #tpu.memory_space<vmem>> -> memref<128xi32, #tpu.memory_space<vmem>>
    %dma_start3A_1370 = arith.constant 0 : i32
    %dma_start3A_1371 = arith.constant 0 : i32
    %dma_start3A_1372 = tpu.memref_slice %arg4[%dma_start3A_1370, %dma_start3A_1371] : memref<400000x16xf32, #tpu.memory_space<hbm>> -> memref<400000x16xf32, #tpu.memory_space<hbm>>
    tpu.enqueue_indirect_dma source(%dma_start3A_1372 : memref<400000x16xf32, #tpu.memory_space<hbm>>) target(%dma_start3A_1367 : memref<128x16xf32, #tpu.memory_space<vmem>>) offsets(%dma_start3A_1369 : memref<128xi32, #tpu.memory_space<vmem>>) semaphore(%arg16 : memref<!tpu.dma_semaphore, #tpu.memory_space<semaphore_mem>>)
    %dma_start3A_1373 = arith.constant 384 : i32
    %dma_start3A_1374 = arith.constant 0 : i32
    %dma_start3A_1375 = tpu.memref_slice %arg12[%dma_start3A_1373, %dma_start3A_1374] : memref<2560x16xf32, #tpu.memory_space<vmem>> -> memref<128x16xf32, #tpu.memory_space<vmem>>
    %dma_start3A_1376 = arith.constant 384 : i32
    %dma_start3A_1377 = tpu.memref_slice %arg11[%dma_start3A_1376] : memref<2560xi32, #tpu.memory_space<vmem>> -> memref<128xi32, #tpu.memory_space<vmem>>
    %dma_start3A_1378 = arith.constant 0 : i32
    %dma_start3A_1379 = arith.constant 0 : i32
    %dma_start3A_1380 = tpu.memref_slice %arg4[%dma_start3A_1378, %dma_start3A_1379] : memref<400000x16xf32, #tpu.memory_space<hbm>> -> memref<400000x16xf32, #tpu.memory_space<hbm>>
    tpu.enqueue_indirect_dma source(%dma_start3A_1380 : memref<400000x16xf32, #tpu.memory_space<hbm>>) target(%dma_start3A_1375 : memref<128x16xf32, #tpu.memory_space<vmem>>) offsets(%dma_start3A_1377 : memref<128xi32, #tpu.memory_space<vmem>>) semaphore(%arg16 : memref<!tpu.dma_semaphore, #tpu.memory_space<semaphore_mem>>)
    %dma_start3A_1381 = arith.constant 512 : i32
    %dma_start3A_1382 = arith.constant 0 : i32
    %dma_start3A_1383 = tpu.memref_slice %arg12[%dma_start3A_1381, %dma_start3A_1382] : memref<2560x16xf32, #tpu.memory_space<vmem>> -> memref<128x16xf32, #tpu.memory_space<vmem>>
    %dma_start3A_1384 = arith.constant 512 : i32
    %dma_start3A_1385 = tpu.memref_slice %arg11[%dma_start3A_1384] : memref<2560xi32, #tpu.memory_space<vmem>> -> memref<128xi32, #tpu.memory_space<vmem>>
    %dma_start3A_1386 = arith.constant 0 : i32
    %dma_start3A_1387 = arith.constant 0 : i32
    %dma_start3A_1388 = tpu.memref_slice %arg4[%dma_start3A_1386, %dma_start3A_1387] : memref<400000x16xf32, #tpu.memory_space<hbm>> -> memref<400000x16xf32, #tpu.memory_space<hbm>>
    tpu.enqueue_indirect_dma source(%dma_start3A_1388 : memref<400000x16xf32, #tpu.memory_space<hbm>>) target(%dma_start3A_1383 : memref<128x16xf32, #tpu.memory_space<vmem>>) offsets(%dma_start3A_1385 : memref<128xi32, #tpu.memory_space<vmem>>) semaphore(%arg16 : memref<!tpu.dma_semaphore, #tpu.memory_space<semaphore_mem>>)
    %dma_start3A_1389 = arith.constant 640 : i32
    %dma_start3A_1390 = arith.constant 0 : i32
    %dma_start3A_1391 = tpu.memref_slice %arg12[%dma_start3A_1389, %dma_start3A_1390] : memref<2560x16xf32, #tpu.memory_space<vmem>> -> memref<128x16xf32, #tpu.memory_space<vmem>>
    %dma_start3A_1392 = arith.constant 640 : i32
    %dma_start3A_1393 = tpu.memref_slice %arg11[%dma_start3A_1392] : memref<2560xi32, #tpu.memory_space<vmem>> -> memref<128xi32, #tpu.memory_space<vmem>>
    %dma_start3A_1394 = arith.constant 0 : i32
    %dma_start3A_1395 = arith.constant 0 : i32
    %dma_start3A_1396 = tpu.memref_slice %arg4[%dma_start3A_1394, %dma_start3A_1395] : memref<400000x16xf32, #tpu.memory_space<hbm>> -> memref<400000x16xf32, #tpu.memory_space<hbm>>
    tpu.enqueue_indirect_dma source(%dma_start3A_1396 : memref<400000x16xf32, #tpu.memory_space<hbm>>) target(%dma_start3A_1391 : memref<128x16xf32, #tpu.memory_space<vmem>>) offsets(%dma_start3A_1393 : memref<128xi32, #tpu.memory_space<vmem>>) semaphore(%arg16 : memref<!tpu.dma_semaphore, #tpu.memory_space<semaphore_mem>>)
    %dma_start3A_1397 = arith.constant 768 : i32
    %dma_start3A_1398 = arith.constant 0 : i32
    %dma_start3A_1399 = tpu.memref_slice %arg12[%dma_start3A_1397, %dma_start3A_1398] : memref<2560x16xf32, #tpu.memory_space<vmem>> -> memref<128x16xf32, #tpu.memory_space<vmem>>
    %dma_start3A_1400 = arith.constant 768 : i32
    %dma_start3A_1401 = tpu.memref_slice %arg11[%dma_start3A_1400] : memref<2560xi32, #tpu.memory_space<vmem>> -> memref<128xi32, #tpu.memory_space<vmem>>
    %dma_start3A_1402 = arith.constant 0 : i32
    %dma_start3A_1403 = arith.constant 0 : i32
    %dma_start3A_1404 = tpu.memref_slice %arg4[%dma_start3A_1402, %dma_start3A_1403] : memref<400000x16xf32, #tpu.memory_space<hbm>> -> memref<400000x16xf32, #tpu.memory_space<hbm>>
    tpu.enqueue_indirect_dma source(%dma_start3A_1404 : memref<400000x16xf32, #tpu.memory_space<hbm>>) target(%dma_start3A_1399 : memref<128x16xf32, #tpu.memory_space<vmem>>) offsets(%dma_start3A_1401 : memref<128xi32, #tpu.memory_space<vmem>>) semaphore(%arg16 : memref<!tpu.dma_semaphore, #tpu.memory_space<semaphore_mem>>)
    %dma_start3A_1405 = arith.constant 896 : i32
    %dma_start3A_1406 = arith.constant 0 : i32
    %dma_start3A_1407 = tpu.memref_slice %arg12[%dma_start3A_1405, %dma_start3A_1406] : memref<2560x16xf32, #tpu.memory_space<vmem>> -> memref<128x16xf32, #tpu.memory_space<vmem>>
    %dma_start3A_1408 = arith.constant 896 : i32
    %dma_start3A_1409 = tpu.memref_slice %arg11[%dma_start3A_1408] : memref<2560xi32, #tpu.memory_space<vmem>> -> memref<128xi32, #tpu.memory_space<vmem>>
    %dma_start3A_1410 = arith.constant 0 : i32
    %dma_start3A_1411 = arith.constant 0 : i32
    %dma_start3A_1412 = tpu.memref_slice %arg4[%dma_start3A_1410, %dma_start3A_1411] : memref<400000x16xf32, #tpu.memory_space<hbm>> -> memref<400000x16xf32, #tpu.memory_space<hbm>>
    tpu.enqueue_indirect_dma source(%dma_start3A_1412 : memref<400000x16xf32, #tpu.memory_space<hbm>>) target(%dma_start3A_1407 : memref<128x16xf32, #tpu.memory_space<vmem>>) offsets(%dma_start3A_1409 : memref<128xi32, #tpu.memory_space<vmem>>) semaphore(%arg16 : memref<!tpu.dma_semaphore, #tpu.memory_space<semaphore_mem>>)
    %dma_start3A_1413 = arith.constant 1024 : i32
    %dma_start3A_1414 = arith.constant 0 : i32
    %dma_start3A_1415 = tpu.memref_slice %arg12[%dma_start3A_1413, %dma_start3A_1414] : memref<2560x16xf32, #tpu.memory_space<vmem>> -> memref<128x16xf32, #tpu.memory_space<vmem>>
    %dma_start3A_1416 = arith.constant 1024 : i32
    %dma_start3A_1417 = tpu.memref_slice %arg11[%dma_start3A_1416] : memref<2560xi32, #tpu.memory_space<vmem>> -> memref<128xi32, #tpu.memory_space<vmem>>
    %dma_start3A_1418 = arith.constant 0 : i32
    %dma_start3A_1419 = arith.constant 0 : i32
    %dma_start3A_1420 = tpu.memref_slice %arg4[%dma_start3A_1418, %dma_start3A_1419] : memref<400000x16xf32, #tpu.memory_space<hbm>> -> memref<400000x16xf32, #tpu.memory_space<hbm>>
    tpu.enqueue_indirect_dma source(%dma_start3A_1420 : memref<400000x16xf32, #tpu.memory_space<hbm>>) target(%dma_start3A_1415 : memref<128x16xf32, #tpu.memory_space<vmem>>) offsets(%dma_start3A_1417 : memref<128xi32, #tpu.memory_space<vmem>>) semaphore(%arg16 : memref<!tpu.dma_semaphore, #tpu.memory_space<semaphore_mem>>)
    %dma_start3A_1421 = arith.constant 1152 : i32
    %dma_start3A_1422 = arith.constant 0 : i32
    %dma_start3A_1423 = tpu.memref_slice %arg12[%dma_start3A_1421, %dma_start3A_1422] : memref<2560x16xf32, #tpu.memory_space<vmem>> -> memref<128x16xf32, #tpu.memory_space<vmem>>
    %dma_start3A_1424 = arith.constant 1152 : i32
    %dma_start3A_1425 = tpu.memref_slice %arg11[%dma_start3A_1424] : memref<2560xi32, #tpu.memory_space<vmem>> -> memref<128xi32, #tpu.memory_space<vmem>>
    %dma_start3A_1426 = arith.constant 0 : i32
    %dma_start3A_1427 = arith.constant 0 : i32
    %dma_start3A_1428 = tpu.memref_slice %arg4[%dma_start3A_1426, %dma_start3A_1427] : memref<400000x16xf32, #tpu.memory_space<hbm>> -> memref<400000x16xf32, #tpu.memory_space<hbm>>
    tpu.enqueue_indirect_dma source(%dma_start3A_1428 : memref<400000x16xf32, #tpu.memory_space<hbm>>) target(%dma_start3A_1423 : memref<128x16xf32, #tpu.memory_space<vmem>>) offsets(%dma_start3A_1425 : memref<128xi32, #tpu.memory_space<vmem>>) semaphore(%arg16 : memref<!tpu.dma_semaphore, #tpu.memory_space<semaphore_mem>>)
    %dma_start3A_1429 = arith.constant 1280 : i32
    %dma_start3A_1430 = arith.constant 0 : i32
    %dma_start3A_1431 = tpu.memref_slice %arg12[%dma_start3A_1429, %dma_start3A_1430] : memref<2560x16xf32, #tpu.memory_space<vmem>> -> memref<128x16xf32, #tpu.memory_space<vmem>>
    %dma_start3A_1432 = arith.constant 1280 : i32
    %dma_start3A_1433 = tpu.memref_slice %arg11[%dma_start3A_1432] : memref<2560xi32, #tpu.memory_space<vmem>> -> memref<128xi32, #tpu.memory_space<vmem>>
    %dma_start3A_1434 = arith.constant 0 : i32
    %dma_start3A_1435 = arith.constant 0 : i32
    %dma_start3A_1436 = tpu.memref_slice %arg4[%dma_start3A_1434, %dma_start3A_1435] : memref<400000x16xf32, #tpu.memory_space<hbm>> -> memref<400000x16xf32, #tpu.memory_space<hbm>>
    tpu.enqueue_indirect_dma source(%dma_start3A_1436 : memref<400000x16xf32, #tpu.memory_space<hbm>>) target(%dma_start3A_1431 : memref<128x16xf32, #tpu.memory_space<vmem>>) offsets(%dma_start3A_1433 : memref<128xi32, #tpu.memory_space<vmem>>) semaphore(%arg16 : memref<!tpu.dma_semaphore, #tpu.memory_space<semaphore_mem>>)
    %dma_start3A_1437 = arith.constant 1408 : i32
    %dma_start3A_1438 = arith.constant 0 : i32
    %dma_start3A_1439 = tpu.memref_slice %arg12[%dma_start3A_1437, %dma_start3A_1438] : memref<2560x16xf32, #tpu.memory_space<vmem>> -> memref<128x16xf32, #tpu.memory_space<vmem>>
    %dma_start3A_1440 = arith.constant 1408 : i32
    %dma_start3A_1441 = tpu.memref_slice %arg11[%dma_start3A_1440] : memref<2560xi32, #tpu.memory_space<vmem>> -> memref<128xi32, #tpu.memory_space<vmem>>
    %dma_start3A_1442 = arith.constant 0 : i32
    %dma_start3A_1443 = arith.constant 0 : i32
    %dma_start3A_1444 = tpu.memref_slice %arg4[%dma_start3A_1442, %dma_start3A_1443] : memref<400000x16xf32, #tpu.memory_space<hbm>> -> memref<400000x16xf32, #tpu.memory_space<hbm>>
    tpu.enqueue_indirect_dma source(%dma_start3A_1444 : memref<400000x16xf32, #tpu.memory_space<hbm>>) target(%dma_start3A_1439 : memref<128x16xf32, #tpu.memory_space<vmem>>) offsets(%dma_start3A_1441 : memref<128xi32, #tpu.memory_space<vmem>>) semaphore(%arg16 : memref<!tpu.dma_semaphore, #tpu.memory_space<semaphore_mem>>)
    %dma_start3A_1445 = arith.constant 1536 : i32
    %dma_start3A_1446 = arith.constant 0 : i32
    %dma_start3A_1447 = tpu.memref_slice %arg12[%dma_start3A_1445, %dma_start3A_1446] : memref<2560x16xf32, #tpu.memory_space<vmem>> -> memref<128x16xf32, #tpu.memory_space<vmem>>
    %dma_start3A_1448 = arith.constant 1536 : i32
    %dma_start3A_1449 = tpu.memref_slice %arg11[%dma_start3A_1448] : memref<2560xi32, #tpu.memory_space<vmem>> -> memref<128xi32, #tpu.memory_space<vmem>>
    %dma_start3A_1450 = arith.constant 0 : i32
    %dma_start3A_1451 = arith.constant 0 : i32
    %dma_start3A_1452 = tpu.memref_slice %arg4[%dma_start3A_1450, %dma_start3A_1451] : memref<400000x16xf32, #tpu.memory_space<hbm>> -> memref<400000x16xf32, #tpu.memory_space<hbm>>
    tpu.enqueue_indirect_dma source(%dma_start3A_1452 : memref<400000x16xf32, #tpu.memory_space<hbm>>) target(%dma_start3A_1447 : memref<128x16xf32, #tpu.memory_space<vmem>>) offsets(%dma_start3A_1449 : memref<128xi32, #tpu.memory_space<vmem>>) semaphore(%arg16 : memref<!tpu.dma_semaphore, #tpu.memory_space<semaphore_mem>>)
    %dma_start3A_1453 = arith.constant 1664 : i32
    %dma_start3A_1454 = arith.constant 0 : i32
    %dma_start3A_1455 = tpu.memref_slice %arg12[%dma_start3A_1453, %dma_start3A_1454] : memref<2560x16xf32, #tpu.memory_space<vmem>> -> memref<128x16xf32, #tpu.memory_space<vmem>>
    %dma_start3A_1456 = arith.constant 1664 : i32
    %dma_start3A_1457 = tpu.memref_slice %arg11[%dma_start3A_1456] : memref<2560xi32, #tpu.memory_space<vmem>> -> memref<128xi32, #tpu.memory_space<vmem>>
    %dma_start3A_1458 = arith.constant 0 : i32
    %dma_start3A_1459 = arith.constant 0 : i32
    %dma_start3A_1460 = tpu.memref_slice %arg4[%dma_start3A_1458, %dma_start3A_1459] : memref<400000x16xf32, #tpu.memory_space<hbm>> -> memref<400000x16xf32, #tpu.memory_space<hbm>>
    tpu.enqueue_indirect_dma source(%dma_start3A_1460 : memref<400000x16xf32, #tpu.memory_space<hbm>>) target(%dma_start3A_1455 : memref<128x16xf32, #tpu.memory_space<vmem>>) offsets(%dma_start3A_1457 : memref<128xi32, #tpu.memory_space<vmem>>) semaphore(%arg16 : memref<!tpu.dma_semaphore, #tpu.memory_space<semaphore_mem>>)
    %dma_start3A_1461 = arith.constant 1792 : i32
    %dma_start3A_1462 = arith.constant 0 : i32
    %dma_start3A_1463 = tpu.memref_slice %arg12[%dma_start3A_1461, %dma_start3A_1462] : memref<2560x16xf32, #tpu.memory_space<vmem>> -> memref<128x16xf32, #tpu.memory_space<vmem>>
    %dma_start3A_1464 = arith.constant 1792 : i32
    %dma_start3A_1465 = tpu.memref_slice %arg11[%dma_start3A_1464] : memref<2560xi32, #tpu.memory_space<vmem>> -> memref<128xi32, #tpu.memory_space<vmem>>
    %dma_start3A_1466 = arith.constant 0 : i32
    %dma_start3A_1467 = arith.constant 0 : i32
    %dma_start3A_1468 = tpu.memref_slice %arg4[%dma_start3A_1466, %dma_start3A_1467] : memref<400000x16xf32, #tpu.memory_space<hbm>> -> memref<400000x16xf32, #tpu.memory_space<hbm>>
    tpu.enqueue_indirect_dma source(%dma_start3A_1468 : memref<400000x16xf32, #tpu.memory_space<hbm>>) target(%dma_start3A_1463 : memref<128x16xf32, #tpu.memory_space<vmem>>) offsets(%dma_start3A_1465 : memref<128xi32, #tpu.memory_space<vmem>>) semaphore(%arg16 : memref<!tpu.dma_semaphore, #tpu.memory_space<semaphore_mem>>)
    %dma_start3A_1469 = arith.constant 1920 : i32
    %dma_start3A_1470 = arith.constant 0 : i32
    %dma_start3A_1471 = tpu.memref_slice %arg12[%dma_start3A_1469, %dma_start3A_1470] : memref<2560x16xf32, #tpu.memory_space<vmem>> -> memref<128x16xf32, #tpu.memory_space<vmem>>
    %dma_start3A_1472 = arith.constant 1920 : i32
    %dma_start3A_1473 = tpu.memref_slice %arg11[%dma_start3A_1472] : memref<2560xi32, #tpu.memory_space<vmem>> -> memref<128xi32, #tpu.memory_space<vmem>>
    %dma_start3A_1474 = arith.constant 0 : i32
    %dma_start3A_1475 = arith.constant 0 : i32
    %dma_start3A_1476 = tpu.memref_slice %arg4[%dma_start3A_1474, %dma_start3A_1475] : memref<400000x16xf32, #tpu.memory_space<hbm>> -> memref<400000x16xf32, #tpu.memory_space<hbm>>
    tpu.enqueue_indirect_dma source(%dma_start3A_1476 : memref<400000x16xf32, #tpu.memory_space<hbm>>) target(%dma_start3A_1471 : memref<128x16xf32, #tpu.memory_space<vmem>>) offsets(%dma_start3A_1473 : memref<128xi32, #tpu.memory_space<vmem>>) semaphore(%arg16 : memref<!tpu.dma_semaphore, #tpu.memory_space<semaphore_mem>>)
    %dma_start3A_1477 = arith.constant 2048 : i32
    %dma_start3A_1478 = arith.constant 0 : i32
    %dma_start3A_1479 = tpu.memref_slice %arg12[%dma_start3A_1477, %dma_start3A_1478] : memref<2560x16xf32, #tpu.memory_space<vmem>> -> memref<128x16xf32, #tpu.memory_space<vmem>>
    %dma_start3A_1480 = arith.constant 2048 : i32
    %dma_start3A_1481 = tpu.memref_slice %arg11[%dma_start3A_1480] : memref<2560xi32, #tpu.memory_space<vmem>> -> memref<128xi32, #tpu.memory_space<vmem>>
    %dma_start3A_1482 = arith.constant 0 : i32
    %dma_start3A_1483 = arith.constant 0 : i32
    %dma_start3A_1484 = tpu.memref_slice %arg4[%dma_start3A_1482, %dma_start3A_1483] : memref<400000x16xf32, #tpu.memory_space<hbm>> -> memref<400000x16xf32, #tpu.memory_space<hbm>>
    tpu.enqueue_indirect_dma source(%dma_start3A_1484 : memref<400000x16xf32, #tpu.memory_space<hbm>>) target(%dma_start3A_1479 : memref<128x16xf32, #tpu.memory_space<vmem>>) offsets(%dma_start3A_1481 : memref<128xi32, #tpu.memory_space<vmem>>) semaphore(%arg16 : memref<!tpu.dma_semaphore, #tpu.memory_space<semaphore_mem>>)
    %dma_start3A_1485 = arith.constant 2176 : i32
    %dma_start3A_1486 = arith.constant 0 : i32
    %dma_start3A_1487 = tpu.memref_slice %arg12[%dma_start3A_1485, %dma_start3A_1486] : memref<2560x16xf32, #tpu.memory_space<vmem>> -> memref<128x16xf32, #tpu.memory_space<vmem>>
    %dma_start3A_1488 = arith.constant 2176 : i32
    %dma_start3A_1489 = tpu.memref_slice %arg11[%dma_start3A_1488] : memref<2560xi32, #tpu.memory_space<vmem>> -> memref<128xi32, #tpu.memory_space<vmem>>
    %dma_start3A_1490 = arith.constant 0 : i32
    %dma_start3A_1491 = arith.constant 0 : i32
    %dma_start3A_1492 = tpu.memref_slice %arg4[%dma_start3A_1490, %dma_start3A_1491] : memref<400000x16xf32, #tpu.memory_space<hbm>> -> memref<400000x16xf32, #tpu.memory_space<hbm>>
    tpu.enqueue_indirect_dma source(%dma_start3A_1492 : memref<400000x16xf32, #tpu.memory_space<hbm>>) target(%dma_start3A_1487 : memref<128x16xf32, #tpu.memory_space<vmem>>) offsets(%dma_start3A_1489 : memref<128xi32, #tpu.memory_space<vmem>>) semaphore(%arg16 : memref<!tpu.dma_semaphore, #tpu.memory_space<semaphore_mem>>)
    %dma_start3A_1493 = arith.constant 2304 : i32
    %dma_start3A_1494 = arith.constant 0 : i32
    %dma_start3A_1495 = tpu.memref_slice %arg12[%dma_start3A_1493, %dma_start3A_1494] : memref<2560x16xf32, #tpu.memory_space<vmem>> -> memref<128x16xf32, #tpu.memory_space<vmem>>
    %dma_start3A_1496 = arith.constant 2304 : i32
    %dma_start3A_1497 = tpu.memref_slice %arg11[%dma_start3A_1496] : memref<2560xi32, #tpu.memory_space<vmem>> -> memref<128xi32, #tpu.memory_space<vmem>>
    %dma_start3A_1498 = arith.constant 0 : i32
    %dma_start3A_1499 = arith.constant 0 : i32
    %dma_start3A_1500 = tpu.memref_slice %arg4[%dma_start3A_1498, %dma_start3A_1499] : memref<400000x16xf32, #tpu.memory_space<hbm>> -> memref<400000x16xf32, #tpu.memory_space<hbm>>
    tpu.enqueue_indirect_dma source(%dma_start3A_1500 : memref<400000x16xf32, #tpu.memory_space<hbm>>) target(%dma_start3A_1495 : memref<128x16xf32, #tpu.memory_space<vmem>>) offsets(%dma_start3A_1497 : memref<128xi32, #tpu.memory_space<vmem>>) semaphore(%arg16 : memref<!tpu.dma_semaphore, #tpu.memory_space<semaphore_mem>>)
    %dma_start3A_1501 = arith.constant 2432 : i32
    %dma_start3A_1502 = arith.constant 0 : i32
    %dma_start3A_1503 = tpu.memref_slice %arg12[%dma_start3A_1501, %dma_start3A_1502] : memref<2560x16xf32, #tpu.memory_space<vmem>> -> memref<128x16xf32, #tpu.memory_space<vmem>>
    %dma_start3A_1504 = arith.constant 2432 : i32
    %dma_start3A_1505 = tpu.memref_slice %arg11[%dma_start3A_1504] : memref<2560xi32, #tpu.memory_space<vmem>> -> memref<128xi32, #tpu.memory_space<vmem>>
    %dma_start3A_1506 = arith.constant 0 : i32
    %dma_start3A_1507 = arith.constant 0 : i32
    %dma_start3A_1508 = tpu.memref_slice %arg4[%dma_start3A_1506, %dma_start3A_1507] : memref<400000x16xf32, #tpu.memory_space<hbm>> -> memref<400000x16xf32, #tpu.memory_space<hbm>>
    tpu.enqueue_indirect_dma source(%dma_start3A_1508 : memref<400000x16xf32, #tpu.memory_space<hbm>>) target(%dma_start3A_1503 : memref<128x16xf32, #tpu.memory_space<vmem>>) offsets(%dma_start3A_1505 : memref<128xi32, #tpu.memory_space<vmem>>) semaphore(%arg16 : memref<!tpu.dma_semaphore, #tpu.memory_space<semaphore_mem>>)
    %dma_wait3A_1509 = arith.constant 0 : i32
    %dma_wait3A_1510 = arith.constant 0 : i32
    %dma_wait3A_1511 = tpu.memref_slice %arg12[%dma_wait3A_1509, %dma_wait3A_1510] : memref<2560x16xf32, #tpu.memory_space<vmem>> -> memref<128x16xf32, #tpu.memory_space<vmem>>
    %dma_wait3A_1512 = arith.constant 0 : i32
    %dma_wait3A_1513 = tpu.memref_slice %arg11[%dma_wait3A_1512] : memref<2560xi32, #tpu.memory_space<vmem>> -> memref<128xi32, #tpu.memory_space<vmem>>
    %dma_wait3A_1514 = arith.constant 0 : i32
    %dma_wait3A_1515 = arith.constant 0 : i32
    %dma_wait3A_1516 = tpu.memref_slice %arg4[%dma_wait3A_1514, %dma_wait3A_1515] : memref<400000x16xf32, #tpu.memory_space<hbm>> -> memref<400000x16xf32, #tpu.memory_space<hbm>>
    tpu.wait_indirect_dma semaphore(%arg16 : memref<!tpu.dma_semaphore, #tpu.memory_space<semaphore_mem>>) src(%dma_wait3A_1516 : memref<400000x16xf32, #tpu.memory_space<hbm>>) dst(%dma_wait3A_1511 : memref<128x16xf32, #tpu.memory_space<vmem>>)
    %dma_wait3A_1517 = arith.constant 128 : i32
    %dma_wait3A_1518 = arith.constant 0 : i32
    %dma_wait3A_1519 = tpu.memref_slice %arg12[%dma_wait3A_1517, %dma_wait3A_1518] : memref<2560x16xf32, #tpu.memory_space<vmem>> -> memref<128x16xf32, #tpu.memory_space<vmem>>
    %dma_wait3A_1520 = arith.constant 128 : i32
    %dma_wait3A_1521 = tpu.memref_slice %arg11[%dma_wait3A_1520] : memref<2560xi32, #tpu.memory_space<vmem>> -> memref<128xi32, #tpu.memory_space<vmem>>
    %dma_wait3A_1522 = arith.constant 0 : i32
    %dma_wait3A_1523 = arith.constant 0 : i32
    %dma_wait3A_1524 = tpu.memref_slice %arg4[%dma_wait3A_1522, %dma_wait3A_1523] : memref<400000x16xf32, #tpu.memory_space<hbm>> -> memref<400000x16xf32, #tpu.memory_space<hbm>>
    tpu.wait_indirect_dma semaphore(%arg16 : memref<!tpu.dma_semaphore, #tpu.memory_space<semaphore_mem>>) src(%dma_wait3A_1524 : memref<400000x16xf32, #tpu.memory_space<hbm>>) dst(%dma_wait3A_1519 : memref<128x16xf32, #tpu.memory_space<vmem>>)
    %dma_wait3A_1525 = arith.constant 256 : i32
    %dma_wait3A_1526 = arith.constant 0 : i32
    %dma_wait3A_1527 = tpu.memref_slice %arg12[%dma_wait3A_1525, %dma_wait3A_1526] : memref<2560x16xf32, #tpu.memory_space<vmem>> -> memref<128x16xf32, #tpu.memory_space<vmem>>
    %dma_wait3A_1528 = arith.constant 256 : i32
    %dma_wait3A_1529 = tpu.memref_slice %arg11[%dma_wait3A_1528] : memref<2560xi32, #tpu.memory_space<vmem>> -> memref<128xi32, #tpu.memory_space<vmem>>
    %dma_wait3A_1530 = arith.constant 0 : i32
    %dma_wait3A_1531 = arith.constant 0 : i32
    %dma_wait3A_1532 = tpu.memref_slice %arg4[%dma_wait3A_1530, %dma_wait3A_1531] : memref<400000x16xf32, #tpu.memory_space<hbm>> -> memref<400000x16xf32, #tpu.memory_space<hbm>>
    tpu.wait_indirect_dma semaphore(%arg16 : memref<!tpu.dma_semaphore, #tpu.memory_space<semaphore_mem>>) src(%dma_wait3A_1532 : memref<400000x16xf32, #tpu.memory_space<hbm>>) dst(%dma_wait3A_1527 : memref<128x16xf32, #tpu.memory_space<vmem>>)
    %dma_wait3A_1533 = arith.constant 384 : i32
    %dma_wait3A_1534 = arith.constant 0 : i32
    %dma_wait3A_1535 = tpu.memref_slice %arg12[%dma_wait3A_1533, %dma_wait3A_1534] : memref<2560x16xf32, #tpu.memory_space<vmem>> -> memref<128x16xf32, #tpu.memory_space<vmem>>
    %dma_wait3A_1536 = arith.constant 384 : i32
    %dma_wait3A_1537 = tpu.memref_slice %arg11[%dma_wait3A_1536] : memref<2560xi32, #tpu.memory_space<vmem>> -> memref<128xi32, #tpu.memory_space<vmem>>
    %dma_wait3A_1538 = arith.constant 0 : i32
    %dma_wait3A_1539 = arith.constant 0 : i32
    %dma_wait3A_1540 = tpu.memref_slice %arg4[%dma_wait3A_1538, %dma_wait3A_1539] : memref<400000x16xf32, #tpu.memory_space<hbm>> -> memref<400000x16xf32, #tpu.memory_space<hbm>>
    tpu.wait_indirect_dma semaphore(%arg16 : memref<!tpu.dma_semaphore, #tpu.memory_space<semaphore_mem>>) src(%dma_wait3A_1540 : memref<400000x16xf32, #tpu.memory_space<hbm>>) dst(%dma_wait3A_1535 : memref<128x16xf32, #tpu.memory_space<vmem>>)
    %dma_wait3A_1541 = arith.constant 512 : i32
    %dma_wait3A_1542 = arith.constant 0 : i32
    %dma_wait3A_1543 = tpu.memref_slice %arg12[%dma_wait3A_1541, %dma_wait3A_1542] : memref<2560x16xf32, #tpu.memory_space<vmem>> -> memref<128x16xf32, #tpu.memory_space<vmem>>
    %dma_wait3A_1544 = arith.constant 512 : i32
    %dma_wait3A_1545 = tpu.memref_slice %arg11[%dma_wait3A_1544] : memref<2560xi32, #tpu.memory_space<vmem>> -> memref<128xi32, #tpu.memory_space<vmem>>
    %dma_wait3A_1546 = arith.constant 0 : i32
    %dma_wait3A_1547 = arith.constant 0 : i32
    %dma_wait3A_1548 = tpu.memref_slice %arg4[%dma_wait3A_1546, %dma_wait3A_1547] : memref<400000x16xf32, #tpu.memory_space<hbm>> -> memref<400000x16xf32, #tpu.memory_space<hbm>>
    tpu.wait_indirect_dma semaphore(%arg16 : memref<!tpu.dma_semaphore, #tpu.memory_space<semaphore_mem>>) src(%dma_wait3A_1548 : memref<400000x16xf32, #tpu.memory_space<hbm>>) dst(%dma_wait3A_1543 : memref<128x16xf32, #tpu.memory_space<vmem>>)
    %dma_wait3A_1549 = arith.constant 640 : i32
    %dma_wait3A_1550 = arith.constant 0 : i32
    %dma_wait3A_1551 = tpu.memref_slice %arg12[%dma_wait3A_1549, %dma_wait3A_1550] : memref<2560x16xf32, #tpu.memory_space<vmem>> -> memref<128x16xf32, #tpu.memory_space<vmem>>
    %dma_wait3A_1552 = arith.constant 640 : i32
    %dma_wait3A_1553 = tpu.memref_slice %arg11[%dma_wait3A_1552] : memref<2560xi32, #tpu.memory_space<vmem>> -> memref<128xi32, #tpu.memory_space<vmem>>
    %dma_wait3A_1554 = arith.constant 0 : i32
    %dma_wait3A_1555 = arith.constant 0 : i32
    %dma_wait3A_1556 = tpu.memref_slice %arg4[%dma_wait3A_1554, %dma_wait3A_1555] : memref<400000x16xf32, #tpu.memory_space<hbm>> -> memref<400000x16xf32, #tpu.memory_space<hbm>>
    tpu.wait_indirect_dma semaphore(%arg16 : memref<!tpu.dma_semaphore, #tpu.memory_space<semaphore_mem>>) src(%dma_wait3A_1556 : memref<400000x16xf32, #tpu.memory_space<hbm>>) dst(%dma_wait3A_1551 : memref<128x16xf32, #tpu.memory_space<vmem>>)
    %dma_wait3A_1557 = arith.constant 768 : i32
    %dma_wait3A_1558 = arith.constant 0 : i32
    %dma_wait3A_1559 = tpu.memref_slice %arg12[%dma_wait3A_1557, %dma_wait3A_1558] : memref<2560x16xf32, #tpu.memory_space<vmem>> -> memref<128x16xf32, #tpu.memory_space<vmem>>
    %dma_wait3A_1560 = arith.constant 768 : i32
    %dma_wait3A_1561 = tpu.memref_slice %arg11[%dma_wait3A_1560] : memref<2560xi32, #tpu.memory_space<vmem>> -> memref<128xi32, #tpu.memory_space<vmem>>
    %dma_wait3A_1562 = arith.constant 0 : i32
    %dma_wait3A_1563 = arith.constant 0 : i32
    %dma_wait3A_1564 = tpu.memref_slice %arg4[%dma_wait3A_1562, %dma_wait3A_1563] : memref<400000x16xf32, #tpu.memory_space<hbm>> -> memref<400000x16xf32, #tpu.memory_space<hbm>>
    tpu.wait_indirect_dma semaphore(%arg16 : memref<!tpu.dma_semaphore, #tpu.memory_space<semaphore_mem>>) src(%dma_wait3A_1564 : memref<400000x16xf32, #tpu.memory_space<hbm>>) dst(%dma_wait3A_1559 : memref<128x16xf32, #tpu.memory_space<vmem>>)
    %dma_wait3A_1565 = arith.constant 896 : i32
    %dma_wait3A_1566 = arith.constant 0 : i32
    %dma_wait3A_1567 = tpu.memref_slice %arg12[%dma_wait3A_1565, %dma_wait3A_1566] : memref<2560x16xf32, #tpu.memory_space<vmem>> -> memref<128x16xf32, #tpu.memory_space<vmem>>
    %dma_wait3A_1568 = arith.constant 896 : i32
    %dma_wait3A_1569 = tpu.memref_slice %arg11[%dma_wait3A_1568] : memref<2560xi32, #tpu.memory_space<vmem>> -> memref<128xi32, #tpu.memory_space<vmem>>
    %dma_wait3A_1570 = arith.constant 0 : i32
    %dma_wait3A_1571 = arith.constant 0 : i32
    %dma_wait3A_1572 = tpu.memref_slice %arg4[%dma_wait3A_1570, %dma_wait3A_1571] : memref<400000x16xf32, #tpu.memory_space<hbm>> -> memref<400000x16xf32, #tpu.memory_space<hbm>>
    tpu.wait_indirect_dma semaphore(%arg16 : memref<!tpu.dma_semaphore, #tpu.memory_space<semaphore_mem>>) src(%dma_wait3A_1572 : memref<400000x16xf32, #tpu.memory_space<hbm>>) dst(%dma_wait3A_1567 : memref<128x16xf32, #tpu.memory_space<vmem>>)
    %dma_wait3A_1573 = arith.constant 1024 : i32
    %dma_wait3A_1574 = arith.constant 0 : i32
    %dma_wait3A_1575 = tpu.memref_slice %arg12[%dma_wait3A_1573, %dma_wait3A_1574] : memref<2560x16xf32, #tpu.memory_space<vmem>> -> memref<128x16xf32, #tpu.memory_space<vmem>>
    %dma_wait3A_1576 = arith.constant 1024 : i32
    %dma_wait3A_1577 = tpu.memref_slice %arg11[%dma_wait3A_1576] : memref<2560xi32, #tpu.memory_space<vmem>> -> memref<128xi32, #tpu.memory_space<vmem>>
    %dma_wait3A_1578 = arith.constant 0 : i32
    %dma_wait3A_1579 = arith.constant 0 : i32
    %dma_wait3A_1580 = tpu.memref_slice %arg4[%dma_wait3A_1578, %dma_wait3A_1579] : memref<400000x16xf32, #tpu.memory_space<hbm>> -> memref<400000x16xf32, #tpu.memory_space<hbm>>
    tpu.wait_indirect_dma semaphore(%arg16 : memref<!tpu.dma_semaphore, #tpu.memory_space<semaphore_mem>>) src(%dma_wait3A_1580 : memref<400000x16xf32, #tpu.memory_space<hbm>>) dst(%dma_wait3A_1575 : memref<128x16xf32, #tpu.memory_space<vmem>>)
    %dma_wait3A_1581 = arith.constant 1152 : i32
    %dma_wait3A_1582 = arith.constant 0 : i32
    %dma_wait3A_1583 = tpu.memref_slice %arg12[%dma_wait3A_1581, %dma_wait3A_1582] : memref<2560x16xf32, #tpu.memory_space<vmem>> -> memref<128x16xf32, #tpu.memory_space<vmem>>
    %dma_wait3A_1584 = arith.constant 1152 : i32
    %dma_wait3A_1585 = tpu.memref_slice %arg11[%dma_wait3A_1584] : memref<2560xi32, #tpu.memory_space<vmem>> -> memref<128xi32, #tpu.memory_space<vmem>>
    %dma_wait3A_1586 = arith.constant 0 : i32
    %dma_wait3A_1587 = arith.constant 0 : i32
    %dma_wait3A_1588 = tpu.memref_slice %arg4[%dma_wait3A_1586, %dma_wait3A_1587] : memref<400000x16xf32, #tpu.memory_space<hbm>> -> memref<400000x16xf32, #tpu.memory_space<hbm>>
    tpu.wait_indirect_dma semaphore(%arg16 : memref<!tpu.dma_semaphore, #tpu.memory_space<semaphore_mem>>) src(%dma_wait3A_1588 : memref<400000x16xf32, #tpu.memory_space<hbm>>) dst(%dma_wait3A_1583 : memref<128x16xf32, #tpu.memory_space<vmem>>)
    %dma_wait3A_1589 = arith.constant 1280 : i32
    %dma_wait3A_1590 = arith.constant 0 : i32
    %dma_wait3A_1591 = tpu.memref_slice %arg12[%dma_wait3A_1589, %dma_wait3A_1590] : memref<2560x16xf32, #tpu.memory_space<vmem>> -> memref<128x16xf32, #tpu.memory_space<vmem>>
    %dma_wait3A_1592 = arith.constant 1280 : i32
    %dma_wait3A_1593 = tpu.memref_slice %arg11[%dma_wait3A_1592] : memref<2560xi32, #tpu.memory_space<vmem>> -> memref<128xi32, #tpu.memory_space<vmem>>
    %dma_wait3A_1594 = arith.constant 0 : i32
    %dma_wait3A_1595 = arith.constant 0 : i32
    %dma_wait3A_1596 = tpu.memref_slice %arg4[%dma_wait3A_1594, %dma_wait3A_1595] : memref<400000x16xf32, #tpu.memory_space<hbm>> -> memref<400000x16xf32, #tpu.memory_space<hbm>>
    tpu.wait_indirect_dma semaphore(%arg16 : memref<!tpu.dma_semaphore, #tpu.memory_space<semaphore_mem>>) src(%dma_wait3A_1596 : memref<400000x16xf32, #tpu.memory_space<hbm>>) dst(%dma_wait3A_1591 : memref<128x16xf32, #tpu.memory_space<vmem>>)
    %dma_wait3A_1597 = arith.constant 1408 : i32
    %dma_wait3A_1598 = arith.constant 0 : i32
    %dma_wait3A_1599 = tpu.memref_slice %arg12[%dma_wait3A_1597, %dma_wait3A_1598] : memref<2560x16xf32, #tpu.memory_space<vmem>> -> memref<128x16xf32, #tpu.memory_space<vmem>>
    %dma_wait3A_1600 = arith.constant 1408 : i32
    %dma_wait3A_1601 = tpu.memref_slice %arg11[%dma_wait3A_1600] : memref<2560xi32, #tpu.memory_space<vmem>> -> memref<128xi32, #tpu.memory_space<vmem>>
    %dma_wait3A_1602 = arith.constant 0 : i32
    %dma_wait3A_1603 = arith.constant 0 : i32
    %dma_wait3A_1604 = tpu.memref_slice %arg4[%dma_wait3A_1602, %dma_wait3A_1603] : memref<400000x16xf32, #tpu.memory_space<hbm>> -> memref<400000x16xf32, #tpu.memory_space<hbm>>
    tpu.wait_indirect_dma semaphore(%arg16 : memref<!tpu.dma_semaphore, #tpu.memory_space<semaphore_mem>>) src(%dma_wait3A_1604 : memref<400000x16xf32, #tpu.memory_space<hbm>>) dst(%dma_wait3A_1599 : memref<128x16xf32, #tpu.memory_space<vmem>>)
    %dma_wait3A_1605 = arith.constant 1536 : i32
    %dma_wait3A_1606 = arith.constant 0 : i32
    %dma_wait3A_1607 = tpu.memref_slice %arg12[%dma_wait3A_1605, %dma_wait3A_1606] : memref<2560x16xf32, #tpu.memory_space<vmem>> -> memref<128x16xf32, #tpu.memory_space<vmem>>
    %dma_wait3A_1608 = arith.constant 1536 : i32
    %dma_wait3A_1609 = tpu.memref_slice %arg11[%dma_wait3A_1608] : memref<2560xi32, #tpu.memory_space<vmem>> -> memref<128xi32, #tpu.memory_space<vmem>>
    %dma_wait3A_1610 = arith.constant 0 : i32
    %dma_wait3A_1611 = arith.constant 0 : i32
    %dma_wait3A_1612 = tpu.memref_slice %arg4[%dma_wait3A_1610, %dma_wait3A_1611] : memref<400000x16xf32, #tpu.memory_space<hbm>> -> memref<400000x16xf32, #tpu.memory_space<hbm>>
    tpu.wait_indirect_dma semaphore(%arg16 : memref<!tpu.dma_semaphore, #tpu.memory_space<semaphore_mem>>) src(%dma_wait3A_1612 : memref<400000x16xf32, #tpu.memory_space<hbm>>) dst(%dma_wait3A_1607 : memref<128x16xf32, #tpu.memory_space<vmem>>)
    %dma_wait3A_1613 = arith.constant 1664 : i32
    %dma_wait3A_1614 = arith.constant 0 : i32
    %dma_wait3A_1615 = tpu.memref_slice %arg12[%dma_wait3A_1613, %dma_wait3A_1614] : memref<2560x16xf32, #tpu.memory_space<vmem>> -> memref<128x16xf32, #tpu.memory_space<vmem>>
    %dma_wait3A_1616 = arith.constant 1664 : i32
    %dma_wait3A_1617 = tpu.memref_slice %arg11[%dma_wait3A_1616] : memref<2560xi32, #tpu.memory_space<vmem>> -> memref<128xi32, #tpu.memory_space<vmem>>
    %dma_wait3A_1618 = arith.constant 0 : i32
    %dma_wait3A_1619 = arith.constant 0 : i32
    %dma_wait3A_1620 = tpu.memref_slice %arg4[%dma_wait3A_1618, %dma_wait3A_1619] : memref<400000x16xf32, #tpu.memory_space<hbm>> -> memref<400000x16xf32, #tpu.memory_space<hbm>>
    tpu.wait_indirect_dma semaphore(%arg16 : memref<!tpu.dma_semaphore, #tpu.memory_space<semaphore_mem>>) src(%dma_wait3A_1620 : memref<400000x16xf32, #tpu.memory_space<hbm>>) dst(%dma_wait3A_1615 : memref<128x16xf32, #tpu.memory_space<vmem>>)
    %dma_wait3A_1621 = arith.constant 1792 : i32
    %dma_wait3A_1622 = arith.constant 0 : i32
    %dma_wait3A_1623 = tpu.memref_slice %arg12[%dma_wait3A_1621, %dma_wait3A_1622] : memref<2560x16xf32, #tpu.memory_space<vmem>> -> memref<128x16xf32, #tpu.memory_space<vmem>>
    %dma_wait3A_1624 = arith.constant 1792 : i32
    %dma_wait3A_1625 = tpu.memref_slice %arg11[%dma_wait3A_1624] : memref<2560xi32, #tpu.memory_space<vmem>> -> memref<128xi32, #tpu.memory_space<vmem>>
    %dma_wait3A_1626 = arith.constant 0 : i32
    %dma_wait3A_1627 = arith.constant 0 : i32
    %dma_wait3A_1628 = tpu.memref_slice %arg4[%dma_wait3A_1626, %dma_wait3A_1627] : memref<400000x16xf32, #tpu.memory_space<hbm>> -> memref<400000x16xf32, #tpu.memory_space<hbm>>
    tpu.wait_indirect_dma semaphore(%arg16 : memref<!tpu.dma_semaphore, #tpu.memory_space<semaphore_mem>>) src(%dma_wait3A_1628 : memref<400000x16xf32, #tpu.memory_space<hbm>>) dst(%dma_wait3A_1623 : memref<128x16xf32, #tpu.memory_space<vmem>>)
    %dma_wait3A_1629 = arith.constant 1920 : i32
    %dma_wait3A_1630 = arith.constant 0 : i32
    %dma_wait3A_1631 = tpu.memref_slice %arg12[%dma_wait3A_1629, %dma_wait3A_1630] : memref<2560x16xf32, #tpu.memory_space<vmem>> -> memref<128x16xf32, #tpu.memory_space<vmem>>
    %dma_wait3A_1632 = arith.constant 1920 : i32
    %dma_wait3A_1633 = tpu.memref_slice %arg11[%dma_wait3A_1632] : memref<2560xi32, #tpu.memory_space<vmem>> -> memref<128xi32, #tpu.memory_space<vmem>>
    %dma_wait3A_1634 = arith.constant 0 : i32
    %dma_wait3A_1635 = arith.constant 0 : i32
    %dma_wait3A_1636 = tpu.memref_slice %arg4[%dma_wait3A_1634, %dma_wait3A_1635] : memref<400000x16xf32, #tpu.memory_space<hbm>> -> memref<400000x16xf32, #tpu.memory_space<hbm>>
    tpu.wait_indirect_dma semaphore(%arg16 : memref<!tpu.dma_semaphore, #tpu.memory_space<semaphore_mem>>) src(%dma_wait3A_1636 : memref<400000x16xf32, #tpu.memory_space<hbm>>) dst(%dma_wait3A_1631 : memref<128x16xf32, #tpu.memory_space<vmem>>)
    %dma_wait3A_1637 = arith.constant 2048 : i32
    %dma_wait3A_1638 = arith.constant 0 : i32
    %dma_wait3A_1639 = tpu.memref_slice %arg12[%dma_wait3A_1637, %dma_wait3A_1638] : memref<2560x16xf32, #tpu.memory_space<vmem>> -> memref<128x16xf32, #tpu.memory_space<vmem>>
    %dma_wait3A_1640 = arith.constant 2048 : i32
    %dma_wait3A_1641 = tpu.memref_slice %arg11[%dma_wait3A_1640] : memref<2560xi32, #tpu.memory_space<vmem>> -> memref<128xi32, #tpu.memory_space<vmem>>
    %dma_wait3A_1642 = arith.constant 0 : i32
    %dma_wait3A_1643 = arith.constant 0 : i32
    %dma_wait3A_1644 = tpu.memref_slice %arg4[%dma_wait3A_1642, %dma_wait3A_1643] : memref<400000x16xf32, #tpu.memory_space<hbm>> -> memref<400000x16xf32, #tpu.memory_space<hbm>>
    tpu.wait_indirect_dma semaphore(%arg16 : memref<!tpu.dma_semaphore, #tpu.memory_space<semaphore_mem>>) src(%dma_wait3A_1644 : memref<400000x16xf32, #tpu.memory_space<hbm>>) dst(%dma_wait3A_1639 : memref<128x16xf32, #tpu.memory_space<vmem>>)
    %dma_wait3A_1645 = arith.constant 2176 : i32
    %dma_wait3A_1646 = arith.constant 0 : i32
    %dma_wait3A_1647 = tpu.memref_slice %arg12[%dma_wait3A_1645, %dma_wait3A_1646] : memref<2560x16xf32, #tpu.memory_space<vmem>> -> memref<128x16xf32, #tpu.memory_space<vmem>>
    %dma_wait3A_1648 = arith.constant 2176 : i32
    %dma_wait3A_1649 = tpu.memref_slice %arg11[%dma_wait3A_1648] : memref<2560xi32, #tpu.memory_space<vmem>> -> memref<128xi32, #tpu.memory_space<vmem>>
    %dma_wait3A_1650 = arith.constant 0 : i32
    %dma_wait3A_1651 = arith.constant 0 : i32
    %dma_wait3A_1652 = tpu.memref_slice %arg4[%dma_wait3A_1650, %dma_wait3A_1651] : memref<400000x16xf32, #tpu.memory_space<hbm>> -> memref<400000x16xf32, #tpu.memory_space<hbm>>
    tpu.wait_indirect_dma semaphore(%arg16 : memref<!tpu.dma_semaphore, #tpu.memory_space<semaphore_mem>>) src(%dma_wait3A_1652 : memref<400000x16xf32, #tpu.memory_space<hbm>>) dst(%dma_wait3A_1647 : memref<128x16xf32, #tpu.memory_space<vmem>>)
    %dma_wait3A_1653 = arith.constant 2304 : i32
    %dma_wait3A_1654 = arith.constant 0 : i32
    %dma_wait3A_1655 = tpu.memref_slice %arg12[%dma_wait3A_1653, %dma_wait3A_1654] : memref<2560x16xf32, #tpu.memory_space<vmem>> -> memref<128x16xf32, #tpu.memory_space<vmem>>
    %dma_wait3A_1656 = arith.constant 2304 : i32
    %dma_wait3A_1657 = tpu.memref_slice %arg11[%dma_wait3A_1656] : memref<2560xi32, #tpu.memory_space<vmem>> -> memref<128xi32, #tpu.memory_space<vmem>>
    %dma_wait3A_1658 = arith.constant 0 : i32
    %dma_wait3A_1659 = arith.constant 0 : i32
    %dma_wait3A_1660 = tpu.memref_slice %arg4[%dma_wait3A_1658, %dma_wait3A_1659] : memref<400000x16xf32, #tpu.memory_space<hbm>> -> memref<400000x16xf32, #tpu.memory_space<hbm>>
    tpu.wait_indirect_dma semaphore(%arg16 : memref<!tpu.dma_semaphore, #tpu.memory_space<semaphore_mem>>) src(%dma_wait3A_1660 : memref<400000x16xf32, #tpu.memory_space<hbm>>) dst(%dma_wait3A_1655 : memref<128x16xf32, #tpu.memory_space<vmem>>)
    %dma_wait3A_1661 = arith.constant 2432 : i32
    %dma_wait3A_1662 = arith.constant 0 : i32
    %dma_wait3A_1663 = tpu.memref_slice %arg12[%dma_wait3A_1661, %dma_wait3A_1662] : memref<2560x16xf32, #tpu.memory_space<vmem>> -> memref<128x16xf32, #tpu.memory_space<vmem>>
    %dma_wait3A_1664 = arith.constant 2432 : i32
    %dma_wait3A_1665 = tpu.memref_slice %arg11[%dma_wait3A_1664] : memref<2560xi32, #tpu.memory_space<vmem>> -> memref<128xi32, #tpu.memory_space<vmem>>
    %dma_wait3A_1666 = arith.constant 0 : i32
    %dma_wait3A_1667 = arith.constant 0 : i32
    %dma_wait3A_1668 = tpu.memref_slice %arg4[%dma_wait3A_1666, %dma_wait3A_1667] : memref<400000x16xf32, #tpu.memory_space<hbm>> -> memref<400000x16xf32, #tpu.memory_space<hbm>>
    tpu.wait_indirect_dma semaphore(%arg16 : memref<!tpu.dma_semaphore, #tpu.memory_space<semaphore_mem>>) src(%dma_wait3A_1668 : memref<400000x16xf32, #tpu.memory_space<hbm>>) dst(%dma_wait3A_1663 : memref<128x16xf32, #tpu.memory_space<vmem>>)
    "tpu.region"() ({
      %run_scoped3A_2734 = tpu.sem_alloc : memref<!tpu.dma_semaphore, #tpu.memory_space<semaphore_mem>>
      %dma_start3A_2735 = arith.constant 0 : i32
      %dma_start3A_2736 = tpu.memref_slice %arg8[%multiple_of3A_1341, %dma_start3A_2735] : memref<655360x16xf32, #tpu.memory_space<hbm>> -> memref<2560x16xf32, #tpu.memory_space<hbm>>
      %dma_start3A_2737 = arith.constant 0 : i32
      %dma_start3A_2738 = tpu.memref_slice %arg8[%multiple_of3A_1341, %dma_start3A_2737] : memref<655360x16xf32, #tpu.memory_space<hbm>> -> memref<2560x16xf32, #tpu.memory_space<hbm>>
      tpu.enqueue_dma source(%arg12 : memref<2560x16xf32, #tpu.memory_space<vmem>>) target(%dma_start3A_2738 : memref<2560x16xf32, #tpu.memory_space<hbm>>) target_semaphore(%run_scoped3A_2734 : memref<!tpu.dma_semaphore, #tpu.memory_space<semaphore_mem>>)
      %dma_wait3A_2739 = arith.constant 0 : i32
      %dma_wait3A_2740 = tpu.memref_slice %arg8[%multiple_of3A_1341, %dma_wait3A_2739] : memref<655360x16xf32, #tpu.memory_space<hbm>> -> memref<2560x16xf32, #tpu.memory_space<hbm>>
      %dma_wait3A_2741 = arith.constant 0 : i32
      %dma_wait3A_2742 = tpu.memref_slice %arg8[%multiple_of3A_1341, %dma_wait3A_2741] : memref<655360x16xf32, #tpu.memory_space<hbm>> -> memref<2560x16xf32, #tpu.memory_space<hbm>>
      tpu.wait_dma2 semaphore(%run_scoped3A_2734 : memref<!tpu.dma_semaphore, #tpu.memory_space<semaphore_mem>>) src(%arg12 : memref<2560x16xf32, #tpu.memory_space<vmem>>) dst(%dma_wait3A_2742 : memref<2560x16xf32, #tpu.memory_space<hbm>>)
      tpu.yield
    }) : () -> ()
    %mul3A_1669 = arith.constant 512 : i32
    %mul3A_1670 = arith.muli %add3A, %mul3A_1669 : i32
    %add3A_1671 = arith.constant 320 : i32
    %add3A_1672 = arith.addi %mul3A_1670, %add3A_1671 : i32
    %mul3A_1673 = arith.constant 40 : i32
    %mul3A_1674 = arith.muli %add3A_1672, %mul3A_1673 : i32
    %multiple_of3A_1675 = tpu.assume_multiple %mul3A_1674, 2560 : i32
    "tpu.region"() ({
      %run_scoped3A_2734 = tpu.sem_alloc : memref<!tpu.dma_semaphore, #tpu.memory_space<semaphore_mem>>
      %dma_start3A_2735 = tpu.memref_slice %arg2[%multiple_of3A_1675] : memref<655360xi32, #tpu.memory_space<hbm>> -> memref<2560xi32, #tpu.memory_space<hbm>>
      %dma_start3A_2736 = tpu.memref_slice %arg2[%multiple_of3A_1675] : memref<655360xi32, #tpu.memory_space<hbm>> -> memref<2560xi32, #tpu.memory_space<hbm>>
      tpu.enqueue_dma source(%dma_start3A_2736 : memref<2560xi32, #tpu.memory_space<hbm>>) target(%arg10 : memref<2560xi32, #tpu.memory_space<vmem>>) target_semaphore(%run_scoped3A_2734 : memref<!tpu.dma_semaphore, #tpu.memory_space<semaphore_mem>>)
      %dma_wait3A_2737 = tpu.memref_slice %arg2[%multiple_of3A_1675] : memref<655360xi32, #tpu.memory_space<hbm>> -> memref<2560xi32, #tpu.memory_space<hbm>>
      %dma_wait3A_2738 = tpu.memref_slice %arg2[%multiple_of3A_1675] : memref<655360xi32, #tpu.memory_space<hbm>> -> memref<2560xi32, #tpu.memory_space<hbm>>
      tpu.wait_dma2 semaphore(%run_scoped3A_2734 : memref<!tpu.dma_semaphore, #tpu.memory_space<semaphore_mem>>) src(%dma_wait3A_2738 : memref<2560xi32, #tpu.memory_space<hbm>>) dst(%arg10 : memref<2560xi32, #tpu.memory_space<vmem>>)
      tpu.yield
    }) : () -> ()
    %scan3A_1676 = arith.constant 0 : i32
    %scan3A_1677 = arith.constant 0 : i32
    %scan3A_1678 = arith.constant 160 : i32
    %scan3A_1679 = arith.addi %scan3A_1677, %scan3A_1678 : i32
    %scan3A_1680 = arith.constant 1 : i32
    %scan3A_1681 = scf.for %scan3A_2734 = %scan3A_1677 to %scan3A_1679 step %scan3A_1680 iter_args(%scan3A_2735 = %scan3A_1676) -> (i32)  : i32 {
      %mul3A_2736 = arith.constant 16 : i32
      %mul3A_2737 = arith.muli %scan3A_2734, %mul3A_2736 : i32
      %get3A = arith.index_cast %mul3A_2737 : i32 to index
      %get3A_2738 = tpu.vector_load %arg10[%get3A] {strides = array<i32>} : memref<2560xi32, #tpu.memory_space<vmem>>, vector<16xi32>,
      %get3A_2739 = vector.shape_cast %get3A_2738 : vector<16xi32> to vector<16xi32>
      %mul3A_2740 = arith.constant 4 : i32
      %mul3A_2741 = vector.broadcast %mul3A_2740 : i32 to vector<16xi32>
      %mul3A_2742 = arith.muli %get3A_2739, %mul3A_2741 : vector<16xi32>
      %get3A_2743 = arith.index_cast %mul3A_2737 : i32 to index
      %get3A_2744 = tpu.vector_load %arg15[%get3A_2743] {strides = array<i32>} : memref<2560xi32, #tpu.memory_space<vmem>>, vector<16xi32>,
      %get3A_2745 = vector.shape_cast %get3A_2744 : vector<16xi32> to vector<16xi32>
      %add3A_2746 = arith.addi %mul3A_2742, %get3A_2745 : vector<16xi32>
      %swap3A = arith.index_cast %mul3A_2737 : i32 to index
      %swap3A_2747 = tpu.vector_load %arg11[%swap3A] {strides = array<i32>} : memref<2560xi32, #tpu.memory_space<vmem>>, vector<16xi32>,
      %swap3A_2748 = vector.shape_cast %swap3A_2747 : vector<16xi32> to vector<16xi32>
      %swap3A_2749 = vector.shape_cast %add3A_2746 : vector<16xi32> to vector<16xi32>
      tpu.vector_store %arg11[%swap3A], %swap3A_2749 {strides = array<i32>} : memref<2560xi32, #tpu.memory_space<vmem>>, vector<16xi32>,
      %scan3A_2750 = arith.constant 0 : i32
      scf.yield %scan3A_2750 : i32
    }
    %scan3A_1682 = arith.constant 160 : i32
    %dma_start3A_1683 = arith.constant 0 : i32
    %dma_start3A_1684 = arith.constant 0 : i32
    %dma_start3A_1685 = tpu.memref_slice %arg12[%dma_start3A_1683, %dma_start3A_1684] : memref<2560x16xf32, #tpu.memory_space<vmem>> -> memref<128x16xf32, #tpu.memory_space<vmem>>
    %dma_start3A_1686 = arith.constant 0 : i32
    %dma_start3A_1687 = tpu.memref_slice %arg11[%dma_start3A_1686] : memref<2560xi32, #tpu.memory_space<vmem>> -> memref<128xi32, #tpu.memory_space<vmem>>
    %dma_start3A_1688 = arith.constant 0 : i32
    %dma_start3A_1689 = arith.constant 0 : i32
    %dma_start3A_1690 = tpu.memref_slice %arg4[%dma_start3A_1688, %dma_start3A_1689] : memref<400000x16xf32, #tpu.memory_space<hbm>> -> memref<400000x16xf32, #tpu.memory_space<hbm>>
    tpu.enqueue_indirect_dma source(%dma_start3A_1690 : memref<400000x16xf32, #tpu.memory_space<hbm>>) target(%dma_start3A_1685 : memref<128x16xf32, #tpu.memory_space<vmem>>) offsets(%dma_start3A_1687 : memref<128xi32, #tpu.memory_space<vmem>>) semaphore(%arg16 : memref<!tpu.dma_semaphore, #tpu.memory_space<semaphore_mem>>)
    %dma_start3A_1691 = arith.constant 128 : i32
    %dma_start3A_1692 = arith.constant 0 : i32
    %dma_start3A_1693 = tpu.memref_slice %arg12[%dma_start3A_1691, %dma_start3A_1692] : memref<2560x16xf32, #tpu.memory_space<vmem>> -> memref<128x16xf32, #tpu.memory_space<vmem>>
    %dma_start3A_1694 = arith.constant 128 : i32
    %dma_start3A_1695 = tpu.memref_slice %arg11[%dma_start3A_1694] : memref<2560xi32, #tpu.memory_space<vmem>> -> memref<128xi32, #tpu.memory_space<vmem>>
    %dma_start3A_1696 = arith.constant 0 : i32
    %dma_start3A_1697 = arith.constant 0 : i32
    %dma_start3A_1698 = tpu.memref_slice %arg4[%dma_start3A_1696, %dma_start3A_1697] : memref<400000x16xf32, #tpu.memory_space<hbm>> -> memref<400000x16xf32, #tpu.memory_space<hbm>>
    tpu.enqueue_indirect_dma source(%dma_start3A_1698 : memref<400000x16xf32, #tpu.memory_space<hbm>>) target(%dma_start3A_1693 : memref<128x16xf32, #tpu.memory_space<vmem>>) offsets(%dma_start3A_1695 : memref<128xi32, #tpu.memory_space<vmem>>) semaphore(%arg16 : memref<!tpu.dma_semaphore, #tpu.memory_space<semaphore_mem>>)
    %dma_start3A_1699 = arith.constant 256 : i32
    %dma_start3A_1700 = arith.constant 0 : i32
    %dma_start3A_1701 = tpu.memref_slice %arg12[%dma_start3A_1699, %dma_start3A_1700] : memref<2560x16xf32, #tpu.memory_space<vmem>> -> memref<128x16xf32, #tpu.memory_space<vmem>>
    %dma_start3A_1702 = arith.constant 256 : i32
    %dma_start3A_1703 = tpu.memref_slice %arg11[%dma_start3A_1702] : memref<2560xi32, #tpu.memory_space<vmem>> -> memref<128xi32, #tpu.memory_space<vmem>>
    %dma_start3A_1704 = arith.constant 0 : i32
    %dma_start3A_1705 = arith.constant 0 : i32
    %dma_start3A_1706 = tpu.memref_slice %arg4[%dma_start3A_1704, %dma_start3A_1705] : memref<400000x16xf32, #tpu.memory_space<hbm>> -> memref<400000x16xf32, #tpu.memory_space<hbm>>
    tpu.enqueue_indirect_dma source(%dma_start3A_1706 : memref<400000x16xf32, #tpu.memory_space<hbm>>) target(%dma_start3A_1701 : memref<128x16xf32, #tpu.memory_space<vmem>>) offsets(%dma_start3A_1703 : memref<128xi32, #tpu.memory_space<vmem>>) semaphore(%arg16 : memref<!tpu.dma_semaphore, #tpu.memory_space<semaphore_mem>>)
    %dma_start3A_1707 = arith.constant 384 : i32
    %dma_start3A_1708 = arith.constant 0 : i32
    %dma_start3A_1709 = tpu.memref_slice %arg12[%dma_start3A_1707, %dma_start3A_1708] : memref<2560x16xf32, #tpu.memory_space<vmem>> -> memref<128x16xf32, #tpu.memory_space<vmem>>
    %dma_start3A_1710 = arith.constant 384 : i32
    %dma_start3A_1711 = tpu.memref_slice %arg11[%dma_start3A_1710] : memref<2560xi32, #tpu.memory_space<vmem>> -> memref<128xi32, #tpu.memory_space<vmem>>
    %dma_start3A_1712 = arith.constant 0 : i32
    %dma_start3A_1713 = arith.constant 0 : i32
    %dma_start3A_1714 = tpu.memref_slice %arg4[%dma_start3A_1712, %dma_start3A_1713] : memref<400000x16xf32, #tpu.memory_space<hbm>> -> memref<400000x16xf32, #tpu.memory_space<hbm>>
    tpu.enqueue_indirect_dma source(%dma_start3A_1714 : memref<400000x16xf32, #tpu.memory_space<hbm>>) target(%dma_start3A_1709 : memref<128x16xf32, #tpu.memory_space<vmem>>) offsets(%dma_start3A_1711 : memref<128xi32, #tpu.memory_space<vmem>>) semaphore(%arg16 : memref<!tpu.dma_semaphore, #tpu.memory_space<semaphore_mem>>)
    %dma_start3A_1715 = arith.constant 512 : i32
    %dma_start3A_1716 = arith.constant 0 : i32
    %dma_start3A_1717 = tpu.memref_slice %arg12[%dma_start3A_1715, %dma_start3A_1716] : memref<2560x16xf32, #tpu.memory_space<vmem>> -> memref<128x16xf32, #tpu.memory_space<vmem>>
    %dma_start3A_1718 = arith.constant 512 : i32
    %dma_start3A_1719 = tpu.memref_slice %arg11[%dma_start3A_1718] : memref<2560xi32, #tpu.memory_space<vmem>> -> memref<128xi32, #tpu.memory_space<vmem>>
    %dma_start3A_1720 = arith.constant 0 : i32
    %dma_start3A_1721 = arith.constant 0 : i32
    %dma_start3A_1722 = tpu.memref_slice %arg4[%dma_start3A_1720, %dma_start3A_1721] : memref<400000x16xf32, #tpu.memory_space<hbm>> -> memref<400000x16xf32, #tpu.memory_space<hbm>>
    tpu.enqueue_indirect_dma source(%dma_start3A_1722 : memref<400000x16xf32, #tpu.memory_space<hbm>>) target(%dma_start3A_1717 : memref<128x16xf32, #tpu.memory_space<vmem>>) offsets(%dma_start3A_1719 : memref<128xi32, #tpu.memory_space<vmem>>) semaphore(%arg16 : memref<!tpu.dma_semaphore, #tpu.memory_space<semaphore_mem>>)
    %dma_start3A_1723 = arith.constant 640 : i32
    %dma_start3A_1724 = arith.constant 0 : i32
    %dma_start3A_1725 = tpu.memref_slice %arg12[%dma_start3A_1723, %dma_start3A_1724] : memref<2560x16xf32, #tpu.memory_space<vmem>> -> memref<128x16xf32, #tpu.memory_space<vmem>>
    %dma_start3A_1726 = arith.constant 640 : i32
    %dma_start3A_1727 = tpu.memref_slice %arg11[%dma_start3A_1726] : memref<2560xi32, #tpu.memory_space<vmem>> -> memref<128xi32, #tpu.memory_space<vmem>>
    %dma_start3A_1728 = arith.constant 0 : i32
    %dma_start3A_1729 = arith.constant 0 : i32
    %dma_start3A_1730 = tpu.memref_slice %arg4[%dma_start3A_1728, %dma_start3A_1729] : memref<400000x16xf32, #tpu.memory_space<hbm>> -> memref<400000x16xf32, #tpu.memory_space<hbm>>
    tpu.enqueue_indirect_dma source(%dma_start3A_1730 : memref<400000x16xf32, #tpu.memory_space<hbm>>) target(%dma_start3A_1725 : memref<128x16xf32, #tpu.memory_space<vmem>>) offsets(%dma_start3A_1727 : memref<128xi32, #tpu.memory_space<vmem>>) semaphore(%arg16 : memref<!tpu.dma_semaphore, #tpu.memory_space<semaphore_mem>>)
    %dma_start3A_1731 = arith.constant 768 : i32
    %dma_start3A_1732 = arith.constant 0 : i32
    %dma_start3A_1733 = tpu.memref_slice %arg12[%dma_start3A_1731, %dma_start3A_1732] : memref<2560x16xf32, #tpu.memory_space<vmem>> -> memref<128x16xf32, #tpu.memory_space<vmem>>
    %dma_start3A_1734 = arith.constant 768 : i32
    %dma_start3A_1735 = tpu.memref_slice %arg11[%dma_start3A_1734] : memref<2560xi32, #tpu.memory_space<vmem>> -> memref<128xi32, #tpu.memory_space<vmem>>
    %dma_start3A_1736 = arith.constant 0 : i32
    %dma_start3A_1737 = arith.constant 0 : i32
    %dma_start3A_1738 = tpu.memref_slice %arg4[%dma_start3A_1736, %dma_start3A_1737] : memref<400000x16xf32, #tpu.memory_space<hbm>> -> memref<400000x16xf32, #tpu.memory_space<hbm>>
    tpu.enqueue_indirect_dma source(%dma_start3A_1738 : memref<400000x16xf32, #tpu.memory_space<hbm>>) target(%dma_start3A_1733 : memref<128x16xf32, #tpu.memory_space<vmem>>) offsets(%dma_start3A_1735 : memref<128xi32, #tpu.memory_space<vmem>>) semaphore(%arg16 : memref<!tpu.dma_semaphore, #tpu.memory_space<semaphore_mem>>)
    %dma_start3A_1739 = arith.constant 896 : i32
    %dma_start3A_1740 = arith.constant 0 : i32
    %dma_start3A_1741 = tpu.memref_slice %arg12[%dma_start3A_1739, %dma_start3A_1740] : memref<2560x16xf32, #tpu.memory_space<vmem>> -> memref<128x16xf32, #tpu.memory_space<vmem>>
    %dma_start3A_1742 = arith.constant 896 : i32
    %dma_start3A_1743 = tpu.memref_slice %arg11[%dma_start3A_1742] : memref<2560xi32, #tpu.memory_space<vmem>> -> memref<128xi32, #tpu.memory_space<vmem>>
    %dma_start3A_1744 = arith.constant 0 : i32
    %dma_start3A_1745 = arith.constant 0 : i32
    %dma_start3A_1746 = tpu.memref_slice %arg4[%dma_start3A_1744, %dma_start3A_1745] : memref<400000x16xf32, #tpu.memory_space<hbm>> -> memref<400000x16xf32, #tpu.memory_space<hbm>>
    tpu.enqueue_indirect_dma source(%dma_start3A_1746 : memref<400000x16xf32, #tpu.memory_space<hbm>>) target(%dma_start3A_1741 : memref<128x16xf32, #tpu.memory_space<vmem>>) offsets(%dma_start3A_1743 : memref<128xi32, #tpu.memory_space<vmem>>) semaphore(%arg16 : memref<!tpu.dma_semaphore, #tpu.memory_space<semaphore_mem>>)
    %dma_start3A_1747 = arith.constant 1024 : i32
    %dma_start3A_1748 = arith.constant 0 : i32
    %dma_start3A_1749 = tpu.memref_slice %arg12[%dma_start3A_1747, %dma_start3A_1748] : memref<2560x16xf32, #tpu.memory_space<vmem>> -> memref<128x16xf32, #tpu.memory_space<vmem>>
    %dma_start3A_1750 = arith.constant 1024 : i32
    %dma_start3A_1751 = tpu.memref_slice %arg11[%dma_start3A_1750] : memref<2560xi32, #tpu.memory_space<vmem>> -> memref<128xi32, #tpu.memory_space<vmem>>
    %dma_start3A_1752 = arith.constant 0 : i32
    %dma_start3A_1753 = arith.constant 0 : i32
    %dma_start3A_1754 = tpu.memref_slice %arg4[%dma_start3A_1752, %dma_start3A_1753] : memref<400000x16xf32, #tpu.memory_space<hbm>> -> memref<400000x16xf32, #tpu.memory_space<hbm>>
    tpu.enqueue_indirect_dma source(%dma_start3A_1754 : memref<400000x16xf32, #tpu.memory_space<hbm>>) target(%dma_start3A_1749 : memref<128x16xf32, #tpu.memory_space<vmem>>) offsets(%dma_start3A_1751 : memref<128xi32, #tpu.memory_space<vmem>>) semaphore(%arg16 : memref<!tpu.dma_semaphore, #tpu.memory_space<semaphore_mem>>)
    %dma_start3A_1755 = arith.constant 1152 : i32
    %dma_start3A_1756 = arith.constant 0 : i32
    %dma_start3A_1757 = tpu.memref_slice %arg12[%dma_start3A_1755, %dma_start3A_1756] : memref<2560x16xf32, #tpu.memory_space<vmem>> -> memref<128x16xf32, #tpu.memory_space<vmem>>
    %dma_start3A_1758 = arith.constant 1152 : i32
    %dma_start3A_1759 = tpu.memref_slice %arg11[%dma_start3A_1758] : memref<2560xi32, #tpu.memory_space<vmem>> -> memref<128xi32, #tpu.memory_space<vmem>>
    %dma_start3A_1760 = arith.constant 0 : i32
    %dma_start3A_1761 = arith.constant 0 : i32
    %dma_start3A_1762 = tpu.memref_slice %arg4[%dma_start3A_1760, %dma_start3A_1761] : memref<400000x16xf32, #tpu.memory_space<hbm>> -> memref<400000x16xf32, #tpu.memory_space<hbm>>
    tpu.enqueue_indirect_dma source(%dma_start3A_1762 : memref<400000x16xf32, #tpu.memory_space<hbm>>) target(%dma_start3A_1757 : memref<128x16xf32, #tpu.memory_space<vmem>>) offsets(%dma_start3A_1759 : memref<128xi32, #tpu.memory_space<vmem>>) semaphore(%arg16 : memref<!tpu.dma_semaphore, #tpu.memory_space<semaphore_mem>>)
    %dma_start3A_1763 = arith.constant 1280 : i32
    %dma_start3A_1764 = arith.constant 0 : i32
    %dma_start3A_1765 = tpu.memref_slice %arg12[%dma_start3A_1763, %dma_start3A_1764] : memref<2560x16xf32, #tpu.memory_space<vmem>> -> memref<128x16xf32, #tpu.memory_space<vmem>>
    %dma_start3A_1766 = arith.constant 1280 : i32
    %dma_start3A_1767 = tpu.memref_slice %arg11[%dma_start3A_1766] : memref<2560xi32, #tpu.memory_space<vmem>> -> memref<128xi32, #tpu.memory_space<vmem>>
    %dma_start3A_1768 = arith.constant 0 : i32
    %dma_start3A_1769 = arith.constant 0 : i32
    %dma_start3A_1770 = tpu.memref_slice %arg4[%dma_start3A_1768, %dma_start3A_1769] : memref<400000x16xf32, #tpu.memory_space<hbm>> -> memref<400000x16xf32, #tpu.memory_space<hbm>>
    tpu.enqueue_indirect_dma source(%dma_start3A_1770 : memref<400000x16xf32, #tpu.memory_space<hbm>>) target(%dma_start3A_1765 : memref<128x16xf32, #tpu.memory_space<vmem>>) offsets(%dma_start3A_1767 : memref<128xi32, #tpu.memory_space<vmem>>) semaphore(%arg16 : memref<!tpu.dma_semaphore, #tpu.memory_space<semaphore_mem>>)
    %dma_start3A_1771 = arith.constant 1408 : i32
    %dma_start3A_1772 = arith.constant 0 : i32
    %dma_start3A_1773 = tpu.memref_slice %arg12[%dma_start3A_1771, %dma_start3A_1772] : memref<2560x16xf32, #tpu.memory_space<vmem>> -> memref<128x16xf32, #tpu.memory_space<vmem>>
    %dma_start3A_1774 = arith.constant 1408 : i32
    %dma_start3A_1775 = tpu.memref_slice %arg11[%dma_start3A_1774] : memref<2560xi32, #tpu.memory_space<vmem>> -> memref<128xi32, #tpu.memory_space<vmem>>
    %dma_start3A_1776 = arith.constant 0 : i32
    %dma_start3A_1777 = arith.constant 0 : i32
    %dma_start3A_1778 = tpu.memref_slice %arg4[%dma_start3A_1776, %dma_start3A_1777] : memref<400000x16xf32, #tpu.memory_space<hbm>> -> memref<400000x16xf32, #tpu.memory_space<hbm>>
    tpu.enqueue_indirect_dma source(%dma_start3A_1778 : memref<400000x16xf32, #tpu.memory_space<hbm>>) target(%dma_start3A_1773 : memref<128x16xf32, #tpu.memory_space<vmem>>) offsets(%dma_start3A_1775 : memref<128xi32, #tpu.memory_space<vmem>>) semaphore(%arg16 : memref<!tpu.dma_semaphore, #tpu.memory_space<semaphore_mem>>)
    %dma_start3A_1779 = arith.constant 1536 : i32
    %dma_start3A_1780 = arith.constant 0 : i32
    %dma_start3A_1781 = tpu.memref_slice %arg12[%dma_start3A_1779, %dma_start3A_1780] : memref<2560x16xf32, #tpu.memory_space<vmem>> -> memref<128x16xf32, #tpu.memory_space<vmem>>
    %dma_start3A_1782 = arith.constant 1536 : i32
    %dma_start3A_1783 = tpu.memref_slice %arg11[%dma_start3A_1782] : memref<2560xi32, #tpu.memory_space<vmem>> -> memref<128xi32, #tpu.memory_space<vmem>>
    %dma_start3A_1784 = arith.constant 0 : i32
    %dma_start3A_1785 = arith.constant 0 : i32
    %dma_start3A_1786 = tpu.memref_slice %arg4[%dma_start3A_1784, %dma_start3A_1785] : memref<400000x16xf32, #tpu.memory_space<hbm>> -> memref<400000x16xf32, #tpu.memory_space<hbm>>
    tpu.enqueue_indirect_dma source(%dma_start3A_1786 : memref<400000x16xf32, #tpu.memory_space<hbm>>) target(%dma_start3A_1781 : memref<128x16xf32, #tpu.memory_space<vmem>>) offsets(%dma_start3A_1783 : memref<128xi32, #tpu.memory_space<vmem>>) semaphore(%arg16 : memref<!tpu.dma_semaphore, #tpu.memory_space<semaphore_mem>>)
    %dma_start3A_1787 = arith.constant 1664 : i32
    %dma_start3A_1788 = arith.constant 0 : i32
    %dma_start3A_1789 = tpu.memref_slice %arg12[%dma_start3A_1787, %dma_start3A_1788] : memref<2560x16xf32, #tpu.memory_space<vmem>> -> memref<128x16xf32, #tpu.memory_space<vmem>>
    %dma_start3A_1790 = arith.constant 1664 : i32
    %dma_start3A_1791 = tpu.memref_slice %arg11[%dma_start3A_1790] : memref<2560xi32, #tpu.memory_space<vmem>> -> memref<128xi32, #tpu.memory_space<vmem>>
    %dma_start3A_1792 = arith.constant 0 : i32
    %dma_start3A_1793 = arith.constant 0 : i32
    %dma_start3A_1794 = tpu.memref_slice %arg4[%dma_start3A_1792, %dma_start3A_1793] : memref<400000x16xf32, #tpu.memory_space<hbm>> -> memref<400000x16xf32, #tpu.memory_space<hbm>>
    tpu.enqueue_indirect_dma source(%dma_start3A_1794 : memref<400000x16xf32, #tpu.memory_space<hbm>>) target(%dma_start3A_1789 : memref<128x16xf32, #tpu.memory_space<vmem>>) offsets(%dma_start3A_1791 : memref<128xi32, #tpu.memory_space<vmem>>) semaphore(%arg16 : memref<!tpu.dma_semaphore, #tpu.memory_space<semaphore_mem>>)
    %dma_start3A_1795 = arith.constant 1792 : i32
    %dma_start3A_1796 = arith.constant 0 : i32
    %dma_start3A_1797 = tpu.memref_slice %arg12[%dma_start3A_1795, %dma_start3A_1796] : memref<2560x16xf32, #tpu.memory_space<vmem>> -> memref<128x16xf32, #tpu.memory_space<vmem>>
    %dma_start3A_1798 = arith.constant 1792 : i32
    %dma_start3A_1799 = tpu.memref_slice %arg11[%dma_start3A_1798] : memref<2560xi32, #tpu.memory_space<vmem>> -> memref<128xi32, #tpu.memory_space<vmem>>
    %dma_start3A_1800 = arith.constant 0 : i32
    %dma_start3A_1801 = arith.constant 0 : i32
    %dma_start3A_1802 = tpu.memref_slice %arg4[%dma_start3A_1800, %dma_start3A_1801] : memref<400000x16xf32, #tpu.memory_space<hbm>> -> memref<400000x16xf32, #tpu.memory_space<hbm>>
    tpu.enqueue_indirect_dma source(%dma_start3A_1802 : memref<400000x16xf32, #tpu.memory_space<hbm>>) target(%dma_start3A_1797 : memref<128x16xf32, #tpu.memory_space<vmem>>) offsets(%dma_start3A_1799 : memref<128xi32, #tpu.memory_space<vmem>>) semaphore(%arg16 : memref<!tpu.dma_semaphore, #tpu.memory_space<semaphore_mem>>)
    %dma_start3A_1803 = arith.constant 1920 : i32
    %dma_start3A_1804 = arith.constant 0 : i32
    %dma_start3A_1805 = tpu.memref_slice %arg12[%dma_start3A_1803, %dma_start3A_1804] : memref<2560x16xf32, #tpu.memory_space<vmem>> -> memref<128x16xf32, #tpu.memory_space<vmem>>
    %dma_start3A_1806 = arith.constant 1920 : i32
    %dma_start3A_1807 = tpu.memref_slice %arg11[%dma_start3A_1806] : memref<2560xi32, #tpu.memory_space<vmem>> -> memref<128xi32, #tpu.memory_space<vmem>>
    %dma_start3A_1808 = arith.constant 0 : i32
    %dma_start3A_1809 = arith.constant 0 : i32
    %dma_start3A_1810 = tpu.memref_slice %arg4[%dma_start3A_1808, %dma_start3A_1809] : memref<400000x16xf32, #tpu.memory_space<hbm>> -> memref<400000x16xf32, #tpu.memory_space<hbm>>
    tpu.enqueue_indirect_dma source(%dma_start3A_1810 : memref<400000x16xf32, #tpu.memory_space<hbm>>) target(%dma_start3A_1805 : memref<128x16xf32, #tpu.memory_space<vmem>>) offsets(%dma_start3A_1807 : memref<128xi32, #tpu.memory_space<vmem>>) semaphore(%arg16 : memref<!tpu.dma_semaphore, #tpu.memory_space<semaphore_mem>>)
    %dma_start3A_1811 = arith.constant 2048 : i32
    %dma_start3A_1812 = arith.constant 0 : i32
    %dma_start3A_1813 = tpu.memref_slice %arg12[%dma_start3A_1811, %dma_start3A_1812] : memref<2560x16xf32, #tpu.memory_space<vmem>> -> memref<128x16xf32, #tpu.memory_space<vmem>>
    %dma_start3A_1814 = arith.constant 2048 : i32
    %dma_start3A_1815 = tpu.memref_slice %arg11[%dma_start3A_1814] : memref<2560xi32, #tpu.memory_space<vmem>> -> memref<128xi32, #tpu.memory_space<vmem>>
    %dma_start3A_1816 = arith.constant 0 : i32
    %dma_start3A_1817 = arith.constant 0 : i32
    %dma_start3A_1818 = tpu.memref_slice %arg4[%dma_start3A_1816, %dma_start3A_1817] : memref<400000x16xf32, #tpu.memory_space<hbm>> -> memref<400000x16xf32, #tpu.memory_space<hbm>>
    tpu.enqueue_indirect_dma source(%dma_start3A_1818 : memref<400000x16xf32, #tpu.memory_space<hbm>>) target(%dma_start3A_1813 : memref<128x16xf32, #tpu.memory_space<vmem>>) offsets(%dma_start3A_1815 : memref<128xi32, #tpu.memory_space<vmem>>) semaphore(%arg16 : memref<!tpu.dma_semaphore, #tpu.memory_space<semaphore_mem>>)
    %dma_start3A_1819 = arith.constant 2176 : i32
    %dma_start3A_1820 = arith.constant 0 : i32
    %dma_start3A_1821 = tpu.memref_slice %arg12[%dma_start3A_1819, %dma_start3A_1820] : memref<2560x16xf32, #tpu.memory_space<vmem>> -> memref<128x16xf32, #tpu.memory_space<vmem>>
    %dma_start3A_1822 = arith.constant 2176 : i32
    %dma_start3A_1823 = tpu.memref_slice %arg11[%dma_start3A_1822] : memref<2560xi32, #tpu.memory_space<vmem>> -> memref<128xi32, #tpu.memory_space<vmem>>
    %dma_start3A_1824 = arith.constant 0 : i32
    %dma_start3A_1825 = arith.constant 0 : i32
    %dma_start3A_1826 = tpu.memref_slice %arg4[%dma_start3A_1824, %dma_start3A_1825] : memref<400000x16xf32, #tpu.memory_space<hbm>> -> memref<400000x16xf32, #tpu.memory_space<hbm>>
    tpu.enqueue_indirect_dma source(%dma_start3A_1826 : memref<400000x16xf32, #tpu.memory_space<hbm>>) target(%dma_start3A_1821 : memref<128x16xf32, #tpu.memory_space<vmem>>) offsets(%dma_start3A_1823 : memref<128xi32, #tpu.memory_space<vmem>>) semaphore(%arg16 : memref<!tpu.dma_semaphore, #tpu.memory_space<semaphore_mem>>)
    %dma_start3A_1827 = arith.constant 2304 : i32
    %dma_start3A_1828 = arith.constant 0 : i32
    %dma_start3A_1829 = tpu.memref_slice %arg12[%dma_start3A_1827, %dma_start3A_1828] : memref<2560x16xf32, #tpu.memory_space<vmem>> -> memref<128x16xf32, #tpu.memory_space<vmem>>
    %dma_start3A_1830 = arith.constant 2304 : i32
    %dma_start3A_1831 = tpu.memref_slice %arg11[%dma_start3A_1830] : memref<2560xi32, #tpu.memory_space<vmem>> -> memref<128xi32, #tpu.memory_space<vmem>>
    %dma_start3A_1832 = arith.constant 0 : i32
    %dma_start3A_1833 = arith.constant 0 : i32
    %dma_start3A_1834 = tpu.memref_slice %arg4[%dma_start3A_1832, %dma_start3A_1833] : memref<400000x16xf32, #tpu.memory_space<hbm>> -> memref<400000x16xf32, #tpu.memory_space<hbm>>
    tpu.enqueue_indirect_dma source(%dma_start3A_1834 : memref<400000x16xf32, #tpu.memory_space<hbm>>) target(%dma_start3A_1829 : memref<128x16xf32, #tpu.memory_space<vmem>>) offsets(%dma_start3A_1831 : memref<128xi32, #tpu.memory_space<vmem>>) semaphore(%arg16 : memref<!tpu.dma_semaphore, #tpu.memory_space<semaphore_mem>>)
    %dma_start3A_1835 = arith.constant 2432 : i32
    %dma_start3A_1836 = arith.constant 0 : i32
    %dma_start3A_1837 = tpu.memref_slice %arg12[%dma_start3A_1835, %dma_start3A_1836] : memref<2560x16xf32, #tpu.memory_space<vmem>> -> memref<128x16xf32, #tpu.memory_space<vmem>>
    %dma_start3A_1838 = arith.constant 2432 : i32
    %dma_start3A_1839 = tpu.memref_slice %arg11[%dma_start3A_1838] : memref<2560xi32, #tpu.memory_space<vmem>> -> memref<128xi32, #tpu.memory_space<vmem>>
    %dma_start3A_1840 = arith.constant 0 : i32
    %dma_start3A_1841 = arith.constant 0 : i32
    %dma_start3A_1842 = tpu.memref_slice %arg4[%dma_start3A_1840, %dma_start3A_1841] : memref<400000x16xf32, #tpu.memory_space<hbm>> -> memref<400000x16xf32, #tpu.memory_space<hbm>>
    tpu.enqueue_indirect_dma source(%dma_start3A_1842 : memref<400000x16xf32, #tpu.memory_space<hbm>>) target(%dma_start3A_1837 : memref<128x16xf32, #tpu.memory_space<vmem>>) offsets(%dma_start3A_1839 : memref<128xi32, #tpu.memory_space<vmem>>) semaphore(%arg16 : memref<!tpu.dma_semaphore, #tpu.memory_space<semaphore_mem>>)
    %dma_wait3A_1843 = arith.constant 0 : i32
    %dma_wait3A_1844 = arith.constant 0 : i32
    %dma_wait3A_1845 = tpu.memref_slice %arg12[%dma_wait3A_1843, %dma_wait3A_1844] : memref<2560x16xf32, #tpu.memory_space<vmem>> -> memref<128x16xf32, #tpu.memory_space<vmem>>
    %dma_wait3A_1846 = arith.constant 0 : i32
    %dma_wait3A_1847 = tpu.memref_slice %arg11[%dma_wait3A_1846] : memref<2560xi32, #tpu.memory_space<vmem>> -> memref<128xi32, #tpu.memory_space<vmem>>
    %dma_wait3A_1848 = arith.constant 0 : i32
    %dma_wait3A_1849 = arith.constant 0 : i32
    %dma_wait3A_1850 = tpu.memref_slice %arg4[%dma_wait3A_1848, %dma_wait3A_1849] : memref<400000x16xf32, #tpu.memory_space<hbm>> -> memref<400000x16xf32, #tpu.memory_space<hbm>>
    tpu.wait_indirect_dma semaphore(%arg16 : memref<!tpu.dma_semaphore, #tpu.memory_space<semaphore_mem>>) src(%dma_wait3A_1850 : memref<400000x16xf32, #tpu.memory_space<hbm>>) dst(%dma_wait3A_1845 : memref<128x16xf32, #tpu.memory_space<vmem>>)
    %dma_wait3A_1851 = arith.constant 128 : i32
    %dma_wait3A_1852 = arith.constant 0 : i32
    %dma_wait3A_1853 = tpu.memref_slice %arg12[%dma_wait3A_1851, %dma_wait3A_1852] : memref<2560x16xf32, #tpu.memory_space<vmem>> -> memref<128x16xf32, #tpu.memory_space<vmem>>
    %dma_wait3A_1854 = arith.constant 128 : i32
    %dma_wait3A_1855 = tpu.memref_slice %arg11[%dma_wait3A_1854] : memref<2560xi32, #tpu.memory_space<vmem>> -> memref<128xi32, #tpu.memory_space<vmem>>
    %dma_wait3A_1856 = arith.constant 0 : i32
    %dma_wait3A_1857 = arith.constant 0 : i32
    %dma_wait3A_1858 = tpu.memref_slice %arg4[%dma_wait3A_1856, %dma_wait3A_1857] : memref<400000x16xf32, #tpu.memory_space<hbm>> -> memref<400000x16xf32, #tpu.memory_space<hbm>>
    tpu.wait_indirect_dma semaphore(%arg16 : memref<!tpu.dma_semaphore, #tpu.memory_space<semaphore_mem>>) src(%dma_wait3A_1858 : memref<400000x16xf32, #tpu.memory_space<hbm>>) dst(%dma_wait3A_1853 : memref<128x16xf32, #tpu.memory_space<vmem>>)
    %dma_wait3A_1859 = arith.constant 256 : i32
    %dma_wait3A_1860 = arith.constant 0 : i32
    %dma_wait3A_1861 = tpu.memref_slice %arg12[%dma_wait3A_1859, %dma_wait3A_1860] : memref<2560x16xf32, #tpu.memory_space<vmem>> -> memref<128x16xf32, #tpu.memory_space<vmem>>
    %dma_wait3A_1862 = arith.constant 256 : i32
    %dma_wait3A_1863 = tpu.memref_slice %arg11[%dma_wait3A_1862] : memref<2560xi32, #tpu.memory_space<vmem>> -> memref<128xi32, #tpu.memory_space<vmem>>
    %dma_wait3A_1864 = arith.constant 0 : i32
    %dma_wait3A_1865 = arith.constant 0 : i32
    %dma_wait3A_1866 = tpu.memref_slice %arg4[%dma_wait3A_1864, %dma_wait3A_1865] : memref<400000x16xf32, #tpu.memory_space<hbm>> -> memref<400000x16xf32, #tpu.memory_space<hbm>>
    tpu.wait_indirect_dma semaphore(%arg16 : memref<!tpu.dma_semaphore, #tpu.memory_space<semaphore_mem>>) src(%dma_wait3A_1866 : memref<400000x16xf32, #tpu.memory_space<hbm>>) dst(%dma_wait3A_1861 : memref<128x16xf32, #tpu.memory_space<vmem>>)
    %dma_wait3A_1867 = arith.constant 384 : i32
    %dma_wait3A_1868 = arith.constant 0 : i32
    %dma_wait3A_1869 = tpu.memref_slice %arg12[%dma_wait3A_1867, %dma_wait3A_1868] : memref<2560x16xf32, #tpu.memory_space<vmem>> -> memref<128x16xf32, #tpu.memory_space<vmem>>
    %dma_wait3A_1870 = arith.constant 384 : i32
    %dma_wait3A_1871 = tpu.memref_slice %arg11[%dma_wait3A_1870] : memref<2560xi32, #tpu.memory_space<vmem>> -> memref<128xi32, #tpu.memory_space<vmem>>
    %dma_wait3A_1872 = arith.constant 0 : i32
    %dma_wait3A_1873 = arith.constant 0 : i32
    %dma_wait3A_1874 = tpu.memref_slice %arg4[%dma_wait3A_1872, %dma_wait3A_1873] : memref<400000x16xf32, #tpu.memory_space<hbm>> -> memref<400000x16xf32, #tpu.memory_space<hbm>>
    tpu.wait_indirect_dma semaphore(%arg16 : memref<!tpu.dma_semaphore, #tpu.memory_space<semaphore_mem>>) src(%dma_wait3A_1874 : memref<400000x16xf32, #tpu.memory_space<hbm>>) dst(%dma_wait3A_1869 : memref<128x16xf32, #tpu.memory_space<vmem>>)
    %dma_wait3A_1875 = arith.constant 512 : i32
    %dma_wait3A_1876 = arith.constant 0 : i32
    %dma_wait3A_1877 = tpu.memref_slice %arg12[%dma_wait3A_1875, %dma_wait3A_1876] : memref<2560x16xf32, #tpu.memory_space<vmem>> -> memref<128x16xf32, #tpu.memory_space<vmem>>
    %dma_wait3A_1878 = arith.constant 512 : i32
    %dma_wait3A_1879 = tpu.memref_slice %arg11[%dma_wait3A_1878] : memref<2560xi32, #tpu.memory_space<vmem>> -> memref<128xi32, #tpu.memory_space<vmem>>
    %dma_wait3A_1880 = arith.constant 0 : i32
    %dma_wait3A_1881 = arith.constant 0 : i32
    %dma_wait3A_1882 = tpu.memref_slice %arg4[%dma_wait3A_1880, %dma_wait3A_1881] : memref<400000x16xf32, #tpu.memory_space<hbm>> -> memref<400000x16xf32, #tpu.memory_space<hbm>>
    tpu.wait_indirect_dma semaphore(%arg16 : memref<!tpu.dma_semaphore, #tpu.memory_space<semaphore_mem>>) src(%dma_wait3A_1882 : memref<400000x16xf32, #tpu.memory_space<hbm>>) dst(%dma_wait3A_1877 : memref<128x16xf32, #tpu.memory_space<vmem>>)
    %dma_wait3A_1883 = arith.constant 640 : i32
    %dma_wait3A_1884 = arith.constant 0 : i32
    %dma_wait3A_1885 = tpu.memref_slice %arg12[%dma_wait3A_1883, %dma_wait3A_1884] : memref<2560x16xf32, #tpu.memory_space<vmem>> -> memref<128x16xf32, #tpu.memory_space<vmem>>
    %dma_wait3A_1886 = arith.constant 640 : i32
    %dma_wait3A_1887 = tpu.memref_slice %arg11[%dma_wait3A_1886] : memref<2560xi32, #tpu.memory_space<vmem>> -> memref<128xi32, #tpu.memory_space<vmem>>
    %dma_wait3A_1888 = arith.constant 0 : i32
    %dma_wait3A_1889 = arith.constant 0 : i32
    %dma_wait3A_1890 = tpu.memref_slice %arg4[%dma_wait3A_1888, %dma_wait3A_1889] : memref<400000x16xf32, #tpu.memory_space<hbm>> -> memref<400000x16xf32, #tpu.memory_space<hbm>>
    tpu.wait_indirect_dma semaphore(%arg16 : memref<!tpu.dma_semaphore, #tpu.memory_space<semaphore_mem>>) src(%dma_wait3A_1890 : memref<400000x16xf32, #tpu.memory_space<hbm>>) dst(%dma_wait3A_1885 : memref<128x16xf32, #tpu.memory_space<vmem>>)
    %dma_wait3A_1891 = arith.constant 768 : i32
    %dma_wait3A_1892 = arith.constant 0 : i32
    %dma_wait3A_1893 = tpu.memref_slice %arg12[%dma_wait3A_1891, %dma_wait3A_1892] : memref<2560x16xf32, #tpu.memory_space<vmem>> -> memref<128x16xf32, #tpu.memory_space<vmem>>
    %dma_wait3A_1894 = arith.constant 768 : i32
    %dma_wait3A_1895 = tpu.memref_slice %arg11[%dma_wait3A_1894] : memref<2560xi32, #tpu.memory_space<vmem>> -> memref<128xi32, #tpu.memory_space<vmem>>
    %dma_wait3A_1896 = arith.constant 0 : i32
    %dma_wait3A_1897 = arith.constant 0 : i32
    %dma_wait3A_1898 = tpu.memref_slice %arg4[%dma_wait3A_1896, %dma_wait3A_1897] : memref<400000x16xf32, #tpu.memory_space<hbm>> -> memref<400000x16xf32, #tpu.memory_space<hbm>>
    tpu.wait_indirect_dma semaphore(%arg16 : memref<!tpu.dma_semaphore, #tpu.memory_space<semaphore_mem>>) src(%dma_wait3A_1898 : memref<400000x16xf32, #tpu.memory_space<hbm>>) dst(%dma_wait3A_1893 : memref<128x16xf32, #tpu.memory_space<vmem>>)
    %dma_wait3A_1899 = arith.constant 896 : i32
    %dma_wait3A_1900 = arith.constant 0 : i32
    %dma_wait3A_1901 = tpu.memref_slice %arg12[%dma_wait3A_1899, %dma_wait3A_1900] : memref<2560x16xf32, #tpu.memory_space<vmem>> -> memref<128x16xf32, #tpu.memory_space<vmem>>
    %dma_wait3A_1902 = arith.constant 896 : i32
    %dma_wait3A_1903 = tpu.memref_slice %arg11[%dma_wait3A_1902] : memref<2560xi32, #tpu.memory_space<vmem>> -> memref<128xi32, #tpu.memory_space<vmem>>
    %dma_wait3A_1904 = arith.constant 0 : i32
    %dma_wait3A_1905 = arith.constant 0 : i32
    %dma_wait3A_1906 = tpu.memref_slice %arg4[%dma_wait3A_1904, %dma_wait3A_1905] : memref<400000x16xf32, #tpu.memory_space<hbm>> -> memref<400000x16xf32, #tpu.memory_space<hbm>>
    tpu.wait_indirect_dma semaphore(%arg16 : memref<!tpu.dma_semaphore, #tpu.memory_space<semaphore_mem>>) src(%dma_wait3A_1906 : memref<400000x16xf32, #tpu.memory_space<hbm>>) dst(%dma_wait3A_1901 : memref<128x16xf32, #tpu.memory_space<vmem>>)
    %dma_wait3A_1907 = arith.constant 1024 : i32
    %dma_wait3A_1908 = arith.constant 0 : i32
    %dma_wait3A_1909 = tpu.memref_slice %arg12[%dma_wait3A_1907, %dma_wait3A_1908] : memref<2560x16xf32, #tpu.memory_space<vmem>> -> memref<128x16xf32, #tpu.memory_space<vmem>>
    %dma_wait3A_1910 = arith.constant 1024 : i32
    %dma_wait3A_1911 = tpu.memref_slice %arg11[%dma_wait3A_1910] : memref<2560xi32, #tpu.memory_space<vmem>> -> memref<128xi32, #tpu.memory_space<vmem>>
    %dma_wait3A_1912 = arith.constant 0 : i32
    %dma_wait3A_1913 = arith.constant 0 : i32
    %dma_wait3A_1914 = tpu.memref_slice %arg4[%dma_wait3A_1912, %dma_wait3A_1913] : memref<400000x16xf32, #tpu.memory_space<hbm>> -> memref<400000x16xf32, #tpu.memory_space<hbm>>
    tpu.wait_indirect_dma semaphore(%arg16 : memref<!tpu.dma_semaphore, #tpu.memory_space<semaphore_mem>>) src(%dma_wait3A_1914 : memref<400000x16xf32, #tpu.memory_space<hbm>>) dst(%dma_wait3A_1909 : memref<128x16xf32, #tpu.memory_space<vmem>>)
    %dma_wait3A_1915 = arith.constant 1152 : i32
    %dma_wait3A_1916 = arith.constant 0 : i32
    %dma_wait3A_1917 = tpu.memref_slice %arg12[%dma_wait3A_1915, %dma_wait3A_1916] : memref<2560x16xf32, #tpu.memory_space<vmem>> -> memref<128x16xf32, #tpu.memory_space<vmem>>
    %dma_wait3A_1918 = arith.constant 1152 : i32
    %dma_wait3A_1919 = tpu.memref_slice %arg11[%dma_wait3A_1918] : memref<2560xi32, #tpu.memory_space<vmem>> -> memref<128xi32, #tpu.memory_space<vmem>>
    %dma_wait3A_1920 = arith.constant 0 : i32
    %dma_wait3A_1921 = arith.constant 0 : i32
    %dma_wait3A_1922 = tpu.memref_slice %arg4[%dma_wait3A_1920, %dma_wait3A_1921] : memref<400000x16xf32, #tpu.memory_space<hbm>> -> memref<400000x16xf32, #tpu.memory_space<hbm>>
    tpu.wait_indirect_dma semaphore(%arg16 : memref<!tpu.dma_semaphore, #tpu.memory_space<semaphore_mem>>) src(%dma_wait3A_1922 : memref<400000x16xf32, #tpu.memory_space<hbm>>) dst(%dma_wait3A_1917 : memref<128x16xf32, #tpu.memory_space<vmem>>)
    %dma_wait3A_1923 = arith.constant 1280 : i32
    %dma_wait3A_1924 = arith.constant 0 : i32
    %dma_wait3A_1925 = tpu.memref_slice %arg12[%dma_wait3A_1923, %dma_wait3A_1924] : memref<2560x16xf32, #tpu.memory_space<vmem>> -> memref<128x16xf32, #tpu.memory_space<vmem>>
    %dma_wait3A_1926 = arith.constant 1280 : i32
    %dma_wait3A_1927 = tpu.memref_slice %arg11[%dma_wait3A_1926] : memref<2560xi32, #tpu.memory_space<vmem>> -> memref<128xi32, #tpu.memory_space<vmem>>
    %dma_wait3A_1928 = arith.constant 0 : i32
    %dma_wait3A_1929 = arith.constant 0 : i32
    %dma_wait3A_1930 = tpu.memref_slice %arg4[%dma_wait3A_1928, %dma_wait3A_1929] : memref<400000x16xf32, #tpu.memory_space<hbm>> -> memref<400000x16xf32, #tpu.memory_space<hbm>>
    tpu.wait_indirect_dma semaphore(%arg16 : memref<!tpu.dma_semaphore, #tpu.memory_space<semaphore_mem>>) src(%dma_wait3A_1930 : memref<400000x16xf32, #tpu.memory_space<hbm>>) dst(%dma_wait3A_1925 : memref<128x16xf32, #tpu.memory_space<vmem>>)
    %dma_wait3A_1931 = arith.constant 1408 : i32
    %dma_wait3A_1932 = arith.constant 0 : i32
    %dma_wait3A_1933 = tpu.memref_slice %arg12[%dma_wait3A_1931, %dma_wait3A_1932] : memref<2560x16xf32, #tpu.memory_space<vmem>> -> memref<128x16xf32, #tpu.memory_space<vmem>>
    %dma_wait3A_1934 = arith.constant 1408 : i32
    %dma_wait3A_1935 = tpu.memref_slice %arg11[%dma_wait3A_1934] : memref<2560xi32, #tpu.memory_space<vmem>> -> memref<128xi32, #tpu.memory_space<vmem>>
    %dma_wait3A_1936 = arith.constant 0 : i32
    %dma_wait3A_1937 = arith.constant 0 : i32
    %dma_wait3A_1938 = tpu.memref_slice %arg4[%dma_wait3A_1936, %dma_wait3A_1937] : memref<400000x16xf32, #tpu.memory_space<hbm>> -> memref<400000x16xf32, #tpu.memory_space<hbm>>
    tpu.wait_indirect_dma semaphore(%arg16 : memref<!tpu.dma_semaphore, #tpu.memory_space<semaphore_mem>>) src(%dma_wait3A_1938 : memref<400000x16xf32, #tpu.memory_space<hbm>>) dst(%dma_wait3A_1933 : memref<128x16xf32, #tpu.memory_space<vmem>>)
    %dma_wait3A_1939 = arith.constant 1536 : i32
    %dma_wait3A_1940 = arith.constant 0 : i32
    %dma_wait3A_1941 = tpu.memref_slice %arg12[%dma_wait3A_1939, %dma_wait3A_1940] : memref<2560x16xf32, #tpu.memory_space<vmem>> -> memref<128x16xf32, #tpu.memory_space<vmem>>
    %dma_wait3A_1942 = arith.constant 1536 : i32
    %dma_wait3A_1943 = tpu.memref_slice %arg11[%dma_wait3A_1942] : memref<2560xi32, #tpu.memory_space<vmem>> -> memref<128xi32, #tpu.memory_space<vmem>>
    %dma_wait3A_1944 = arith.constant 0 : i32
    %dma_wait3A_1945 = arith.constant 0 : i32
    %dma_wait3A_1946 = tpu.memref_slice %arg4[%dma_wait3A_1944, %dma_wait3A_1945] : memref<400000x16xf32, #tpu.memory_space<hbm>> -> memref<400000x16xf32, #tpu.memory_space<hbm>>
    tpu.wait_indirect_dma semaphore(%arg16 : memref<!tpu.dma_semaphore, #tpu.memory_space<semaphore_mem>>) src(%dma_wait3A_1946 : memref<400000x16xf32, #tpu.memory_space<hbm>>) dst(%dma_wait3A_1941 : memref<128x16xf32, #tpu.memory_space<vmem>>)
    %dma_wait3A_1947 = arith.constant 1664 : i32
    %dma_wait3A_1948 = arith.constant 0 : i32
    %dma_wait3A_1949 = tpu.memref_slice %arg12[%dma_wait3A_1947, %dma_wait3A_1948] : memref<2560x16xf32, #tpu.memory_space<vmem>> -> memref<128x16xf32, #tpu.memory_space<vmem>>
    %dma_wait3A_1950 = arith.constant 1664 : i32
    %dma_wait3A_1951 = tpu.memref_slice %arg11[%dma_wait3A_1950] : memref<2560xi32, #tpu.memory_space<vmem>> -> memref<128xi32, #tpu.memory_space<vmem>>
    %dma_wait3A_1952 = arith.constant 0 : i32
    %dma_wait3A_1953 = arith.constant 0 : i32
    %dma_wait3A_1954 = tpu.memref_slice %arg4[%dma_wait3A_1952, %dma_wait3A_1953] : memref<400000x16xf32, #tpu.memory_space<hbm>> -> memref<400000x16xf32, #tpu.memory_space<hbm>>
    tpu.wait_indirect_dma semaphore(%arg16 : memref<!tpu.dma_semaphore, #tpu.memory_space<semaphore_mem>>) src(%dma_wait3A_1954 : memref<400000x16xf32, #tpu.memory_space<hbm>>) dst(%dma_wait3A_1949 : memref<128x16xf32, #tpu.memory_space<vmem>>)
    %dma_wait3A_1955 = arith.constant 1792 : i32
    %dma_wait3A_1956 = arith.constant 0 : i32
    %dma_wait3A_1957 = tpu.memref_slice %arg12[%dma_wait3A_1955, %dma_wait3A_1956] : memref<2560x16xf32, #tpu.memory_space<vmem>> -> memref<128x16xf32, #tpu.memory_space<vmem>>
    %dma_wait3A_1958 = arith.constant 1792 : i32
    %dma_wait3A_1959 = tpu.memref_slice %arg11[%dma_wait3A_1958] : memref<2560xi32, #tpu.memory_space<vmem>> -> memref<128xi32, #tpu.memory_space<vmem>>
    %dma_wait3A_1960 = arith.constant 0 : i32
    %dma_wait3A_1961 = arith.constant 0 : i32
    %dma_wait3A_1962 = tpu.memref_slice %arg4[%dma_wait3A_1960, %dma_wait3A_1961] : memref<400000x16xf32, #tpu.memory_space<hbm>> -> memref<400000x16xf32, #tpu.memory_space<hbm>>
    tpu.wait_indirect_dma semaphore(%arg16 : memref<!tpu.dma_semaphore, #tpu.memory_space<semaphore_mem>>) src(%dma_wait3A_1962 : memref<400000x16xf32, #tpu.memory_space<hbm>>) dst(%dma_wait3A_1957 : memref<128x16xf32, #tpu.memory_space<vmem>>)
    %dma_wait3A_1963 = arith.constant 1920 : i32
    %dma_wait3A_1964 = arith.constant 0 : i32
    %dma_wait3A_1965 = tpu.memref_slice %arg12[%dma_wait3A_1963, %dma_wait3A_1964] : memref<2560x16xf32, #tpu.memory_space<vmem>> -> memref<128x16xf32, #tpu.memory_space<vmem>>
    %dma_wait3A_1966 = arith.constant 1920 : i32
    %dma_wait3A_1967 = tpu.memref_slice %arg11[%dma_wait3A_1966] : memref<2560xi32, #tpu.memory_space<vmem>> -> memref<128xi32, #tpu.memory_space<vmem>>
    %dma_wait3A_1968 = arith.constant 0 : i32
    %dma_wait3A_1969 = arith.constant 0 : i32
    %dma_wait3A_1970 = tpu.memref_slice %arg4[%dma_wait3A_1968, %dma_wait3A_1969] : memref<400000x16xf32, #tpu.memory_space<hbm>> -> memref<400000x16xf32, #tpu.memory_space<hbm>>
    tpu.wait_indirect_dma semaphore(%arg16 : memref<!tpu.dma_semaphore, #tpu.memory_space<semaphore_mem>>) src(%dma_wait3A_1970 : memref<400000x16xf32, #tpu.memory_space<hbm>>) dst(%dma_wait3A_1965 : memref<128x16xf32, #tpu.memory_space<vmem>>)
    %dma_wait3A_1971 = arith.constant 2048 : i32
    %dma_wait3A_1972 = arith.constant 0 : i32
    %dma_wait3A_1973 = tpu.memref_slice %arg12[%dma_wait3A_1971, %dma_wait3A_1972] : memref<2560x16xf32, #tpu.memory_space<vmem>> -> memref<128x16xf32, #tpu.memory_space<vmem>>
    %dma_wait3A_1974 = arith.constant 2048 : i32
    %dma_wait3A_1975 = tpu.memref_slice %arg11[%dma_wait3A_1974] : memref<2560xi32, #tpu.memory_space<vmem>> -> memref<128xi32, #tpu.memory_space<vmem>>
    %dma_wait3A_1976 = arith.constant 0 : i32
    %dma_wait3A_1977 = arith.constant 0 : i32
    %dma_wait3A_1978 = tpu.memref_slice %arg4[%dma_wait3A_1976, %dma_wait3A_1977] : memref<400000x16xf32, #tpu.memory_space<hbm>> -> memref<400000x16xf32, #tpu.memory_space<hbm>>
    tpu.wait_indirect_dma semaphore(%arg16 : memref<!tpu.dma_semaphore, #tpu.memory_space<semaphore_mem>>) src(%dma_wait3A_1978 : memref<400000x16xf32, #tpu.memory_space<hbm>>) dst(%dma_wait3A_1973 : memref<128x16xf32, #tpu.memory_space<vmem>>)
    %dma_wait3A_1979 = arith.constant 2176 : i32
    %dma_wait3A_1980 = arith.constant 0 : i32
    %dma_wait3A_1981 = tpu.memref_slice %arg12[%dma_wait3A_1979, %dma_wait3A_1980] : memref<2560x16xf32, #tpu.memory_space<vmem>> -> memref<128x16xf32, #tpu.memory_space<vmem>>
    %dma_wait3A_1982 = arith.constant 2176 : i32
    %dma_wait3A_1983 = tpu.memref_slice %arg11[%dma_wait3A_1982] : memref<2560xi32, #tpu.memory_space<vmem>> -> memref<128xi32, #tpu.memory_space<vmem>>
    %dma_wait3A_1984 = arith.constant 0 : i32
    %dma_wait3A_1985 = arith.constant 0 : i32
    %dma_wait3A_1986 = tpu.memref_slice %arg4[%dma_wait3A_1984, %dma_wait3A_1985] : memref<400000x16xf32, #tpu.memory_space<hbm>> -> memref<400000x16xf32, #tpu.memory_space<hbm>>
    tpu.wait_indirect_dma semaphore(%arg16 : memref<!tpu.dma_semaphore, #tpu.memory_space<semaphore_mem>>) src(%dma_wait3A_1986 : memref<400000x16xf32, #tpu.memory_space<hbm>>) dst(%dma_wait3A_1981 : memref<128x16xf32, #tpu.memory_space<vmem>>)
    %dma_wait3A_1987 = arith.constant 2304 : i32
    %dma_wait3A_1988 = arith.constant 0 : i32
    %dma_wait3A_1989 = tpu.memref_slice %arg12[%dma_wait3A_1987, %dma_wait3A_1988] : memref<2560x16xf32, #tpu.memory_space<vmem>> -> memref<128x16xf32, #tpu.memory_space<vmem>>
    %dma_wait3A_1990 = arith.constant 2304 : i32
    %dma_wait3A_1991 = tpu.memref_slice %arg11[%dma_wait3A_1990] : memref<2560xi32, #tpu.memory_space<vmem>> -> memref<128xi32, #tpu.memory_space<vmem>>
    %dma_wait3A_1992 = arith.constant 0 : i32
    %dma_wait3A_1993 = arith.constant 0 : i32
    %dma_wait3A_1994 = tpu.memref_slice %arg4[%dma_wait3A_1992, %dma_wait3A_1993] : memref<400000x16xf32, #tpu.memory_space<hbm>> -> memref<400000x16xf32, #tpu.memory_space<hbm>>
    tpu.wait_indirect_dma semaphore(%arg16 : memref<!tpu.dma_semaphore, #tpu.memory_space<semaphore_mem>>) src(%dma_wait3A_1994 : memref<400000x16xf32, #tpu.memory_space<hbm>>) dst(%dma_wait3A_1989 : memref<128x16xf32, #tpu.memory_space<vmem>>)
    %dma_wait3A_1995 = arith.constant 2432 : i32
    %dma_wait3A_1996 = arith.constant 0 : i32
    %dma_wait3A_1997 = tpu.memref_slice %arg12[%dma_wait3A_1995, %dma_wait3A_1996] : memref<2560x16xf32, #tpu.memory_space<vmem>> -> memref<128x16xf32, #tpu.memory_space<vmem>>
    %dma_wait3A_1998 = arith.constant 2432 : i32
    %dma_wait3A_1999 = tpu.memref_slice %arg11[%dma_wait3A_1998] : memref<2560xi32, #tpu.memory_space<vmem>> -> memref<128xi32, #tpu.memory_space<vmem>>
    %dma_wait3A_2000 = arith.constant 0 : i32
    %dma_wait3A_2001 = arith.constant 0 : i32
    %dma_wait3A_2002 = tpu.memref_slice %arg4[%dma_wait3A_2000, %dma_wait3A_2001] : memref<400000x16xf32, #tpu.memory_space<hbm>> -> memref<400000x16xf32, #tpu.memory_space<hbm>>
    tpu.wait_indirect_dma semaphore(%arg16 : memref<!tpu.dma_semaphore, #tpu.memory_space<semaphore_mem>>) src(%dma_wait3A_2002 : memref<400000x16xf32, #tpu.memory_space<hbm>>) dst(%dma_wait3A_1997 : memref<128x16xf32, #tpu.memory_space<vmem>>)
    "tpu.region"() ({
      %run_scoped3A_2734 = tpu.sem_alloc : memref<!tpu.dma_semaphore, #tpu.memory_space<semaphore_mem>>
      %dma_start3A_2735 = arith.constant 0 : i32
      %dma_start3A_2736 = tpu.memref_slice %arg8[%multiple_of3A_1675, %dma_start3A_2735] : memref<655360x16xf32, #tpu.memory_space<hbm>> -> memref<2560x16xf32, #tpu.memory_space<hbm>>
      %dma_start3A_2737 = arith.constant 0 : i32
      %dma_start3A_2738 = tpu.memref_slice %arg8[%multiple_of3A_1675, %dma_start3A_2737] : memref<655360x16xf32, #tpu.memory_space<hbm>> -> memref<2560x16xf32, #tpu.memory_space<hbm>>
      tpu.enqueue_dma source(%arg12 : memref<2560x16xf32, #tpu.memory_space<vmem>>) target(%dma_start3A_2738 : memref<2560x16xf32, #tpu.memory_space<hbm>>) target_semaphore(%run_scoped3A_2734 : memref<!tpu.dma_semaphore, #tpu.memory_space<semaphore_mem>>)
      %dma_wait3A_2739 = arith.constant 0 : i32
      %dma_wait3A_2740 = tpu.memref_slice %arg8[%multiple_of3A_1675, %dma_wait3A_2739] : memref<655360x16xf32, #tpu.memory_space<hbm>> -> memref<2560x16xf32, #tpu.memory_space<hbm>>
      %dma_wait3A_2741 = arith.constant 0 : i32
      %dma_wait3A_2742 = tpu.memref_slice %arg8[%multiple_of3A_1675, %dma_wait3A_2741] : memref<655360x16xf32, #tpu.memory_space<hbm>> -> memref<2560x16xf32, #tpu.memory_space<hbm>>
      tpu.wait_dma2 semaphore(%run_scoped3A_2734 : memref<!tpu.dma_semaphore, #tpu.memory_space<semaphore_mem>>) src(%arg12 : memref<2560x16xf32, #tpu.memory_space<vmem>>) dst(%dma_wait3A_2742 : memref<2560x16xf32, #tpu.memory_space<hbm>>)
      tpu.yield
    }) : () -> ()
    %mul3A_2003 = arith.constant 512 : i32
    %mul3A_2004 = arith.muli %add3A, %mul3A_2003 : i32
    %add3A_2005 = arith.constant 384 : i32
    %add3A_2006 = arith.addi %mul3A_2004, %add3A_2005 : i32
    %mul3A_2007 = arith.constant 40 : i32
    %mul3A_2008 = arith.muli %add3A_2006, %mul3A_2007 : i32
    %multiple_of3A_2009 = tpu.assume_multiple %mul3A_2008, 2560 : i32
    "tpu.region"() ({
      %run_scoped3A_2734 = tpu.sem_alloc : memref<!tpu.dma_semaphore, #tpu.memory_space<semaphore_mem>>
      %dma_start3A_2735 = tpu.memref_slice %arg2[%multiple_of3A_2009] : memref<655360xi32, #tpu.memory_space<hbm>> -> memref<2560xi32, #tpu.memory_space<hbm>>
      %dma_start3A_2736 = tpu.memref_slice %arg2[%multiple_of3A_2009] : memref<655360xi32, #tpu.memory_space<hbm>> -> memref<2560xi32, #tpu.memory_space<hbm>>
      tpu.enqueue_dma source(%dma_start3A_2736 : memref<2560xi32, #tpu.memory_space<hbm>>) target(%arg10 : memref<2560xi32, #tpu.memory_space<vmem>>) target_semaphore(%run_scoped3A_2734 : memref<!tpu.dma_semaphore, #tpu.memory_space<semaphore_mem>>)
      %dma_wait3A_2737 = tpu.memref_slice %arg2[%multiple_of3A_2009] : memref<655360xi32, #tpu.memory_space<hbm>> -> memref<2560xi32, #tpu.memory_space<hbm>>
      %dma_wait3A_2738 = tpu.memref_slice %arg2[%multiple_of3A_2009] : memref<655360xi32, #tpu.memory_space<hbm>> -> memref<2560xi32, #tpu.memory_space<hbm>>
      tpu.wait_dma2 semaphore(%run_scoped3A_2734 : memref<!tpu.dma_semaphore, #tpu.memory_space<semaphore_mem>>) src(%dma_wait3A_2738 : memref<2560xi32, #tpu.memory_space<hbm>>) dst(%arg10 : memref<2560xi32, #tpu.memory_space<vmem>>)
      tpu.yield
    }) : () -> ()
    %scan3A_2010 = arith.constant 0 : i32
    %scan3A_2011 = arith.constant 0 : i32
    %scan3A_2012 = arith.constant 160 : i32
    %scan3A_2013 = arith.addi %scan3A_2011, %scan3A_2012 : i32
    %scan3A_2014 = arith.constant 1 : i32
    %scan3A_2015 = scf.for %scan3A_2734 = %scan3A_2011 to %scan3A_2013 step %scan3A_2014 iter_args(%scan3A_2735 = %scan3A_2010) -> (i32)  : i32 {
      %mul3A_2736 = arith.constant 16 : i32
      %mul3A_2737 = arith.muli %scan3A_2734, %mul3A_2736 : i32
      %get3A = arith.index_cast %mul3A_2737 : i32 to index
      %get3A_2738 = tpu.vector_load %arg10[%get3A] {strides = array<i32>} : memref<2560xi32, #tpu.memory_space<vmem>>, vector<16xi32>,
      %get3A_2739 = vector.shape_cast %get3A_2738 : vector<16xi32> to vector<16xi32>
      %mul3A_2740 = arith.constant 4 : i32
      %mul3A_2741 = vector.broadcast %mul3A_2740 : i32 to vector<16xi32>
      %mul3A_2742 = arith.muli %get3A_2739, %mul3A_2741 : vector<16xi32>
      %get3A_2743 = arith.index_cast %mul3A_2737 : i32 to index
      %get3A_2744 = tpu.vector_load %arg15[%get3A_2743] {strides = array<i32>} : memref<2560xi32, #tpu.memory_space<vmem>>, vector<16xi32>,
      %get3A_2745 = vector.shape_cast %get3A_2744 : vector<16xi32> to vector<16xi32>
      %add3A_2746 = arith.addi %mul3A_2742, %get3A_2745 : vector<16xi32>
      %swap3A = arith.index_cast %mul3A_2737 : i32 to index
      %swap3A_2747 = tpu.vector_load %arg11[%swap3A] {strides = array<i32>} : memref<2560xi32, #tpu.memory_space<vmem>>, vector<16xi32>,
      %swap3A_2748 = vector.shape_cast %swap3A_2747 : vector<16xi32> to vector<16xi32>
      %swap3A_2749 = vector.shape_cast %add3A_2746 : vector<16xi32> to vector<16xi32>
      tpu.vector_store %arg11[%swap3A], %swap3A_2749 {strides = array<i32>} : memref<2560xi32, #tpu.memory_space<vmem>>, vector<16xi32>,
      %scan3A_2750 = arith.constant 0 : i32
      scf.yield %scan3A_2750 : i32
    }
    %scan3A_2016 = arith.constant 160 : i32
    %dma_start3A_2017 = arith.constant 0 : i32
    %dma_start3A_2018 = arith.constant 0 : i32
    %dma_start3A_2019 = tpu.memref_slice %arg12[%dma_start3A_2017, %dma_start3A_2018] : memref<2560x16xf32, #tpu.memory_space<vmem>> -> memref<128x16xf32, #tpu.memory_space<vmem>>
    %dma_start3A_2020 = arith.constant 0 : i32
    %dma_start3A_2021 = tpu.memref_slice %arg11[%dma_start3A_2020] : memref<2560xi32, #tpu.memory_space<vmem>> -> memref<128xi32, #tpu.memory_space<vmem>>
    %dma_start3A_2022 = arith.constant 0 : i32
    %dma_start3A_2023 = arith.constant 0 : i32
    %dma_start3A_2024 = tpu.memref_slice %arg4[%dma_start3A_2022, %dma_start3A_2023] : memref<400000x16xf32, #tpu.memory_space<hbm>> -> memref<400000x16xf32, #tpu.memory_space<hbm>>
    tpu.enqueue_indirect_dma source(%dma_start3A_2024 : memref<400000x16xf32, #tpu.memory_space<hbm>>) target(%dma_start3A_2019 : memref<128x16xf32, #tpu.memory_space<vmem>>) offsets(%dma_start3A_2021 : memref<128xi32, #tpu.memory_space<vmem>>) semaphore(%arg16 : memref<!tpu.dma_semaphore, #tpu.memory_space<semaphore_mem>>)
    %dma_start3A_2025 = arith.constant 128 : i32
    %dma_start3A_2026 = arith.constant 0 : i32
    %dma_start3A_2027 = tpu.memref_slice %arg12[%dma_start3A_2025, %dma_start3A_2026] : memref<2560x16xf32, #tpu.memory_space<vmem>> -> memref<128x16xf32, #tpu.memory_space<vmem>>
    %dma_start3A_2028 = arith.constant 128 : i32
    %dma_start3A_2029 = tpu.memref_slice %arg11[%dma_start3A_2028] : memref<2560xi32, #tpu.memory_space<vmem>> -> memref<128xi32, #tpu.memory_space<vmem>>
    %dma_start3A_2030 = arith.constant 0 : i32
    %dma_start3A_2031 = arith.constant 0 : i32
    %dma_start3A_2032 = tpu.memref_slice %arg4[%dma_start3A_2030, %dma_start3A_2031] : memref<400000x16xf32, #tpu.memory_space<hbm>> -> memref<400000x16xf32, #tpu.memory_space<hbm>>
    tpu.enqueue_indirect_dma source(%dma_start3A_2032 : memref<400000x16xf32, #tpu.memory_space<hbm>>) target(%dma_start3A_2027 : memref<128x16xf32, #tpu.memory_space<vmem>>) offsets(%dma_start3A_2029 : memref<128xi32, #tpu.memory_space<vmem>>) semaphore(%arg16 : memref<!tpu.dma_semaphore, #tpu.memory_space<semaphore_mem>>)
    %dma_start3A_2033 = arith.constant 256 : i32
    %dma_start3A_2034 = arith.constant 0 : i32
    %dma_start3A_2035 = tpu.memref_slice %arg12[%dma_start3A_2033, %dma_start3A_2034] : memref<2560x16xf32, #tpu.memory_space<vmem>> -> memref<128x16xf32, #tpu.memory_space<vmem>>
    %dma_start3A_2036 = arith.constant 256 : i32
    %dma_start3A_2037 = tpu.memref_slice %arg11[%dma_start3A_2036] : memref<2560xi32, #tpu.memory_space<vmem>> -> memref<128xi32, #tpu.memory_space<vmem>>
    %dma_start3A_2038 = arith.constant 0 : i32
    %dma_start3A_2039 = arith.constant 0 : i32
    %dma_start3A_2040 = tpu.memref_slice %arg4[%dma_start3A_2038, %dma_start3A_2039] : memref<400000x16xf32, #tpu.memory_space<hbm>> -> memref<400000x16xf32, #tpu.memory_space<hbm>>
    tpu.enqueue_indirect_dma source(%dma_start3A_2040 : memref<400000x16xf32, #tpu.memory_space<hbm>>) target(%dma_start3A_2035 : memref<128x16xf32, #tpu.memory_space<vmem>>) offsets(%dma_start3A_2037 : memref<128xi32, #tpu.memory_space<vmem>>) semaphore(%arg16 : memref<!tpu.dma_semaphore, #tpu.memory_space<semaphore_mem>>)
    %dma_start3A_2041 = arith.constant 384 : i32
    %dma_start3A_2042 = arith.constant 0 : i32
    %dma_start3A_2043 = tpu.memref_slice %arg12[%dma_start3A_2041, %dma_start3A_2042] : memref<2560x16xf32, #tpu.memory_space<vmem>> -> memref<128x16xf32, #tpu.memory_space<vmem>>
    %dma_start3A_2044 = arith.constant 384 : i32
    %dma_start3A_2045 = tpu.memref_slice %arg11[%dma_start3A_2044] : memref<2560xi32, #tpu.memory_space<vmem>> -> memref<128xi32, #tpu.memory_space<vmem>>
    %dma_start3A_2046 = arith.constant 0 : i32
    %dma_start3A_2047 = arith.constant 0 : i32
    %dma_start3A_2048 = tpu.memref_slice %arg4[%dma_start3A_2046, %dma_start3A_2047] : memref<400000x16xf32, #tpu.memory_space<hbm>> -> memref<400000x16xf32, #tpu.memory_space<hbm>>
    tpu.enqueue_indirect_dma source(%dma_start3A_2048 : memref<400000x16xf32, #tpu.memory_space<hbm>>) target(%dma_start3A_2043 : memref<128x16xf32, #tpu.memory_space<vmem>>) offsets(%dma_start3A_2045 : memref<128xi32, #tpu.memory_space<vmem>>) semaphore(%arg16 : memref<!tpu.dma_semaphore, #tpu.memory_space<semaphore_mem>>)
    %dma_start3A_2049 = arith.constant 512 : i32
    %dma_start3A_2050 = arith.constant 0 : i32
    %dma_start3A_2051 = tpu.memref_slice %arg12[%dma_start3A_2049, %dma_start3A_2050] : memref<2560x16xf32, #tpu.memory_space<vmem>> -> memref<128x16xf32, #tpu.memory_space<vmem>>
    %dma_start3A_2052 = arith.constant 512 : i32
    %dma_start3A_2053 = tpu.memref_slice %arg11[%dma_start3A_2052] : memref<2560xi32, #tpu.memory_space<vmem>> -> memref<128xi32, #tpu.memory_space<vmem>>
    %dma_start3A_2054 = arith.constant 0 : i32
    %dma_start3A_2055 = arith.constant 0 : i32
    %dma_start3A_2056 = tpu.memref_slice %arg4[%dma_start3A_2054, %dma_start3A_2055] : memref<400000x16xf32, #tpu.memory_space<hbm>> -> memref<400000x16xf32, #tpu.memory_space<hbm>>
    tpu.enqueue_indirect_dma source(%dma_start3A_2056 : memref<400000x16xf32, #tpu.memory_space<hbm>>) target(%dma_start3A_2051 : memref<128x16xf32, #tpu.memory_space<vmem>>) offsets(%dma_start3A_2053 : memref<128xi32, #tpu.memory_space<vmem>>) semaphore(%arg16 : memref<!tpu.dma_semaphore, #tpu.memory_space<semaphore_mem>>)
    %dma_start3A_2057 = arith.constant 640 : i32
    %dma_start3A_2058 = arith.constant 0 : i32
    %dma_start3A_2059 = tpu.memref_slice %arg12[%dma_start3A_2057, %dma_start3A_2058] : memref<2560x16xf32, #tpu.memory_space<vmem>> -> memref<128x16xf32, #tpu.memory_space<vmem>>
    %dma_start3A_2060 = arith.constant 640 : i32
    %dma_start3A_2061 = tpu.memref_slice %arg11[%dma_start3A_2060] : memref<2560xi32, #tpu.memory_space<vmem>> -> memref<128xi32, #tpu.memory_space<vmem>>
    %dma_start3A_2062 = arith.constant 0 : i32
    %dma_start3A_2063 = arith.constant 0 : i32
    %dma_start3A_2064 = tpu.memref_slice %arg4[%dma_start3A_2062, %dma_start3A_2063] : memref<400000x16xf32, #tpu.memory_space<hbm>> -> memref<400000x16xf32, #tpu.memory_space<hbm>>
    tpu.enqueue_indirect_dma source(%dma_start3A_2064 : memref<400000x16xf32, #tpu.memory_space<hbm>>) target(%dma_start3A_2059 : memref<128x16xf32, #tpu.memory_space<vmem>>) offsets(%dma_start3A_2061 : memref<128xi32, #tpu.memory_space<vmem>>) semaphore(%arg16 : memref<!tpu.dma_semaphore, #tpu.memory_space<semaphore_mem>>)
    %dma_start3A_2065 = arith.constant 768 : i32
    %dma_start3A_2066 = arith.constant 0 : i32
    %dma_start3A_2067 = tpu.memref_slice %arg12[%dma_start3A_2065, %dma_start3A_2066] : memref<2560x16xf32, #tpu.memory_space<vmem>> -> memref<128x16xf32, #tpu.memory_space<vmem>>
    %dma_start3A_2068 = arith.constant 768 : i32
    %dma_start3A_2069 = tpu.memref_slice %arg11[%dma_start3A_2068] : memref<2560xi32, #tpu.memory_space<vmem>> -> memref<128xi32, #tpu.memory_space<vmem>>
    %dma_start3A_2070 = arith.constant 0 : i32
    %dma_start3A_2071 = arith.constant 0 : i32
    %dma_start3A_2072 = tpu.memref_slice %arg4[%dma_start3A_2070, %dma_start3A_2071] : memref<400000x16xf32, #tpu.memory_space<hbm>> -> memref<400000x16xf32, #tpu.memory_space<hbm>>
    tpu.enqueue_indirect_dma source(%dma_start3A_2072 : memref<400000x16xf32, #tpu.memory_space<hbm>>) target(%dma_start3A_2067 : memref<128x16xf32, #tpu.memory_space<vmem>>) offsets(%dma_start3A_2069 : memref<128xi32, #tpu.memory_space<vmem>>) semaphore(%arg16 : memref<!tpu.dma_semaphore, #tpu.memory_space<semaphore_mem>>)
    %dma_start3A_2073 = arith.constant 896 : i32
    %dma_start3A_2074 = arith.constant 0 : i32
    %dma_start3A_2075 = tpu.memref_slice %arg12[%dma_start3A_2073, %dma_start3A_2074] : memref<2560x16xf32, #tpu.memory_space<vmem>> -> memref<128x16xf32, #tpu.memory_space<vmem>>
    %dma_start3A_2076 = arith.constant 896 : i32
    %dma_start3A_2077 = tpu.memref_slice %arg11[%dma_start3A_2076] : memref<2560xi32, #tpu.memory_space<vmem>> -> memref<128xi32, #tpu.memory_space<vmem>>
    %dma_start3A_2078 = arith.constant 0 : i32
    %dma_start3A_2079 = arith.constant 0 : i32
    %dma_start3A_2080 = tpu.memref_slice %arg4[%dma_start3A_2078, %dma_start3A_2079] : memref<400000x16xf32, #tpu.memory_space<hbm>> -> memref<400000x16xf32, #tpu.memory_space<hbm>>
    tpu.enqueue_indirect_dma source(%dma_start3A_2080 : memref<400000x16xf32, #tpu.memory_space<hbm>>) target(%dma_start3A_2075 : memref<128x16xf32, #tpu.memory_space<vmem>>) offsets(%dma_start3A_2077 : memref<128xi32, #tpu.memory_space<vmem>>) semaphore(%arg16 : memref<!tpu.dma_semaphore, #tpu.memory_space<semaphore_mem>>)
    %dma_start3A_2081 = arith.constant 1024 : i32
    %dma_start3A_2082 = arith.constant 0 : i32
    %dma_start3A_2083 = tpu.memref_slice %arg12[%dma_start3A_2081, %dma_start3A_2082] : memref<2560x16xf32, #tpu.memory_space<vmem>> -> memref<128x16xf32, #tpu.memory_space<vmem>>
    %dma_start3A_2084 = arith.constant 1024 : i32
    %dma_start3A_2085 = tpu.memref_slice %arg11[%dma_start3A_2084] : memref<2560xi32, #tpu.memory_space<vmem>> -> memref<128xi32, #tpu.memory_space<vmem>>
    %dma_start3A_2086 = arith.constant 0 : i32
    %dma_start3A_2087 = arith.constant 0 : i32
    %dma_start3A_2088 = tpu.memref_slice %arg4[%dma_start3A_2086, %dma_start3A_2087] : memref<400000x16xf32, #tpu.memory_space<hbm>> -> memref<400000x16xf32, #tpu.memory_space<hbm>>
    tpu.enqueue_indirect_dma source(%dma_start3A_2088 : memref<400000x16xf32, #tpu.memory_space<hbm>>) target(%dma_start3A_2083 : memref<128x16xf32, #tpu.memory_space<vmem>>) offsets(%dma_start3A_2085 : memref<128xi32, #tpu.memory_space<vmem>>) semaphore(%arg16 : memref<!tpu.dma_semaphore, #tpu.memory_space<semaphore_mem>>)
    %dma_start3A_2089 = arith.constant 1152 : i32
    %dma_start3A_2090 = arith.constant 0 : i32
    %dma_start3A_2091 = tpu.memref_slice %arg12[%dma_start3A_2089, %dma_start3A_2090] : memref<2560x16xf32, #tpu.memory_space<vmem>> -> memref<128x16xf32, #tpu.memory_space<vmem>>
    %dma_start3A_2092 = arith.constant 1152 : i32
    %dma_start3A_2093 = tpu.memref_slice %arg11[%dma_start3A_2092] : memref<2560xi32, #tpu.memory_space<vmem>> -> memref<128xi32, #tpu.memory_space<vmem>>
    %dma_start3A_2094 = arith.constant 0 : i32
    %dma_start3A_2095 = arith.constant 0 : i32
    %dma_start3A_2096 = tpu.memref_slice %arg4[%dma_start3A_2094, %dma_start3A_2095] : memref<400000x16xf32, #tpu.memory_space<hbm>> -> memref<400000x16xf32, #tpu.memory_space<hbm>>
    tpu.enqueue_indirect_dma source(%dma_start3A_2096 : memref<400000x16xf32, #tpu.memory_space<hbm>>) target(%dma_start3A_2091 : memref<128x16xf32, #tpu.memory_space<vmem>>) offsets(%dma_start3A_2093 : memref<128xi32, #tpu.memory_space<vmem>>) semaphore(%arg16 : memref<!tpu.dma_semaphore, #tpu.memory_space<semaphore_mem>>)
    %dma_start3A_2097 = arith.constant 1280 : i32
    %dma_start3A_2098 = arith.constant 0 : i32
    %dma_start3A_2099 = tpu.memref_slice %arg12[%dma_start3A_2097, %dma_start3A_2098] : memref<2560x16xf32, #tpu.memory_space<vmem>> -> memref<128x16xf32, #tpu.memory_space<vmem>>
    %dma_start3A_2100 = arith.constant 1280 : i32
    %dma_start3A_2101 = tpu.memref_slice %arg11[%dma_start3A_2100] : memref<2560xi32, #tpu.memory_space<vmem>> -> memref<128xi32, #tpu.memory_space<vmem>>
    %dma_start3A_2102 = arith.constant 0 : i32
    %dma_start3A_2103 = arith.constant 0 : i32
    %dma_start3A_2104 = tpu.memref_slice %arg4[%dma_start3A_2102, %dma_start3A_2103] : memref<400000x16xf32, #tpu.memory_space<hbm>> -> memref<400000x16xf32, #tpu.memory_space<hbm>>
    tpu.enqueue_indirect_dma source(%dma_start3A_2104 : memref<400000x16xf32, #tpu.memory_space<hbm>>) target(%dma_start3A_2099 : memref<128x16xf32, #tpu.memory_space<vmem>>) offsets(%dma_start3A_2101 : memref<128xi32, #tpu.memory_space<vmem>>) semaphore(%arg16 : memref<!tpu.dma_semaphore, #tpu.memory_space<semaphore_mem>>)
    %dma_start3A_2105 = arith.constant 1408 : i32
    %dma_start3A_2106 = arith.constant 0 : i32
    %dma_start3A_2107 = tpu.memref_slice %arg12[%dma_start3A_2105, %dma_start3A_2106] : memref<2560x16xf32, #tpu.memory_space<vmem>> -> memref<128x16xf32, #tpu.memory_space<vmem>>
    %dma_start3A_2108 = arith.constant 1408 : i32
    %dma_start3A_2109 = tpu.memref_slice %arg11[%dma_start3A_2108] : memref<2560xi32, #tpu.memory_space<vmem>> -> memref<128xi32, #tpu.memory_space<vmem>>
    %dma_start3A_2110 = arith.constant 0 : i32
    %dma_start3A_2111 = arith.constant 0 : i32
    %dma_start3A_2112 = tpu.memref_slice %arg4[%dma_start3A_2110, %dma_start3A_2111] : memref<400000x16xf32, #tpu.memory_space<hbm>> -> memref<400000x16xf32, #tpu.memory_space<hbm>>
    tpu.enqueue_indirect_dma source(%dma_start3A_2112 : memref<400000x16xf32, #tpu.memory_space<hbm>>) target(%dma_start3A_2107 : memref<128x16xf32, #tpu.memory_space<vmem>>) offsets(%dma_start3A_2109 : memref<128xi32, #tpu.memory_space<vmem>>) semaphore(%arg16 : memref<!tpu.dma_semaphore, #tpu.memory_space<semaphore_mem>>)
    %dma_start3A_2113 = arith.constant 1536 : i32
    %dma_start3A_2114 = arith.constant 0 : i32
    %dma_start3A_2115 = tpu.memref_slice %arg12[%dma_start3A_2113, %dma_start3A_2114] : memref<2560x16xf32, #tpu.memory_space<vmem>> -> memref<128x16xf32, #tpu.memory_space<vmem>>
    %dma_start3A_2116 = arith.constant 1536 : i32
    %dma_start3A_2117 = tpu.memref_slice %arg11[%dma_start3A_2116] : memref<2560xi32, #tpu.memory_space<vmem>> -> memref<128xi32, #tpu.memory_space<vmem>>
    %dma_start3A_2118 = arith.constant 0 : i32
    %dma_start3A_2119 = arith.constant 0 : i32
    %dma_start3A_2120 = tpu.memref_slice %arg4[%dma_start3A_2118, %dma_start3A_2119] : memref<400000x16xf32, #tpu.memory_space<hbm>> -> memref<400000x16xf32, #tpu.memory_space<hbm>>
    tpu.enqueue_indirect_dma source(%dma_start3A_2120 : memref<400000x16xf32, #tpu.memory_space<hbm>>) target(%dma_start3A_2115 : memref<128x16xf32, #tpu.memory_space<vmem>>) offsets(%dma_start3A_2117 : memref<128xi32, #tpu.memory_space<vmem>>) semaphore(%arg16 : memref<!tpu.dma_semaphore, #tpu.memory_space<semaphore_mem>>)
    %dma_start3A_2121 = arith.constant 1664 : i32
    %dma_start3A_2122 = arith.constant 0 : i32
    %dma_start3A_2123 = tpu.memref_slice %arg12[%dma_start3A_2121, %dma_start3A_2122] : memref<2560x16xf32, #tpu.memory_space<vmem>> -> memref<128x16xf32, #tpu.memory_space<vmem>>
    %dma_start3A_2124 = arith.constant 1664 : i32
    %dma_start3A_2125 = tpu.memref_slice %arg11[%dma_start3A_2124] : memref<2560xi32, #tpu.memory_space<vmem>> -> memref<128xi32, #tpu.memory_space<vmem>>
    %dma_start3A_2126 = arith.constant 0 : i32
    %dma_start3A_2127 = arith.constant 0 : i32
    %dma_start3A_2128 = tpu.memref_slice %arg4[%dma_start3A_2126, %dma_start3A_2127] : memref<400000x16xf32, #tpu.memory_space<hbm>> -> memref<400000x16xf32, #tpu.memory_space<hbm>>
    tpu.enqueue_indirect_dma source(%dma_start3A_2128 : memref<400000x16xf32, #tpu.memory_space<hbm>>) target(%dma_start3A_2123 : memref<128x16xf32, #tpu.memory_space<vmem>>) offsets(%dma_start3A_2125 : memref<128xi32, #tpu.memory_space<vmem>>) semaphore(%arg16 : memref<!tpu.dma_semaphore, #tpu.memory_space<semaphore_mem>>)
    %dma_start3A_2129 = arith.constant 1792 : i32
    %dma_start3A_2130 = arith.constant 0 : i32
    %dma_start3A_2131 = tpu.memref_slice %arg12[%dma_start3A_2129, %dma_start3A_2130] : memref<2560x16xf32, #tpu.memory_space<vmem>> -> memref<128x16xf32, #tpu.memory_space<vmem>>
    %dma_start3A_2132 = arith.constant 1792 : i32
    %dma_start3A_2133 = tpu.memref_slice %arg11[%dma_start3A_2132] : memref<2560xi32, #tpu.memory_space<vmem>> -> memref<128xi32, #tpu.memory_space<vmem>>
    %dma_start3A_2134 = arith.constant 0 : i32
    %dma_start3A_2135 = arith.constant 0 : i32
    %dma_start3A_2136 = tpu.memref_slice %arg4[%dma_start3A_2134, %dma_start3A_2135] : memref<400000x16xf32, #tpu.memory_space<hbm>> -> memref<400000x16xf32, #tpu.memory_space<hbm>>
    tpu.enqueue_indirect_dma source(%dma_start3A_2136 : memref<400000x16xf32, #tpu.memory_space<hbm>>) target(%dma_start3A_2131 : memref<128x16xf32, #tpu.memory_space<vmem>>) offsets(%dma_start3A_2133 : memref<128xi32, #tpu.memory_space<vmem>>) semaphore(%arg16 : memref<!tpu.dma_semaphore, #tpu.memory_space<semaphore_mem>>)
    %dma_start3A_2137 = arith.constant 1920 : i32
    %dma_start3A_2138 = arith.constant 0 : i32
    %dma_start3A_2139 = tpu.memref_slice %arg12[%dma_start3A_2137, %dma_start3A_2138] : memref<2560x16xf32, #tpu.memory_space<vmem>> -> memref<128x16xf32, #tpu.memory_space<vmem>>
    %dma_start3A_2140 = arith.constant 1920 : i32
    %dma_start3A_2141 = tpu.memref_slice %arg11[%dma_start3A_2140] : memref<2560xi32, #tpu.memory_space<vmem>> -> memref<128xi32, #tpu.memory_space<vmem>>
    %dma_start3A_2142 = arith.constant 0 : i32
    %dma_start3A_2143 = arith.constant 0 : i32
    %dma_start3A_2144 = tpu.memref_slice %arg4[%dma_start3A_2142, %dma_start3A_2143] : memref<400000x16xf32, #tpu.memory_space<hbm>> -> memref<400000x16xf32, #tpu.memory_space<hbm>>
    tpu.enqueue_indirect_dma source(%dma_start3A_2144 : memref<400000x16xf32, #tpu.memory_space<hbm>>) target(%dma_start3A_2139 : memref<128x16xf32, #tpu.memory_space<vmem>>) offsets(%dma_start3A_2141 : memref<128xi32, #tpu.memory_space<vmem>>) semaphore(%arg16 : memref<!tpu.dma_semaphore, #tpu.memory_space<semaphore_mem>>)
    %dma_start3A_2145 = arith.constant 2048 : i32
    %dma_start3A_2146 = arith.constant 0 : i32
    %dma_start3A_2147 = tpu.memref_slice %arg12[%dma_start3A_2145, %dma_start3A_2146] : memref<2560x16xf32, #tpu.memory_space<vmem>> -> memref<128x16xf32, #tpu.memory_space<vmem>>
    %dma_start3A_2148 = arith.constant 2048 : i32
    %dma_start3A_2149 = tpu.memref_slice %arg11[%dma_start3A_2148] : memref<2560xi32, #tpu.memory_space<vmem>> -> memref<128xi32, #tpu.memory_space<vmem>>
    %dma_start3A_2150 = arith.constant 0 : i32
    %dma_start3A_2151 = arith.constant 0 : i32
    %dma_start3A_2152 = tpu.memref_slice %arg4[%dma_start3A_2150, %dma_start3A_2151] : memref<400000x16xf32, #tpu.memory_space<hbm>> -> memref<400000x16xf32, #tpu.memory_space<hbm>>
    tpu.enqueue_indirect_dma source(%dma_start3A_2152 : memref<400000x16xf32, #tpu.memory_space<hbm>>) target(%dma_start3A_2147 : memref<128x16xf32, #tpu.memory_space<vmem>>) offsets(%dma_start3A_2149 : memref<128xi32, #tpu.memory_space<vmem>>) semaphore(%arg16 : memref<!tpu.dma_semaphore, #tpu.memory_space<semaphore_mem>>)
    %dma_start3A_2153 = arith.constant 2176 : i32
    %dma_start3A_2154 = arith.constant 0 : i32
    %dma_start3A_2155 = tpu.memref_slice %arg12[%dma_start3A_2153, %dma_start3A_2154] : memref<2560x16xf32, #tpu.memory_space<vmem>> -> memref<128x16xf32, #tpu.memory_space<vmem>>
    %dma_start3A_2156 = arith.constant 2176 : i32
    %dma_start3A_2157 = tpu.memref_slice %arg11[%dma_start3A_2156] : memref<2560xi32, #tpu.memory_space<vmem>> -> memref<128xi32, #tpu.memory_space<vmem>>
    %dma_start3A_2158 = arith.constant 0 : i32
    %dma_start3A_2159 = arith.constant 0 : i32
    %dma_start3A_2160 = tpu.memref_slice %arg4[%dma_start3A_2158, %dma_start3A_2159] : memref<400000x16xf32, #tpu.memory_space<hbm>> -> memref<400000x16xf32, #tpu.memory_space<hbm>>
    tpu.enqueue_indirect_dma source(%dma_start3A_2160 : memref<400000x16xf32, #tpu.memory_space<hbm>>) target(%dma_start3A_2155 : memref<128x16xf32, #tpu.memory_space<vmem>>) offsets(%dma_start3A_2157 : memref<128xi32, #tpu.memory_space<vmem>>) semaphore(%arg16 : memref<!tpu.dma_semaphore, #tpu.memory_space<semaphore_mem>>)
    %dma_start3A_2161 = arith.constant 2304 : i32
    %dma_start3A_2162 = arith.constant 0 : i32
    %dma_start3A_2163 = tpu.memref_slice %arg12[%dma_start3A_2161, %dma_start3A_2162] : memref<2560x16xf32, #tpu.memory_space<vmem>> -> memref<128x16xf32, #tpu.memory_space<vmem>>
    %dma_start3A_2164 = arith.constant 2304 : i32
    %dma_start3A_2165 = tpu.memref_slice %arg11[%dma_start3A_2164] : memref<2560xi32, #tpu.memory_space<vmem>> -> memref<128xi32, #tpu.memory_space<vmem>>
    %dma_start3A_2166 = arith.constant 0 : i32
    %dma_start3A_2167 = arith.constant 0 : i32
    %dma_start3A_2168 = tpu.memref_slice %arg4[%dma_start3A_2166, %dma_start3A_2167] : memref<400000x16xf32, #tpu.memory_space<hbm>> -> memref<400000x16xf32, #tpu.memory_space<hbm>>
    tpu.enqueue_indirect_dma source(%dma_start3A_2168 : memref<400000x16xf32, #tpu.memory_space<hbm>>) target(%dma_start3A_2163 : memref<128x16xf32, #tpu.memory_space<vmem>>) offsets(%dma_start3A_2165 : memref<128xi32, #tpu.memory_space<vmem>>) semaphore(%arg16 : memref<!tpu.dma_semaphore, #tpu.memory_space<semaphore_mem>>)
    %dma_start3A_2169 = arith.constant 2432 : i32
    %dma_start3A_2170 = arith.constant 0 : i32
    %dma_start3A_2171 = tpu.memref_slice %arg12[%dma_start3A_2169, %dma_start3A_2170] : memref<2560x16xf32, #tpu.memory_space<vmem>> -> memref<128x16xf32, #tpu.memory_space<vmem>>
    %dma_start3A_2172 = arith.constant 2432 : i32
    %dma_start3A_2173 = tpu.memref_slice %arg11[%dma_start3A_2172] : memref<2560xi32, #tpu.memory_space<vmem>> -> memref<128xi32, #tpu.memory_space<vmem>>
    %dma_start3A_2174 = arith.constant 0 : i32
    %dma_start3A_2175 = arith.constant 0 : i32
    %dma_start3A_2176 = tpu.memref_slice %arg4[%dma_start3A_2174, %dma_start3A_2175] : memref<400000x16xf32, #tpu.memory_space<hbm>> -> memref<400000x16xf32, #tpu.memory_space<hbm>>
    tpu.enqueue_indirect_dma source(%dma_start3A_2176 : memref<400000x16xf32, #tpu.memory_space<hbm>>) target(%dma_start3A_2171 : memref<128x16xf32, #tpu.memory_space<vmem>>) offsets(%dma_start3A_2173 : memref<128xi32, #tpu.memory_space<vmem>>) semaphore(%arg16 : memref<!tpu.dma_semaphore, #tpu.memory_space<semaphore_mem>>)
    %dma_wait3A_2177 = arith.constant 0 : i32
    %dma_wait3A_2178 = arith.constant 0 : i32
    %dma_wait3A_2179 = tpu.memref_slice %arg12[%dma_wait3A_2177, %dma_wait3A_2178] : memref<2560x16xf32, #tpu.memory_space<vmem>> -> memref<128x16xf32, #tpu.memory_space<vmem>>
    %dma_wait3A_2180 = arith.constant 0 : i32
    %dma_wait3A_2181 = tpu.memref_slice %arg11[%dma_wait3A_2180] : memref<2560xi32, #tpu.memory_space<vmem>> -> memref<128xi32, #tpu.memory_space<vmem>>
    %dma_wait3A_2182 = arith.constant 0 : i32
    %dma_wait3A_2183 = arith.constant 0 : i32
    %dma_wait3A_2184 = tpu.memref_slice %arg4[%dma_wait3A_2182, %dma_wait3A_2183] : memref<400000x16xf32, #tpu.memory_space<hbm>> -> memref<400000x16xf32, #tpu.memory_space<hbm>>
    tpu.wait_indirect_dma semaphore(%arg16 : memref<!tpu.dma_semaphore, #tpu.memory_space<semaphore_mem>>) src(%dma_wait3A_2184 : memref<400000x16xf32, #tpu.memory_space<hbm>>) dst(%dma_wait3A_2179 : memref<128x16xf32, #tpu.memory_space<vmem>>)
    %dma_wait3A_2185 = arith.constant 128 : i32
    %dma_wait3A_2186 = arith.constant 0 : i32
    %dma_wait3A_2187 = tpu.memref_slice %arg12[%dma_wait3A_2185, %dma_wait3A_2186] : memref<2560x16xf32, #tpu.memory_space<vmem>> -> memref<128x16xf32, #tpu.memory_space<vmem>>
    %dma_wait3A_2188 = arith.constant 128 : i32
    %dma_wait3A_2189 = tpu.memref_slice %arg11[%dma_wait3A_2188] : memref<2560xi32, #tpu.memory_space<vmem>> -> memref<128xi32, #tpu.memory_space<vmem>>
    %dma_wait3A_2190 = arith.constant 0 : i32
    %dma_wait3A_2191 = arith.constant 0 : i32
    %dma_wait3A_2192 = tpu.memref_slice %arg4[%dma_wait3A_2190, %dma_wait3A_2191] : memref<400000x16xf32, #tpu.memory_space<hbm>> -> memref<400000x16xf32, #tpu.memory_space<hbm>>
    tpu.wait_indirect_dma semaphore(%arg16 : memref<!tpu.dma_semaphore, #tpu.memory_space<semaphore_mem>>) src(%dma_wait3A_2192 : memref<400000x16xf32, #tpu.memory_space<hbm>>) dst(%dma_wait3A_2187 : memref<128x16xf32, #tpu.memory_space<vmem>>)
    %dma_wait3A_2193 = arith.constant 256 : i32
    %dma_wait3A_2194 = arith.constant 0 : i32
    %dma_wait3A_2195 = tpu.memref_slice %arg12[%dma_wait3A_2193, %dma_wait3A_2194] : memref<2560x16xf32, #tpu.memory_space<vmem>> -> memref<128x16xf32, #tpu.memory_space<vmem>>
    %dma_wait3A_2196 = arith.constant 256 : i32
    %dma_wait3A_2197 = tpu.memref_slice %arg11[%dma_wait3A_2196] : memref<2560xi32, #tpu.memory_space<vmem>> -> memref<128xi32, #tpu.memory_space<vmem>>
    %dma_wait3A_2198 = arith.constant 0 : i32
    %dma_wait3A_2199 = arith.constant 0 : i32
    %dma_wait3A_2200 = tpu.memref_slice %arg4[%dma_wait3A_2198, %dma_wait3A_2199] : memref<400000x16xf32, #tpu.memory_space<hbm>> -> memref<400000x16xf32, #tpu.memory_space<hbm>>
    tpu.wait_indirect_dma semaphore(%arg16 : memref<!tpu.dma_semaphore, #tpu.memory_space<semaphore_mem>>) src(%dma_wait3A_2200 : memref<400000x16xf32, #tpu.memory_space<hbm>>) dst(%dma_wait3A_2195 : memref<128x16xf32, #tpu.memory_space<vmem>>)
    %dma_wait3A_2201 = arith.constant 384 : i32
    %dma_wait3A_2202 = arith.constant 0 : i32
    %dma_wait3A_2203 = tpu.memref_slice %arg12[%dma_wait3A_2201, %dma_wait3A_2202] : memref<2560x16xf32, #tpu.memory_space<vmem>> -> memref<128x16xf32, #tpu.memory_space<vmem>>
    %dma_wait3A_2204 = arith.constant 384 : i32
    %dma_wait3A_2205 = tpu.memref_slice %arg11[%dma_wait3A_2204] : memref<2560xi32, #tpu.memory_space<vmem>> -> memref<128xi32, #tpu.memory_space<vmem>>
    %dma_wait3A_2206 = arith.constant 0 : i32
    %dma_wait3A_2207 = arith.constant 0 : i32
    %dma_wait3A_2208 = tpu.memref_slice %arg4[%dma_wait3A_2206, %dma_wait3A_2207] : memref<400000x16xf32, #tpu.memory_space<hbm>> -> memref<400000x16xf32, #tpu.memory_space<hbm>>
    tpu.wait_indirect_dma semaphore(%arg16 : memref<!tpu.dma_semaphore, #tpu.memory_space<semaphore_mem>>) src(%dma_wait3A_2208 : memref<400000x16xf32, #tpu.memory_space<hbm>>) dst(%dma_wait3A_2203 : memref<128x16xf32, #tpu.memory_space<vmem>>)
    %dma_wait3A_2209 = arith.constant 512 : i32
    %dma_wait3A_2210 = arith.constant 0 : i32
    %dma_wait3A_2211 = tpu.memref_slice %arg12[%dma_wait3A_2209, %dma_wait3A_2210] : memref<2560x16xf32, #tpu.memory_space<vmem>> -> memref<128x16xf32, #tpu.memory_space<vmem>>
    %dma_wait3A_2212 = arith.constant 512 : i32
    %dma_wait3A_2213 = tpu.memref_slice %arg11[%dma_wait3A_2212] : memref<2560xi32, #tpu.memory_space<vmem>> -> memref<128xi32, #tpu.memory_space<vmem>>
    %dma_wait3A_2214 = arith.constant 0 : i32
    %dma_wait3A_2215 = arith.constant 0 : i32
    %dma_wait3A_2216 = tpu.memref_slice %arg4[%dma_wait3A_2214, %dma_wait3A_2215] : memref<400000x16xf32, #tpu.memory_space<hbm>> -> memref<400000x16xf32, #tpu.memory_space<hbm>>
    tpu.wait_indirect_dma semaphore(%arg16 : memref<!tpu.dma_semaphore, #tpu.memory_space<semaphore_mem>>) src(%dma_wait3A_2216 : memref<400000x16xf32, #tpu.memory_space<hbm>>) dst(%dma_wait3A_2211 : memref<128x16xf32, #tpu.memory_space<vmem>>)
    %dma_wait3A_2217 = arith.constant 640 : i32
    %dma_wait3A_2218 = arith.constant 0 : i32
    %dma_wait3A_2219 = tpu.memref_slice %arg12[%dma_wait3A_2217, %dma_wait3A_2218] : memref<2560x16xf32, #tpu.memory_space<vmem>> -> memref<128x16xf32, #tpu.memory_space<vmem>>
    %dma_wait3A_2220 = arith.constant 640 : i32
    %dma_wait3A_2221 = tpu.memref_slice %arg11[%dma_wait3A_2220] : memref<2560xi32, #tpu.memory_space<vmem>> -> memref<128xi32, #tpu.memory_space<vmem>>
    %dma_wait3A_2222 = arith.constant 0 : i32
    %dma_wait3A_2223 = arith.constant 0 : i32
    %dma_wait3A_2224 = tpu.memref_slice %arg4[%dma_wait3A_2222, %dma_wait3A_2223] : memref<400000x16xf32, #tpu.memory_space<hbm>> -> memref<400000x16xf32, #tpu.memory_space<hbm>>
    tpu.wait_indirect_dma semaphore(%arg16 : memref<!tpu.dma_semaphore, #tpu.memory_space<semaphore_mem>>) src(%dma_wait3A_2224 : memref<400000x16xf32, #tpu.memory_space<hbm>>) dst(%dma_wait3A_2219 : memref<128x16xf32, #tpu.memory_space<vmem>>)
    %dma_wait3A_2225 = arith.constant 768 : i32
    %dma_wait3A_2226 = arith.constant 0 : i32
    %dma_wait3A_2227 = tpu.memref_slice %arg12[%dma_wait3A_2225, %dma_wait3A_2226] : memref<2560x16xf32, #tpu.memory_space<vmem>> -> memref<128x16xf32, #tpu.memory_space<vmem>>
    %dma_wait3A_2228 = arith.constant 768 : i32
    %dma_wait3A_2229 = tpu.memref_slice %arg11[%dma_wait3A_2228] : memref<2560xi32, #tpu.memory_space<vmem>> -> memref<128xi32, #tpu.memory_space<vmem>>
    %dma_wait3A_2230 = arith.constant 0 : i32
    %dma_wait3A_2231 = arith.constant 0 : i32
    %dma_wait3A_2232 = tpu.memref_slice %arg4[%dma_wait3A_2230, %dma_wait3A_2231] : memref<400000x16xf32, #tpu.memory_space<hbm>> -> memref<400000x16xf32, #tpu.memory_space<hbm>>
    tpu.wait_indirect_dma semaphore(%arg16 : memref<!tpu.dma_semaphore, #tpu.memory_space<semaphore_mem>>) src(%dma_wait3A_2232 : memref<400000x16xf32, #tpu.memory_space<hbm>>) dst(%dma_wait3A_2227 : memref<128x16xf32, #tpu.memory_space<vmem>>)
    %dma_wait3A_2233 = arith.constant 896 : i32
    %dma_wait3A_2234 = arith.constant 0 : i32
    %dma_wait3A_2235 = tpu.memref_slice %arg12[%dma_wait3A_2233, %dma_wait3A_2234] : memref<2560x16xf32, #tpu.memory_space<vmem>> -> memref<128x16xf32, #tpu.memory_space<vmem>>
    %dma_wait3A_2236 = arith.constant 896 : i32
    %dma_wait3A_2237 = tpu.memref_slice %arg11[%dma_wait3A_2236] : memref<2560xi32, #tpu.memory_space<vmem>> -> memref<128xi32, #tpu.memory_space<vmem>>
    %dma_wait3A_2238 = arith.constant 0 : i32
    %dma_wait3A_2239 = arith.constant 0 : i32
    %dma_wait3A_2240 = tpu.memref_slice %arg4[%dma_wait3A_2238, %dma_wait3A_2239] : memref<400000x16xf32, #tpu.memory_space<hbm>> -> memref<400000x16xf32, #tpu.memory_space<hbm>>
    tpu.wait_indirect_dma semaphore(%arg16 : memref<!tpu.dma_semaphore, #tpu.memory_space<semaphore_mem>>) src(%dma_wait3A_2240 : memref<400000x16xf32, #tpu.memory_space<hbm>>) dst(%dma_wait3A_2235 : memref<128x16xf32, #tpu.memory_space<vmem>>)
    %dma_wait3A_2241 = arith.constant 1024 : i32
    %dma_wait3A_2242 = arith.constant 0 : i32
    %dma_wait3A_2243 = tpu.memref_slice %arg12[%dma_wait3A_2241, %dma_wait3A_2242] : memref<2560x16xf32, #tpu.memory_space<vmem>> -> memref<128x16xf32, #tpu.memory_space<vmem>>
    %dma_wait3A_2244 = arith.constant 1024 : i32
    %dma_wait3A_2245 = tpu.memref_slice %arg11[%dma_wait3A_2244] : memref<2560xi32, #tpu.memory_space<vmem>> -> memref<128xi32, #tpu.memory_space<vmem>>
    %dma_wait3A_2246 = arith.constant 0 : i32
    %dma_wait3A_2247 = arith.constant 0 : i32
    %dma_wait3A_2248 = tpu.memref_slice %arg4[%dma_wait3A_2246, %dma_wait3A_2247] : memref<400000x16xf32, #tpu.memory_space<hbm>> -> memref<400000x16xf32, #tpu.memory_space<hbm>>
    tpu.wait_indirect_dma semaphore(%arg16 : memref<!tpu.dma_semaphore, #tpu.memory_space<semaphore_mem>>) src(%dma_wait3A_2248 : memref<400000x16xf32, #tpu.memory_space<hbm>>) dst(%dma_wait3A_2243 : memref<128x16xf32, #tpu.memory_space<vmem>>)
    %dma_wait3A_2249 = arith.constant 1152 : i32
    %dma_wait3A_2250 = arith.constant 0 : i32
    %dma_wait3A_2251 = tpu.memref_slice %arg12[%dma_wait3A_2249, %dma_wait3A_2250] : memref<2560x16xf32, #tpu.memory_space<vmem>> -> memref<128x16xf32, #tpu.memory_space<vmem>>
    %dma_wait3A_2252 = arith.constant 1152 : i32
    %dma_wait3A_2253 = tpu.memref_slice %arg11[%dma_wait3A_2252] : memref<2560xi32, #tpu.memory_space<vmem>> -> memref<128xi32, #tpu.memory_space<vmem>>
    %dma_wait3A_2254 = arith.constant 0 : i32
    %dma_wait3A_2255 = arith.constant 0 : i32
    %dma_wait3A_2256 = tpu.memref_slice %arg4[%dma_wait3A_2254, %dma_wait3A_2255] : memref<400000x16xf32, #tpu.memory_space<hbm>> -> memref<400000x16xf32, #tpu.memory_space<hbm>>
    tpu.wait_indirect_dma semaphore(%arg16 : memref<!tpu.dma_semaphore, #tpu.memory_space<semaphore_mem>>) src(%dma_wait3A_2256 : memref<400000x16xf32, #tpu.memory_space<hbm>>) dst(%dma_wait3A_2251 : memref<128x16xf32, #tpu.memory_space<vmem>>)
    %dma_wait3A_2257 = arith.constant 1280 : i32
    %dma_wait3A_2258 = arith.constant 0 : i32
    %dma_wait3A_2259 = tpu.memref_slice %arg12[%dma_wait3A_2257, %dma_wait3A_2258] : memref<2560x16xf32, #tpu.memory_space<vmem>> -> memref<128x16xf32, #tpu.memory_space<vmem>>
    %dma_wait3A_2260 = arith.constant 1280 : i32
    %dma_wait3A_2261 = tpu.memref_slice %arg11[%dma_wait3A_2260] : memref<2560xi32, #tpu.memory_space<vmem>> -> memref<128xi32, #tpu.memory_space<vmem>>
    %dma_wait3A_2262 = arith.constant 0 : i32
    %dma_wait3A_2263 = arith.constant 0 : i32
    %dma_wait3A_2264 = tpu.memref_slice %arg4[%dma_wait3A_2262, %dma_wait3A_2263] : memref<400000x16xf32, #tpu.memory_space<hbm>> -> memref<400000x16xf32, #tpu.memory_space<hbm>>
    tpu.wait_indirect_dma semaphore(%arg16 : memref<!tpu.dma_semaphore, #tpu.memory_space<semaphore_mem>>) src(%dma_wait3A_2264 : memref<400000x16xf32, #tpu.memory_space<hbm>>) dst(%dma_wait3A_2259 : memref<128x16xf32, #tpu.memory_space<vmem>>)
    %dma_wait3A_2265 = arith.constant 1408 : i32
    %dma_wait3A_2266 = arith.constant 0 : i32
    %dma_wait3A_2267 = tpu.memref_slice %arg12[%dma_wait3A_2265, %dma_wait3A_2266] : memref<2560x16xf32, #tpu.memory_space<vmem>> -> memref<128x16xf32, #tpu.memory_space<vmem>>
    %dma_wait3A_2268 = arith.constant 1408 : i32
    %dma_wait3A_2269 = tpu.memref_slice %arg11[%dma_wait3A_2268] : memref<2560xi32, #tpu.memory_space<vmem>> -> memref<128xi32, #tpu.memory_space<vmem>>
    %dma_wait3A_2270 = arith.constant 0 : i32
    %dma_wait3A_2271 = arith.constant 0 : i32
    %dma_wait3A_2272 = tpu.memref_slice %arg4[%dma_wait3A_2270, %dma_wait3A_2271] : memref<400000x16xf32, #tpu.memory_space<hbm>> -> memref<400000x16xf32, #tpu.memory_space<hbm>>
    tpu.wait_indirect_dma semaphore(%arg16 : memref<!tpu.dma_semaphore, #tpu.memory_space<semaphore_mem>>) src(%dma_wait3A_2272 : memref<400000x16xf32, #tpu.memory_space<hbm>>) dst(%dma_wait3A_2267 : memref<128x16xf32, #tpu.memory_space<vmem>>)
    %dma_wait3A_2273 = arith.constant 1536 : i32
    %dma_wait3A_2274 = arith.constant 0 : i32
    %dma_wait3A_2275 = tpu.memref_slice %arg12[%dma_wait3A_2273, %dma_wait3A_2274] : memref<2560x16xf32, #tpu.memory_space<vmem>> -> memref<128x16xf32, #tpu.memory_space<vmem>>
    %dma_wait3A_2276 = arith.constant 1536 : i32
    %dma_wait3A_2277 = tpu.memref_slice %arg11[%dma_wait3A_2276] : memref<2560xi32, #tpu.memory_space<vmem>> -> memref<128xi32, #tpu.memory_space<vmem>>
    %dma_wait3A_2278 = arith.constant 0 : i32
    %dma_wait3A_2279 = arith.constant 0 : i32
    %dma_wait3A_2280 = tpu.memref_slice %arg4[%dma_wait3A_2278, %dma_wait3A_2279] : memref<400000x16xf32, #tpu.memory_space<hbm>> -> memref<400000x16xf32, #tpu.memory_space<hbm>>
    tpu.wait_indirect_dma semaphore(%arg16 : memref<!tpu.dma_semaphore, #tpu.memory_space<semaphore_mem>>) src(%dma_wait3A_2280 : memref<400000x16xf32, #tpu.memory_space<hbm>>) dst(%dma_wait3A_2275 : memref<128x16xf32, #tpu.memory_space<vmem>>)
    %dma_wait3A_2281 = arith.constant 1664 : i32
    %dma_wait3A_2282 = arith.constant 0 : i32
    %dma_wait3A_2283 = tpu.memref_slice %arg12[%dma_wait3A_2281, %dma_wait3A_2282] : memref<2560x16xf32, #tpu.memory_space<vmem>> -> memref<128x16xf32, #tpu.memory_space<vmem>>
    %dma_wait3A_2284 = arith.constant 1664 : i32
    %dma_wait3A_2285 = tpu.memref_slice %arg11[%dma_wait3A_2284] : memref<2560xi32, #tpu.memory_space<vmem>> -> memref<128xi32, #tpu.memory_space<vmem>>
    %dma_wait3A_2286 = arith.constant 0 : i32
    %dma_wait3A_2287 = arith.constant 0 : i32
    %dma_wait3A_2288 = tpu.memref_slice %arg4[%dma_wait3A_2286, %dma_wait3A_2287] : memref<400000x16xf32, #tpu.memory_space<hbm>> -> memref<400000x16xf32, #tpu.memory_space<hbm>>
    tpu.wait_indirect_dma semaphore(%arg16 : memref<!tpu.dma_semaphore, #tpu.memory_space<semaphore_mem>>) src(%dma_wait3A_2288 : memref<400000x16xf32, #tpu.memory_space<hbm>>) dst(%dma_wait3A_2283 : memref<128x16xf32, #tpu.memory_space<vmem>>)
    %dma_wait3A_2289 = arith.constant 1792 : i32
    %dma_wait3A_2290 = arith.constant 0 : i32
    %dma_wait3A_2291 = tpu.memref_slice %arg12[%dma_wait3A_2289, %dma_wait3A_2290] : memref<2560x16xf32, #tpu.memory_space<vmem>> -> memref<128x16xf32, #tpu.memory_space<vmem>>
    %dma_wait3A_2292 = arith.constant 1792 : i32
    %dma_wait3A_2293 = tpu.memref_slice %arg11[%dma_wait3A_2292] : memref<2560xi32, #tpu.memory_space<vmem>> -> memref<128xi32, #tpu.memory_space<vmem>>
    %dma_wait3A_2294 = arith.constant 0 : i32
    %dma_wait3A_2295 = arith.constant 0 : i32
    %dma_wait3A_2296 = tpu.memref_slice %arg4[%dma_wait3A_2294, %dma_wait3A_2295] : memref<400000x16xf32, #tpu.memory_space<hbm>> -> memref<400000x16xf32, #tpu.memory_space<hbm>>
    tpu.wait_indirect_dma semaphore(%arg16 : memref<!tpu.dma_semaphore, #tpu.memory_space<semaphore_mem>>) src(%dma_wait3A_2296 : memref<400000x16xf32, #tpu.memory_space<hbm>>) dst(%dma_wait3A_2291 : memref<128x16xf32, #tpu.memory_space<vmem>>)
    %dma_wait3A_2297 = arith.constant 1920 : i32
    %dma_wait3A_2298 = arith.constant 0 : i32
    %dma_wait3A_2299 = tpu.memref_slice %arg12[%dma_wait3A_2297, %dma_wait3A_2298] : memref<2560x16xf32, #tpu.memory_space<vmem>> -> memref<128x16xf32, #tpu.memory_space<vmem>>
    %dma_wait3A_2300 = arith.constant 1920 : i32
    %dma_wait3A_2301 = tpu.memref_slice %arg11[%dma_wait3A_2300] : memref<2560xi32, #tpu.memory_space<vmem>> -> memref<128xi32, #tpu.memory_space<vmem>>
    %dma_wait3A_2302 = arith.constant 0 : i32
    %dma_wait3A_2303 = arith.constant 0 : i32
    %dma_wait3A_2304 = tpu.memref_slice %arg4[%dma_wait3A_2302, %dma_wait3A_2303] : memref<400000x16xf32, #tpu.memory_space<hbm>> -> memref<400000x16xf32, #tpu.memory_space<hbm>>
    tpu.wait_indirect_dma semaphore(%arg16 : memref<!tpu.dma_semaphore, #tpu.memory_space<semaphore_mem>>) src(%dma_wait3A_2304 : memref<400000x16xf32, #tpu.memory_space<hbm>>) dst(%dma_wait3A_2299 : memref<128x16xf32, #tpu.memory_space<vmem>>)
    %dma_wait3A_2305 = arith.constant 2048 : i32
    %dma_wait3A_2306 = arith.constant 0 : i32
    %dma_wait3A_2307 = tpu.memref_slice %arg12[%dma_wait3A_2305, %dma_wait3A_2306] : memref<2560x16xf32, #tpu.memory_space<vmem>> -> memref<128x16xf32, #tpu.memory_space<vmem>>
    %dma_wait3A_2308 = arith.constant 2048 : i32
    %dma_wait3A_2309 = tpu.memref_slice %arg11[%dma_wait3A_2308] : memref<2560xi32, #tpu.memory_space<vmem>> -> memref<128xi32, #tpu.memory_space<vmem>>
    %dma_wait3A_2310 = arith.constant 0 : i32
    %dma_wait3A_2311 = arith.constant 0 : i32
    %dma_wait3A_2312 = tpu.memref_slice %arg4[%dma_wait3A_2310, %dma_wait3A_2311] : memref<400000x16xf32, #tpu.memory_space<hbm>> -> memref<400000x16xf32, #tpu.memory_space<hbm>>
    tpu.wait_indirect_dma semaphore(%arg16 : memref<!tpu.dma_semaphore, #tpu.memory_space<semaphore_mem>>) src(%dma_wait3A_2312 : memref<400000x16xf32, #tpu.memory_space<hbm>>) dst(%dma_wait3A_2307 : memref<128x16xf32, #tpu.memory_space<vmem>>)
    %dma_wait3A_2313 = arith.constant 2176 : i32
    %dma_wait3A_2314 = arith.constant 0 : i32
    %dma_wait3A_2315 = tpu.memref_slice %arg12[%dma_wait3A_2313, %dma_wait3A_2314] : memref<2560x16xf32, #tpu.memory_space<vmem>> -> memref<128x16xf32, #tpu.memory_space<vmem>>
    %dma_wait3A_2316 = arith.constant 2176 : i32
    %dma_wait3A_2317 = tpu.memref_slice %arg11[%dma_wait3A_2316] : memref<2560xi32, #tpu.memory_space<vmem>> -> memref<128xi32, #tpu.memory_space<vmem>>
    %dma_wait3A_2318 = arith.constant 0 : i32
    %dma_wait3A_2319 = arith.constant 0 : i32
    %dma_wait3A_2320 = tpu.memref_slice %arg4[%dma_wait3A_2318, %dma_wait3A_2319] : memref<400000x16xf32, #tpu.memory_space<hbm>> -> memref<400000x16xf32, #tpu.memory_space<hbm>>
    tpu.wait_indirect_dma semaphore(%arg16 : memref<!tpu.dma_semaphore, #tpu.memory_space<semaphore_mem>>) src(%dma_wait3A_2320 : memref<400000x16xf32, #tpu.memory_space<hbm>>) dst(%dma_wait3A_2315 : memref<128x16xf32, #tpu.memory_space<vmem>>)
    %dma_wait3A_2321 = arith.constant 2304 : i32
    %dma_wait3A_2322 = arith.constant 0 : i32
    %dma_wait3A_2323 = tpu.memref_slice %arg12[%dma_wait3A_2321, %dma_wait3A_2322] : memref<2560x16xf32, #tpu.memory_space<vmem>> -> memref<128x16xf32, #tpu.memory_space<vmem>>
    %dma_wait3A_2324 = arith.constant 2304 : i32
    %dma_wait3A_2325 = tpu.memref_slice %arg11[%dma_wait3A_2324] : memref<2560xi32, #tpu.memory_space<vmem>> -> memref<128xi32, #tpu.memory_space<vmem>>
    %dma_wait3A_2326 = arith.constant 0 : i32
    %dma_wait3A_2327 = arith.constant 0 : i32
    %dma_wait3A_2328 = tpu.memref_slice %arg4[%dma_wait3A_2326, %dma_wait3A_2327] : memref<400000x16xf32, #tpu.memory_space<hbm>> -> memref<400000x16xf32, #tpu.memory_space<hbm>>
    tpu.wait_indirect_dma semaphore(%arg16 : memref<!tpu.dma_semaphore, #tpu.memory_space<semaphore_mem>>) src(%dma_wait3A_2328 : memref<400000x16xf32, #tpu.memory_space<hbm>>) dst(%dma_wait3A_2323 : memref<128x16xf32, #tpu.memory_space<vmem>>)
    %dma_wait3A_2329 = arith.constant 2432 : i32
    %dma_wait3A_2330 = arith.constant 0 : i32
    %dma_wait3A_2331 = tpu.memref_slice %arg12[%dma_wait3A_2329, %dma_wait3A_2330] : memref<2560x16xf32, #tpu.memory_space<vmem>> -> memref<128x16xf32, #tpu.memory_space<vmem>>
    %dma_wait3A_2332 = arith.constant 2432 : i32
    %dma_wait3A_2333 = tpu.memref_slice %arg11[%dma_wait3A_2332] : memref<2560xi32, #tpu.memory_space<vmem>> -> memref<128xi32, #tpu.memory_space<vmem>>
    %dma_wait3A_2334 = arith.constant 0 : i32
    %dma_wait3A_2335 = arith.constant 0 : i32
    %dma_wait3A_2336 = tpu.memref_slice %arg4[%dma_wait3A_2334, %dma_wait3A_2335] : memref<400000x16xf32, #tpu.memory_space<hbm>> -> memref<400000x16xf32, #tpu.memory_space<hbm>>
    tpu.wait_indirect_dma semaphore(%arg16 : memref<!tpu.dma_semaphore, #tpu.memory_space<semaphore_mem>>) src(%dma_wait3A_2336 : memref<400000x16xf32, #tpu.memory_space<hbm>>) dst(%dma_wait3A_2331 : memref<128x16xf32, #tpu.memory_space<vmem>>)
    "tpu.region"() ({
      %run_scoped3A_2734 = tpu.sem_alloc : memref<!tpu.dma_semaphore, #tpu.memory_space<semaphore_mem>>
      %dma_start3A_2735 = arith.constant 0 : i32
      %dma_start3A_2736 = tpu.memref_slice %arg8[%multiple_of3A_2009, %dma_start3A_2735] : memref<655360x16xf32, #tpu.memory_space<hbm>> -> memref<2560x16xf32, #tpu.memory_space<hbm>>
      %dma_start3A_2737 = arith.constant 0 : i32
      %dma_start3A_2738 = tpu.memref_slice %arg8[%multiple_of3A_2009, %dma_start3A_2737] : memref<655360x16xf32, #tpu.memory_space<hbm>> -> memref<2560x16xf32, #tpu.memory_space<hbm>>
      tpu.enqueue_dma source(%arg12 : memref<2560x16xf32, #tpu.memory_space<vmem>>) target(%dma_start3A_2738 : memref<2560x16xf32, #tpu.memory_space<hbm>>) target_semaphore(%run_scoped3A_2734 : memref<!tpu.dma_semaphore, #tpu.memory_space<semaphore_mem>>)
      %dma_wait3A_2739 = arith.constant 0 : i32
      %dma_wait3A_2740 = tpu.memref_slice %arg8[%multiple_of3A_2009, %dma_wait3A_2739] : memref<655360x16xf32, #tpu.memory_space<hbm>> -> memref<2560x16xf32, #tpu.memory_space<hbm>>
      %dma_wait3A_2741 = arith.constant 0 : i32
      %dma_wait3A_2742 = tpu.memref_slice %arg8[%multiple_of3A_2009, %dma_wait3A_2741] : memref<655360x16xf32, #tpu.memory_space<hbm>> -> memref<2560x16xf32, #tpu.memory_space<hbm>>
      tpu.wait_dma2 semaphore(%run_scoped3A_2734 : memref<!tpu.dma_semaphore, #tpu.memory_space<semaphore_mem>>) src(%arg12 : memref<2560x16xf32, #tpu.memory_space<vmem>>) dst(%dma_wait3A_2742 : memref<2560x16xf32, #tpu.memory_space<hbm>>)
      tpu.yield
    }) : () -> ()
    %mul3A_2337 = arith.constant 512 : i32
    %mul3A_2338 = arith.muli %add3A, %mul3A_2337 : i32
    %add3A_2339 = arith.constant 448 : i32
    %add3A_2340 = arith.addi %mul3A_2338, %add3A_2339 : i32
    %mul3A_2341 = arith.constant 40 : i32
    %mul3A_2342 = arith.muli %add3A_2340, %mul3A_2341 : i32
    %multiple_of3A_2343 = tpu.assume_multiple %mul3A_2342, 2560 : i32
    "tpu.region"() ({
      %run_scoped3A_2734 = tpu.sem_alloc : memref<!tpu.dma_semaphore, #tpu.memory_space<semaphore_mem>>
      %dma_start3A_2735 = tpu.memref_slice %arg2[%multiple_of3A_2343] : memref<655360xi32, #tpu.memory_space<hbm>> -> memref<2560xi32, #tpu.memory_space<hbm>>
      %dma_start3A_2736 = tpu.memref_slice %arg2[%multiple_of3A_2343] : memref<655360xi32, #tpu.memory_space<hbm>> -> memref<2560xi32, #tpu.memory_space<hbm>>
      tpu.enqueue_dma source(%dma_start3A_2736 : memref<2560xi32, #tpu.memory_space<hbm>>) target(%arg10 : memref<2560xi32, #tpu.memory_space<vmem>>) target_semaphore(%run_scoped3A_2734 : memref<!tpu.dma_semaphore, #tpu.memory_space<semaphore_mem>>)
      %dma_wait3A_2737 = tpu.memref_slice %arg2[%multiple_of3A_2343] : memref<655360xi32, #tpu.memory_space<hbm>> -> memref<2560xi32, #tpu.memory_space<hbm>>
      %dma_wait3A_2738 = tpu.memref_slice %arg2[%multiple_of3A_2343] : memref<655360xi32, #tpu.memory_space<hbm>> -> memref<2560xi32, #tpu.memory_space<hbm>>
      tpu.wait_dma2 semaphore(%run_scoped3A_2734 : memref<!tpu.dma_semaphore, #tpu.memory_space<semaphore_mem>>) src(%dma_wait3A_2738 : memref<2560xi32, #tpu.memory_space<hbm>>) dst(%arg10 : memref<2560xi32, #tpu.memory_space<vmem>>)
      tpu.yield
    }) : () -> ()
    %scan3A_2344 = arith.constant 0 : i32
    %scan3A_2345 = arith.constant 0 : i32
    %scan3A_2346 = arith.constant 160 : i32
    %scan3A_2347 = arith.addi %scan3A_2345, %scan3A_2346 : i32
    %scan3A_2348 = arith.constant 1 : i32
    %scan3A_2349 = scf.for %scan3A_2734 = %scan3A_2345 to %scan3A_2347 step %scan3A_2348 iter_args(%scan3A_2735 = %scan3A_2344) -> (i32)  : i32 {
      %mul3A_2736 = arith.constant 16 : i32
      %mul3A_2737 = arith.muli %scan3A_2734, %mul3A_2736 : i32
      %get3A = arith.index_cast %mul3A_2737 : i32 to index
      %get3A_2738 = tpu.vector_load %arg10[%get3A] {strides = array<i32>} : memref<2560xi32, #tpu.memory_space<vmem>>, vector<16xi32>,
      %get3A_2739 = vector.shape_cast %get3A_2738 : vector<16xi32> to vector<16xi32>
      %mul3A_2740 = arith.constant 4 : i32
      %mul3A_2741 = vector.broadcast %mul3A_2740 : i32 to vector<16xi32>
      %mul3A_2742 = arith.muli %get3A_2739, %mul3A_2741 : vector<16xi32>
      %get3A_2743 = arith.index_cast %mul3A_2737 : i32 to index
      %get3A_2744 = tpu.vector_load %arg15[%get3A_2743] {strides = array<i32>} : memref<2560xi32, #tpu.memory_space<vmem>>, vector<16xi32>,
      %get3A_2745 = vector.shape_cast %get3A_2744 : vector<16xi32> to vector<16xi32>
      %add3A_2746 = arith.addi %mul3A_2742, %get3A_2745 : vector<16xi32>
      %swap3A = arith.index_cast %mul3A_2737 : i32 to index
      %swap3A_2747 = tpu.vector_load %arg11[%swap3A] {strides = array<i32>} : memref<2560xi32, #tpu.memory_space<vmem>>, vector<16xi32>,
      %swap3A_2748 = vector.shape_cast %swap3A_2747 : vector<16xi32> to vector<16xi32>
      %swap3A_2749 = vector.shape_cast %add3A_2746 : vector<16xi32> to vector<16xi32>
      tpu.vector_store %arg11[%swap3A], %swap3A_2749 {strides = array<i32>} : memref<2560xi32, #tpu.memory_space<vmem>>, vector<16xi32>,
      %scan3A_2750 = arith.constant 0 : i32
      scf.yield %scan3A_2750 : i32
    }
    %scan3A_2350 = arith.constant 160 : i32
    %dma_start3A_2351 = arith.constant 0 : i32
    %dma_start3A_2352 = arith.constant 0 : i32
    %dma_start3A_2353 = tpu.memref_slice %arg12[%dma_start3A_2351, %dma_start3A_2352] : memref<2560x16xf32, #tpu.memory_space<vmem>> -> memref<128x16xf32, #tpu.memory_space<vmem>>
    %dma_start3A_2354 = arith.constant 0 : i32
    %dma_start3A_2355 = tpu.memref_slice %arg11[%dma_start3A_2354] : memref<2560xi32, #tpu.memory_space<vmem>> -> memref<128xi32, #tpu.memory_space<vmem>>
    %dma_start3A_2356 = arith.constant 0 : i32
    %dma_start3A_2357 = arith.constant 0 : i32
    %dma_start3A_2358 = tpu.memref_slice %arg4[%dma_start3A_2356, %dma_start3A_2357] : memref<400000x16xf32, #tpu.memory_space<hbm>> -> memref<400000x16xf32, #tpu.memory_space<hbm>>
    tpu.enqueue_indirect_dma source(%dma_start3A_2358 : memref<400000x16xf32, #tpu.memory_space<hbm>>) target(%dma_start3A_2353 : memref<128x16xf32, #tpu.memory_space<vmem>>) offsets(%dma_start3A_2355 : memref<128xi32, #tpu.memory_space<vmem>>) semaphore(%arg16 : memref<!tpu.dma_semaphore, #tpu.memory_space<semaphore_mem>>)
    %dma_start3A_2359 = arith.constant 128 : i32
    %dma_start3A_2360 = arith.constant 0 : i32
    %dma_start3A_2361 = tpu.memref_slice %arg12[%dma_start3A_2359, %dma_start3A_2360] : memref<2560x16xf32, #tpu.memory_space<vmem>> -> memref<128x16xf32, #tpu.memory_space<vmem>>
    %dma_start3A_2362 = arith.constant 128 : i32
    %dma_start3A_2363 = tpu.memref_slice %arg11[%dma_start3A_2362] : memref<2560xi32, #tpu.memory_space<vmem>> -> memref<128xi32, #tpu.memory_space<vmem>>
    %dma_start3A_2364 = arith.constant 0 : i32
    %dma_start3A_2365 = arith.constant 0 : i32
    %dma_start3A_2366 = tpu.memref_slice %arg4[%dma_start3A_2364, %dma_start3A_2365] : memref<400000x16xf32, #tpu.memory_space<hbm>> -> memref<400000x16xf32, #tpu.memory_space<hbm>>
    tpu.enqueue_indirect_dma source(%dma_start3A_2366 : memref<400000x16xf32, #tpu.memory_space<hbm>>) target(%dma_start3A_2361 : memref<128x16xf32, #tpu.memory_space<vmem>>) offsets(%dma_start3A_2363 : memref<128xi32, #tpu.memory_space<vmem>>) semaphore(%arg16 : memref<!tpu.dma_semaphore, #tpu.memory_space<semaphore_mem>>)
    %dma_start3A_2367 = arith.constant 256 : i32
    %dma_start3A_2368 = arith.constant 0 : i32
    %dma_start3A_2369 = tpu.memref_slice %arg12[%dma_start3A_2367, %dma_start3A_2368] : memref<2560x16xf32, #tpu.memory_space<vmem>> -> memref<128x16xf32, #tpu.memory_space<vmem>>
    %dma_start3A_2370 = arith.constant 256 : i32
    %dma_start3A_2371 = tpu.memref_slice %arg11[%dma_start3A_2370] : memref<2560xi32, #tpu.memory_space<vmem>> -> memref<128xi32, #tpu.memory_space<vmem>>
    %dma_start3A_2372 = arith.constant 0 : i32
    %dma_start3A_2373 = arith.constant 0 : i32
    %dma_start3A_2374 = tpu.memref_slice %arg4[%dma_start3A_2372, %dma_start3A_2373] : memref<400000x16xf32, #tpu.memory_space<hbm>> -> memref<400000x16xf32, #tpu.memory_space<hbm>>
    tpu.enqueue_indirect_dma source(%dma_start3A_2374 : memref<400000x16xf32, #tpu.memory_space<hbm>>) target(%dma_start3A_2369 : memref<128x16xf32, #tpu.memory_space<vmem>>) offsets(%dma_start3A_2371 : memref<128xi32, #tpu.memory_space<vmem>>) semaphore(%arg16 : memref<!tpu.dma_semaphore, #tpu.memory_space<semaphore_mem>>)
    %dma_start3A_2375 = arith.constant 384 : i32
    %dma_start3A_2376 = arith.constant 0 : i32
    %dma_start3A_2377 = tpu.memref_slice %arg12[%dma_start3A_2375, %dma_start3A_2376] : memref<2560x16xf32, #tpu.memory_space<vmem>> -> memref<128x16xf32, #tpu.memory_space<vmem>>
    %dma_start3A_2378 = arith.constant 384 : i32
    %dma_start3A_2379 = tpu.memref_slice %arg11[%dma_start3A_2378] : memref<2560xi32, #tpu.memory_space<vmem>> -> memref<128xi32, #tpu.memory_space<vmem>>
    %dma_start3A_2380 = arith.constant 0 : i32
    %dma_start3A_2381 = arith.constant 0 : i32
    %dma_start3A_2382 = tpu.memref_slice %arg4[%dma_start3A_2380, %dma_start3A_2381] : memref<400000x16xf32, #tpu.memory_space<hbm>> -> memref<400000x16xf32, #tpu.memory_space<hbm>>
    tpu.enqueue_indirect_dma source(%dma_start3A_2382 : memref<400000x16xf32, #tpu.memory_space<hbm>>) target(%dma_start3A_2377 : memref<128x16xf32, #tpu.memory_space<vmem>>) offsets(%dma_start3A_2379 : memref<128xi32, #tpu.memory_space<vmem>>) semaphore(%arg16 : memref<!tpu.dma_semaphore, #tpu.memory_space<semaphore_mem>>)
    %dma_start3A_2383 = arith.constant 512 : i32
    %dma_start3A_2384 = arith.constant 0 : i32
    %dma_start3A_2385 = tpu.memref_slice %arg12[%dma_start3A_2383, %dma_start3A_2384] : memref<2560x16xf32, #tpu.memory_space<vmem>> -> memref<128x16xf32, #tpu.memory_space<vmem>>
    %dma_start3A_2386 = arith.constant 512 : i32
    %dma_start3A_2387 = tpu.memref_slice %arg11[%dma_start3A_2386] : memref<2560xi32, #tpu.memory_space<vmem>> -> memref<128xi32, #tpu.memory_space<vmem>>
    %dma_start3A_2388 = arith.constant 0 : i32
    %dma_start3A_2389 = arith.constant 0 : i32
    %dma_start3A_2390 = tpu.memref_slice %arg4[%dma_start3A_2388, %dma_start3A_2389] : memref<400000x16xf32, #tpu.memory_space<hbm>> -> memref<400000x16xf32, #tpu.memory_space<hbm>>
    tpu.enqueue_indirect_dma source(%dma_start3A_2390 : memref<400000x16xf32, #tpu.memory_space<hbm>>) target(%dma_start3A_2385 : memref<128x16xf32, #tpu.memory_space<vmem>>) offsets(%dma_start3A_2387 : memref<128xi32, #tpu.memory_space<vmem>>) semaphore(%arg16 : memref<!tpu.dma_semaphore, #tpu.memory_space<semaphore_mem>>)
    %dma_start3A_2391 = arith.constant 640 : i32
    %dma_start3A_2392 = arith.constant 0 : i32
    %dma_start3A_2393 = tpu.memref_slice %arg12[%dma_start3A_2391, %dma_start3A_2392] : memref<2560x16xf32, #tpu.memory_space<vmem>> -> memref<128x16xf32, #tpu.memory_space<vmem>>
    %dma_start3A_2394 = arith.constant 640 : i32
    %dma_start3A_2395 = tpu.memref_slice %arg11[%dma_start3A_2394] : memref<2560xi32, #tpu.memory_space<vmem>> -> memref<128xi32, #tpu.memory_space<vmem>>
    %dma_start3A_2396 = arith.constant 0 : i32
    %dma_start3A_2397 = arith.constant 0 : i32
    %dma_start3A_2398 = tpu.memref_slice %arg4[%dma_start3A_2396, %dma_start3A_2397] : memref<400000x16xf32, #tpu.memory_space<hbm>> -> memref<400000x16xf32, #tpu.memory_space<hbm>>
    tpu.enqueue_indirect_dma source(%dma_start3A_2398 : memref<400000x16xf32, #tpu.memory_space<hbm>>) target(%dma_start3A_2393 : memref<128x16xf32, #tpu.memory_space<vmem>>) offsets(%dma_start3A_2395 : memref<128xi32, #tpu.memory_space<vmem>>) semaphore(%arg16 : memref<!tpu.dma_semaphore, #tpu.memory_space<semaphore_mem>>)
    %dma_start3A_2399 = arith.constant 768 : i32
    %dma_start3A_2400 = arith.constant 0 : i32
    %dma_start3A_2401 = tpu.memref_slice %arg12[%dma_start3A_2399, %dma_start3A_2400] : memref<2560x16xf32, #tpu.memory_space<vmem>> -> memref<128x16xf32, #tpu.memory_space<vmem>>
    %dma_start3A_2402 = arith.constant 768 : i32
    %dma_start3A_2403 = tpu.memref_slice %arg11[%dma_start3A_2402] : memref<2560xi32, #tpu.memory_space<vmem>> -> memref<128xi32, #tpu.memory_space<vmem>>
    %dma_start3A_2404 = arith.constant 0 : i32
    %dma_start3A_2405 = arith.constant 0 : i32
    %dma_start3A_2406 = tpu.memref_slice %arg4[%dma_start3A_2404, %dma_start3A_2405] : memref<400000x16xf32, #tpu.memory_space<hbm>> -> memref<400000x16xf32, #tpu.memory_space<hbm>>
    tpu.enqueue_indirect_dma source(%dma_start3A_2406 : memref<400000x16xf32, #tpu.memory_space<hbm>>) target(%dma_start3A_2401 : memref<128x16xf32, #tpu.memory_space<vmem>>) offsets(%dma_start3A_2403 : memref<128xi32, #tpu.memory_space<vmem>>) semaphore(%arg16 : memref<!tpu.dma_semaphore, #tpu.memory_space<semaphore_mem>>)
    %dma_start3A_2407 = arith.constant 896 : i32
    %dma_start3A_2408 = arith.constant 0 : i32
    %dma_start3A_2409 = tpu.memref_slice %arg12[%dma_start3A_2407, %dma_start3A_2408] : memref<2560x16xf32, #tpu.memory_space<vmem>> -> memref<128x16xf32, #tpu.memory_space<vmem>>
    %dma_start3A_2410 = arith.constant 896 : i32
    %dma_start3A_2411 = tpu.memref_slice %arg11[%dma_start3A_2410] : memref<2560xi32, #tpu.memory_space<vmem>> -> memref<128xi32, #tpu.memory_space<vmem>>
    %dma_start3A_2412 = arith.constant 0 : i32
    %dma_start3A_2413 = arith.constant 0 : i32
    %dma_start3A_2414 = tpu.memref_slice %arg4[%dma_start3A_2412, %dma_start3A_2413] : memref<400000x16xf32, #tpu.memory_space<hbm>> -> memref<400000x16xf32, #tpu.memory_space<hbm>>
    tpu.enqueue_indirect_dma source(%dma_start3A_2414 : memref<400000x16xf32, #tpu.memory_space<hbm>>) target(%dma_start3A_2409 : memref<128x16xf32, #tpu.memory_space<vmem>>) offsets(%dma_start3A_2411 : memref<128xi32, #tpu.memory_space<vmem>>) semaphore(%arg16 : memref<!tpu.dma_semaphore, #tpu.memory_space<semaphore_mem>>)
    %dma_start3A_2415 = arith.constant 1024 : i32
    %dma_start3A_2416 = arith.constant 0 : i32
    %dma_start3A_2417 = tpu.memref_slice %arg12[%dma_start3A_2415, %dma_start3A_2416] : memref<2560x16xf32, #tpu.memory_space<vmem>> -> memref<128x16xf32, #tpu.memory_space<vmem>>
    %dma_start3A_2418 = arith.constant 1024 : i32
    %dma_start3A_2419 = tpu.memref_slice %arg11[%dma_start3A_2418] : memref<2560xi32, #tpu.memory_space<vmem>> -> memref<128xi32, #tpu.memory_space<vmem>>
    %dma_start3A_2420 = arith.constant 0 : i32
    %dma_start3A_2421 = arith.constant 0 : i32
    %dma_start3A_2422 = tpu.memref_slice %arg4[%dma_start3A_2420, %dma_start3A_2421] : memref<400000x16xf32, #tpu.memory_space<hbm>> -> memref<400000x16xf32, #tpu.memory_space<hbm>>
    tpu.enqueue_indirect_dma source(%dma_start3A_2422 : memref<400000x16xf32, #tpu.memory_space<hbm>>) target(%dma_start3A_2417 : memref<128x16xf32, #tpu.memory_space<vmem>>) offsets(%dma_start3A_2419 : memref<128xi32, #tpu.memory_space<vmem>>) semaphore(%arg16 : memref<!tpu.dma_semaphore, #tpu.memory_space<semaphore_mem>>)
    %dma_start3A_2423 = arith.constant 1152 : i32
    %dma_start3A_2424 = arith.constant 0 : i32
    %dma_start3A_2425 = tpu.memref_slice %arg12[%dma_start3A_2423, %dma_start3A_2424] : memref<2560x16xf32, #tpu.memory_space<vmem>> -> memref<128x16xf32, #tpu.memory_space<vmem>>
    %dma_start3A_2426 = arith.constant 1152 : i32
    %dma_start3A_2427 = tpu.memref_slice %arg11[%dma_start3A_2426] : memref<2560xi32, #tpu.memory_space<vmem>> -> memref<128xi32, #tpu.memory_space<vmem>>
    %dma_start3A_2428 = arith.constant 0 : i32
    %dma_start3A_2429 = arith.constant 0 : i32
    %dma_start3A_2430 = tpu.memref_slice %arg4[%dma_start3A_2428, %dma_start3A_2429] : memref<400000x16xf32, #tpu.memory_space<hbm>> -> memref<400000x16xf32, #tpu.memory_space<hbm>>
    tpu.enqueue_indirect_dma source(%dma_start3A_2430 : memref<400000x16xf32, #tpu.memory_space<hbm>>) target(%dma_start3A_2425 : memref<128x16xf32, #tpu.memory_space<vmem>>) offsets(%dma_start3A_2427 : memref<128xi32, #tpu.memory_space<vmem>>) semaphore(%arg16 : memref<!tpu.dma_semaphore, #tpu.memory_space<semaphore_mem>>)
    %dma_start3A_2431 = arith.constant 1280 : i32
    %dma_start3A_2432 = arith.constant 0 : i32
    %dma_start3A_2433 = tpu.memref_slice %arg12[%dma_start3A_2431, %dma_start3A_2432] : memref<2560x16xf32, #tpu.memory_space<vmem>> -> memref<128x16xf32, #tpu.memory_space<vmem>>
    %dma_start3A_2434 = arith.constant 1280 : i32
    %dma_start3A_2435 = tpu.memref_slice %arg11[%dma_start3A_2434] : memref<2560xi32, #tpu.memory_space<vmem>> -> memref<128xi32, #tpu.memory_space<vmem>>
    %dma_start3A_2436 = arith.constant 0 : i32
    %dma_start3A_2437 = arith.constant 0 : i32
    %dma_start3A_2438 = tpu.memref_slice %arg4[%dma_start3A_2436, %dma_start3A_2437] : memref<400000x16xf32, #tpu.memory_space<hbm>> -> memref<400000x16xf32, #tpu.memory_space<hbm>>
    tpu.enqueue_indirect_dma source(%dma_start3A_2438 : memref<400000x16xf32, #tpu.memory_space<hbm>>) target(%dma_start3A_2433 : memref<128x16xf32, #tpu.memory_space<vmem>>) offsets(%dma_start3A_2435 : memref<128xi32, #tpu.memory_space<vmem>>) semaphore(%arg16 : memref<!tpu.dma_semaphore, #tpu.memory_space<semaphore_mem>>)
    %dma_start3A_2439 = arith.constant 1408 : i32
    %dma_start3A_2440 = arith.constant 0 : i32
    %dma_start3A_2441 = tpu.memref_slice %arg12[%dma_start3A_2439, %dma_start3A_2440] : memref<2560x16xf32, #tpu.memory_space<vmem>> -> memref<128x16xf32, #tpu.memory_space<vmem>>
    %dma_start3A_2442 = arith.constant 1408 : i32
    %dma_start3A_2443 = tpu.memref_slice %arg11[%dma_start3A_2442] : memref<2560xi32, #tpu.memory_space<vmem>> -> memref<128xi32, #tpu.memory_space<vmem>>
    %dma_start3A_2444 = arith.constant 0 : i32
    %dma_start3A_2445 = arith.constant 0 : i32
    %dma_start3A_2446 = tpu.memref_slice %arg4[%dma_start3A_2444, %dma_start3A_2445] : memref<400000x16xf32, #tpu.memory_space<hbm>> -> memref<400000x16xf32, #tpu.memory_space<hbm>>
    tpu.enqueue_indirect_dma source(%dma_start3A_2446 : memref<400000x16xf32, #tpu.memory_space<hbm>>) target(%dma_start3A_2441 : memref<128x16xf32, #tpu.memory_space<vmem>>) offsets(%dma_start3A_2443 : memref<128xi32, #tpu.memory_space<vmem>>) semaphore(%arg16 : memref<!tpu.dma_semaphore, #tpu.memory_space<semaphore_mem>>)
    %dma_start3A_2447 = arith.constant 1536 : i32
    %dma_start3A_2448 = arith.constant 0 : i32
    %dma_start3A_2449 = tpu.memref_slice %arg12[%dma_start3A_2447, %dma_start3A_2448] : memref<2560x16xf32, #tpu.memory_space<vmem>> -> memref<128x16xf32, #tpu.memory_space<vmem>>
    %dma_start3A_2450 = arith.constant 1536 : i32
    %dma_start3A_2451 = tpu.memref_slice %arg11[%dma_start3A_2450] : memref<2560xi32, #tpu.memory_space<vmem>> -> memref<128xi32, #tpu.memory_space<vmem>>
    %dma_start3A_2452 = arith.constant 0 : i32
    %dma_start3A_2453 = arith.constant 0 : i32
    %dma_start3A_2454 = tpu.memref_slice %arg4[%dma_start3A_2452, %dma_start3A_2453] : memref<400000x16xf32, #tpu.memory_space<hbm>> -> memref<400000x16xf32, #tpu.memory_space<hbm>>
    tpu.enqueue_indirect_dma source(%dma_start3A_2454 : memref<400000x16xf32, #tpu.memory_space<hbm>>) target(%dma_start3A_2449 : memref<128x16xf32, #tpu.memory_space<vmem>>) offsets(%dma_start3A_2451 : memref<128xi32, #tpu.memory_space<vmem>>) semaphore(%arg16 : memref<!tpu.dma_semaphore, #tpu.memory_space<semaphore_mem>>)
    %dma_start3A_2455 = arith.constant 1664 : i32
    %dma_start3A_2456 = arith.constant 0 : i32
    %dma_start3A_2457 = tpu.memref_slice %arg12[%dma_start3A_2455, %dma_start3A_2456] : memref<2560x16xf32, #tpu.memory_space<vmem>> -> memref<128x16xf32, #tpu.memory_space<vmem>>
    %dma_start3A_2458 = arith.constant 1664 : i32
    %dma_start3A_2459 = tpu.memref_slice %arg11[%dma_start3A_2458] : memref<2560xi32, #tpu.memory_space<vmem>> -> memref<128xi32, #tpu.memory_space<vmem>>
    %dma_start3A_2460 = arith.constant 0 : i32
    %dma_start3A_2461 = arith.constant 0 : i32
    %dma_start3A_2462 = tpu.memref_slice %arg4[%dma_start3A_2460, %dma_start3A_2461] : memref<400000x16xf32, #tpu.memory_space<hbm>> -> memref<400000x16xf32, #tpu.memory_space<hbm>>
    tpu.enqueue_indirect_dma source(%dma_start3A_2462 : memref<400000x16xf32, #tpu.memory_space<hbm>>) target(%dma_start3A_2457 : memref<128x16xf32, #tpu.memory_space<vmem>>) offsets(%dma_start3A_2459 : memref<128xi32, #tpu.memory_space<vmem>>) semaphore(%arg16 : memref<!tpu.dma_semaphore, #tpu.memory_space<semaphore_mem>>)
    %dma_start3A_2463 = arith.constant 1792 : i32
    %dma_start3A_2464 = arith.constant 0 : i32
    %dma_start3A_2465 = tpu.memref_slice %arg12[%dma_start3A_2463, %dma_start3A_2464] : memref<2560x16xf32, #tpu.memory_space<vmem>> -> memref<128x16xf32, #tpu.memory_space<vmem>>
    %dma_start3A_2466 = arith.constant 1792 : i32
    %dma_start3A_2467 = tpu.memref_slice %arg11[%dma_start3A_2466] : memref<2560xi32, #tpu.memory_space<vmem>> -> memref<128xi32, #tpu.memory_space<vmem>>
    %dma_start3A_2468 = arith.constant 0 : i32
    %dma_start3A_2469 = arith.constant 0 : i32
    %dma_start3A_2470 = tpu.memref_slice %arg4[%dma_start3A_2468, %dma_start3A_2469] : memref<400000x16xf32, #tpu.memory_space<hbm>> -> memref<400000x16xf32, #tpu.memory_space<hbm>>
    tpu.enqueue_indirect_dma source(%dma_start3A_2470 : memref<400000x16xf32, #tpu.memory_space<hbm>>) target(%dma_start3A_2465 : memref<128x16xf32, #tpu.memory_space<vmem>>) offsets(%dma_start3A_2467 : memref<128xi32, #tpu.memory_space<vmem>>) semaphore(%arg16 : memref<!tpu.dma_semaphore, #tpu.memory_space<semaphore_mem>>)
    %dma_start3A_2471 = arith.constant 1920 : i32
    %dma_start3A_2472 = arith.constant 0 : i32
    %dma_start3A_2473 = tpu.memref_slice %arg12[%dma_start3A_2471, %dma_start3A_2472] : memref<2560x16xf32, #tpu.memory_space<vmem>> -> memref<128x16xf32, #tpu.memory_space<vmem>>
    %dma_start3A_2474 = arith.constant 1920 : i32
    %dma_start3A_2475 = tpu.memref_slice %arg11[%dma_start3A_2474] : memref<2560xi32, #tpu.memory_space<vmem>> -> memref<128xi32, #tpu.memory_space<vmem>>
    %dma_start3A_2476 = arith.constant 0 : i32
    %dma_start3A_2477 = arith.constant 0 : i32
    %dma_start3A_2478 = tpu.memref_slice %arg4[%dma_start3A_2476, %dma_start3A_2477] : memref<400000x16xf32, #tpu.memory_space<hbm>> -> memref<400000x16xf32, #tpu.memory_space<hbm>>
    tpu.enqueue_indirect_dma source(%dma_start3A_2478 : memref<400000x16xf32, #tpu.memory_space<hbm>>) target(%dma_start3A_2473 : memref<128x16xf32, #tpu.memory_space<vmem>>) offsets(%dma_start3A_2475 : memref<128xi32, #tpu.memory_space<vmem>>) semaphore(%arg16 : memref<!tpu.dma_semaphore, #tpu.memory_space<semaphore_mem>>)
    %dma_start3A_2479 = arith.constant 2048 : i32
    %dma_start3A_2480 = arith.constant 0 : i32
    %dma_start3A_2481 = tpu.memref_slice %arg12[%dma_start3A_2479, %dma_start3A_2480] : memref<2560x16xf32, #tpu.memory_space<vmem>> -> memref<128x16xf32, #tpu.memory_space<vmem>>
    %dma_start3A_2482 = arith.constant 2048 : i32
    %dma_start3A_2483 = tpu.memref_slice %arg11[%dma_start3A_2482] : memref<2560xi32, #tpu.memory_space<vmem>> -> memref<128xi32, #tpu.memory_space<vmem>>
    %dma_start3A_2484 = arith.constant 0 : i32
    %dma_start3A_2485 = arith.constant 0 : i32
    %dma_start3A_2486 = tpu.memref_slice %arg4[%dma_start3A_2484, %dma_start3A_2485] : memref<400000x16xf32, #tpu.memory_space<hbm>> -> memref<400000x16xf32, #tpu.memory_space<hbm>>
    tpu.enqueue_indirect_dma source(%dma_start3A_2486 : memref<400000x16xf32, #tpu.memory_space<hbm>>) target(%dma_start3A_2481 : memref<128x16xf32, #tpu.memory_space<vmem>>) offsets(%dma_start3A_2483 : memref<128xi32, #tpu.memory_space<vmem>>) semaphore(%arg16 : memref<!tpu.dma_semaphore, #tpu.memory_space<semaphore_mem>>)
    %dma_start3A_2487 = arith.constant 2176 : i32
    %dma_start3A_2488 = arith.constant 0 : i32
    %dma_start3A_2489 = tpu.memref_slice %arg12[%dma_start3A_2487, %dma_start3A_2488] : memref<2560x16xf32, #tpu.memory_space<vmem>> -> memref<128x16xf32, #tpu.memory_space<vmem>>
    %dma_start3A_2490 = arith.constant 2176 : i32
    %dma_start3A_2491 = tpu.memref_slice %arg11[%dma_start3A_2490] : memref<2560xi32, #tpu.memory_space<vmem>> -> memref<128xi32, #tpu.memory_space<vmem>>
    %dma_start3A_2492 = arith.constant 0 : i32
    %dma_start3A_2493 = arith.constant 0 : i32
    %dma_start3A_2494 = tpu.memref_slice %arg4[%dma_start3A_2492, %dma_start3A_2493] : memref<400000x16xf32, #tpu.memory_space<hbm>> -> memref<400000x16xf32, #tpu.memory_space<hbm>>
    tpu.enqueue_indirect_dma source(%dma_start3A_2494 : memref<400000x16xf32, #tpu.memory_space<hbm>>) target(%dma_start3A_2489 : memref<128x16xf32, #tpu.memory_space<vmem>>) offsets(%dma_start3A_2491 : memref<128xi32, #tpu.memory_space<vmem>>) semaphore(%arg16 : memref<!tpu.dma_semaphore, #tpu.memory_space<semaphore_mem>>)
    %dma_start3A_2495 = arith.constant 2304 : i32
    %dma_start3A_2496 = arith.constant 0 : i32
    %dma_start3A_2497 = tpu.memref_slice %arg12[%dma_start3A_2495, %dma_start3A_2496] : memref<2560x16xf32, #tpu.memory_space<vmem>> -> memref<128x16xf32, #tpu.memory_space<vmem>>
    %dma_start3A_2498 = arith.constant 2304 : i32
    %dma_start3A_2499 = tpu.memref_slice %arg11[%dma_start3A_2498] : memref<2560xi32, #tpu.memory_space<vmem>> -> memref<128xi32, #tpu.memory_space<vmem>>
    %dma_start3A_2500 = arith.constant 0 : i32
    %dma_start3A_2501 = arith.constant 0 : i32
    %dma_start3A_2502 = tpu.memref_slice %arg4[%dma_start3A_2500, %dma_start3A_2501] : memref<400000x16xf32, #tpu.memory_space<hbm>> -> memref<400000x16xf32, #tpu.memory_space<hbm>>
    tpu.enqueue_indirect_dma source(%dma_start3A_2502 : memref<400000x16xf32, #tpu.memory_space<hbm>>) target(%dma_start3A_2497 : memref<128x16xf32, #tpu.memory_space<vmem>>) offsets(%dma_start3A_2499 : memref<128xi32, #tpu.memory_space<vmem>>) semaphore(%arg16 : memref<!tpu.dma_semaphore, #tpu.memory_space<semaphore_mem>>)
    %dma_start3A_2503 = arith.constant 2432 : i32
    %dma_start3A_2504 = arith.constant 0 : i32
    %dma_start3A_2505 = tpu.memref_slice %arg12[%dma_start3A_2503, %dma_start3A_2504] : memref<2560x16xf32, #tpu.memory_space<vmem>> -> memref<128x16xf32, #tpu.memory_space<vmem>>
    %dma_start3A_2506 = arith.constant 2432 : i32
    %dma_start3A_2507 = tpu.memref_slice %arg11[%dma_start3A_2506] : memref<2560xi32, #tpu.memory_space<vmem>> -> memref<128xi32, #tpu.memory_space<vmem>>
    %dma_start3A_2508 = arith.constant 0 : i32
    %dma_start3A_2509 = arith.constant 0 : i32
    %dma_start3A_2510 = tpu.memref_slice %arg4[%dma_start3A_2508, %dma_start3A_2509] : memref<400000x16xf32, #tpu.memory_space<hbm>> -> memref<400000x16xf32, #tpu.memory_space<hbm>>
    tpu.enqueue_indirect_dma source(%dma_start3A_2510 : memref<400000x16xf32, #tpu.memory_space<hbm>>) target(%dma_start3A_2505 : memref<128x16xf32, #tpu.memory_space<vmem>>) offsets(%dma_start3A_2507 : memref<128xi32, #tpu.memory_space<vmem>>) semaphore(%arg16 : memref<!tpu.dma_semaphore, #tpu.memory_space<semaphore_mem>>)
    %dma_wait3A_2511 = arith.constant 0 : i32
    %dma_wait3A_2512 = arith.constant 0 : i32
    %dma_wait3A_2513 = tpu.memref_slice %arg12[%dma_wait3A_2511, %dma_wait3A_2512] : memref<2560x16xf32, #tpu.memory_space<vmem>> -> memref<128x16xf32, #tpu.memory_space<vmem>>
    %dma_wait3A_2514 = arith.constant 0 : i32
    %dma_wait3A_2515 = tpu.memref_slice %arg11[%dma_wait3A_2514] : memref<2560xi32, #tpu.memory_space<vmem>> -> memref<128xi32, #tpu.memory_space<vmem>>
    %dma_wait3A_2516 = arith.constant 0 : i32
    %dma_wait3A_2517 = arith.constant 0 : i32
    %dma_wait3A_2518 = tpu.memref_slice %arg4[%dma_wait3A_2516, %dma_wait3A_2517] : memref<400000x16xf32, #tpu.memory_space<hbm>> -> memref<400000x16xf32, #tpu.memory_space<hbm>>
    tpu.wait_indirect_dma semaphore(%arg16 : memref<!tpu.dma_semaphore, #tpu.memory_space<semaphore_mem>>) src(%dma_wait3A_2518 : memref<400000x16xf32, #tpu.memory_space<hbm>>) dst(%dma_wait3A_2513 : memref<128x16xf32, #tpu.memory_space<vmem>>)
    %dma_wait3A_2519 = arith.constant 128 : i32
    %dma_wait3A_2520 = arith.constant 0 : i32
    %dma_wait3A_2521 = tpu.memref_slice %arg12[%dma_wait3A_2519, %dma_wait3A_2520] : memref<2560x16xf32, #tpu.memory_space<vmem>> -> memref<128x16xf32, #tpu.memory_space<vmem>>
    %dma_wait3A_2522 = arith.constant 128 : i32
    %dma_wait3A_2523 = tpu.memref_slice %arg11[%dma_wait3A_2522] : memref<2560xi32, #tpu.memory_space<vmem>> -> memref<128xi32, #tpu.memory_space<vmem>>
    %dma_wait3A_2524 = arith.constant 0 : i32
    %dma_wait3A_2525 = arith.constant 0 : i32
    %dma_wait3A_2526 = tpu.memref_slice %arg4[%dma_wait3A_2524, %dma_wait3A_2525] : memref<400000x16xf32, #tpu.memory_space<hbm>> -> memref<400000x16xf32, #tpu.memory_space<hbm>>
    tpu.wait_indirect_dma semaphore(%arg16 : memref<!tpu.dma_semaphore, #tpu.memory_space<semaphore_mem>>) src(%dma_wait3A_2526 : memref<400000x16xf32, #tpu.memory_space<hbm>>) dst(%dma_wait3A_2521 : memref<128x16xf32, #tpu.memory_space<vmem>>)
    %dma_wait3A_2527 = arith.constant 256 : i32
    %dma_wait3A_2528 = arith.constant 0 : i32
    %dma_wait3A_2529 = tpu.memref_slice %arg12[%dma_wait3A_2527, %dma_wait3A_2528] : memref<2560x16xf32, #tpu.memory_space<vmem>> -> memref<128x16xf32, #tpu.memory_space<vmem>>
    %dma_wait3A_2530 = arith.constant 256 : i32
    %dma_wait3A_2531 = tpu.memref_slice %arg11[%dma_wait3A_2530] : memref<2560xi32, #tpu.memory_space<vmem>> -> memref<128xi32, #tpu.memory_space<vmem>>
    %dma_wait3A_2532 = arith.constant 0 : i32
    %dma_wait3A_2533 = arith.constant 0 : i32
    %dma_wait3A_2534 = tpu.memref_slice %arg4[%dma_wait3A_2532, %dma_wait3A_2533] : memref<400000x16xf32, #tpu.memory_space<hbm>> -> memref<400000x16xf32, #tpu.memory_space<hbm>>
    tpu.wait_indirect_dma semaphore(%arg16 : memref<!tpu.dma_semaphore, #tpu.memory_space<semaphore_mem>>) src(%dma_wait3A_2534 : memref<400000x16xf32, #tpu.memory_space<hbm>>) dst(%dma_wait3A_2529 : memref<128x16xf32, #tpu.memory_space<vmem>>)
    %dma_wait3A_2535 = arith.constant 384 : i32
    %dma_wait3A_2536 = arith.constant 0 : i32
    %dma_wait3A_2537 = tpu.memref_slice %arg12[%dma_wait3A_2535, %dma_wait3A_2536] : memref<2560x16xf32, #tpu.memory_space<vmem>> -> memref<128x16xf32, #tpu.memory_space<vmem>>
    %dma_wait3A_2538 = arith.constant 384 : i32
    %dma_wait3A_2539 = tpu.memref_slice %arg11[%dma_wait3A_2538] : memref<2560xi32, #tpu.memory_space<vmem>> -> memref<128xi32, #tpu.memory_space<vmem>>
    %dma_wait3A_2540 = arith.constant 0 : i32
    %dma_wait3A_2541 = arith.constant 0 : i32
    %dma_wait3A_2542 = tpu.memref_slice %arg4[%dma_wait3A_2540, %dma_wait3A_2541] : memref<400000x16xf32, #tpu.memory_space<hbm>> -> memref<400000x16xf32, #tpu.memory_space<hbm>>
    tpu.wait_indirect_dma semaphore(%arg16 : memref<!tpu.dma_semaphore, #tpu.memory_space<semaphore_mem>>) src(%dma_wait3A_2542 : memref<400000x16xf32, #tpu.memory_space<hbm>>) dst(%dma_wait3A_2537 : memref<128x16xf32, #tpu.memory_space<vmem>>)
    %dma_wait3A_2543 = arith.constant 512 : i32
    %dma_wait3A_2544 = arith.constant 0 : i32
    %dma_wait3A_2545 = tpu.memref_slice %arg12[%dma_wait3A_2543, %dma_wait3A_2544] : memref<2560x16xf32, #tpu.memory_space<vmem>> -> memref<128x16xf32, #tpu.memory_space<vmem>>
    %dma_wait3A_2546 = arith.constant 512 : i32
    %dma_wait3A_2547 = tpu.memref_slice %arg11[%dma_wait3A_2546] : memref<2560xi32, #tpu.memory_space<vmem>> -> memref<128xi32, #tpu.memory_space<vmem>>
    %dma_wait3A_2548 = arith.constant 0 : i32
    %dma_wait3A_2549 = arith.constant 0 : i32
    %dma_wait3A_2550 = tpu.memref_slice %arg4[%dma_wait3A_2548, %dma_wait3A_2549] : memref<400000x16xf32, #tpu.memory_space<hbm>> -> memref<400000x16xf32, #tpu.memory_space<hbm>>
    tpu.wait_indirect_dma semaphore(%arg16 : memref<!tpu.dma_semaphore, #tpu.memory_space<semaphore_mem>>) src(%dma_wait3A_2550 : memref<400000x16xf32, #tpu.memory_space<hbm>>) dst(%dma_wait3A_2545 : memref<128x16xf32, #tpu.memory_space<vmem>>)
    %dma_wait3A_2551 = arith.constant 640 : i32
    %dma_wait3A_2552 = arith.constant 0 : i32
    %dma_wait3A_2553 = tpu.memref_slice %arg12[%dma_wait3A_2551, %dma_wait3A_2552] : memref<2560x16xf32, #tpu.memory_space<vmem>> -> memref<128x16xf32, #tpu.memory_space<vmem>>
    %dma_wait3A_2554 = arith.constant 640 : i32
    %dma_wait3A_2555 = tpu.memref_slice %arg11[%dma_wait3A_2554] : memref<2560xi32, #tpu.memory_space<vmem>> -> memref<128xi32, #tpu.memory_space<vmem>>
    %dma_wait3A_2556 = arith.constant 0 : i32
    %dma_wait3A_2557 = arith.constant 0 : i32
    %dma_wait3A_2558 = tpu.memref_slice %arg4[%dma_wait3A_2556, %dma_wait3A_2557] : memref<400000x16xf32, #tpu.memory_space<hbm>> -> memref<400000x16xf32, #tpu.memory_space<hbm>>
    tpu.wait_indirect_dma semaphore(%arg16 : memref<!tpu.dma_semaphore, #tpu.memory_space<semaphore_mem>>) src(%dma_wait3A_2558 : memref<400000x16xf32, #tpu.memory_space<hbm>>) dst(%dma_wait3A_2553 : memref<128x16xf32, #tpu.memory_space<vmem>>)
    %dma_wait3A_2559 = arith.constant 768 : i32
    %dma_wait3A_2560 = arith.constant 0 : i32
    %dma_wait3A_2561 = tpu.memref_slice %arg12[%dma_wait3A_2559, %dma_wait3A_2560] : memref<2560x16xf32, #tpu.memory_space<vmem>> -> memref<128x16xf32, #tpu.memory_space<vmem>>
    %dma_wait3A_2562 = arith.constant 768 : i32
    %dma_wait3A_2563 = tpu.memref_slice %arg11[%dma_wait3A_2562] : memref<2560xi32, #tpu.memory_space<vmem>> -> memref<128xi32, #tpu.memory_space<vmem>>
    %dma_wait3A_2564 = arith.constant 0 : i32
    %dma_wait3A_2565 = arith.constant 0 : i32
    %dma_wait3A_2566 = tpu.memref_slice %arg4[%dma_wait3A_2564, %dma_wait3A_2565] : memref<400000x16xf32, #tpu.memory_space<hbm>> -> memref<400000x16xf32, #tpu.memory_space<hbm>>
    tpu.wait_indirect_dma semaphore(%arg16 : memref<!tpu.dma_semaphore, #tpu.memory_space<semaphore_mem>>) src(%dma_wait3A_2566 : memref<400000x16xf32, #tpu.memory_space<hbm>>) dst(%dma_wait3A_2561 : memref<128x16xf32, #tpu.memory_space<vmem>>)
    %dma_wait3A_2567 = arith.constant 896 : i32
    %dma_wait3A_2568 = arith.constant 0 : i32
    %dma_wait3A_2569 = tpu.memref_slice %arg12[%dma_wait3A_2567, %dma_wait3A_2568] : memref<2560x16xf32, #tpu.memory_space<vmem>> -> memref<128x16xf32, #tpu.memory_space<vmem>>
    %dma_wait3A_2570 = arith.constant 896 : i32
    %dma_wait3A_2571 = tpu.memref_slice %arg11[%dma_wait3A_2570] : memref<2560xi32, #tpu.memory_space<vmem>> -> memref<128xi32, #tpu.memory_space<vmem>>
    %dma_wait3A_2572 = arith.constant 0 : i32
    %dma_wait3A_2573 = arith.constant 0 : i32
    %dma_wait3A_2574 = tpu.memref_slice %arg4[%dma_wait3A_2572, %dma_wait3A_2573] : memref<400000x16xf32, #tpu.memory_space<hbm>> -> memref<400000x16xf32, #tpu.memory_space<hbm>>
    tpu.wait_indirect_dma semaphore(%arg16 : memref<!tpu.dma_semaphore, #tpu.memory_space<semaphore_mem>>) src(%dma_wait3A_2574 : memref<400000x16xf32, #tpu.memory_space<hbm>>) dst(%dma_wait3A_2569 : memref<128x16xf32, #tpu.memory_space<vmem>>)
    %dma_wait3A_2575 = arith.constant 1024 : i32
    %dma_wait3A_2576 = arith.constant 0 : i32
    %dma_wait3A_2577 = tpu.memref_slice %arg12[%dma_wait3A_2575, %dma_wait3A_2576] : memref<2560x16xf32, #tpu.memory_space<vmem>> -> memref<128x16xf32, #tpu.memory_space<vmem>>
    %dma_wait3A_2578 = arith.constant 1024 : i32
    %dma_wait3A_2579 = tpu.memref_slice %arg11[%dma_wait3A_2578] : memref<2560xi32, #tpu.memory_space<vmem>> -> memref<128xi32, #tpu.memory_space<vmem>>
    %dma_wait3A_2580 = arith.constant 0 : i32
    %dma_wait3A_2581 = arith.constant 0 : i32
    %dma_wait3A_2582 = tpu.memref_slice %arg4[%dma_wait3A_2580, %dma_wait3A_2581] : memref<400000x16xf32, #tpu.memory_space<hbm>> -> memref<400000x16xf32, #tpu.memory_space<hbm>>
    tpu.wait_indirect_dma semaphore(%arg16 : memref<!tpu.dma_semaphore, #tpu.memory_space<semaphore_mem>>) src(%dma_wait3A_2582 : memref<400000x16xf32, #tpu.memory_space<hbm>>) dst(%dma_wait3A_2577 : memref<128x16xf32, #tpu.memory_space<vmem>>)
    %dma_wait3A_2583 = arith.constant 1152 : i32
    %dma_wait3A_2584 = arith.constant 0 : i32
    %dma_wait3A_2585 = tpu.memref_slice %arg12[%dma_wait3A_2583, %dma_wait3A_2584] : memref<2560x16xf32, #tpu.memory_space<vmem>> -> memref<128x16xf32, #tpu.memory_space<vmem>>
    %dma_wait3A_2586 = arith.constant 1152 : i32
    %dma_wait3A_2587 = tpu.memref_slice %arg11[%dma_wait3A_2586] : memref<2560xi32, #tpu.memory_space<vmem>> -> memref<128xi32, #tpu.memory_space<vmem>>
    %dma_wait3A_2588 = arith.constant 0 : i32
    %dma_wait3A_2589 = arith.constant 0 : i32
    %dma_wait3A_2590 = tpu.memref_slice %arg4[%dma_wait3A_2588, %dma_wait3A_2589] : memref<400000x16xf32, #tpu.memory_space<hbm>> -> memref<400000x16xf32, #tpu.memory_space<hbm>>
    tpu.wait_indirect_dma semaphore(%arg16 : memref<!tpu.dma_semaphore, #tpu.memory_space<semaphore_mem>>) src(%dma_wait3A_2590 : memref<400000x16xf32, #tpu.memory_space<hbm>>) dst(%dma_wait3A_2585 : memref<128x16xf32, #tpu.memory_space<vmem>>)
    %dma_wait3A_2591 = arith.constant 1280 : i32
    %dma_wait3A_2592 = arith.constant 0 : i32
    %dma_wait3A_2593 = tpu.memref_slice %arg12[%dma_wait3A_2591, %dma_wait3A_2592] : memref<2560x16xf32, #tpu.memory_space<vmem>> -> memref<128x16xf32, #tpu.memory_space<vmem>>
    %dma_wait3A_2594 = arith.constant 1280 : i32
    %dma_wait3A_2595 = tpu.memref_slice %arg11[%dma_wait3A_2594] : memref<2560xi32, #tpu.memory_space<vmem>> -> memref<128xi32, #tpu.memory_space<vmem>>
    %dma_wait3A_2596 = arith.constant 0 : i32
    %dma_wait3A_2597 = arith.constant 0 : i32
    %dma_wait3A_2598 = tpu.memref_slice %arg4[%dma_wait3A_2596, %dma_wait3A_2597] : memref<400000x16xf32, #tpu.memory_space<hbm>> -> memref<400000x16xf32, #tpu.memory_space<hbm>>
    tpu.wait_indirect_dma semaphore(%arg16 : memref<!tpu.dma_semaphore, #tpu.memory_space<semaphore_mem>>) src(%dma_wait3A_2598 : memref<400000x16xf32, #tpu.memory_space<hbm>>) dst(%dma_wait3A_2593 : memref<128x16xf32, #tpu.memory_space<vmem>>)
    %dma_wait3A_2599 = arith.constant 1408 : i32
    %dma_wait3A_2600 = arith.constant 0 : i32
    %dma_wait3A_2601 = tpu.memref_slice %arg12[%dma_wait3A_2599, %dma_wait3A_2600] : memref<2560x16xf32, #tpu.memory_space<vmem>> -> memref<128x16xf32, #tpu.memory_space<vmem>>
    %dma_wait3A_2602 = arith.constant 1408 : i32
    %dma_wait3A_2603 = tpu.memref_slice %arg11[%dma_wait3A_2602] : memref<2560xi32, #tpu.memory_space<vmem>> -> memref<128xi32, #tpu.memory_space<vmem>>
    %dma_wait3A_2604 = arith.constant 0 : i32
    %dma_wait3A_2605 = arith.constant 0 : i32
    %dma_wait3A_2606 = tpu.memref_slice %arg4[%dma_wait3A_2604, %dma_wait3A_2605] : memref<400000x16xf32, #tpu.memory_space<hbm>> -> memref<400000x16xf32, #tpu.memory_space<hbm>>
    tpu.wait_indirect_dma semaphore(%arg16 : memref<!tpu.dma_semaphore, #tpu.memory_space<semaphore_mem>>) src(%dma_wait3A_2606 : memref<400000x16xf32, #tpu.memory_space<hbm>>) dst(%dma_wait3A_2601 : memref<128x16xf32, #tpu.memory_space<vmem>>)
    %dma_wait3A_2607 = arith.constant 1536 : i32
    %dma_wait3A_2608 = arith.constant 0 : i32
    %dma_wait3A_2609 = tpu.memref_slice %arg12[%dma_wait3A_2607, %dma_wait3A_2608] : memref<2560x16xf32, #tpu.memory_space<vmem>> -> memref<128x16xf32, #tpu.memory_space<vmem>>
    %dma_wait3A_2610 = arith.constant 1536 : i32
    %dma_wait3A_2611 = tpu.memref_slice %arg11[%dma_wait3A_2610] : memref<2560xi32, #tpu.memory_space<vmem>> -> memref<128xi32, #tpu.memory_space<vmem>>
    %dma_wait3A_2612 = arith.constant 0 : i32
    %dma_wait3A_2613 = arith.constant 0 : i32
    %dma_wait3A_2614 = tpu.memref_slice %arg4[%dma_wait3A_2612, %dma_wait3A_2613] : memref<400000x16xf32, #tpu.memory_space<hbm>> -> memref<400000x16xf32, #tpu.memory_space<hbm>>
    tpu.wait_indirect_dma semaphore(%arg16 : memref<!tpu.dma_semaphore, #tpu.memory_space<semaphore_mem>>) src(%dma_wait3A_2614 : memref<400000x16xf32, #tpu.memory_space<hbm>>) dst(%dma_wait3A_2609 : memref<128x16xf32, #tpu.memory_space<vmem>>)
    %dma_wait3A_2615 = arith.constant 1664 : i32
    %dma_wait3A_2616 = arith.constant 0 : i32
    %dma_wait3A_2617 = tpu.memref_slice %arg12[%dma_wait3A_2615, %dma_wait3A_2616] : memref<2560x16xf32, #tpu.memory_space<vmem>> -> memref<128x16xf32, #tpu.memory_space<vmem>>
    %dma_wait3A_2618 = arith.constant 1664 : i32
    %dma_wait3A_2619 = tpu.memref_slice %arg11[%dma_wait3A_2618] : memref<2560xi32, #tpu.memory_space<vmem>> -> memref<128xi32, #tpu.memory_space<vmem>>
    %dma_wait3A_2620 = arith.constant 0 : i32
    %dma_wait3A_2621 = arith.constant 0 : i32
    %dma_wait3A_2622 = tpu.memref_slice %arg4[%dma_wait3A_2620, %dma_wait3A_2621] : memref<400000x16xf32, #tpu.memory_space<hbm>> -> memref<400000x16xf32, #tpu.memory_space<hbm>>
    tpu.wait_indirect_dma semaphore(%arg16 : memref<!tpu.dma_semaphore, #tpu.memory_space<semaphore_mem>>) src(%dma_wait3A_2622 : memref<400000x16xf32, #tpu.memory_space<hbm>>) dst(%dma_wait3A_2617 : memref<128x16xf32, #tpu.memory_space<vmem>>)
    %dma_wait3A_2623 = arith.constant 1792 : i32
    %dma_wait3A_2624 = arith.constant 0 : i32
    %dma_wait3A_2625 = tpu.memref_slice %arg12[%dma_wait3A_2623, %dma_wait3A_2624] : memref<2560x16xf32, #tpu.memory_space<vmem>> -> memref<128x16xf32, #tpu.memory_space<vmem>>
    %dma_wait3A_2626 = arith.constant 1792 : i32
    %dma_wait3A_2627 = tpu.memref_slice %arg11[%dma_wait3A_2626] : memref<2560xi32, #tpu.memory_space<vmem>> -> memref<128xi32, #tpu.memory_space<vmem>>
    %dma_wait3A_2628 = arith.constant 0 : i32
    %dma_wait3A_2629 = arith.constant 0 : i32
    %dma_wait3A_2630 = tpu.memref_slice %arg4[%dma_wait3A_2628, %dma_wait3A_2629] : memref<400000x16xf32, #tpu.memory_space<hbm>> -> memref<400000x16xf32, #tpu.memory_space<hbm>>
    tpu.wait_indirect_dma semaphore(%arg16 : memref<!tpu.dma_semaphore, #tpu.memory_space<semaphore_mem>>) src(%dma_wait3A_2630 : memref<400000x16xf32, #tpu.memory_space<hbm>>) dst(%dma_wait3A_2625 : memref<128x16xf32, #tpu.memory_space<vmem>>)
    %dma_wait3A_2631 = arith.constant 1920 : i32
    %dma_wait3A_2632 = arith.constant 0 : i32
    %dma_wait3A_2633 = tpu.memref_slice %arg12[%dma_wait3A_2631, %dma_wait3A_2632] : memref<2560x16xf32, #tpu.memory_space<vmem>> -> memref<128x16xf32, #tpu.memory_space<vmem>>
    %dma_wait3A_2634 = arith.constant 1920 : i32
    %dma_wait3A_2635 = tpu.memref_slice %arg11[%dma_wait3A_2634] : memref<2560xi32, #tpu.memory_space<vmem>> -> memref<128xi32, #tpu.memory_space<vmem>>
    %dma_wait3A_2636 = arith.constant 0 : i32
    %dma_wait3A_2637 = arith.constant 0 : i32
    %dma_wait3A_2638 = tpu.memref_slice %arg4[%dma_wait3A_2636, %dma_wait3A_2637] : memref<400000x16xf32, #tpu.memory_space<hbm>> -> memref<400000x16xf32, #tpu.memory_space<hbm>>
    tpu.wait_indirect_dma semaphore(%arg16 : memref<!tpu.dma_semaphore, #tpu.memory_space<semaphore_mem>>) src(%dma_wait3A_2638 : memref<400000x16xf32, #tpu.memory_space<hbm>>) dst(%dma_wait3A_2633 : memref<128x16xf32, #tpu.memory_space<vmem>>)
    %dma_wait3A_2639 = arith.constant 2048 : i32
    %dma_wait3A_2640 = arith.constant 0 : i32
    %dma_wait3A_2641 = tpu.memref_slice %arg12[%dma_wait3A_2639, %dma_wait3A_2640] : memref<2560x16xf32, #tpu.memory_space<vmem>> -> memref<128x16xf32, #tpu.memory_space<vmem>>
    %dma_wait3A_2642 = arith.constant 2048 : i32
    %dma_wait3A_2643 = tpu.memref_slice %arg11[%dma_wait3A_2642] : memref<2560xi32, #tpu.memory_space<vmem>> -> memref<128xi32, #tpu.memory_space<vmem>>
    %dma_wait3A_2644 = arith.constant 0 : i32
    %dma_wait3A_2645 = arith.constant 0 : i32
    %dma_wait3A_2646 = tpu.memref_slice %arg4[%dma_wait3A_2644, %dma_wait3A_2645] : memref<400000x16xf32, #tpu.memory_space<hbm>> -> memref<400000x16xf32, #tpu.memory_space<hbm>>
    tpu.wait_indirect_dma semaphore(%arg16 : memref<!tpu.dma_semaphore, #tpu.memory_space<semaphore_mem>>) src(%dma_wait3A_2646 : memref<400000x16xf32, #tpu.memory_space<hbm>>) dst(%dma_wait3A_2641 : memref<128x16xf32, #tpu.memory_space<vmem>>)
    %dma_wait3A_2647 = arith.constant 2176 : i32
    %dma_wait3A_2648 = arith.constant 0 : i32
    %dma_wait3A_2649 = tpu.memref_slice %arg12[%dma_wait3A_2647, %dma_wait3A_2648] : memref<2560x16xf32, #tpu.memory_space<vmem>> -> memref<128x16xf32, #tpu.memory_space<vmem>>
    %dma_wait3A_2650 = arith.constant 2176 : i32
    %dma_wait3A_2651 = tpu.memref_slice %arg11[%dma_wait3A_2650] : memref<2560xi32, #tpu.memory_space<vmem>> -> memref<128xi32, #tpu.memory_space<vmem>>
    %dma_wait3A_2652 = arith.constant 0 : i32
    %dma_wait3A_2653 = arith.constant 0 : i32
    %dma_wait3A_2654 = tpu.memref_slice %arg4[%dma_wait3A_2652, %dma_wait3A_2653] : memref<400000x16xf32, #tpu.memory_space<hbm>> -> memref<400000x16xf32, #tpu.memory_space<hbm>>
    tpu.wait_indirect_dma semaphore(%arg16 : memref<!tpu.dma_semaphore, #tpu.memory_space<semaphore_mem>>) src(%dma_wait3A_2654 : memref<400000x16xf32, #tpu.memory_space<hbm>>) dst(%dma_wait3A_2649 : memref<128x16xf32, #tpu.memory_space<vmem>>)
    %dma_wait3A_2655 = arith.constant 2304 : i32
    %dma_wait3A_2656 = arith.constant 0 : i32
    %dma_wait3A_2657 = tpu.memref_slice %arg12[%dma_wait3A_2655, %dma_wait3A_2656] : memref<2560x16xf32, #tpu.memory_space<vmem>> -> memref<128x16xf32, #tpu.memory_space<vmem>>
    %dma_wait3A_2658 = arith.constant 2304 : i32
    %dma_wait3A_2659 = tpu.memref_slice %arg11[%dma_wait3A_2658] : memref<2560xi32, #tpu.memory_space<vmem>> -> memref<128xi32, #tpu.memory_space<vmem>>
    %dma_wait3A_2660 = arith.constant 0 : i32
    %dma_wait3A_2661 = arith.constant 0 : i32
    %dma_wait3A_2662 = tpu.memref_slice %arg4[%dma_wait3A_2660, %dma_wait3A_2661] : memref<400000x16xf32, #tpu.memory_space<hbm>> -> memref<400000x16xf32, #tpu.memory_space<hbm>>
    tpu.wait_indirect_dma semaphore(%arg16 : memref<!tpu.dma_semaphore, #tpu.memory_space<semaphore_mem>>) src(%dma_wait3A_2662 : memref<400000x16xf32, #tpu.memory_space<hbm>>) dst(%dma_wait3A_2657 : memref<128x16xf32, #tpu.memory_space<vmem>>)
    %dma_wait3A_2663 = arith.constant 2432 : i32
    %dma_wait3A_2664 = arith.constant 0 : i32
    %dma_wait3A_2665 = tpu.memref_slice %arg12[%dma_wait3A_2663, %dma_wait3A_2664] : memref<2560x16xf32, #tpu.memory_space<vmem>> -> memref<128x16xf32, #tpu.memory_space<vmem>>
    %dma_wait3A_2666 = arith.constant 2432 : i32
    %dma_wait3A_2667 = tpu.memref_slice %arg11[%dma_wait3A_2666] : memref<2560xi32, #tpu.memory_space<vmem>> -> memref<128xi32, #tpu.memory_space<vmem>>
    %dma_wait3A_2668 = arith.constant 0 : i32
    %dma_wait3A_2669 = arith.constant 0 : i32
    %dma_wait3A_2670 = tpu.memref_slice %arg4[%dma_wait3A_2668, %dma_wait3A_2669] : memref<400000x16xf32, #tpu.memory_space<hbm>> -> memref<400000x16xf32, #tpu.memory_space<hbm>>
    tpu.wait_indirect_dma semaphore(%arg16 : memref<!tpu.dma_semaphore, #tpu.memory_space<semaphore_mem>>) src(%dma_wait3A_2670 : memref<400000x16xf32, #tpu.memory_space<hbm>>) dst(%dma_wait3A_2665 : memref<128x16xf32, #tpu.memory_space<vmem>>)
    "tpu.region"() ({
      %run_scoped3A_2734 = tpu.sem_alloc : memref<!tpu.dma_semaphore, #tpu.memory_space<semaphore_mem>>
      %dma_start3A_2735 = arith.constant 0 : i32
      %dma_start3A_2736 = tpu.memref_slice %arg8[%multiple_of3A_2343, %dma_start3A_2735] : memref<655360x16xf32, #tpu.memory_space<hbm>> -> memref<2560x16xf32, #tpu.memory_space<hbm>>
      %dma_start3A_2737 = arith.constant 0 : i32
      %dma_start3A_2738 = tpu.memref_slice %arg8[%multiple_of3A_2343, %dma_start3A_2737] : memref<655360x16xf32, #tpu.memory_space<hbm>> -> memref<2560x16xf32, #tpu.memory_space<hbm>>
      tpu.enqueue_dma source(%arg12 : memref<2560x16xf32, #tpu.memory_space<vmem>>) target(%dma_start3A_2738 : memref<2560x16xf32, #tpu.memory_space<hbm>>) target_semaphore(%run_scoped3A_2734 : memref<!tpu.dma_semaphore, #tpu.memory_space<semaphore_mem>>)
      %dma_wait3A_2739 = arith.constant 0 : i32
      %dma_wait3A_2740 = tpu.memref_slice %arg8[%multiple_of3A_2343, %dma_wait3A_2739] : memref<655360x16xf32, #tpu.memory_space<hbm>> -> memref<2560x16xf32, #tpu.memory_space<hbm>>
      %dma_wait3A_2741 = arith.constant 0 : i32
      %dma_wait3A_2742 = tpu.memref_slice %arg8[%multiple_of3A_2343, %dma_wait3A_2741] : memref<655360x16xf32, #tpu.memory_space<hbm>> -> memref<2560x16xf32, #tpu.memory_space<hbm>>
      tpu.wait_dma2 semaphore(%run_scoped3A_2734 : memref<!tpu.dma_semaphore, #tpu.memory_space<semaphore_mem>>) src(%arg12 : memref<2560x16xf32, #tpu.memory_space<vmem>>) dst(%dma_wait3A_2742 : memref<2560x16xf32, #tpu.memory_space<hbm>>)
      tpu.yield
    }) : () -> ()
    %mul3A_2671 = arith.constant 512 : i32
    %mul3A_2672 = arith.muli %add3A, %mul3A_2671 : i32
    %multiple_of3A_2673 = tpu.assume_multiple %mul3A_2672, 512 : i32
    "tpu.region"() ({
      %run_scoped3A_2734 = tpu.sem_alloc : memref<!tpu.dma_semaphore, #tpu.memory_space<semaphore_mem>>
      %dma_start3A_2735 = tpu.memref_slice %arg3[%multiple_of3A_2673] : memref<16384xi32, #tpu.memory_space<hbm>> -> memref<512xi32, #tpu.memory_space<hbm>>
      %dma_start3A_2736 = tpu.memref_slice %arg3[%multiple_of3A_2673] : memref<16384xi32, #tpu.memory_space<hbm>> -> memref<512xi32, #tpu.memory_space<hbm>>
      tpu.enqueue_dma source(%dma_start3A_2736 : memref<512xi32, #tpu.memory_space<hbm>>) target(%arg13 : memref<512xi32, #tpu.memory_space<vmem>>) target_semaphore(%run_scoped3A_2734 : memref<!tpu.dma_semaphore, #tpu.memory_space<semaphore_mem>>)
      %dma_wait3A_2737 = tpu.memref_slice %arg3[%multiple_of3A_2673] : memref<16384xi32, #tpu.memory_space<hbm>> -> memref<512xi32, #tpu.memory_space<hbm>>
      %dma_wait3A_2738 = tpu.memref_slice %arg3[%multiple_of3A_2673] : memref<16384xi32, #tpu.memory_space<hbm>> -> memref<512xi32, #tpu.memory_space<hbm>>
      tpu.wait_dma2 semaphore(%run_scoped3A_2734 : memref<!tpu.dma_semaphore, #tpu.memory_space<semaphore_mem>>) src(%dma_wait3A_2738 : memref<512xi32, #tpu.memory_space<hbm>>) dst(%arg13 : memref<512xi32, #tpu.memory_space<vmem>>)
      tpu.yield
    }) : () -> ()
    %dma_start3A_2674 = arith.constant 0 : i32
    %dma_start3A_2675 = tpu.memref_slice %arg13[%dma_start3A_2674] : memref<512xi32, #tpu.memory_space<vmem>> -> memref<128xi32, #tpu.memory_space<vmem>>
    %dma_start3A_2676 = arith.constant 0 : i32
    %dma_start3A_2677 = arith.constant 0 : i32
    %dma_start3A_2678 = tpu.memref_slice %arg5[%dma_start3A_2676, %dma_start3A_2677] : memref<100000x128xf32, #tpu.memory_space<hbm>> -> memref<100000x128xf32, #tpu.memory_space<hbm>>
    tpu.enqueue_indirect_dma source(%dma_start3A_2678 : memref<100000x128xf32, #tpu.memory_space<hbm>>) target(%arg14 : memref<128x128xf32, #tpu.memory_space<vmem>>) offsets(%dma_start3A_2675 : memref<128xi32, #tpu.memory_space<vmem>>) semaphore(%arg17 : memref<!tpu.dma_semaphore, #tpu.memory_space<semaphore_mem>>)
    %dma_wait3A_2679 = arith.constant 0 : i32
    %dma_wait3A_2680 = tpu.memref_slice %arg13[%dma_wait3A_2679] : memref<512xi32, #tpu.memory_space<vmem>> -> memref<128xi32, #tpu.memory_space<vmem>>
    %dma_wait3A_2681 = arith.constant 0 : i32
    %dma_wait3A_2682 = arith.constant 0 : i32
    %dma_wait3A_2683 = tpu.memref_slice %arg5[%dma_wait3A_2681, %dma_wait3A_2682] : memref<100000x128xf32, #tpu.memory_space<hbm>> -> memref<100000x128xf32, #tpu.memory_space<hbm>>
    tpu.wait_indirect_dma semaphore(%arg17 : memref<!tpu.dma_semaphore, #tpu.memory_space<semaphore_mem>>) src(%dma_wait3A_2683 : memref<100000x128xf32, #tpu.memory_space<hbm>>) dst(%arg14 : memref<128x128xf32, #tpu.memory_space<vmem>>)
    %mul3A_2684 = arith.constant 512 : i32
    %mul3A_2685 = arith.muli %add3A, %mul3A_2684 : i32
    %add3A_2686 = arith.constant 0 : i32
    %add3A_2687 = arith.addi %mul3A_2685, %add3A_2686 : i32
    %multiple_of3A_2688 = tpu.assume_multiple %add3A_2687, 128 : i32
    "tpu.region"() ({
      %run_scoped3A_2734 = tpu.sem_alloc : memref<!tpu.dma_semaphore, #tpu.memory_space<semaphore_mem>>
      %dma_start3A_2735 = arith.constant 0 : i32
      %dma_start3A_2736 = tpu.memref_slice %arg9[%multiple_of3A_2688, %dma_start3A_2735] : memref<16384x128xf32, #tpu.memory_space<hbm>> -> memref<128x128xf32, #tpu.memory_space<hbm>>
      %dma_start3A_2737 = arith.constant 0 : i32
      %dma_start3A_2738 = tpu.memref_slice %arg9[%multiple_of3A_2688, %dma_start3A_2737] : memref<16384x128xf32, #tpu.memory_space<hbm>> -> memref<128x128xf32, #tpu.memory_space<hbm>>
      tpu.enqueue_dma source(%arg14 : memref<128x128xf32, #tpu.memory_space<vmem>>) target(%dma_start3A_2738 : memref<128x128xf32, #tpu.memory_space<hbm>>) target_semaphore(%run_scoped3A_2734 : memref<!tpu.dma_semaphore, #tpu.memory_space<semaphore_mem>>)
      %dma_wait3A_2739 = arith.constant 0 : i32
      %dma_wait3A_2740 = tpu.memref_slice %arg9[%multiple_of3A_2688, %dma_wait3A_2739] : memref<16384x128xf32, #tpu.memory_space<hbm>> -> memref<128x128xf32, #tpu.memory_space<hbm>>
      %dma_wait3A_2741 = arith.constant 0 : i32
      %dma_wait3A_2742 = tpu.memref_slice %arg9[%multiple_of3A_2688, %dma_wait3A_2741] : memref<16384x128xf32, #tpu.memory_space<hbm>> -> memref<128x128xf32, #tpu.memory_space<hbm>>
      tpu.wait_dma2 semaphore(%run_scoped3A_2734 : memref<!tpu.dma_semaphore, #tpu.memory_space<semaphore_mem>>) src(%arg14 : memref<128x128xf32, #tpu.memory_space<vmem>>) dst(%dma_wait3A_2742 : memref<128x128xf32, #tpu.memory_space<hbm>>)
      tpu.yield
    }) : () -> ()
    %dma_start3A_2689 = arith.constant 128 : i32
    %dma_start3A_2690 = tpu.memref_slice %arg13[%dma_start3A_2689] : memref<512xi32, #tpu.memory_space<vmem>> -> memref<128xi32, #tpu.memory_space<vmem>>
    %dma_start3A_2691 = arith.constant 0 : i32
    %dma_start3A_2692 = arith.constant 0 : i32
    %dma_start3A_2693 = tpu.memref_slice %arg5[%dma_start3A_2691, %dma_start3A_2692] : memref<100000x128xf32, #tpu.memory_space<hbm>> -> memref<100000x128xf32, #tpu.memory_space<hbm>>
    tpu.enqueue_indirect_dma source(%dma_start3A_2693 : memref<100000x128xf32, #tpu.memory_space<hbm>>) target(%arg14 : memref<128x128xf32, #tpu.memory_space<vmem>>) offsets(%dma_start3A_2690 : memref<128xi32, #tpu.memory_space<vmem>>) semaphore(%arg17 : memref<!tpu.dma_semaphore, #tpu.memory_space<semaphore_mem>>)
    %dma_wait3A_2694 = arith.constant 128 : i32
    %dma_wait3A_2695 = tpu.memref_slice %arg13[%dma_wait3A_2694] : memref<512xi32, #tpu.memory_space<vmem>> -> memref<128xi32, #tpu.memory_space<vmem>>
    %dma_wait3A_2696 = arith.constant 0 : i32
    %dma_wait3A_2697 = arith.constant 0 : i32
    %dma_wait3A_2698 = tpu.memref_slice %arg5[%dma_wait3A_2696, %dma_wait3A_2697] : memref<100000x128xf32, #tpu.memory_space<hbm>> -> memref<100000x128xf32, #tpu.memory_space<hbm>>
    tpu.wait_indirect_dma semaphore(%arg17 : memref<!tpu.dma_semaphore, #tpu.memory_space<semaphore_mem>>) src(%dma_wait3A_2698 : memref<100000x128xf32, #tpu.memory_space<hbm>>) dst(%arg14 : memref<128x128xf32, #tpu.memory_space<vmem>>)
    %mul3A_2699 = arith.constant 512 : i32
    %mul3A_2700 = arith.muli %add3A, %mul3A_2699 : i32
    %add3A_2701 = arith.constant 128 : i32
    %add3A_2702 = arith.addi %mul3A_2700, %add3A_2701 : i32
    %multiple_of3A_2703 = tpu.assume_multiple %add3A_2702, 128 : i32
    "tpu.region"() ({
      %run_scoped3A_2734 = tpu.sem_alloc : memref<!tpu.dma_semaphore, #tpu.memory_space<semaphore_mem>>
      %dma_start3A_2735 = arith.constant 0 : i32
      %dma_start3A_2736 = tpu.memref_slice %arg9[%multiple_of3A_2703, %dma_start3A_2735] : memref<16384x128xf32, #tpu.memory_space<hbm>> -> memref<128x128xf32, #tpu.memory_space<hbm>>
      %dma_start3A_2737 = arith.constant 0 : i32
      %dma_start3A_2738 = tpu.memref_slice %arg9[%multiple_of3A_2703, %dma_start3A_2737] : memref<16384x128xf32, #tpu.memory_space<hbm>> -> memref<128x128xf32, #tpu.memory_space<hbm>>
      tpu.enqueue_dma source(%arg14 : memref<128x128xf32, #tpu.memory_space<vmem>>) target(%dma_start3A_2738 : memref<128x128xf32, #tpu.memory_space<hbm>>) target_semaphore(%run_scoped3A_2734 : memref<!tpu.dma_semaphore, #tpu.memory_space<semaphore_mem>>)
      %dma_wait3A_2739 = arith.constant 0 : i32
      %dma_wait3A_2740 = tpu.memref_slice %arg9[%multiple_of3A_2703, %dma_wait3A_2739] : memref<16384x128xf32, #tpu.memory_space<hbm>> -> memref<128x128xf32, #tpu.memory_space<hbm>>
      %dma_wait3A_2741 = arith.constant 0 : i32
      %dma_wait3A_2742 = tpu.memref_slice %arg9[%multiple_of3A_2703, %dma_wait3A_2741] : memref<16384x128xf32, #tpu.memory_space<hbm>> -> memref<128x128xf32, #tpu.memory_space<hbm>>
      tpu.wait_dma2 semaphore(%run_scoped3A_2734 : memref<!tpu.dma_semaphore, #tpu.memory_space<semaphore_mem>>) src(%arg14 : memref<128x128xf32, #tpu.memory_space<vmem>>) dst(%dma_wait3A_2742 : memref<128x128xf32, #tpu.memory_space<hbm>>)
      tpu.yield
    }) : () -> ()
    %dma_start3A_2704 = arith.constant 256 : i32
    %dma_start3A_2705 = tpu.memref_slice %arg13[%dma_start3A_2704] : memref<512xi32, #tpu.memory_space<vmem>> -> memref<128xi32, #tpu.memory_space<vmem>>
    %dma_start3A_2706 = arith.constant 0 : i32
    %dma_start3A_2707 = arith.constant 0 : i32
    %dma_start3A_2708 = tpu.memref_slice %arg5[%dma_start3A_2706, %dma_start3A_2707] : memref<100000x128xf32, #tpu.memory_space<hbm>> -> memref<100000x128xf32, #tpu.memory_space<hbm>>
    tpu.enqueue_indirect_dma source(%dma_start3A_2708 : memref<100000x128xf32, #tpu.memory_space<hbm>>) target(%arg14 : memref<128x128xf32, #tpu.memory_space<vmem>>) offsets(%dma_start3A_2705 : memref<128xi32, #tpu.memory_space<vmem>>) semaphore(%arg17 : memref<!tpu.dma_semaphore, #tpu.memory_space<semaphore_mem>>)
    %dma_wait3A_2709 = arith.constant 256 : i32
    %dma_wait3A_2710 = tpu.memref_slice %arg13[%dma_wait3A_2709] : memref<512xi32, #tpu.memory_space<vmem>> -> memref<128xi32, #tpu.memory_space<vmem>>
    %dma_wait3A_2711 = arith.constant 0 : i32
    %dma_wait3A_2712 = arith.constant 0 : i32
    %dma_wait3A_2713 = tpu.memref_slice %arg5[%dma_wait3A_2711, %dma_wait3A_2712] : memref<100000x128xf32, #tpu.memory_space<hbm>> -> memref<100000x128xf32, #tpu.memory_space<hbm>>
    tpu.wait_indirect_dma semaphore(%arg17 : memref<!tpu.dma_semaphore, #tpu.memory_space<semaphore_mem>>) src(%dma_wait3A_2713 : memref<100000x128xf32, #tpu.memory_space<hbm>>) dst(%arg14 : memref<128x128xf32, #tpu.memory_space<vmem>>)
    %mul3A_2714 = arith.constant 512 : i32
    %mul3A_2715 = arith.muli %add3A, %mul3A_2714 : i32
    %add3A_2716 = arith.constant 256 : i32
    %add3A_2717 = arith.addi %mul3A_2715, %add3A_2716 : i32
    %multiple_of3A_2718 = tpu.assume_multiple %add3A_2717, 128 : i32
    "tpu.region"() ({
      %run_scoped3A_2734 = tpu.sem_alloc : memref<!tpu.dma_semaphore, #tpu.memory_space<semaphore_mem>>
      %dma_start3A_2735 = arith.constant 0 : i32
      %dma_start3A_2736 = tpu.memref_slice %arg9[%multiple_of3A_2718, %dma_start3A_2735] : memref<16384x128xf32, #tpu.memory_space<hbm>> -> memref<128x128xf32, #tpu.memory_space<hbm>>
      %dma_start3A_2737 = arith.constant 0 : i32
      %dma_start3A_2738 = tpu.memref_slice %arg9[%multiple_of3A_2718, %dma_start3A_2737] : memref<16384x128xf32, #tpu.memory_space<hbm>> -> memref<128x128xf32, #tpu.memory_space<hbm>>
      tpu.enqueue_dma source(%arg14 : memref<128x128xf32, #tpu.memory_space<vmem>>) target(%dma_start3A_2738 : memref<128x128xf32, #tpu.memory_space<hbm>>) target_semaphore(%run_scoped3A_2734 : memref<!tpu.dma_semaphore, #tpu.memory_space<semaphore_mem>>)
      %dma_wait3A_2739 = arith.constant 0 : i32
      %dma_wait3A_2740 = tpu.memref_slice %arg9[%multiple_of3A_2718, %dma_wait3A_2739] : memref<16384x128xf32, #tpu.memory_space<hbm>> -> memref<128x128xf32, #tpu.memory_space<hbm>>
      %dma_wait3A_2741 = arith.constant 0 : i32
      %dma_wait3A_2742 = tpu.memref_slice %arg9[%multiple_of3A_2718, %dma_wait3A_2741] : memref<16384x128xf32, #tpu.memory_space<hbm>> -> memref<128x128xf32, #tpu.memory_space<hbm>>
      tpu.wait_dma2 semaphore(%run_scoped3A_2734 : memref<!tpu.dma_semaphore, #tpu.memory_space<semaphore_mem>>) src(%arg14 : memref<128x128xf32, #tpu.memory_space<vmem>>) dst(%dma_wait3A_2742 : memref<128x128xf32, #tpu.memory_space<hbm>>)
      tpu.yield
    }) : () -> ()
    %dma_start3A_2719 = arith.constant 384 : i32
    %dma_start3A_2720 = tpu.memref_slice %arg13[%dma_start3A_2719] : memref<512xi32, #tpu.memory_space<vmem>> -> memref<128xi32, #tpu.memory_space<vmem>>
    %dma_start3A_2721 = arith.constant 0 : i32
    %dma_start3A_2722 = arith.constant 0 : i32
    %dma_start3A_2723 = tpu.memref_slice %arg5[%dma_start3A_2721, %dma_start3A_2722] : memref<100000x128xf32, #tpu.memory_space<hbm>> -> memref<100000x128xf32, #tpu.memory_space<hbm>>
    tpu.enqueue_indirect_dma source(%dma_start3A_2723 : memref<100000x128xf32, #tpu.memory_space<hbm>>) target(%arg14 : memref<128x128xf32, #tpu.memory_space<vmem>>) offsets(%dma_start3A_2720 : memref<128xi32, #tpu.memory_space<vmem>>) semaphore(%arg17 : memref<!tpu.dma_semaphore, #tpu.memory_space<semaphore_mem>>)
    %dma_wait3A_2724 = arith.constant 384 : i32
    %dma_wait3A_2725 = tpu.memref_slice %arg13[%dma_wait3A_2724] : memref<512xi32, #tpu.memory_space<vmem>> -> memref<128xi32, #tpu.memory_space<vmem>>
    %dma_wait3A_2726 = arith.constant 0 : i32
    %dma_wait3A_2727 = arith.constant 0 : i32
    %dma_wait3A_2728 = tpu.memref_slice %arg5[%dma_wait3A_2726, %dma_wait3A_2727] : memref<100000x128xf32, #tpu.memory_space<hbm>> -> memref<100000x128xf32, #tpu.memory_space<hbm>>
    tpu.wait_indirect_dma semaphore(%arg17 : memref<!tpu.dma_semaphore, #tpu.memory_space<semaphore_mem>>) src(%dma_wait3A_2728 : memref<100000x128xf32, #tpu.memory_space<hbm>>) dst(%arg14 : memref<128x128xf32, #tpu.memory_space<vmem>>)
    %mul3A_2729 = arith.constant 512 : i32
    %mul3A_2730 = arith.muli %add3A, %mul3A_2729 : i32
    %add3A_2731 = arith.constant 384 : i32
    %add3A_2732 = arith.addi %mul3A_2730, %add3A_2731 : i32
    %multiple_of3A_2733 = tpu.assume_multiple %add3A_2732, 128 : i32
    "tpu.region"() ({
      %run_scoped3A_2734 = tpu.sem_alloc : memref<!tpu.dma_semaphore, #tpu.memory_space<semaphore_mem>>
      %dma_start3A_2735 = arith.constant 0 : i32
      %dma_start3A_2736 = tpu.memref_slice %arg9[%multiple_of3A_2733, %dma_start3A_2735] : memref<16384x128xf32, #tpu.memory_space<hbm>> -> memref<128x128xf32, #tpu.memory_space<hbm>>
      %dma_start3A_2737 = arith.constant 0 : i32
      %dma_start3A_2738 = tpu.memref_slice %arg9[%multiple_of3A_2733, %dma_start3A_2737] : memref<16384x128xf32, #tpu.memory_space<hbm>> -> memref<128x128xf32, #tpu.memory_space<hbm>>
      tpu.enqueue_dma source(%arg14 : memref<128x128xf32, #tpu.memory_space<vmem>>) target(%dma_start3A_2738 : memref<128x128xf32, #tpu.memory_space<hbm>>) target_semaphore(%run_scoped3A_2734 : memref<!tpu.dma_semaphore, #tpu.memory_space<semaphore_mem>>)
      %dma_wait3A_2739 = arith.constant 0 : i32
      %dma_wait3A_2740 = tpu.memref_slice %arg9[%multiple_of3A_2733, %dma_wait3A_2739] : memref<16384x128xf32, #tpu.memory_space<hbm>> -> memref<128x128xf32, #tpu.memory_space<hbm>>
      %dma_wait3A_2741 = arith.constant 0 : i32
      %dma_wait3A_2742 = tpu.memref_slice %arg9[%multiple_of3A_2733, %dma_wait3A_2741] : memref<16384x128xf32, #tpu.memory_space<hbm>> -> memref<128x128xf32, #tpu.memory_space<hbm>>
      tpu.wait_dma2 semaphore(%run_scoped3A_2734 : memref<!tpu.dma_semaphore, #tpu.memory_space<semaphore_mem>>) src(%arg14 : memref<128x128xf32, #tpu.memory_space<vmem>>) dst(%dma_wait3A_2742 : memref<128x128xf32, #tpu.memory_space<hbm>>)
      tpu.yield
    }) : () -> ()
    return
  }
}

module attributes {stable_mosaic.version = 14 : i64} {
  func.func @_tc_body(%arg0: i32, %arg1: memref<2048x640xf32, #tpu.memory_space<vmem>>, %arg2: memref<2048x128xf32, #tpu.memory_space<vmem>>, %arg3: memref<2048x4xf32, #tpu.memory_space<vmem>>, %arg4: memref<640x64xf32, #tpu.memory_space<vmem>>, %arg5: memref<64x320xf32, #tpu.memory_space<vmem>>, %arg6: memref<320x16xf32, #tpu.memory_space<vmem>>, %arg7: memref<16x4xf32, #tpu.memory_space<vmem>>, %arg8: memref<4x64xf32, #tpu.memory_space<vmem>>, %arg9: memref<16x64xf32, #tpu.memory_space<vmem>>, %arg10: memref<64x16xf32, #tpu.memory_space<vmem>>, %arg11: memref<64x128xf32, #tpu.memory_space<vmem>>, %arg12: memref<2048x128xf32, #tpu.memory_space<vmem>>) attributes {dimension_semantics = [#tpu.dimension_semantics<arbitrary>], iteration_bounds = array<i64: 8>, scalar_prefetch = 0 : i64, scratch_operands = 0 : i64, tpu.core_type = #tpu.core_type<tc>, window_params = [{transform_indices = @transform_0, window_bounds = array<i64: 2048, 640>}, {transform_indices = @transform_1, window_bounds = array<i64: 2048, 128>}, {transform_indices = @transform_2, window_bounds = array<i64: 2048, 4>}, {pipeline_mode = #tpu.pipeline_mode<synchronous>, transform_indices = @transform_3, window_bounds = array<i64: 640, 64>}, {pipeline_mode = #tpu.pipeline_mode<synchronous>, transform_indices = @transform_4, window_bounds = array<i64: 64, 320>}, {pipeline_mode = #tpu.pipeline_mode<synchronous>, transform_indices = @transform_5, window_bounds = array<i64: 320, 16>}, {pipeline_mode = #tpu.pipeline_mode<synchronous>, transform_indices = @transform_6, window_bounds = array<i64: 16, 4>}, {pipeline_mode = #tpu.pipeline_mode<synchronous>, transform_indices = @transform_7, window_bounds = array<i64: 4, 64>}, {pipeline_mode = #tpu.pipeline_mode<synchronous>, transform_indices = @transform_8, window_bounds = array<i64: 16, 64>}, {pipeline_mode = #tpu.pipeline_mode<synchronous>, transform_indices = @transform_9, window_bounds = array<i64: 64, 16>}, {pipeline_mode = #tpu.pipeline_mode<synchronous>, transform_indices = @transform_10, window_bounds = array<i64: 64, 128>}, {transform_indices = @transform_11, window_bounds = array<i64: 2048, 128>}]} {
    %get3A = arith.constant 0 : index
    %get3A_0 = arith.constant 0 : index
    %get3A_1 = vector.load %arg1[%get3A, %get3A_0] : memref<2048x640xf32, #tpu.memory_space<vmem>>, vector<2048x640xf32>
    %get3A_2 = arith.constant 0 : index
    %get3A_3 = arith.constant 0 : index
    %get3A_4 = vector.load %arg4[%get3A_2, %get3A_3] : memref<640x64xf32, #tpu.memory_space<vmem>>, vector<640x64xf32>
    %dot_general3A = arith.constant dense<0.000000e+00> : vector<2048x64xf32>
    %dot_general3A_5 = tpu.matmul %get3A_1, %get3A_4, %dot_general3A {dimension_numbers = #tpu.dot_dimension_numbers<[1], [0], [0], [1], [0, 0, 1, 1], [], []>, transpose_lhs_hint = false} : vector<2048x640xf32>, vector<640x64xf32>, vector<2048x64xf32> -> vector<2048x64xf32>
    %get3A_6 = arith.constant 0 : index
    %get3A_7 = arith.constant 0 : index
    %get3A_8 = vector.load %arg3[%get3A_6, %get3A_7] : memref<2048x4xf32, #tpu.memory_space<vmem>>, vector<2048x4xf32>
    %get3A_9 = arith.constant 0 : index
    %get3A_10 = arith.constant 0 : index
    %get3A_11 = vector.load %arg5[%get3A_9, %get3A_10] : memref<64x320xf32, #tpu.memory_space<vmem>>, vector<64x320xf32>
    %dot_general3A_12 = arith.constant dense<0.000000e+00> : vector<2048x320xf32>
    %dot_general3A_13 = tpu.matmul %dot_general3A_5, %get3A_11, %dot_general3A_12 {dimension_numbers = #tpu.dot_dimension_numbers<[1], [0], [0], [1], [0, 0, 1, 1], [], []>, transpose_lhs_hint = false} : vector<2048x64xf32>, vector<64x320xf32>, vector<2048x320xf32> -> vector<2048x320xf32>
    %tanh3A = math.tanh %dot_general3A_13 : vector<2048x320xf32>
    %get3A_14 = arith.constant 0 : index
    %get3A_15 = arith.constant 0 : index
    %get3A_16 = vector.load %arg6[%get3A_14, %get3A_15] : memref<320x16xf32, #tpu.memory_space<vmem>>, vector<320x16xf32>
    %dot_general3A_17 = arith.constant dense<0.000000e+00> : vector<2048x16xf32>
    %dot_general3A_18 = tpu.matmul %tanh3A, %get3A_16, %dot_general3A_17 {dimension_numbers = #tpu.dot_dimension_numbers<[1], [0], [0], [1], [0, 0, 1, 1], [], []>, transpose_lhs_hint = false} : vector<2048x320xf32>, vector<320x16xf32>, vector<2048x16xf32> -> vector<2048x16xf32>
    %concatenate3A = tpu.concatenate %get3A_8, %get3A_8, %get3A_8, %get3A_8 in 1 : vector<2048x4xf32>, vector<2048x4xf32>, vector<2048x4xf32>, vector<2048x4xf32> -> vector<2048x16xf32>
    %mul3A = arith.mulf %dot_general3A_18, %concatenate3A : vector<2048x16xf32>
    %get3A_19 = arith.constant 0 : index
    %get3A_20 = arith.constant 0 : index
    %get3A_21 = vector.load %arg7[%get3A_19, %get3A_20] : memref<16x4xf32, #tpu.memory_space<vmem>>, vector<16x4xf32>
    %dot_general3A_22 = arith.constant dense<0.000000e+00> : vector<2048x4xf32>
    %dot_general3A_23 = tpu.matmul %mul3A, %get3A_21, %dot_general3A_22 {dimension_numbers = #tpu.dot_dimension_numbers<[1], [0], [0], [1], [0, 0, 1, 1], [], []>, transpose_lhs_hint = false} : vector<2048x16xf32>, vector<16x4xf32>, vector<2048x4xf32> -> vector<2048x4xf32>
    %reduce_max3A = arith.constant dense<0xFF800000> : vector<2048xf32>
    %reduce_max3A_24 = vector.multi_reduction <maximumf>, %dot_general3A_23, %reduce_max3A [1] : vector<2048x4xf32> to vector<2048xf32>
    %broadcast_in_dim3A = vector.shape_cast %reduce_max3A_24 : vector<2048xf32> to vector<2048x1xf32>
    %sub3A = vector.broadcast %broadcast_in_dim3A : vector<2048x1xf32> to vector<2048x4xf32>
    %sub3A_25 = arith.subf %dot_general3A_23, %sub3A : vector<2048x4xf32>
    %exp3A = math.exp %sub3A_25 : vector<2048x4xf32>
    %reduce_sum3A = arith.constant dense<0.000000e+00> : vector<2048xf32>
    %reduce_sum3A_26 = vector.multi_reduction <add>, %exp3A, %reduce_sum3A [1] : vector<2048x4xf32> to vector<2048xf32>
    %broadcast_in_dim3A_27 = vector.shape_cast %reduce_sum3A_26 : vector<2048xf32> to vector<2048x1xf32>
    %div3A = vector.broadcast %broadcast_in_dim3A_27 : vector<2048x1xf32> to vector<2048x4xf32>
    %div3A_28 = arith.divf %exp3A, %div3A : vector<2048x4xf32>
    %get3A_29 = arith.constant 0 : index
    %get3A_30 = arith.constant 0 : index
    %get3A_31 = vector.load %arg8[%get3A_29, %get3A_30] : memref<4x64xf32, #tpu.memory_space<vmem>>, vector<4x64xf32>
    %dot_general3A_32 = arith.constant dense<0.000000e+00> : vector<2048x64xf32>
    %dot_general3A_33 = tpu.matmul %div3A_28, %get3A_31, %dot_general3A_32 {dimension_numbers = #tpu.dot_dimension_numbers<[1], [0], [0], [1], [0, 0, 1, 1], [], []>, transpose_lhs_hint = false} : vector<2048x4xf32>, vector<4x64xf32>, vector<2048x64xf32> -> vector<2048x64xf32>
    %mul3A_34 = arith.mulf %dot_general3A_5, %dot_general3A_33 : vector<2048x64xf32>
    %get3A_35 = arith.constant 0 : index
    %get3A_36 = arith.constant 0 : index
    %get3A_37 = vector.load %arg10[%get3A_35, %get3A_36] : memref<64x16xf32, #tpu.memory_space<vmem>>, vector<64x16xf32>
    %dot_general3A_38 = arith.constant dense<0.000000e+00> : vector<2048x16xf32>
    %dot_general3A_39 = tpu.matmul %mul3A_34, %get3A_37, %dot_general3A_38 {dimension_numbers = #tpu.dot_dimension_numbers<[1], [0], [0], [1], [0, 0, 1, 1], [], []>, transpose_lhs_hint = false} : vector<2048x64xf32>, vector<64x16xf32>, vector<2048x16xf32> -> vector<2048x16xf32>
    %get3A_40 = arith.constant 0 : index
    %get3A_41 = arith.constant 0 : index
    %get3A_42 = vector.load %arg8[%get3A_40, %get3A_41] : memref<4x64xf32, #tpu.memory_space<vmem>>, vector<4x64xf32>
    %dot_general3A_43 = arith.constant dense<0.000000e+00> : vector<2048x64xf32>
    %dot_general3A_44 = tpu.matmul %get3A_8, %get3A_42, %dot_general3A_43 {dimension_numbers = #tpu.dot_dimension_numbers<[1], [0], [0], [1], [0, 0, 1, 1], [], []>, transpose_lhs_hint = false} : vector<2048x4xf32>, vector<4x64xf32>, vector<2048x64xf32> -> vector<2048x64xf32>
    %get3A_45 = arith.constant 0 : index
    %get3A_46 = arith.constant 0 : index
    %get3A_47 = vector.load %arg9[%get3A_45, %get3A_46] : memref<16x64xf32, #tpu.memory_space<vmem>>, vector<16x64xf32>
    %dot_general3A_48 = arith.constant dense<0.000000e+00> : vector<2048x64xf32>
    %dot_general3A_49 = tpu.matmul %dot_general3A_39, %get3A_47, %dot_general3A_48 {dimension_numbers = #tpu.dot_dimension_numbers<[1], [0], [0], [1], [0, 0, 1, 1], [], []>, transpose_lhs_hint = false} : vector<2048x16xf32>, vector<16x64xf32>, vector<2048x64xf32> -> vector<2048x64xf32>
    %mul3A_50 = arith.mulf %dot_general3A_44, %dot_general3A_49 : vector<2048x64xf32>
    %get3A_51 = arith.constant 0 : index
    %get3A_52 = arith.constant 0 : index
    %get3A_53 = vector.load %arg2[%get3A_51, %get3A_52] : memref<2048x128xf32, #tpu.memory_space<vmem>>, vector<2048x128xf32>
    %get3A_54 = arith.constant 0 : index
    %get3A_55 = arith.constant 0 : index
    %get3A_56 = vector.load %arg11[%get3A_54, %get3A_55] : memref<64x128xf32, #tpu.memory_space<vmem>>, vector<64x128xf32>
    %dot_general3A_57 = arith.constant dense<0.000000e+00> : vector<2048x128xf32>
    %dot_general3A_58 = tpu.matmul %mul3A_50, %get3A_56, %dot_general3A_57 {dimension_numbers = #tpu.dot_dimension_numbers<[1], [0], [0], [1], [0, 0, 1, 1], [], []>, transpose_lhs_hint = false} : vector<2048x64xf32>, vector<64x128xf32>, vector<2048x128xf32> -> vector<2048x128xf32>
    %add3A = arith.addf %get3A_53, %dot_general3A_58 : vector<2048x128xf32>
    %mul3A_59 = arith.mulf %add3A, %add3A : vector<2048x128xf32>
    %reduce_sum3A_60 = arith.constant dense<0.000000e+00> : vector<2048xf32>
    %reduce_sum3A_61 = vector.multi_reduction <add>, %mul3A_59, %reduce_sum3A_60 [1] : vector<2048x128xf32> to vector<2048xf32>
    %broadcast_in_dim3A_62 = vector.shape_cast %reduce_sum3A_61 : vector<2048xf32> to vector<2048x1xf32>
    %sqrt3A = math.sqrt %broadcast_in_dim3A_62 : vector<2048x1xf32>
    %max3A = arith.constant 9.99999996E-13 : f32
    %max3A_63 = vector.broadcast %max3A : f32 to vector<2048x1xf32>
    %max3A_64 = arith.maximumf %sqrt3A, %max3A_63 : vector<2048x1xf32>
    %div3A_65 = vector.broadcast %max3A_64 : vector<2048x1xf32> to vector<2048x128xf32>
    %div3A_66 = arith.divf %add3A, %div3A_65 : vector<2048x128xf32>
    %swap3A = arith.constant 0 : index
    %swap3A_67 = arith.constant 0 : index
    %swap3A_68 = vector.load %arg12[%swap3A, %swap3A_67] : memref<2048x128xf32, #tpu.memory_space<vmem>>, vector<2048x128xf32>
    tpu.vector_store %arg12[%swap3A, %swap3A_67], %div3A_66 {strides = array<i32>} : memref<2048x128xf32, #tpu.memory_space<vmem>>, vector<2048x128xf32>,
    return
  }
  func.func @transform_0(%arg0: i32) -> (i32, i32) {
    %c0_i32 = arith.constant 0 : i32
    %c0_i32_0 = arith.constant 0 : i32
    return %arg0, %c0_i32 : i32, i32
  }
  func.func @transform_1(%arg0: i32) -> (i32, i32) {
    %c0_i32 = arith.constant 0 : i32
    %c0_i32_0 = arith.constant 0 : i32
    return %arg0, %c0_i32 : i32, i32
  }
  func.func @transform_2(%arg0: i32) -> (i32, i32) {
    %c0_i32 = arith.constant 0 : i32
    %c0_i32_0 = arith.constant 0 : i32
    return %arg0, %c0_i32 : i32, i32
  }
  func.func @transform_3(%arg0: i32) -> (i32, i32) {
    %c0_i32 = arith.constant 0 : i32
    %c0_i32_0 = arith.constant 0 : i32
    %c0_i32_1 = arith.constant 0 : i32
    return %c0_i32, %c0_i32_0 : i32, i32
  }
  func.func @transform_4(%arg0: i32) -> (i32, i32) {
    %c0_i32 = arith.constant 0 : i32
    %c0_i32_0 = arith.constant 0 : i32
    %c0_i32_1 = arith.constant 0 : i32
    return %c0_i32, %c0_i32_0 : i32, i32
  }
  func.func @transform_5(%arg0: i32) -> (i32, i32) {
    %c0_i32 = arith.constant 0 : i32
    %c0_i32_0 = arith.constant 0 : i32
    %c0_i32_1 = arith.constant 0 : i32
    return %c0_i32, %c0_i32_0 : i32, i32
  }
  func.func @transform_6(%arg0: i32) -> (i32, i32) {
    %c0_i32 = arith.constant 0 : i32
    %c0_i32_0 = arith.constant 0 : i32
    %c0_i32_1 = arith.constant 0 : i32
    return %c0_i32, %c0_i32_0 : i32, i32
  }
  func.func @transform_7(%arg0: i32) -> (i32, i32) {
    %c0_i32 = arith.constant 0 : i32
    %c0_i32_0 = arith.constant 0 : i32
    %c0_i32_1 = arith.constant 0 : i32
    return %c0_i32, %c0_i32_0 : i32, i32
  }
  func.func @transform_8(%arg0: i32) -> (i32, i32) {
    %c0_i32 = arith.constant 0 : i32
    %c0_i32_0 = arith.constant 0 : i32
    %c0_i32_1 = arith.constant 0 : i32
    return %c0_i32, %c0_i32_0 : i32, i32
  }
  func.func @transform_9(%arg0: i32) -> (i32, i32) {
    %c0_i32 = arith.constant 0 : i32
    %c0_i32_0 = arith.constant 0 : i32
    %c0_i32_1 = arith.constant 0 : i32
    return %c0_i32, %c0_i32_0 : i32, i32
  }
  func.func @transform_10(%arg0: i32) -> (i32, i32) {
    %c0_i32 = arith.constant 0 : i32
    %c0_i32_0 = arith.constant 0 : i32
    %c0_i32_1 = arith.constant 0 : i32
    return %c0_i32, %c0_i32_0 : i32, i32
  }
  func.func @transform_11(%arg0: i32) -> (i32, i32) {
    %c0_i32 = arith.constant 0 : i32
    %c0_i32_0 = arith.constant 0 : i32
    return %arg0, %c0_i32 : i32, i32
  }
}

</mosaic_0001>

<sc_bundles>
// kernel: kernel.4.cloned.1.call-start
scs
__scs_entry_jumppad:
0x0: {  	(pc) =	sbr.rel $0x88, $3  }
0x1: {  	(tag) =	ssettag $0x0;
	lr =	simm.s32 $0x1  }
0x2: {  	[smem:$0x3F99] =	sst lr;
	_ =	strace $0xD0000000  }
0x3: {  	_ = 	snop  }
0x4: {  	_ = 	snop  }
0x5: {  	_ = 	snop  }
0x6: {  	_ = 	snop  }
0x7: {  	_ = 	snop  }
__scs_overlays_trampoline_lowered:
0x8: {  	[smem:$0x3FA8] =	sst s0  }
0x9: {  	[smem:$0x3FA9] =	sst s1  }
0xa: {  	[smem:$0x3FAA] =	sst s2  }
0xb: {  	[smem:$0x3FAB] =	sst s3  }
0xc: {  	[smem:$0x3FAC] =	sst s4  }
0xd: {  	[smem:$0x3FAD] =	sst s5  }
0xe: {  	[smem:$0x3FAE] =	sst s6  }
0xf: {  	[smem:$0x3FAF] =	sst s7  }
0x10: {  	[smem:$0x3FB0] =	sst s8  }
0x11: {  	[smem:$0x3FB1] =	sst s9;
	s0 =	simm.s32 @!p0 $0x0  }
0x12: {  	s1 =	sld [smem:$0x3F97];
	s0 =	simm.s32 @p0 $0x1  }
0x13: {  	[smem:$0x3FB2] =	sst s0;
	s0 =	simm.s32 @!p1 $0x0  }
0x14: {  	s2 =	sld [smem:$0x3F96];
	s0 =	simm.s32 @p1 $0x1  }
0x15: {  	[smem:$0x3FB3] =	sst s0;
	s0 =	simm.s32 @!p2 $0x0  }
0x16: {  	s3 =	sld [smem:$0x3FDB];
	s0 =	simm.s32 @p2 $0x1  }
0x17: {  	s4 =	simm.s32 $0x1BF5;
	[smem:$0x3FB5] =	sst s0  }
0x18: {  	s0 =	sld [smem:$0x3F98];
	_ =	swait.ge [sflag:s4], $0x0  }
0x19: {  	s7 =	sld [smem:$0x3F99]  }
0x1a: {  	s8 =	sadd.s32 $0xFFFFE003, lr  }
0x1b: {  	s9 =	sadd.s32 $0xFFFFFEF7, lr;
	s5 =	simm.s32 $0xFFFFFFFF;
	p2 =	slt.u32 s8, $0xFFFFF086  }
0x1c: {  	p1 =	slt.u32 s9, $0xF7A;
	s5 =	simm.s32 @!p2 $0x0  }
0x1d: {  	s5 =	simm.s32 @p1 $0x1;
	p0 =	seq.s32 s7, s2  }
0x1e: {  	s7 =	smul.u32 @!p0 $0xF7A, s2;
	p2 =	seq.s32 @!p0 s5, $0x0  }
0x1f: {  	s9 =	smul.u32 $0xF7A, s1;
	s8 =	simm.s32 @!p0 $0x1BF5;
	p2 =	por !p2, p0  }
0x20: {  	[sflag:s8] =	ssyncset.s32 @!p0 $0xFFFFF086;
	s6 =	sadd.s32 @!p0 s3, s7;
	s7 =	simm.s32 @!p0 $0x108  }
0x21: {  	s3 =	sadd.s32 s3, s9;
	s6 =	sadd.s32 @!p0 $0x88, s6;
	s7 =	simm.s32 @p2 $0x1082  }
0x22: {  	[simem:s7], [sflag:s8] =	dma.local @!p0 [hbm:s6], $0xF7A  }
0x23: {  	s9 =	sor.u32 $0xD0000000, s2;
	s6 =	simm.s32 $0x108;
	_ =	swait.ge @!p0 [sflag:s8], $0x0  }
0x24: {  	s3 =	sadd.s32 $0x88, s3;
	s6 =	simm.s32 @!p1 $0x1082;
	[sflag:s4] =	ssyncset.s32 $0xFFFFF086  }
0x25: {  	[simem:s6], [sflag:s4] =	dma.local [hbm:s3], $0xF7A  }
0x26: {  	[smem:$0x3F99] =	sst s1;
	(tag) =	ssettag s2;
	_ =	strace s9  }
0x27: {  	s1 =	sld [smem:$0x3FA9]  }
0x28: {  	s2 =	sld [smem:$0x3FAA]  }
0x29: {  	s4 =	sld [smem:$0x3FAC]  }
0x2a: {  	p0 =	seq.s32 s5, $0x0;
	s5 =	sld [smem:$0x3FAD]  }
0x2b: {  	s6 =	sld [smem:$0x3FAE]  }
0x2c: {  	s7 =	sld [smem:$0x3FAF]  }
0x2d: {  	s3 =	simm.s32 $0x108;
	s8 =	sld [smem:$0x3FB0]  }
0x2e: {  	s3 =	simm.s32 @!p0 $0x1082;
	s9 =	sld [smem:$0x3FB1]  }
0x2f: {  	lr =	sadd.s32 s0, s3;
	s0 =	sld [smem:$0x3FA8]  }
0x30: {  	s3 =	sld [smem:$0x3FAB]  }
0x31: {  	[smem:$0x3FB4] =	sst s10  }
0x32: {  	s10 =	sld [smem:$0x3FB2];
	_ =	sdelay $0x3  }
0x33: {  	p0 =	seq.s32 s10, $0x1;
	s10 =	sld [smem:$0x3FB4];
	_ =	sdelay $0x3  }
0x34: {  	[smem:$0x3FB4] =	sst s10  }
0x35: {  	s10 =	sld [smem:$0x3FB3];
	_ =	sdelay $0x3  }
0x36: {  	p1 =	seq.s32 s10, $0x1;
	s10 =	sld [smem:$0x3FB4];
	_ =	sdelay $0x3  }
0x37: {  	[smem:$0x3FB4] =	sst s10  }
0x38: {  	s10 =	sld [smem:$0x3FB5]  }
0x39: {  	_ = 	snop;
	(pc) =	sbr.ind lr, $3  }
0x3a: {  	_ = 	snop  }
0x3b: {  	_ = 	snop  }
0x3c: {  	p2 =	seq.s32 s10, $0x1;
	s10 =	sld [smem:$0x3FB4]  }
0x3d: {  	_ =	shalt  }
0x3e: {  	_ =	shalt  }
0x3f: {  	_ =	shalt  }
0x40: {  	_ =	shalt  }
0x41: {  	_ =	shalt  }
0x42: {  	_ =	shalt  }
0x43: {  	_ =	shalt  }
0x44: {  	_ =	shalt  }
0x45: {  	_ =	shalt  }
0x46: {  	_ =	shalt  }
0x47: {  	_ =	shalt  }
0x48: {  	_ =	shalt  }
0x49: {  	_ =	shalt  }
0x4a: {  	_ =	shalt  }
0x4b: {  	_ =	shalt  }
0x4c: {  	_ =	shalt  }
0x4d: {  	_ =	shalt  }
0x4e: {  	_ =	shalt  }
0x4f: {  	_ =	shalt  }
0x50: {  	_ =	shalt  }
0x51: {  	_ =	shalt  }
0x52: {  	_ =	shalt  }
0x53: {  	_ =	shalt  }
0x54: {  	_ =	shalt  }
0x55: {  	_ =	shalt  }
0x56: {  	_ =	shalt  }
0x57: {  	_ =	shalt  }
0x58: {  	_ =	shalt  }
0x59: {  	_ =	shalt  }
0x5a: {  	_ =	shalt  }
0x5b: {  	_ =	shalt  }
0x5c: {  	_ =	shalt  }
0x5d: {  	_ =	shalt  }
0x5e: {  	_ =	shalt  }
0x5f: {  	_ =	shalt  }
0x60: {  	_ =	shalt  }
0x61: {  	_ =	shalt  }
0x62: {  	_ =	shalt  }
0x63: {  	_ =	shalt  }
0x64: {  	_ =	shalt  }
0x65: {  	_ =	shalt  }
0x66: {  	_ =	shalt  }
0x67: {  	_ =	shalt  }
0x68: {  	_ =	shalt  }
0x69: {  	_ =	shalt  }
0x6a: {  	_ =	shalt  }
0x6b: {  	_ =	shalt  }
0x6c: {  	_ =	shalt  }
0x6d: {  	_ =	shalt  }
0x6e: {  	_ =	shalt  }
0x6f: {  	_ =	shalt  }
0x70: {  	_ =	shalt  }
0x71: {  	_ =	shalt  }
0x72: {  	_ =	shalt  }
0x73: {  	_ =	shalt  }
0x74: {  	_ =	shalt  }
0x75: {  	_ =	shalt  }
0x76: {  	_ =	shalt  }
0x77: {  	_ =	shalt  }
0x78: {  	_ =	shalt  }
0x79: {  	_ =	shalt  }
0x7a: {  	_ =	shalt  }
0x7b: {  	_ =	shalt  }
0x7c: {  	_ =	shalt  }
0x7d: {  	_ =	shalt  }
0x7e: {  	_ =	shalt  }
0x7f: {  	_ =	shalt  }
0x80: {  	_ =	shalt  }
0x81: {  	_ =	shalt  }
0x82: {  	_ =	shalt  }
0x83: {  	_ =	shalt  }
0x84: {  	_ =	shalt  }
0x85: {  	_ =	shalt  }
0x86: {  	_ =	shalt  }
0x87: {  	_ =	shalt  }
.Lfunc_end0:
.L_simem_size_0:
called_computation_lowered:
.L_overlay_start_0:
0x88: {  	s2 =	sld [smem:$0x3FD9]  }
0x89: {  	s3 =	sld [smem:$0x3FFE];
	_ =	sdelay $0x1  }
0x8a: {  	s1 =	srdreg.scid  }
0x8b: {  	s0 =	sand.u32 $0x1, s1  }
0x8c: {  	s17 =	sshll.u32 s0, $0xA;
	s2 =	sadd.s32 s3, s2  }
0x8d: {  	s2 =	sadd.s32 s2, s17  }
0x8e: {  	[smem:$0x3FC0] =	sst s2  }
0x8f: {  	_ = 	snop  }
0x90: {  	s2 =	sld [smem:$0x3FC9]  }
0x91: {  	s18 =	sld [smem:$0x3FC6]  }
0x92: {  	s4 =	sld [smem:$0x3FD0];
	(tm) =	ssettm $0x1  }
0x93: {  	s5 =	sld [smem:$0x3FFB];
	_ =	sdelay $0x3  }
0x94: {  	_ =	strace s5  }
0x95: {  	s5 =	sld [smem:$0x3FFC];
	_ =	sdelay $0x3  }
0x96: {  	_ =	strace s5  }
0x97: {  	s5 =	sld [smem:$0x3FFD];
	_ =	sdelay $0x3  }
0x98: {  	_ =	strace s5  }
0x99: {  	_ =	strace $0x8FFFFFFF  }
0x9a: {  	s19 =	sld [smem:$0x3FDB];
	_ =	sdelay $0x1  }
0x9b: {  	s6 =	simm.s32 $_scs_section_size  }
0x9c: {  	s7 =	simm.s32 $_size__tile_overlayer_lowered;
	s8 =	simm.s32 $_tile_overlayer_lowered  }
0x9d: {  	s22 =	simm.s32 $0x1BFF;
	s21 =	sshll.u32 s8, $0x1;
	s5 =	sadd.s32 s6, s19  }
0x9e: {  	s9 =	simm.s32 $0x0;
	s20 =	sshll.u32 s7, $0x1;
	s7 =	sadd.s32 s21, s5  }
0x9f: {  	[timem:s9], [sflag:s22] =	dma.local [hbm:s7], s20  }
0xa0: {  	_ =	swait.ge [sflag:s22], s20  }
0xa1: {  	s6 =	ssub.s32 $0x0, s20;
	[sflag:s22] =	ssyncset.done $0x0  }
0xa2: {  	[sflag:s22] =	ssyncadd.s32 s6;
	_ =	sdelay $0x1  }
0xa3: {  	s23 =	simm.s32 $0x1B8B  }
0xa4: {  	_ =	swait.ge [sflag:s23], $0x1  }
0xa5: {  	[sflag:s23] =	ssyncset.done $0x0  }
0xa6: {  	s25 =	simm.s32 $0x1B8E;
	s24 =	sld [smem:$0x3FFE];
	[sflag:s23] =	ssyncadd.s32 $0xFFFFFFFF  }
0xa7: {  	s26 =	simm.s32 $execute0_lowered;
	[smem:$0x3FD2] =	sst s25  }
0xa8: {  	s7 =	sshll.u32 s26, $0x1;
	_ =	strace $0x80000046;
	[dreg:$0x1] =	wrdreg $0xFFFFFFFF  }
0xa9: {  	s28 =	simm.s32 $_size_execute0_lowered;
	s5 =	sadd.s32 s5, s7;
	[dreg:$0x0] =	wrdreg $0x0  }
0xaa: {  	s7 =	sshll.u32 s28, $0x1;
	[dreg:$0x2] =	wrdreg s5  }
0xab: {  	[dreg:$0x3] =	wrdreg s7  }
0xac: {  	[dreg:$0x4] =	wrdreg $0xC0  }
0xad: {  	_ =	task [dreg:s9], $0x5FFFF  }
0xae: {  	[dreg:$0x1] =	wrdreg $0xFFFFFFFF  }
0xaf: {  	[dreg:$0x0] =	wrdreg $0x60  }
0xb0: {  	[dreg:$0x2] =	wrdreg s24  }
0xb1: {  	[dreg:$0x3] =	wrdreg s2  }
0xb2: {  	[dreg:$0x4] =	wrdreg s18  }
0xb3: {  	[dreg:$0x5] =	wrdreg s4  }
0xb4: {  	[dreg:$0x6] =	wrdreg $0x9  }
0xb5: {  	_ =	task.clear_ibuf [dreg:s9], $0x7FFFF;
	_ =	strace $0x90000046  }
0xb6: {  	s29 =	simm.s32 $0x9;
	_ =	strace $0x80000048  }
0xb7: {  	_ =	swait.ge [sflag:s29], $0x1  }
0xb8: {  	[sflag:s29] =	ssyncadd.s32 $0xFFFFFFFF  }
0xb9: {  	_ =	strace $0x90000048  }
0xba: {  	_ =	sfence  }
0xbb: {  	s30 =	sld [smem:$0x0];
	_ =	sdelay $0x2  }
0xbc: {  	s31 =	sshll.u32 s1, $0xD;
	s1 =	sshrl.u32 s1, $0x2  }
0xbd: {  	s3 =	sand.u32 $0x4000, s31;
	s1 =	sadd.s32 s1, s30  }
0xbe: {  	s0 =	sor.u32 s3, s0;
	s1 =	sshll.u32 s1, $0x11  }
0xbf: {  	s0 =	sor.u32 s1, s0  }
0xc0: {  	s0 =	sadd.s32 $0x8F2B, s0  }
0xc1: {  	[sflag:s0] =	ssyncadd.remote.s32 $0x1  }
0xc2: {  	_ =	sfence.sel $0xFFFF  }
0xc3: {  	[dreg:$0x0] =	wrdreg $0xFFFFFFFF;
	(pc) =	sbr.abs _section_cstart, $3  }
0xc4: {  	[dreg:$0x1] =	wrdreg $0xFFFFFFFF  }
0xc5: {  	_ =	task.clear_ibuf [dreg:s9], $0x2FFFF;
	_ =	strace $0x9FFFFFFF  }
0xc6: {  	(tm) =	ssettm $0x7FFFFFFF  }
0xc7: {  	_ =	shalt  }
tec
execute0_lowered:
.L_overlay_start_1:
0x0: {  	(tag) =	ssettag $0x1  }
0x1: {  	s0 =	srdreg.scid  }
0x2: {  	s4 =	stileid.u32;
	s3 =	rddreg [dreg:$0x1];
	s1 =	sand.u32 $0x1, s0  }
0x3: {  	s30 =	simm.s32 $0x1400;
	s31 =	simm.s32 $0x3;
	s2 =	sshll.u32 s1, $0x4  }
0x4: {  	s28 =	simm.s32 $0x1000;
	s29 =	simm.s32 $0x7400;
	s2 =	sor.u32 s4, s2  }
0x5: {  	s0 =	rddreg [dreg:$0x0];
	s1 =	ssub.s32 $0x2, s1;
	s5 =	smul.u32 $0xA00, s2  }
0x6: {  	s6 =	sadd.s32 $0x102E00, s0;
	s8 =	smul.u32 $0x5000, s2;
	s15 =	sshll.u32 s2, $0x9  }
0x7: {  	s9 =	sadd.s32 $0x116E00, s0;
	s14 =	smul.u32 $0xA000, s2;
	s11 =	sor.u32 $0x80, s15  }
0x8: {  	s4 =	rddreg [dreg:$0x3];
	s7 =	sshrl.u32 s1, $0x1;
	s18 =	smul.u32 $0x5, s11  }
0x9: {  	s1 =	ssub.s32 s1, s7;
	s12 =	sor.u32 $0x100, s15;
	s19 =	smul.u32 $0x50, s11  }
0xa: {  	s5 =	sadd.s32 s6, s5;
	s10 =	sor.u32 $0xA00, s8;
	s13 =	smul.u32 $0x5, s12  }
0xb: {  	s7 =	sadd.s32 s9, s14;
	s20 =	sadd.s32 $0x1E00, s8;
	s24 =	smul.u32 $0x50, s12  }
0xc: {  	s25 =	sadd.s32 $0x3200, s8;
	s8 =	sadd.s32 $0x4600, s8;
	[dreg:$0x5] =	wrdreg s5  }
0xd: {  	[dreg:$0x6] =	wrdreg s7;
	s16 =	sshrl.u32 s10, $0x3;
	s17 =	sshll.u32 s10, $0x1  }
0xe: {  	s21 =	sshrl.u32 s20, $0x3;
	s5 =	sor.u32 $0x180, s15;
	s26 =	sshrl.u32 s25, $0x3  }
0xf: {  	s15 =	sshrl.u32 s8, $0x3;
	s7 =	sadd.s32 s6, s16;
	s10 =	sadd.s32 s6, s18  }
0x10: {  	s23 =	sadd.s32 s6, s13;
	s14 =	smul.u32 $0x5, s5;
	s13 =	sadd.s32 s6, s26  }
0x11: {  	s16 =	smul.u32 $0x50, s5;
	s18 =	sshll.u32 s8, $0x1;
	[dreg:$0x7] =	wrdreg s7  }
0x12: {  	s26 =	smax.u32 s1, $0x1;
	s1 =	simm.s32 $0x1100;
	[dreg:$0x9] =	wrdreg s10  }
0x13: {  	s8 =	simm.s32 $0x9C00;
	s7 =	sadd.s32 s9, s17;
	[dreg:$0xd] =	wrdreg s23  }
0x14: {  	s10 =	sshll.u32 s20, $0x1;
	[dreg:$0xe] =	wrdreg s13;
	s20 =	sshll.u32 s2, $0x6  }
0x15: {  	s2 =	sshll.u32 s2, $0xD;
	s23 =	sshll.u32 s5, $0x4;
	s5 =	simm.s32 $0x1200  }
0x16: {  	s13 =	simm.s32 $0x1;
	[dreg:$0x8] =	wrdreg s7;
	s7 =	sadd.s32 s9, s19  }
0x17: {  	s22 =	sadd.s32 s9, s10;
	s10 =	sshll.u32 s25, $0x1;
	[dreg:$0xa] =	wrdreg s7  }
0x18: {  	s14 =	sadd.s32 s6, s14;
	s19 =	sadd.s32 s9, s18;
	[dreg:$0xc] =	wrdreg s22  }
0x19: {  	s3 =	sadd.s32 s3, s20;
	s18 =	simm.s32 $0x0;
	[dreg:$0xf] =	wrdreg s14  }
0x1a: {  	s2 =	sadd.s32 s4, s2;
	s25 =	sadd.s32 $0x61D600, s0;
	[dreg:$0x14] =	wrdreg s19  }
0x1b: {  	s20 =	simm.s32 $0x7C00;
	s7 =	sadd.s32 s6, s21;
	[dreg:$0x15] =	wrdreg s3  }
0x1c: {  	s6 =	sadd.s32 s6, s15;
	s17 =	sadd.s32 s9, s10;
	[smem:$0x7FF] =	sst s18  }
0x1d: {  	[dreg:$0x16] =	wrdreg s2;
	s21 =	sshll.u32 s11, $0x4;
	s22 =	sshll.u32 s12, $0x4  }
0x1e: {  	s3 =	simm.s32 $0x1180;
	s10 =	simm.s32 $0xA400;
	[dreg:$0xb] =	wrdreg s7  }
0x1f: {  	s11 =	simm.s32 $0x1380;
	s12 =	simm.s32 $0xAC00;
	[dreg:$0x10] =	wrdreg s6  }
0x20: {  	s14 =	simm.s32 $0xB600;
	s7 =	sadd.s32 s9, s24;
	[dreg:$0x12] =	wrdreg s17  }
0x21: {  	s15 =	simm.s32 $0x2;
	s6 =	sadd.s32 s9, s16;
	[dreg:$0x11] =	wrdreg s7  }
0x22: {  	s2 =	sadd.s32 s4, s21;
	s24 =	sadd.s32 $0x2C00, s0;
	[dreg:$0x13] =	wrdreg s6  }
0x23: {  	s0 =	sadd.s32 $0x2E00, s0;
	[dreg:$0x17] =	wrdreg s2;
	s2 =	sadd.s32 s4, s22  }
0x24: {  	s9 =	simm.s32 $0x1300;
	[dreg:$0x18] =	wrdreg s2;
	s2 =	sadd.s32 s4, s23  }
0x25: {  	s16 =	simm.s32 $0x0;
	s22 =	simm.s32 $0x1080;
	[dreg:$0x19] =	wrdreg s2  }
0x26: {  	s6 =	simm.s32 $0x9400;
	_ =	strace $0x80000047;
	[dreg:$0x1a] =	wrdreg s24  }
0x27: {  	s7 =	simm.s32 $0x1280;
	s23 =	simm.s32 $0x6400;
	[dreg:$0x1b] =	wrdreg s0  }
0x28: {  	s4 =	simm.s32 $0x8C00;
	s2 =	simm.s32 $0x8400;
	[dreg:$0x1c] =	wrdreg s26  }
0x29: {  	s0 =	simm.s32 $0x80;
	s24 =	simm.s32 $0xF80;
	s26 =	simm.s32 $0x6C00  }
.LBB2_1:
0x2a: {  	s17 =	rddreg [dreg:$0x1b]  }
0x2b: {  	[tilespmem:s30], [sflag:$0x3] =	stream.linear.gather [hbm4b:s17+s18], $0x10, $0x38;
	[tilespmem:$0x10000] =	vst v63  }
0x2c: {  	_ =	swait.ge [sflag:s31], $0x10  }
0x2d: {  	[sflag:s31] =	ssyncset.done $0x0  }
0x2e: {  	s19 =	simm.s32 $0xF600;
	s21 =	rddreg [dreg:$0x1a];
	[sflag:s31] =	ssyncadd.s32 $0xFFFFFFF0  }
0x2f: {  	[tilespmem:s19], [sflag:$0x3] =	stream.linear.gather [hbm4b:s21+s18], $0xA00, $0x38;
	[tilespmem:$0x10000] =	vst v63  }
0x30: {  	_ =	swait.ge [sflag:s31], $0xA00  }
0x31: {  	[sflag:s31] =	ssyncset.done $0x0  }
0x32: {  	s21 =	rddreg [dreg:$0x5];
	[sflag:s31] =	ssyncadd.s32 $0xFFFFF600  }
0x33: {  	[tilespmem:s18], [sflag:$0x3] =	stream.linear.gather [hbm4b:s21+s18], $0xA00, $0x38;
	[tilespmem:$0x10000] =	vst v63  }
0x34: {  	_ =	swait.ge [sflag:s31], $0xA00  }
0x35: {  	[sflag:s31] =	ssyncset.done $0x0  }
0x36: {  	s17 =	simm.s32 $0x0;
	[sflag:s31] =	ssyncadd.s32 $0xFFFFF600  }
0x37: {  	v0 =	vld [tilespmem:s17+$0x0]  }
0x38: {  	s19 =	simm.s32 $0x40;
	v1 =	vld [tilespmem:s17+$0xF600]  }
.LBB2_2:
0x39: {  	p0 =	sne.s32 s19, $0x27C0  }
.Ltmp0:
0x3a: {  	_ = 	snop;
	(pc) =	sbr.rel @p0 .LBB2_2-.Ltmp0, $4  }
0x3b: {  	_ = 	snop  }
0x3c: {  	s21 =	sshra.s32 s19, $0x2;
	s19 =	sadd.s32 $0x40, s19;
	v2 =	vshll.u32 v0, $0x2  }
0x3d: {  	v0 =	vld [tilespmem:s21+$0x0];
	v2 =	vadd.s32 v1, v2  }
0x3e: {  	v1 =	vld [tilespmem:s21+$0xF600];
	[tilespmem:s17+$0xA00] =	vst v2;
	s17 =	smov.u32 s21  }
0x3f: {  	_ =	sdelay $0x2  }
0x40: {  	v0 =	vshll.u32 v0, $0x2  }
0x41: {  	v0 =	vadd.s32 v1, v0  }
0x42: {  	s19 =	simm.s32 $0xA00;
	[tilespmem:s17+$0xA00] =	vst v0  }
0x43: {  	[tilespmem:s30], [sflag:$0x1] =	stream.indirect.gather [hbm4b:s25+s0], $0x10, s19, s0, $0xb8;
	[tilespmem:$0x10000] =	vst v63  }
0x44: {  	s21 =	simm.s32 $0xA80;
	s19 =	simm.s32 $0x1C00  }
0x45: {  	[tilespmem:s19], [sflag:$0x1] =	stream.indirect.gather [hbm4b:s25+s0], $0x10, s21, s0, $0xb8;
	[tilespmem:$0x10000] =	vst v63  }
0x46: {  	s19 =	simm.s32 $0xB00;
	s21 =	simm.s32 $0x2400  }
0x47: {  	[tilespmem:s21], [sflag:$0x1] =	stream.indirect.gather [hbm4b:s25+s0], $0x10, s19, s0, $0xb8;
	[tilespmem:$0x10000] =	vst v63  }
0x48: {  	s19 =	simm.s32 $0xB80;
	s21 =	simm.s32 $0x2C00  }
0x49: {  	[tilespmem:s21], [sflag:$0x1] =	stream.indirect.gather [hbm4b:s25+s0], $0x10, s19, s0, $0xb8;
	[tilespmem:$0x10000] =	vst v63  }
0x4a: {  	s19 =	simm.s32 $0xC00;
	s21 =	simm.s32 $0x3400  }
0x4b: {  	[tilespmem:s21], [sflag:$0x1] =	stream.indirect.gather [hbm4b:s25+s0], $0x10, s19, s0, $0xb8;
	[tilespmem:$0x10000] =	vst v63  }
0x4c: {  	s19 =	simm.s32 $0xC80;
	s21 =	simm.s32 $0x3C00  }
0x4d: {  	[tilespmem:s21], [sflag:$0x1] =	stream.indirect.gather [hbm4b:s25+s0], $0x10, s19, s0, $0xb8;
	[tilespmem:$0x10000] =	vst v63  }
0x4e: {  	s19 =	simm.s32 $0xD00;
	s21 =	simm.s32 $0x4400  }
0x4f: {  	[tilespmem:s21], [sflag:$0x1] =	stream.indirect.gather [hbm4b:s25+s0], $0x10, s19, s0, $0xb8;
	[tilespmem:$0x10000] =	vst v63  }
0x50: {  	s19 =	simm.s32 $0xD80;
	s21 =	simm.s32 $0x4C00  }
0x51: {  	[tilespmem:s21], [sflag:$0x1] =	stream.indirect.gather [hbm4b:s25+s0], $0x10, s19, s0, $0xb8;
	[tilespmem:$0x10000] =	vst v63  }
0x52: {  	s19 =	simm.s32 $0xE00;
	s21 =	simm.s32 $0x5400  }
0x53: {  	[tilespmem:s21], [sflag:$0x1] =	stream.indirect.gather [hbm4b:s25+s0], $0x10, s19, s0, $0xb8;
	[tilespmem:$0x10000] =	vst v63  }
0x54: {  	s19 =	simm.s32 $0xE80;
	s21 =	simm.s32 $0x5C00  }
0x55: {  	[tilespmem:s21], [sflag:$0x1] =	stream.indirect.gather [hbm4b:s25+s0], $0x10, s19, s0, $0xb8;
	[tilespmem:$0x10000] =	vst v63  }
0x56: {  	s19 =	simm.s32 $0xF00  }
0x57: {  	[tilespmem:s23], [sflag:$0x1] =	stream.indirect.gather [hbm4b:s25+s0], $0x10, s19, s0, $0xb8;
	[tilespmem:$0x10000] =	vst v63  }
0x58: {  	_ = 	snop  }
0x59: {  	[tilespmem:s26], [sflag:$0x1] =	stream.indirect.gather [hbm4b:s25+s0], $0x10, s24, s0, $0xb8;
	[tilespmem:$0x10000] =	vst v63  }
0x5a: {  	_ = 	snop  }
0x5b: {  	[tilespmem:s29], [sflag:$0x1] =	stream.indirect.gather [hbm4b:s25+s0], $0x10, s28, s0, $0xb8;
	[tilespmem:$0x10000] =	vst v63  }
0x5c: {  	_ = 	snop  }
0x5d: {  	[tilespmem:s20], [sflag:$0x1] =	stream.indirect.gather [hbm4b:s25+s0], $0x10, s22, s0, $0xb8;
	[tilespmem:$0x10000] =	vst v63  }
0x5e: {  	_ = 	snop  }
0x5f: {  	[tilespmem:s2], [sflag:$0x1] =	stream.indirect.gather [hbm4b:s25+s0], $0x10, s1, s0, $0xb8;
	[tilespmem:$0x10000] =	vst v63  }
0x60: {  	_ = 	snop  }
0x61: {  	[tilespmem:s4], [sflag:$0x1] =	stream.indirect.gather [hbm4b:s25+s0], $0x10, s3, s0, $0xb8;
	[tilespmem:$0x10000] =	vst v63  }
0x62: {  	_ = 	snop  }
0x63: {  	[tilespmem:s6], [sflag:$0x1] =	stream.indirect.gather [hbm4b:s25+s0], $0x10, s5, s0, $0xb8;
	[tilespmem:$0x10000] =	vst v63  }
0x64: {  	_ = 	snop  }
0x65: {  	[tilespmem:s8], [sflag:$0x1] =	stream.indirect.gather [hbm4b:s25+s0], $0x10, s7, s0, $0xb8;
	[tilespmem:$0x10000] =	vst v63  }
0x66: {  	_ = 	snop  }
0x67: {  	[tilespmem:s10], [sflag:$0x1] =	stream.indirect.gather [hbm4b:s25+s0], $0x10, s9, s0, $0xb8;
	[tilespmem:$0x10000] =	vst v63  }
0x68: {  	_ = 	snop  }
0x69: {  	[tilespmem:s12], [sflag:$0x1] =	stream.indirect.gather [hbm4b:s25+s0], $0x10, s11, s0, $0xb8;
	[tilespmem:$0x10000] =	vst v63  }
0x6a: {  	_ =	swait.ge [sflag:s13], $0x800  }
0x6b: {  	[sflag:s13] =	ssyncset.done $0x0  }
0x6c: {  	[sflag:s13] =	ssyncadd.s32 $0xFFFFF800  }
0x6d: {  	_ =	swait.ge [sflag:s13], $0x800  }
0x6e: {  	[sflag:s13] =	ssyncset.done $0x0  }
0x6f: {  	[sflag:s13] =	ssyncadd.s32 $0xFFFFF800  }
0x70: {  	_ =	swait.ge [sflag:s13], $0x800  }
0x71: {  	[sflag:s13] =	ssyncset.done $0x0  }
0x72: {  	[sflag:s13] =	ssyncadd.s32 $0xFFFFF800  }
0x73: {  	_ =	swait.ge [sflag:s13], $0x800  }
0x74: {  	[sflag:s13] =	ssyncset.done $0x0  }
0x75: {  	[sflag:s13] =	ssyncadd.s32 $0xFFFFF800  }
0x76: {  	_ =	swait.ge [sflag:s13], $0x800  }
0x77: {  	[sflag:s13] =	ssyncset.done $0x0  }
0x78: {  	[sflag:s13] =	ssyncadd.s32 $0xFFFFF800  }
0x79: {  	_ =	swait.ge [sflag:s13], $0x800  }
0x7a: {  	[sflag:s13] =	ssyncset.done $0x0  }
0x7b: {  	[sflag:s13] =	ssyncadd.s32 $0xFFFFF800  }
0x7c: {  	_ =	swait.ge [sflag:s13], $0x800  }
0x7d: {  	[sflag:s13] =	ssyncset.done $0x0  }
0x7e: {  	[sflag:s13] =	ssyncadd.s32 $0xFFFFF800  }
0x7f: {  	_ =	swait.ge [sflag:s13], $0x800  }
0x80: {  	[sflag:s13] =	ssyncset.done $0x0  }
0x81: {  	[sflag:s13] =	ssyncadd.s32 $0xFFFFF800  }
0x82: {  	_ =	swait.ge [sflag:s13], $0x800  }
0x83: {  	[sflag:s13] =	ssyncset.done $0x0  }
0x84: {  	[sflag:s13] =	ssyncadd.s32 $0xFFFFF800  }
0x85: {  	_ =	swait.ge [sflag:s13], $0x800  }
0x86: {  	[sflag:s13] =	ssyncset.done $0x0  }
0x87: {  	[sflag:s13] =	ssyncadd.s32 $0xFFFFF800  }
0x88: {  	_ =	swait.ge [sflag:s13], $0x800  }
0x89: {  	[sflag:s13] =	ssyncset.done $0x0  }
0x8a: {  	[sflag:s13] =	ssyncadd.s32 $0xFFFFF800  }
0x8b: {  	_ =	swait.ge [sflag:s13], $0x800  }
0x8c: {  	[sflag:s13] =	ssyncset.done $0x0  }
0x8d: {  	[sflag:s13] =	ssyncadd.s32 $0xFFFFF800  }
0x8e: {  	_ =	swait.ge [sflag:s13], $0x800  }
0x8f: {  	[sflag:s13] =	ssyncset.done $0x0  }
0x90: {  	[sflag:s13] =	ssyncadd.s32 $0xFFFFF800  }
0x91: {  	_ =	swait.ge [sflag:s13], $0x800  }
0x92: {  	[sflag:s13] =	ssyncset.done $0x0  }
0x93: {  	[sflag:s13] =	ssyncadd.s32 $0xFFFFF800  }
0x94: {  	_ =	swait.ge [sflag:s13], $0x800  }
0x95: {  	[sflag:s13] =	ssyncset.done $0x0  }
0x96: {  	[sflag:s13] =	ssyncadd.s32 $0xFFFFF800  }
0x97: {  	_ =	swait.ge [sflag:s13], $0x800  }
0x98: {  	[sflag:s13] =	ssyncset.done $0x0  }
0x99: {  	[sflag:s13] =	ssyncadd.s32 $0xFFFFF800  }
0x9a: {  	_ =	swait.ge [sflag:s13], $0x800  }
0x9b: {  	[sflag:s13] =	ssyncset.done $0x0  }
0x9c: {  	[sflag:s13] =	ssyncadd.s32 $0xFFFFF800  }
0x9d: {  	_ =	swait.ge [sflag:s13], $0x800  }
0x9e: {  	[sflag:s13] =	ssyncset.done $0x0  }
0x9f: {  	[sflag:s13] =	ssyncadd.s32 $0xFFFFF800  }
0xa0: {  	_ =	swait.ge [sflag:s13], $0x800  }
0xa1: {  	[sflag:s13] =	ssyncset.done $0x0  }
0xa2: {  	[sflag:s13] =	ssyncadd.s32 $0xFFFFF800  }
0xa3: {  	_ =	swait.ge [sflag:s13], $0x800  }
0xa4: {  	[sflag:s13] =	ssyncset.done $0x0  }
0xa5: {  	s17 =	simm.s32 $0x0;
	s21 =	rddreg [dreg:$0x6];
	[sflag:s13] =	ssyncadd.s32 $0xFFFFF800  }
0xa6: {  	[hbm4b:s21+s17] =	stream.linear.scatter [tilespmem:s30], [sflag:$0x3], $0xA000, $0x38;
	[tilespmem:$0x10000] =	vst v63  }
0xa7: {  	_ =	swait.ge [sflag:s31], $0xA000  }
0xa8: {  	[sflag:s31] =	ssyncset.done $0x0  }
0xa9: {  	s21 =	rddreg [dreg:$0x7];
	[sflag:s31] =	ssyncadd.s32 $0xFFFF6000  }
0xaa: {  	[tilespmem:s17], [sflag:$0x3] =	stream.linear.gather [hbm4b:s21+s17], $0xA00, $0x38;
	[tilespmem:$0x10000] =	vst v63  }
0xab: {  	_ =	swait.ge [sflag:s31], $0xA00  }
0xac: {  	[sflag:s31] =	ssyncset.done $0x0  }
0xad: {  	s17 =	simm.s32 $0x0;
	[sflag:s31] =	ssyncadd.s32 $0xFFFFF600  }
0xae: {  	v0 =	vld [tilespmem:s17+$0x0]  }
0xaf: {  	s19 =	simm.s32 $0x40;
	v1 =	vld [tilespmem:s17+$0xF600]  }
.LBB2_4:
0xb0: {  	p0 =	sne.s32 s19, $0x27C0  }
.Ltmp1:
0xb1: {  	_ = 	snop;
	(pc) =	sbr.rel @p0 .LBB2_4-.Ltmp1, $4  }
0xb2: {  	_ = 	snop  }
0xb3: {  	s21 =	sshra.s32 s19, $0x2;
	s19 =	sadd.s32 $0x40, s19;
	v2 =	vshll.u32 v0, $0x2  }
0xb4: {  	v0 =	vld [tilespmem:s21+$0x0];
	v2 =	vadd.s32 v1, v2  }
0xb5: {  	v1 =	vld [tilespmem:s21+$0xF600];
	[tilespmem:s17+$0xA00] =	vst v2;
	s17 =	smov.u32 s21  }
0xb6: {  	_ =	sdelay $0x2  }
0xb7: {  	v0 =	vshll.u32 v0, $0x2  }
0xb8: {  	v0 =	vadd.s32 v1, v0  }
0xb9: {  	s19 =	simm.s32 $0xA00;
	[tilespmem:s17+$0xA00] =	vst v0  }
0xba: {  	[tilespmem:s30], [sflag:$0x1] =	stream.indirect.gather [hbm4b:s25+s0], $0x10, s19, s0, $0xb8;
	[tilespmem:$0x10000] =	vst v63  }
0xbb: {  	s21 =	simm.s32 $0xA80;
	s19 =	simm.s32 $0x1C00  }
0xbc: {  	[tilespmem:s19], [sflag:$0x1] =	stream.indirect.gather [hbm4b:s25+s0], $0x10, s21, s0, $0xb8;
	[tilespmem:$0x10000] =	vst v63  }
0xbd: {  	s19 =	simm.s32 $0xB00;
	s21 =	simm.s32 $0x2400  }
0xbe: {  	[tilespmem:s21], [sflag:$0x1] =	stream.indirect.gather [hbm4b:s25+s0], $0x10, s19, s0, $0xb8;
	[tilespmem:$0x10000] =	vst v63  }
0xbf: {  	s19 =	simm.s32 $0xB80;
	s21 =	simm.s32 $0x2C00  }
0xc0: {  	[tilespmem:s21], [sflag:$0x1] =	stream.indirect.gather [hbm4b:s25+s0], $0x10, s19, s0, $0xb8;
	[tilespmem:$0x10000] =	vst v63  }
0xc1: {  	s19 =	simm.s32 $0xC00;
	s21 =	simm.s32 $0x3400  }
0xc2: {  	[tilespmem:s21], [sflag:$0x1] =	stream.indirect.gather [hbm4b:s25+s0], $0x10, s19, s0, $0xb8;
	[tilespmem:$0x10000] =	vst v63  }
0xc3: {  	s19 =	simm.s32 $0xC80;
	s21 =	simm.s32 $0x3C00  }
0xc4: {  	[tilespmem:s21], [sflag:$0x1] =	stream.indirect.gather [hbm4b:s25+s0], $0x10, s19, s0, $0xb8;
	[tilespmem:$0x10000] =	vst v63  }
0xc5: {  	s19 =	simm.s32 $0xD00;
	s21 =	simm.s32 $0x4400  }
0xc6: {  	[tilespmem:s21], [sflag:$0x1] =	stream.indirect.gather [hbm4b:s25+s0], $0x10, s19, s0, $0xb8;
	[tilespmem:$0x10000] =	vst v63  }
0xc7: {  	s19 =	simm.s32 $0xD80;
	s21 =	simm.s32 $0x4C00  }
0xc8: {  	[tilespmem:s21], [sflag:$0x1] =	stream.indirect.gather [hbm4b:s25+s0], $0x10, s19, s0, $0xb8;
	[tilespmem:$0x10000] =	vst v63  }
0xc9: {  	s19 =	simm.s32 $0xE00;
	s21 =	simm.s32 $0x5400  }
0xca: {  	[tilespmem:s21], [sflag:$0x1] =	stream.indirect.gather [hbm4b:s25+s0], $0x10, s19, s0, $0xb8;
	[tilespmem:$0x10000] =	vst v63  }
0xcb: {  	s19 =	simm.s32 $0xE80;
	s21 =	simm.s32 $0x5C00  }
0xcc: {  	[tilespmem:s21], [sflag:$0x1] =	stream.indirect.gather [hbm4b:s25+s0], $0x10, s19, s0, $0xb8;
	[tilespmem:$0x10000] =	vst v63  }
0xcd: {  	s19 =	simm.s32 $0xF00  }
0xce: {  	[tilespmem:s23], [sflag:$0x1] =	stream.indirect.gather [hbm4b:s25+s0], $0x10, s19, s0, $0xb8;
	[tilespmem:$0x10000] =	vst v63  }
0xcf: {  	_ = 	snop  }
0xd0: {  	[tilespmem:s26], [sflag:$0x1] =	stream.indirect.gather [hbm4b:s25+s0], $0x10, s24, s0, $0xb8;
	[tilespmem:$0x10000] =	vst v63  }
0xd1: {  	_ = 	snop  }
0xd2: {  	[tilespmem:s29], [sflag:$0x1] =	stream.indirect.gather [hbm4b:s25+s0], $0x10, s28, s0, $0xb8;
	[tilespmem:$0x10000] =	vst v63  }
0xd3: {  	_ = 	snop  }
0xd4: {  	[tilespmem:s20], [sflag:$0x1] =	stream.indirect.gather [hbm4b:s25+s0], $0x10, s22, s0, $0xb8;
	[tilespmem:$0x10000] =	vst v63  }
0xd5: {  	_ = 	snop  }
0xd6: {  	[tilespmem:s2], [sflag:$0x1] =	stream.indirect.gather [hbm4b:s25+s0], $0x10, s1, s0, $0xb8;
	[tilespmem:$0x10000] =	vst v63  }
0xd7: {  	_ = 	snop  }
0xd8: {  	[tilespmem:s4], [sflag:$0x1] =	stream.indirect.gather [hbm4b:s25+s0], $0x10, s3, s0, $0xb8;
	[tilespmem:$0x10000] =	vst v63  }
0xd9: {  	_ = 	snop  }
0xda: {  	[tilespmem:s6], [sflag:$0x1] =	stream.indirect.gather [hbm4b:s25+s0], $0x10, s5, s0, $0xb8;
	[tilespmem:$0x10000] =	vst v63  }
0xdb: {  	_ = 	snop  }
0xdc: {  	[tilespmem:s8], [sflag:$0x1] =	stream.indirect.gather [hbm4b:s25+s0], $0x10, s7, s0, $0xb8;
	[tilespmem:$0x10000] =	vst v63  }
0xdd: {  	_ = 	snop  }
0xde: {  	[tilespmem:s10], [sflag:$0x1] =	stream.indirect.gather [hbm4b:s25+s0], $0x10, s9, s0, $0xb8;
	[tilespmem:$0x10000] =	vst v63  }
0xdf: {  	_ = 	snop  }
0xe0: {  	[tilespmem:s12], [sflag:$0x1] =	stream.indirect.gather [hbm4b:s25+s0], $0x10, s11, s0, $0xb8;
	[tilespmem:$0x10000] =	vst v63  }
0xe1: {  	_ =	swait.ge [sflag:s13], $0x800  }
0xe2: {  	[sflag:s13] =	ssyncset.done $0x0  }
0xe3: {  	[sflag:s13] =	ssyncadd.s32 $0xFFFFF800  }
0xe4: {  	_ =	swait.ge [sflag:s13], $0x800  }
0xe5: {  	[sflag:s13] =	ssyncset.done $0x0  }
0xe6: {  	[sflag:s13] =	ssyncadd.s32 $0xFFFFF800  }
0xe7: {  	_ =	swait.ge [sflag:s13], $0x800  }
0xe8: {  	[sflag:s13] =	ssyncset.done $0x0  }
0xe9: {  	[sflag:s13] =	ssyncadd.s32 $0xFFFFF800  }
0xea: {  	_ =	swait.ge [sflag:s13], $0x800  }
0xeb: {  	[sflag:s13] =	ssyncset.done $0x0  }
0xec: {  	[sflag:s13] =	ssyncadd.s32 $0xFFFFF800  }
0xed: {  	_ =	swait.ge [sflag:s13], $0x800  }
0xee: {  	[sflag:s13] =	ssyncset.done $0x0  }
0xef: {  	[sflag:s13] =	ssyncadd.s32 $0xFFFFF800  }
0xf0: {  	_ =	swait.ge [sflag:s13], $0x800  }
0xf1: {  	[sflag:s13] =	ssyncset.done $0x0  }
0xf2: {  	[sflag:s13] =	ssyncadd.s32 $0xFFFFF800  }
0xf3: {  	_ =	swait.ge [sflag:s13], $0x800  }
0xf4: {  	[sflag:s13] =	ssyncset.done $0x0  }
0xf5: {  	[sflag:s13] =	ssyncadd.s32 $0xFFFFF800  }
0xf6: {  	_ =	swait.ge [sflag:s13], $0x800  }
0xf7: {  	[sflag:s13] =	ssyncset.done $0x0  }
0xf8: {  	[sflag:s13] =	ssyncadd.s32 $0xFFFFF800  }
0xf9: {  	_ =	swait.ge [sflag:s13], $0x800  }
0xfa: {  	[sflag:s13] =	ssyncset.done $0x0  }
0xfb: {  	[sflag:s13] =	ssyncadd.s32 $0xFFFFF800  }
0xfc: {  	_ =	swait.ge [sflag:s13], $0x800  }
0xfd: {  	[sflag:s13] =	ssyncset.done $0x0  }
0xfe: {  	[sflag:s13] =	ssyncadd.s32 $0xFFFFF800  }
0xff: {  	_ =	swait.ge [sflag:s13], $0x800  }
0x100: {  	[sflag:s13] =	ssyncset.done $0x0  }
0x101: {  	[sflag:s13] =	ssyncadd.s32 $0xFFFFF800  }
0x102: {  	_ =	swait.ge [sflag:s13], $0x800  }
0x103: {  	[sflag:s13] =	ssyncset.done $0x0  }
0x104: {  	[sflag:s13] =	ssyncadd.s32 $0xFFFFF800  }
0x105: {  	_ =	swait.ge [sflag:s13], $0x800  }
0x106: {  	[sflag:s13] =	ssyncset.done $0x0  }
0x107: {  	[sflag:s13] =	ssyncadd.s32 $0xFFFFF800  }
0x108: {  	_ =	swait.ge [sflag:s13], $0x800  }
0x109: {  	[sflag:s13] =	ssyncset.done $0x0  }
0x10a: {  	[sflag:s13] =	ssyncadd.s32 $0xFFFFF800  }
0x10b: {  	_ =	swait.ge [sflag:s13], $0x800  }
0x10c: {  	[sflag:s13] =	ssyncset.done $0x0  }
0x10d: {  	[sflag:s13] =	ssyncadd.s32 $0xFFFFF800  }
0x10e: {  	_ =	swait.ge [sflag:s13], $0x800  }
0x10f: {  	[sflag:s13] =	ssyncset.done $0x0  }
0x110: {  	[sflag:s13] =	ssyncadd.s32 $0xFFFFF800  }
0x111: {  	_ =	swait.ge [sflag:s13], $0x800  }
0x112: {  	[sflag:s13] =	ssyncset.done $0x0  }
0x113: {  	[sflag:s13] =	ssyncadd.s32 $0xFFFFF800  }
0x114: {  	_ =	swait.ge [sflag:s13], $0x800  }
0x115: {  	[sflag:s13] =	ssyncset.done $0x0  }
0x116: {  	[sflag:s13] =	ssyncadd.s32 $0xFFFFF800  }
0x117: {  	_ =	swait.ge [sflag:s13], $0x800  }
0x118: {  	[sflag:s13] =	ssyncset.done $0x0  }
0x119: {  	[sflag:s13] =	ssyncadd.s32 $0xFFFFF800  }
0x11a: {  	_ =	swait.ge [sflag:s13], $0x800  }
0x11b: {  	[sflag:s13] =	ssyncset.done $0x0  }
0x11c: {  	s17 =	simm.s32 $0x0;
	s21 =	rddreg [dreg:$0x8];
	[sflag:s13] =	ssyncadd.s32 $0xFFFFF800  }
0x11d: {  	[hbm4b:s21+s17] =	stream.linear.scatter [tilespmem:s30], [sflag:$0x3], $0xA000, $0x38;
	[tilespmem:$0x10000] =	vst v63  }
0x11e: {  	_ =	swait.ge [sflag:s31], $0xA000  }
0x11f: {  	[sflag:s31] =	ssyncset.done $0x0  }
0x120: {  	s21 =	rddreg [dreg:$0x9];
	[sflag:s31] =	ssyncadd.s32 $0xFFFF6000  }
0x121: {  	[tilespmem:s17], [sflag:$0x3] =	stream.linear.gather [hbm4b:s21+s17], $0xA00, $0x38;
	[tilespmem:$0x10000] =	vst v63  }
0x122: {  	_ =	swait.ge [sflag:s31], $0xA00  }
0x123: {  	[sflag:s31] =	ssyncset.done $0x0  }
0x124: {  	s17 =	simm.s32 $0x0;
	[sflag:s31] =	ssyncadd.s32 $0xFFFFF600  }
0x125: {  	v0 =	vld [tilespmem:s17+$0x0]  }
0x126: {  	s19 =	simm.s32 $0x40;
	v1 =	vld [tilespmem:s17+$0xF600]  }
.LBB2_6:
0x127: {  	p0 =	sne.s32 s19, $0x27C0  }
.Ltmp2:
0x128: {  	_ = 	snop;
	(pc) =	sbr.rel @p0 .LBB2_6-.Ltmp2, $4  }
0x129: {  	_ = 	snop  }
0x12a: {  	s21 =	sshra.s32 s19, $0x2;
	s19 =	sadd.s32 $0x40, s19;
	v2 =	vshll.u32 v0, $0x2  }
0x12b: {  	v0 =	vld [tilespmem:s21+$0x0];
	v2 =	vadd.s32 v1, v2  }
0x12c: {  	v1 =	vld [tilespmem:s21+$0xF600];
	[tilespmem:s17+$0xA00] =	vst v2;
	s17 =	smov.u32 s21  }
0x12d: {  	_ =	sdelay $0x2  }
0x12e: {  	v0 =	vshll.u32 v0, $0x2  }
0x12f: {  	v0 =	vadd.s32 v1, v0  }
0x130: {  	s19 =	simm.s32 $0xA00;
	[tilespmem:s17+$0xA00] =	vst v0  }
0x131: {  	[tilespmem:s30], [sflag:$0x1] =	stream.indirect.gather [hbm4b:s25+s0], $0x10, s19, s0, $0xb8;
	[tilespmem:$0x10000] =	vst v63  }
0x132: {  	s21 =	simm.s32 $0xA80;
	s19 =	simm.s32 $0x1C00  }
0x133: {  	[tilespmem:s19], [sflag:$0x1] =	stream.indirect.gather [hbm4b:s25+s0], $0x10, s21, s0, $0xb8;
	[tilespmem:$0x10000] =	vst v63  }
0x134: {  	s19 =	simm.s32 $0xB00;
	s21 =	simm.s32 $0x2400  }
0x135: {  	[tilespmem:s21], [sflag:$0x1] =	stream.indirect.gather [hbm4b:s25+s0], $0x10, s19, s0, $0xb8;
	[tilespmem:$0x10000] =	vst v63  }
0x136: {  	s19 =	simm.s32 $0xB80;
	s21 =	simm.s32 $0x2C00  }
0x137: {  	[tilespmem:s21], [sflag:$0x1] =	stream.indirect.gather [hbm4b:s25+s0], $0x10, s19, s0, $0xb8;
	[tilespmem:$0x10000] =	vst v63  }
0x138: {  	s19 =	simm.s32 $0xC00;
	s21 =	simm.s32 $0x3400  }
0x139: {  	[tilespmem:s21], [sflag:$0x1] =	stream.indirect.gather [hbm4b:s25+s0], $0x10, s19, s0, $0xb8;
	[tilespmem:$0x10000] =	vst v63  }
0x13a: {  	s19 =	simm.s32 $0xC80;
	s21 =	simm.s32 $0x3C00  }
0x13b: {  	[tilespmem:s21], [sflag:$0x1] =	stream.indirect.gather [hbm4b:s25+s0], $0x10, s19, s0, $0xb8;
	[tilespmem:$0x10000] =	vst v63  }
0x13c: {  	s19 =	simm.s32 $0xD00;
	s21 =	simm.s32 $0x4400  }
0x13d: {  	[tilespmem:s21], [sflag:$0x1] =	stream.indirect.gather [hbm4b:s25+s0], $0x10, s19, s0, $0xb8;
	[tilespmem:$0x10000] =	vst v63  }
0x13e: {  	s19 =	simm.s32 $0xD80;
	s21 =	simm.s32 $0x4C00  }
0x13f: {  	[tilespmem:s21], [sflag:$0x1] =	stream.indirect.gather [hbm4b:s25+s0], $0x10, s19, s0, $0xb8;
	[tilespmem:$0x10000] =	vst v63  }
0x140: {  	s19 =	simm.s32 $0xE00;
	s21 =	simm.s32 $0x5400  }
0x141: {  	[tilespmem:s21], [sflag:$0x1] =	stream.indirect.gather [hbm4b:s25+s0], $0x10, s19, s0, $0xb8;
	[tilespmem:$0x10000] =	vst v63  }
0x142: {  	s19 =	simm.s32 $0xE80;
	s21 =	simm.s32 $0x5C00  }
0x143: {  	[tilespmem:s21], [sflag:$0x1] =	stream.indirect.gather [hbm4b:s25+s0], $0x10, s19, s0, $0xb8;
	[tilespmem:$0x10000] =	vst v63  }
0x144: {  	s19 =	simm.s32 $0xF00  }
0x145: {  	[tilespmem:s23], [sflag:$0x1] =	stream.indirect.gather [hbm4b:s25+s0], $0x10, s19, s0, $0xb8;
	[tilespmem:$0x10000] =	vst v63  }
0x146: {  	_ = 	snop  }
0x147: {  	[tilespmem:s26], [sflag:$0x1] =	stream.indirect.gather [hbm4b:s25+s0], $0x10, s24, s0, $0xb8;
	[tilespmem:$0x10000] =	vst v63  }
0x148: {  	_ = 	snop  }
0x149: {  	[tilespmem:s29], [sflag:$0x1] =	stream.indirect.gather [hbm4b:s25+s0], $0x10, s28, s0, $0xb8;
	[tilespmem:$0x10000] =	vst v63  }
0x14a: {  	_ = 	snop  }
0x14b: {  	[tilespmem:s20], [sflag:$0x1] =	stream.indirect.gather [hbm4b:s25+s0], $0x10, s22, s0, $0xb8;
	[tilespmem:$0x10000] =	vst v63  }
0x14c: {  	_ = 	snop  }
0x14d: {  	[tilespmem:s2], [sflag:$0x1] =	stream.indirect.gather [hbm4b:s25+s0], $0x10, s1, s0, $0xb8;
	[tilespmem:$0x10000] =	vst v63  }
0x14e: {  	_ = 	snop  }
0x14f: {  	[tilespmem:s4], [sflag:$0x1] =	stream.indirect.gather [hbm4b:s25+s0], $0x10, s3, s0, $0xb8;
	[tilespmem:$0x10000] =	vst v63  }
0x150: {  	_ = 	snop  }
0x151: {  	[tilespmem:s6], [sflag:$0x1] =	stream.indirect.gather [hbm4b:s25+s0], $0x10, s5, s0, $0xb8;
	[tilespmem:$0x10000] =	vst v63  }
0x152: {  	_ = 	snop  }
0x153: {  	[tilespmem:s8], [sflag:$0x1] =	stream.indirect.gather [hbm4b:s25+s0], $0x10, s7, s0, $0xb8;
	[tilespmem:$0x10000] =	vst v63  }
0x154: {  	_ = 	snop  }
0x155: {  	[tilespmem:s10], [sflag:$0x1] =	stream.indirect.gather [hbm4b:s25+s0], $0x10, s9, s0, $0xb8;
	[tilespmem:$0x10000] =	vst v63  }
0x156: {  	_ = 	snop  }
0x157: {  	[tilespmem:s12], [sflag:$0x1] =	stream.indirect.gather [hbm4b:s25+s0], $0x10, s11, s0, $0xb8;
	[tilespmem:$0x10000] =	vst v63  }
0x158: {  	_ =	swait.ge [sflag:s13], $0x800  }
0x159: {  	[sflag:s13] =	ssyncset.done $0x0  }
0x15a: {  	[sflag:s13] =	ssyncadd.s32 $0xFFFFF800  }
0x15b: {  	_ =	swait.ge [sflag:s13], $0x800  }
0x15c: {  	[sflag:s13] =	ssyncset.done $0x0  }
0x15d: {  	[sflag:s13] =	ssyncadd.s32 $0xFFFFF800  }
0x15e: {  	_ =	swait.ge [sflag:s13], $0x800  }
0x15f: {  	[sflag:s13] =	ssyncset.done $0x0  }
0x160: {  	[sflag:s13] =	ssyncadd.s32 $0xFFFFF800  }
0x161: {  	_ =	swait.ge [sflag:s13], $0x800  }
0x162: {  	[sflag:s13] =	ssyncset.done $0x0  }
0x163: {  	[sflag:s13] =	ssyncadd.s32 $0xFFFFF800  }
0x164: {  	_ =	swait.ge [sflag:s13], $0x800  }
0x165: {  	[sflag:s13] =	ssyncset.done $0x0  }
0x166: {  	[sflag:s13] =	ssyncadd.s32 $0xFFFFF800  }
0x167: {  	_ =	swait.ge [sflag:s13], $0x800  }
0x168: {  	[sflag:s13] =	ssyncset.done $0x0  }
0x169: {  	[sflag:s13] =	ssyncadd.s32 $0xFFFFF800  }
0x16a: {  	_ =	swait.ge [sflag:s13], $0x800  }
0x16b: {  	[sflag:s13] =	ssyncset.done $0x0  }
0x16c: {  	[sflag:s13] =	ssyncadd.s32 $0xFFFFF800  }
0x16d: {  	_ =	swait.ge [sflag:s13], $0x800  }
0x16e: {  	[sflag:s13] =	ssyncset.done $0x0  }
0x16f: {  	[sflag:s13] =	ssyncadd.s32 $0xFFFFF800  }
0x170: {  	_ =	swait.ge [sflag:s13], $0x800  }
0x171: {  	[sflag:s13] =	ssyncset.done $0x0  }
0x172: {  	[sflag:s13] =	ssyncadd.s32 $0xFFFFF800  }
0x173: {  	_ =	swait.ge [sflag:s13], $0x800  }
0x174: {  	[sflag:s13] =	ssyncset.done $0x0  }
0x175: {  	[sflag:s13] =	ssyncadd.s32 $0xFFFFF800  }
0x176: {  	_ =	swait.ge [sflag:s13], $0x800  }
0x177: {  	[sflag:s13] =	ssyncset.done $0x0  }
0x178: {  	[sflag:s13] =	ssyncadd.s32 $0xFFFFF800  }
0x179: {  	_ =	swait.ge [sflag:s13], $0x800  }
0x17a: {  	[sflag:s13] =	ssyncset.done $0x0  }
0x17b: {  	[sflag:s13] =	ssyncadd.s32 $0xFFFFF800  }
0x17c: {  	_ =	swait.ge [sflag:s13], $0x800  }
0x17d: {  	[sflag:s13] =	ssyncset.done $0x0  }
0x17e: {  	[sflag:s13] =	ssyncadd.s32 $0xFFFFF800  }
0x17f: {  	_ =	swait.ge [sflag:s13], $0x800  }
0x180: {  	[sflag:s13] =	ssyncset.done $0x0  }
0x181: {  	[sflag:s13] =	ssyncadd.s32 $0xFFFFF800  }
0x182: {  	_ =	swait.ge [sflag:s13], $0x800  }
0x183: {  	[sflag:s13] =	ssyncset.done $0x0  }
0x184: {  	[sflag:s13] =	ssyncadd.s32 $0xFFFFF800  }
0x185: {  	_ =	swait.ge [sflag:s13], $0x800  }
0x186: {  	[sflag:s13] =	ssyncset.done $0x0  }
0x187: {  	[sflag:s13] =	ssyncadd.s32 $0xFFFFF800  }
0x188: {  	_ =	swait.ge [sflag:s13], $0x800  }
0x189: {  	[sflag:s13] =	ssyncset.done $0x0  }
0x18a: {  	[sflag:s13] =	ssyncadd.s32 $0xFFFFF800  }
0x18b: {  	_ =	swait.ge [sflag:s13], $0x800  }
0x18c: {  	[sflag:s13] =	ssyncset.done $0x0  }
0x18d: {  	[sflag:s13] =	ssyncadd.s32 $0xFFFFF800  }
0x18e: {  	_ =	swait.ge [sflag:s13], $0x800  }
0x18f: {  	[sflag:s13] =	ssyncset.done $0x0  }
0x190: {  	[sflag:s13] =	ssyncadd.s32 $0xFFFFF800  }
0x191: {  	_ =	swait.ge [sflag:s13], $0x800  }
0x192: {  	[sflag:s13] =	ssyncset.done $0x0  }
0x193: {  	s17 =	simm.s32 $0x0;
	s21 =	rddreg [dreg:$0xa];
	[sflag:s13] =	ssyncadd.s32 $0xFFFFF800  }
0x194: {  	[hbm4b:s21+s17] =	stream.linear.scatter [tilespmem:s30], [sflag:$0x3], $0xA000, $0x38;
	[tilespmem:$0x10000] =	vst v63  }
0x195: {  	_ =	swait.ge [sflag:s31], $0xA000  }
0x196: {  	[sflag:s31] =	ssyncset.done $0x0  }
0x197: {  	s21 =	rddreg [dreg:$0xb];
	[sflag:s31] =	ssyncadd.s32 $0xFFFF6000  }
0x198: {  	[tilespmem:s17], [sflag:$0x3] =	stream.linear.gather [hbm4b:s21+s17], $0xA00, $0x38;
	[tilespmem:$0x10000] =	vst v63  }
0x199: {  	_ =	swait.ge [sflag:s31], $0xA00  }
0x19a: {  	[sflag:s31] =	ssyncset.done $0x0  }
0x19b: {  	s17 =	simm.s32 $0x0;
	[sflag:s31] =	ssyncadd.s32 $0xFFFFF600  }
0x19c: {  	v0 =	vld [tilespmem:s17+$0x0]  }
0x19d: {  	s19 =	simm.s32 $0x40;
	v1 =	vld [tilespmem:s17+$0xF600]  }
.LBB2_8:
0x19e: {  	p0 =	sne.s32 s19, $0x27C0  }
.Ltmp3:
0x19f: {  	_ = 	snop;
	(pc) =	sbr.rel @p0 .LBB2_8-.Ltmp3, $4  }
0x1a0: {  	_ = 	snop  }
0x1a1: {  	s21 =	sshra.s32 s19, $0x2;
	s19 =	sadd.s32 $0x40, s19;
	v2 =	vshll.u32 v0, $0x2  }
0x1a2: {  	v0 =	vld [tilespmem:s21+$0x0];
	v2 =	vadd.s32 v1, v2  }
0x1a3: {  	v1 =	vld [tilespmem:s21+$0xF600];
	[tilespmem:s17+$0xA00] =	vst v2;
	s17 =	smov.u32 s21  }
0x1a4: {  	_ =	sdelay $0x2  }
0x1a5: {  	v0 =	vshll.u32 v0, $0x2  }
0x1a6: {  	v0 =	vadd.s32 v1, v0  }
0x1a7: {  	s19 =	simm.s32 $0xA00;
	[tilespmem:s17+$0xA00] =	vst v0  }
0x1a8: {  	[tilespmem:s30], [sflag:$0x1] =	stream.indirect.gather [hbm4b:s25+s0], $0x10, s19, s0, $0xb8;
	[tilespmem:$0x10000] =	vst v63  }
0x1a9: {  	s21 =	simm.s32 $0xA80;
	s19 =	simm.s32 $0x1C00  }
0x1aa: {  	[tilespmem:s19], [sflag:$0x1] =	stream.indirect.gather [hbm4b:s25+s0], $0x10, s21, s0, $0xb8;
	[tilespmem:$0x10000] =	vst v63  }
0x1ab: {  	s19 =	simm.s32 $0xB00;
	s21 =	simm.s32 $0x2400  }
0x1ac: {  	[tilespmem:s21], [sflag:$0x1] =	stream.indirect.gather [hbm4b:s25+s0], $0x10, s19, s0, $0xb8;
	[tilespmem:$0x10000] =	vst v63  }
0x1ad: {  	s19 =	simm.s32 $0xB80;
	s21 =	simm.s32 $0x2C00  }
0x1ae: {  	[tilespmem:s21], [sflag:$0x1] =	stream.indirect.gather [hbm4b:s25+s0], $0x10, s19, s0, $0xb8;
	[tilespmem:$0x10000] =	vst v63  }
0x1af: {  	s19 =	simm.s32 $0xC00;
	s21 =	simm.s32 $0x3400  }
0x1b0: {  	[tilespmem:s21], [sflag:$0x1] =	stream.indirect.gather [hbm4b:s25+s0], $0x10, s19, s0, $0xb8;
	[tilespmem:$0x10000] =	vst v63  }
0x1b1: {  	s19 =	simm.s32 $0xC80;
	s21 =	simm.s32 $0x3C00  }
0x1b2: {  	[tilespmem:s21], [sflag:$0x1] =	stream.indirect.gather [hbm4b:s25+s0], $0x10, s19, s0, $0xb8;
	[tilespmem:$0x10000] =	vst v63  }
0x1b3: {  	s19 =	simm.s32 $0xD00;
	s21 =	simm.s32 $0x4400  }
0x1b4: {  	[tilespmem:s21], [sflag:$0x1] =	stream.indirect.gather [hbm4b:s25+s0], $0x10, s19, s0, $0xb8;
	[tilespmem:$0x10000] =	vst v63  }
0x1b5: {  	s19 =	simm.s32 $0xD80;
	s21 =	simm.s32 $0x4C00  }
0x1b6: {  	[tilespmem:s21], [sflag:$0x1] =	stream.indirect.gather [hbm4b:s25+s0], $0x10, s19, s0, $0xb8;
	[tilespmem:$0x10000] =	vst v63  }
0x1b7: {  	s19 =	simm.s32 $0xE00;
	s21 =	simm.s32 $0x5400  }
0x1b8: {  	[tilespmem:s21], [sflag:$0x1] =	stream.indirect.gather [hbm4b:s25+s0], $0x10, s19, s0, $0xb8;
	[tilespmem:$0x10000] =	vst v63  }
0x1b9: {  	s19 =	simm.s32 $0xE80;
	s21 =	simm.s32 $0x5C00  }
0x1ba: {  	[tilespmem:s21], [sflag:$0x1] =	stream.indirect.gather [hbm4b:s25+s0], $0x10, s19, s0, $0xb8;
	[tilespmem:$0x10000] =	vst v63  }
0x1bb: {  	s19 =	simm.s32 $0xF00  }
0x1bc: {  	[tilespmem:s23], [sflag:$0x1] =	stream.indirect.gather [hbm4b:s25+s0], $0x10, s19, s0, $0xb8;
	[tilespmem:$0x10000] =	vst v63  }
0x1bd: {  	_ = 	snop  }
0x1be: {  	[tilespmem:s26], [sflag:$0x1] =	stream.indirect.gather [hbm4b:s25+s0], $0x10, s24, s0, $0xb8;
	[tilespmem:$0x10000] =	vst v63  }
0x1bf: {  	_ = 	snop  }
0x1c0: {  	[tilespmem:s29], [sflag:$0x1] =	stream.indirect.gather [hbm4b:s25+s0], $0x10, s28, s0, $0xb8;
	[tilespmem:$0x10000] =	vst v63  }
0x1c1: {  	_ = 	snop  }
0x1c2: {  	[tilespmem:s20], [sflag:$0x1] =	stream.indirect.gather [hbm4b:s25+s0], $0x10, s22, s0, $0xb8;
	[tilespmem:$0x10000] =	vst v63  }
0x1c3: {  	_ = 	snop  }
0x1c4: {  	[tilespmem:s2], [sflag:$0x1] =	stream.indirect.gather [hbm4b:s25+s0], $0x10, s1, s0, $0xb8;
	[tilespmem:$0x10000] =	vst v63  }
0x1c5: {  	_ = 	snop  }
0x1c6: {  	[tilespmem:s4], [sflag:$0x1] =	stream.indirect.gather [hbm4b:s25+s0], $0x10, s3, s0, $0xb8;
	[tilespmem:$0x10000] =	vst v63  }
0x1c7: {  	_ = 	snop  }
0x1c8: {  	[tilespmem:s6], [sflag:$0x1] =	stream.indirect.gather [hbm4b:s25+s0], $0x10, s5, s0, $0xb8;
	[tilespmem:$0x10000] =	vst v63  }
0x1c9: {  	_ = 	snop  }
0x1ca: {  	[tilespmem:s8], [sflag:$0x1] =	stream.indirect.gather [hbm4b:s25+s0], $0x10, s7, s0, $0xb8;
	[tilespmem:$0x10000] =	vst v63  }
0x1cb: {  	_ = 	snop  }
0x1cc: {  	[tilespmem:s10], [sflag:$0x1] =	stream.indirect.gather [hbm4b:s25+s0], $0x10, s9, s0, $0xb8;
	[tilespmem:$0x10000] =	vst v63  }
0x1cd: {  	_ = 	snop  }
0x1ce: {  	[tilespmem:s12], [sflag:$0x1] =	stream.indirect.gather [hbm4b:s25+s0], $0x10, s11, s0, $0xb8;
	[tilespmem:$0x10000] =	vst v63  }
0x1cf: {  	_ =	swait.ge [sflag:s13], $0x800  }
0x1d0: {  	[sflag:s13] =	ssyncset.done $0x0  }
0x1d1: {  	[sflag:s13] =	ssyncadd.s32 $0xFFFFF800  }
0x1d2: {  	_ =	swait.ge [sflag:s13], $0x800  }
0x1d3: {  	[sflag:s13] =	ssyncset.done $0x0  }
0x1d4: {  	[sflag:s13] =	ssyncadd.s32 $0xFFFFF800  }
0x1d5: {  	_ =	swait.ge [sflag:s13], $0x800  }
0x1d6: {  	[sflag:s13] =	ssyncset.done $0x0  }
0x1d7: {  	[sflag:s13] =	ssyncadd.s32 $0xFFFFF800  }
0x1d8: {  	_ =	swait.ge [sflag:s13], $0x800  }
0x1d9: {  	[sflag:s13] =	ssyncset.done $0x0  }
0x1da: {  	[sflag:s13] =	ssyncadd.s32 $0xFFFFF800  }
0x1db: {  	_ =	swait.ge [sflag:s13], $0x800  }
0x1dc: {  	[sflag:s13] =	ssyncset.done $0x0  }
0x1dd: {  	[sflag:s13] =	ssyncadd.s32 $0xFFFFF800  }
0x1de: {  	_ =	swait.ge [sflag:s13], $0x800  }
0x1df: {  	[sflag:s13] =	ssyncset.done $0x0  }
0x1e0: {  	[sflag:s13] =	ssyncadd.s32 $0xFFFFF800  }
0x1e1: {  	_ =	swait.ge [sflag:s13], $0x800  }
0x1e2: {  	[sflag:s13] =	ssyncset.done $0x0  }
0x1e3: {  	[sflag:s13] =	ssyncadd.s32 $0xFFFFF800  }
0x1e4: {  	_ =	swait.ge [sflag:s13], $0x800  }
0x1e5: {  	[sflag:s13] =	ssyncset.done $0x0  }
0x1e6: {  	[sflag:s13] =	ssyncadd.s32 $0xFFFFF800  }
0x1e7: {  	_ =	swait.ge [sflag:s13], $0x800  }
0x1e8: {  	[sflag:s13] =	ssyncset.done $0x0  }
0x1e9: {  	[sflag:s13] =	ssyncadd.s32 $0xFFFFF800  }
0x1ea: {  	_ =	swait.ge [sflag:s13], $0x800  }
0x1eb: {  	[sflag:s13] =	ssyncset.done $0x0  }
0x1ec: {  	[sflag:s13] =	ssyncadd.s32 $0xFFFFF800  }
0x1ed: {  	_ =	swait.ge [sflag:s13], $0x800  }
0x1ee: {  	[sflag:s13] =	ssyncset.done $0x0  }
0x1ef: {  	[sflag:s13] =	ssyncadd.s32 $0xFFFFF800  }
0x1f0: {  	_ =	swait.ge [sflag:s13], $0x800  }
0x1f1: {  	[sflag:s13] =	ssyncset.done $0x0  }
0x1f2: {  	[sflag:s13] =	ssyncadd.s32 $0xFFFFF800  }
0x1f3: {  	_ =	swait.ge [sflag:s13], $0x800  }
0x1f4: {  	[sflag:s13] =	ssyncset.done $0x0  }
0x1f5: {  	[sflag:s13] =	ssyncadd.s32 $0xFFFFF800  }
0x1f6: {  	_ =	swait.ge [sflag:s13], $0x800  }
0x1f7: {  	[sflag:s13] =	ssyncset.done $0x0  }
0x1f8: {  	[sflag:s13] =	ssyncadd.s32 $0xFFFFF800  }
0x1f9: {  	_ =	swait.ge [sflag:s13], $0x800  }
0x1fa: {  	[sflag:s13] =	ssyncset.done $0x0  }
0x1fb: {  	[sflag:s13] =	ssyncadd.s32 $0xFFFFF800  }
0x1fc: {  	_ =	swait.ge [sflag:s13], $0x800  }
0x1fd: {  	[sflag:s13] =	ssyncset.done $0x0  }
0x1fe: {  	[sflag:s13] =	ssyncadd.s32 $0xFFFFF800  }
0x1ff: {  	_ =	swait.ge [sflag:s13], $0x800  }
0x200: {  	[sflag:s13] =	ssyncset.done $0x0  }
0x201: {  	[sflag:s13] =	ssyncadd.s32 $0xFFFFF800  }
0x202: {  	_ =	swait.ge [sflag:s13], $0x800  }
0x203: {  	[sflag:s13] =	ssyncset.done $0x0  }
0x204: {  	[sflag:s13] =	ssyncadd.s32 $0xFFFFF800  }
0x205: {  	_ =	swait.ge [sflag:s13], $0x800  }
0x206: {  	[sflag:s13] =	ssyncset.done $0x0  }
0x207: {  	[sflag:s13] =	ssyncadd.s32 $0xFFFFF800  }
0x208: {  	_ =	swait.ge [sflag:s13], $0x800  }
0x209: {  	[sflag:s13] =	ssyncset.done $0x0  }
0x20a: {  	s17 =	simm.s32 $0x0;
	s21 =	rddreg [dreg:$0xc];
	[sflag:s13] =	ssyncadd.s32 $0xFFFFF800  }
0x20b: {  	[hbm4b:s21+s17] =	stream.linear.scatter [tilespmem:s30], [sflag:$0x3], $0xA000, $0x38;
	[tilespmem:$0x10000] =	vst v63  }
0x20c: {  	_ =	swait.ge [sflag:s31], $0xA000  }
0x20d: {  	[sflag:s31] =	ssyncset.done $0x0  }
0x20e: {  	s21 =	rddreg [dreg:$0xd];
	[sflag:s31] =	ssyncadd.s32 $0xFFFF6000  }
0x20f: {  	[tilespmem:s17], [sflag:$0x3] =	stream.linear.gather [hbm4b:s21+s17], $0xA00, $0x38;
	[tilespmem:$0x10000] =	vst v63  }
0x210: {  	_ =	swait.ge [sflag:s31], $0xA00  }
0x211: {  	[sflag:s31] =	ssyncset.done $0x0  }
0x212: {  	s17 =	simm.s32 $0x0;
	[sflag:s31] =	ssyncadd.s32 $0xFFFFF600  }
0x213: {  	v0 =	vld [tilespmem:s17+$0x0]  }
0x214: {  	s19 =	simm.s32 $0x40;
	v1 =	vld [tilespmem:s17+$0xF600]  }
.LBB2_10:
0x215: {  	p0 =	sne.s32 s19, $0x27C0  }
.Ltmp4:
0x216: {  	_ = 	snop;
	(pc) =	sbr.rel @p0 .LBB2_10-.Ltmp4, $4  }
0x217: {  	_ = 	snop  }
0x218: {  	s21 =	sshra.s32 s19, $0x2;
	s19 =	sadd.s32 $0x40, s19;
	v2 =	vshll.u32 v0, $0x2  }
0x219: {  	v0 =	vld [tilespmem:s21+$0x0];
	v2 =	vadd.s32 v1, v2  }
0x21a: {  	v1 =	vld [tilespmem:s21+$0xF600];
	[tilespmem:s17+$0xA00] =	vst v2;
	s17 =	smov.u32 s21  }
0x21b: {  	_ =	sdelay $0x2  }
0x21c: {  	v0 =	vshll.u32 v0, $0x2  }
0x21d: {  	v0 =	vadd.s32 v1, v0  }
0x21e: {  	s19 =	simm.s32 $0xA00;
	[tilespmem:s17+$0xA00] =	vst v0  }
0x21f: {  	[tilespmem:s30], [sflag:$0x1] =	stream.indirect.gather [hbm4b:s25+s0], $0x10, s19, s0, $0xb8;
	[tilespmem:$0x10000] =	vst v63  }
0x220: {  	s21 =	simm.s32 $0xA80;
	s19 =	simm.s32 $0x1C00  }
0x221: {  	[tilespmem:s19], [sflag:$0x1] =	stream.indirect.gather [hbm4b:s25+s0], $0x10, s21, s0, $0xb8;
	[tilespmem:$0x10000] =	vst v63  }
0x222: {  	s19 =	simm.s32 $0xB00;
	s21 =	simm.s32 $0x2400  }
0x223: {  	[tilespmem:s21], [sflag:$0x1] =	stream.indirect.gather [hbm4b:s25+s0], $0x10, s19, s0, $0xb8;
	[tilespmem:$0x10000] =	vst v63  }
0x224: {  	s19 =	simm.s32 $0xB80;
	s21 =	simm.s32 $0x2C00  }
0x225: {  	[tilespmem:s21], [sflag:$0x1] =	stream.indirect.gather [hbm4b:s25+s0], $0x10, s19, s0, $0xb8;
	[tilespmem:$0x10000] =	vst v63  }
0x226: {  	s19 =	simm.s32 $0xC00;
	s21 =	simm.s32 $0x3400  }
0x227: {  	[tilespmem:s21], [sflag:$0x1] =	stream.indirect.gather [hbm4b:s25+s0], $0x10, s19, s0, $0xb8;
	[tilespmem:$0x10000] =	vst v63  }
0x228: {  	s19 =	simm.s32 $0xC80;
	s21 =	simm.s32 $0x3C00  }
0x229: {  	[tilespmem:s21], [sflag:$0x1] =	stream.indirect.gather [hbm4b:s25+s0], $0x10, s19, s0, $0xb8;
	[tilespmem:$0x10000] =	vst v63  }
0x22a: {  	s19 =	simm.s32 $0xD00;
	s21 =	simm.s32 $0x4400  }
0x22b: {  	[tilespmem:s21], [sflag:$0x1] =	stream.indirect.gather [hbm4b:s25+s0], $0x10, s19, s0, $0xb8;
	[tilespmem:$0x10000] =	vst v63  }
0x22c: {  	s19 =	simm.s32 $0xD80;
	s21 =	simm.s32 $0x4C00  }
0x22d: {  	[tilespmem:s21], [sflag:$0x1] =	stream.indirect.gather [hbm4b:s25+s0], $0x10, s19, s0, $0xb8;
	[tilespmem:$0x10000] =	vst v63  }
0x22e: {  	s19 =	simm.s32 $0xE00;
	s21 =	simm.s32 $0x5400  }
0x22f: {  	[tilespmem:s21], [sflag:$0x1] =	stream.indirect.gather [hbm4b:s25+s0], $0x10, s19, s0, $0xb8;
	[tilespmem:$0x10000] =	vst v63  }
0x230: {  	s19 =	simm.s32 $0xE80;
	s21 =	simm.s32 $0x5C00  }
0x231: {  	[tilespmem:s21], [sflag:$0x1] =	stream.indirect.gather [hbm4b:s25+s0], $0x10, s19, s0, $0xb8;
	[tilespmem:$0x10000] =	vst v63  }
0x232: {  	s19 =	simm.s32 $0xF00  }
0x233: {  	[tilespmem:s23], [sflag:$0x1] =	stream.indirect.gather [hbm4b:s25+s0], $0x10, s19, s0, $0xb8;
	[tilespmem:$0x10000] =	vst v63  }
0x234: {  	_ = 	snop  }
0x235: {  	[tilespmem:s26], [sflag:$0x1] =	stream.indirect.gather [hbm4b:s25+s0], $0x10, s24, s0, $0xb8;
	[tilespmem:$0x10000] =	vst v63  }
0x236: {  	_ = 	snop  }
0x237: {  	[tilespmem:s29], [sflag:$0x1] =	stream.indirect.gather [hbm4b:s25+s0], $0x10, s28, s0, $0xb8;
	[tilespmem:$0x10000] =	vst v63  }
0x238: {  	_ = 	snop  }
0x239: {  	[tilespmem:s20], [sflag:$0x1] =	stream.indirect.gather [hbm4b:s25+s0], $0x10, s22, s0, $0xb8;
	[tilespmem:$0x10000] =	vst v63  }
0x23a: {  	_ = 	snop  }
0x23b: {  	[tilespmem:s2], [sflag:$0x1] =	stream.indirect.gather [hbm4b:s25+s0], $0x10, s1, s0, $0xb8;
	[tilespmem:$0x10000] =	vst v63  }
0x23c: {  	_ = 	snop  }
0x23d: {  	[tilespmem:s4], [sflag:$0x1] =	stream.indirect.gather [hbm4b:s25+s0], $0x10, s3, s0, $0xb8;
	[tilespmem:$0x10000] =	vst v63  }
0x23e: {  	_ = 	snop  }
0x23f: {  	[tilespmem:s6], [sflag:$0x1] =	stream.indirect.gather [hbm4b:s25+s0], $0x10, s5, s0, $0xb8;
	[tilespmem:$0x10000] =	vst v63  }
0x240: {  	_ = 	snop  }
0x241: {  	[tilespmem:s8], [sflag:$0x1] =	stream.indirect.gather [hbm4b:s25+s0], $0x10, s7, s0, $0xb8;
	[tilespmem:$0x10000] =	vst v63  }
0x242: {  	_ = 	snop  }
0x243: {  	[tilespmem:s10], [sflag:$0x1] =	stream.indirect.gather [hbm4b:s25+s0], $0x10, s9, s0, $0xb8;
	[tilespmem:$0x10000] =	vst v63  }
0x244: {  	_ = 	snop  }
0x245: {  	[tilespmem:s12], [sflag:$0x1] =	stream.indirect.gather [hbm4b:s25+s0], $0x10, s11, s0, $0xb8;
	[tilespmem:$0x10000] =	vst v63  }
0x246: {  	_ =	swait.ge [sflag:s13], $0x800  }
0x247: {  	[sflag:s13] =	ssyncset.done $0x0  }
0x248: {  	[sflag:s13] =	ssyncadd.s32 $0xFFFFF800  }
0x249: {  	_ =	swait.ge [sflag:s13], $0x800  }
0x24a: {  	[sflag:s13] =	ssyncset.done $0x0  }
0x24b: {  	[sflag:s13] =	ssyncadd.s32 $0xFFFFF800  }
0x24c: {  	_ =	swait.ge [sflag:s13], $0x800  }
0x24d: {  	[sflag:s13] =	ssyncset.done $0x0  }
0x24e: {  	[sflag:s13] =	ssyncadd.s32 $0xFFFFF800  }
0x24f: {  	_ =	swait.ge [sflag:s13], $0x800  }
0x250: {  	[sflag:s13] =	ssyncset.done $0x0  }
0x251: {  	[sflag:s13] =	ssyncadd.s32 $0xFFFFF800  }
0x252: {  	_ =	swait.ge [sflag:s13], $0x800  }
0x253: {  	[sflag:s13] =	ssyncset.done $0x0  }
0x254: {  	[sflag:s13] =	ssyncadd.s32 $0xFFFFF800  }
0x255: {  	_ =	swait.ge [sflag:s13], $0x800  }
0x256: {  	[sflag:s13] =	ssyncset.done $0x0  }
0x257: {  	[sflag:s13] =	ssyncadd.s32 $0xFFFFF800  }
0x258: {  	_ =	swait.ge [sflag:s13], $0x800  }
0x259: {  	[sflag:s13] =	ssyncset.done $0x0  }
0x25a: {  	[sflag:s13] =	ssyncadd.s32 $0xFFFFF800  }
0x25b: {  	_ =	swait.ge [sflag:s13], $0x800  }
0x25c: {  	[sflag:s13] =	ssyncset.done $0x0  }
0x25d: {  	[sflag:s13] =	ssyncadd.s32 $0xFFFFF800  }
0x25e: {  	_ =	swait.ge [sflag:s13], $0x800  }
0x25f: {  	[sflag:s13] =	ssyncset.done $0x0  }
0x260: {  	[sflag:s13] =	ssyncadd.s32 $0xFFFFF800  }
0x261: {  	_ =	swait.ge [sflag:s13], $0x800  }
0x262: {  	[sflag:s13] =	ssyncset.done $0x0  }
0x263: {  	[sflag:s13] =	ssyncadd.s32 $0xFFFFF800  }
0x264: {  	_ =	swait.ge [sflag:s13], $0x800  }
0x265: {  	[sflag:s13] =	ssyncset.done $0x0  }
0x266: {  	[sflag:s13] =	ssyncadd.s32 $0xFFFFF800  }
0x267: {  	_ =	swait.ge [sflag:s13], $0x800  }
0x268: {  	[sflag:s13] =	ssyncset.done $0x0  }
0x269: {  	[sflag:s13] =	ssyncadd.s32 $0xFFFFF800  }
0x26a: {  	_ =	swait.ge [sflag:s13], $0x800  }
0x26b: {  	[sflag:s13] =	ssyncset.done $0x0  }
0x26c: {  	[sflag:s13] =	ssyncadd.s32 $0xFFFFF800  }
0x26d: {  	_ =	swait.ge [sflag:s13], $0x800  }
0x26e: {  	[sflag:s13] =	ssyncset.done $0x0  }
0x26f: {  	[sflag:s13] =	ssyncadd.s32 $0xFFFFF800  }
0x270: {  	_ =	swait.ge [sflag:s13], $0x800  }
0x271: {  	[sflag:s13] =	ssyncset.done $0x0  }
0x272: {  	[sflag:s13] =	ssyncadd.s32 $0xFFFFF800  }
0x273: {  	_ =	swait.ge [sflag:s13], $0x800  }
0x274: {  	[sflag:s13] =	ssyncset.done $0x0  }
0x275: {  	[sflag:s13] =	ssyncadd.s32 $0xFFFFF800  }
0x276: {  	_ =	swait.ge [sflag:s13], $0x800  }
0x277: {  	[sflag:s13] =	ssyncset.done $0x0  }
0x278: {  	[sflag:s13] =	ssyncadd.s32 $0xFFFFF800  }
0x279: {  	_ =	swait.ge [sflag:s13], $0x800  }
0x27a: {  	[sflag:s13] =	ssyncset.done $0x0  }
0x27b: {  	[sflag:s13] =	ssyncadd.s32 $0xFFFFF800  }
0x27c: {  	_ =	swait.ge [sflag:s13], $0x800  }
0x27d: {  	[sflag:s13] =	ssyncset.done $0x0  }
0x27e: {  	[sflag:s13] =	ssyncadd.s32 $0xFFFFF800  }
0x27f: {  	_ =	swait.ge [sflag:s13], $0x800  }
0x280: {  	[sflag:s13] =	ssyncset.done $0x0  }
0x281: {  	s17 =	simm.s32 $0x0;
	s21 =	rddreg [dreg:$0x11];
	[sflag:s13] =	ssyncadd.s32 $0xFFFFF800  }
0x282: {  	[hbm4b:s21+s17] =	stream.linear.scatter [tilespmem:s30], [sflag:$0x3], $0xA000, $0x38;
	[tilespmem:$0x10000] =	vst v63  }
0x283: {  	_ =	swait.ge [sflag:s31], $0xA000  }
0x284: {  	[sflag:s31] =	ssyncset.done $0x0  }
0x285: {  	s21 =	rddreg [dreg:$0xe];
	[sflag:s31] =	ssyncadd.s32 $0xFFFF6000  }
0x286: {  	[tilespmem:s17], [sflag:$0x3] =	stream.linear.gather [hbm4b:s21+s17], $0xA00, $0x38;
	[tilespmem:$0x10000] =	vst v63  }
0x287: {  	_ =	swait.ge [sflag:s31], $0xA00  }
0x288: {  	[sflag:s31] =	ssyncset.done $0x0  }
0x289: {  	s17 =	simm.s32 $0x0;
	[sflag:s31] =	ssyncadd.s32 $0xFFFFF600  }
0x28a: {  	v0 =	vld [tilespmem:s17+$0x0]  }
0x28b: {  	s19 =	simm.s32 $0x40;
	v1 =	vld [tilespmem:s17+$0xF600]  }
.LBB2_12:
0x28c: {  	p0 =	sne.s32 s19, $0x27C0  }
.Ltmp5:
0x28d: {  	_ = 	snop;
	(pc) =	sbr.rel @p0 .LBB2_12-.Ltmp5, $4  }
0x28e: {  	_ = 	snop  }
0x28f: {  	s21 =	sshra.s32 s19, $0x2;
	s19 =	sadd.s32 $0x40, s19;
	v2 =	vshll.u32 v0, $0x2  }
0x290: {  	v0 =	vld [tilespmem:s21+$0x0];
	v2 =	vadd.s32 v1, v2  }
0x291: {  	v1 =	vld [tilespmem:s21+$0xF600];
	[tilespmem:s17+$0xA00] =	vst v2;
	s17 =	smov.u32 s21  }
0x292: {  	_ =	sdelay $0x2  }
0x293: {  	v0 =	vshll.u32 v0, $0x2  }
0x294: {  	v0 =	vadd.s32 v1, v0  }
0x295: {  	s19 =	simm.s32 $0xA00;
	[tilespmem:s17+$0xA00] =	vst v0  }
0x296: {  	[tilespmem:s30], [sflag:$0x1] =	stream.indirect.gather [hbm4b:s25+s0], $0x10, s19, s0, $0xb8;
	[tilespmem:$0x10000] =	vst v63  }
0x297: {  	s21 =	simm.s32 $0xA80;
	s19 =	simm.s32 $0x1C00  }
0x298: {  	[tilespmem:s19], [sflag:$0x1] =	stream.indirect.gather [hbm4b:s25+s0], $0x10, s21, s0, $0xb8;
	[tilespmem:$0x10000] =	vst v63  }
0x299: {  	s19 =	simm.s32 $0xB00;
	s21 =	simm.s32 $0x2400  }
0x29a: {  	[tilespmem:s21], [sflag:$0x1] =	stream.indirect.gather [hbm4b:s25+s0], $0x10, s19, s0, $0xb8;
	[tilespmem:$0x10000] =	vst v63  }
0x29b: {  	s19 =	simm.s32 $0xB80;
	s21 =	simm.s32 $0x2C00  }
0x29c: {  	[tilespmem:s21], [sflag:$0x1] =	stream.indirect.gather [hbm4b:s25+s0], $0x10, s19, s0, $0xb8;
	[tilespmem:$0x10000] =	vst v63  }
0x29d: {  	s19 =	simm.s32 $0xC00;
	s21 =	simm.s32 $0x3400  }
0x29e: {  	[tilespmem:s21], [sflag:$0x1] =	stream.indirect.gather [hbm4b:s25+s0], $0x10, s19, s0, $0xb8;
	[tilespmem:$0x10000] =	vst v63  }
0x29f: {  	s19 =	simm.s32 $0xC80;
	s21 =	simm.s32 $0x3C00  }
0x2a0: {  	[tilespmem:s21], [sflag:$0x1] =	stream.indirect.gather [hbm4b:s25+s0], $0x10, s19, s0, $0xb8;
	[tilespmem:$0x10000] =	vst v63  }
0x2a1: {  	s19 =	simm.s32 $0xD00;
	s21 =	simm.s32 $0x4400  }
0x2a2: {  	[tilespmem:s21], [sflag:$0x1] =	stream.indirect.gather [hbm4b:s25+s0], $0x10, s19, s0, $0xb8;
	[tilespmem:$0x10000] =	vst v63  }
0x2a3: {  	s19 =	simm.s32 $0xD80;
	s21 =	simm.s32 $0x4C00  }
0x2a4: {  	[tilespmem:s21], [sflag:$0x1] =	stream.indirect.gather [hbm4b:s25+s0], $0x10, s19, s0, $0xb8;
	[tilespmem:$0x10000] =	vst v63  }
0x2a5: {  	s19 =	simm.s32 $0xE00;
	s21 =	simm.s32 $0x5400  }
0x2a6: {  	[tilespmem:s21], [sflag:$0x1] =	stream.indirect.gather [hbm4b:s25+s0], $0x10, s19, s0, $0xb8;
	[tilespmem:$0x10000] =	vst v63  }
0x2a7: {  	s19 =	simm.s32 $0xE80;
	s21 =	simm.s32 $0x5C00  }
0x2a8: {  	[tilespmem:s21], [sflag:$0x1] =	stream.indirect.gather [hbm4b:s25+s0], $0x10, s19, s0, $0xb8;
	[tilespmem:$0x10000] =	vst v63  }
0x2a9: {  	s19 =	simm.s32 $0xF00  }
0x2aa: {  	[tilespmem:s23], [sflag:$0x1] =	stream.indirect.gather [hbm4b:s25+s0], $0x10, s19, s0, $0xb8;
	[tilespmem:$0x10000] =	vst v63  }
0x2ab: {  	_ = 	snop  }
0x2ac: {  	[tilespmem:s26], [sflag:$0x1] =	stream.indirect.gather [hbm4b:s25+s0], $0x10, s24, s0, $0xb8;
	[tilespmem:$0x10000] =	vst v63  }
0x2ad: {  	_ = 	snop  }
0x2ae: {  	[tilespmem:s29], [sflag:$0x1] =	stream.indirect.gather [hbm4b:s25+s0], $0x10, s28, s0, $0xb8;
	[tilespmem:$0x10000] =	vst v63  }
0x2af: {  	_ = 	snop  }
0x2b0: {  	[tilespmem:s20], [sflag:$0x1] =	stream.indirect.gather [hbm4b:s25+s0], $0x10, s22, s0, $0xb8;
	[tilespmem:$0x10000] =	vst v63  }
0x2b1: {  	_ = 	snop  }
0x2b2: {  	[tilespmem:s2], [sflag:$0x1] =	stream.indirect.gather [hbm4b:s25+s0], $0x10, s1, s0, $0xb8;
	[tilespmem:$0x10000] =	vst v63  }
0x2b3: {  	_ = 	snop  }
0x2b4: {  	[tilespmem:s4], [sflag:$0x1] =	stream.indirect.gather [hbm4b:s25+s0], $0x10, s3, s0, $0xb8;
	[tilespmem:$0x10000] =	vst v63  }
0x2b5: {  	_ = 	snop  }
0x2b6: {  	[tilespmem:s6], [sflag:$0x1] =	stream.indirect.gather [hbm4b:s25+s0], $0x10, s5, s0, $0xb8;
	[tilespmem:$0x10000] =	vst v63  }
0x2b7: {  	_ = 	snop  }
0x2b8: {  	[tilespmem:s8], [sflag:$0x1] =	stream.indirect.gather [hbm4b:s25+s0], $0x10, s7, s0, $0xb8;
	[tilespmem:$0x10000] =	vst v63  }
0x2b9: {  	_ = 	snop  }
0x2ba: {  	[tilespmem:s10], [sflag:$0x1] =	stream.indirect.gather [hbm4b:s25+s0], $0x10, s9, s0, $0xb8;
	[tilespmem:$0x10000] =	vst v63  }
0x2bb: {  	_ = 	snop  }
0x2bc: {  	[tilespmem:s12], [sflag:$0x1] =	stream.indirect.gather [hbm4b:s25+s0], $0x10, s11, s0, $0xb8;
	[tilespmem:$0x10000] =	vst v63  }
0x2bd: {  	_ =	swait.ge [sflag:s13], $0x800  }
0x2be: {  	[sflag:s13] =	ssyncset.done $0x0  }
0x2bf: {  	[sflag:s13] =	ssyncadd.s32 $0xFFFFF800  }
0x2c0: {  	_ =	swait.ge [sflag:s13], $0x800  }
0x2c1: {  	[sflag:s13] =	ssyncset.done $0x0  }
0x2c2: {  	[sflag:s13] =	ssyncadd.s32 $0xFFFFF800  }
0x2c3: {  	_ =	swait.ge [sflag:s13], $0x800  }
0x2c4: {  	[sflag:s13] =	ssyncset.done $0x0  }
0x2c5: {  	[sflag:s13] =	ssyncadd.s32 $0xFFFFF800  }
0x2c6: {  	_ =	swait.ge [sflag:s13], $0x800  }
0x2c7: {  	[sflag:s13] =	ssyncset.done $0x0  }
0x2c8: {  	[sflag:s13] =	ssyncadd.s32 $0xFFFFF800  }
0x2c9: {  	_ =	swait.ge [sflag:s13], $0x800  }
0x2ca: {  	[sflag:s13] =	ssyncset.done $0x0  }
0x2cb: {  	[sflag:s13] =	ssyncadd.s32 $0xFFFFF800  }
0x2cc: {  	_ =	swait.ge [sflag:s13], $0x800  }
0x2cd: {  	[sflag:s13] =	ssyncset.done $0x0  }
0x2ce: {  	[sflag:s13] =	ssyncadd.s32 $0xFFFFF800  }
0x2cf: {  	_ =	swait.ge [sflag:s13], $0x800  }
0x2d0: {  	[sflag:s13] =	ssyncset.done $0x0  }
0x2d1: {  	[sflag:s13] =	ssyncadd.s32 $0xFFFFF800  }
0x2d2: {  	_ =	swait.ge [sflag:s13], $0x800  }
0x2d3: {  	[sflag:s13] =	ssyncset.done $0x0  }
0x2d4: {  	[sflag:s13] =	ssyncadd.s32 $0xFFFFF800  }
0x2d5: {  	_ =	swait.ge [sflag:s13], $0x800  }
0x2d6: {  	[sflag:s13] =	ssyncset.done $0x0  }
0x2d7: {  	[sflag:s13] =	ssyncadd.s32 $0xFFFFF800  }
0x2d8: {  	_ =	swait.ge [sflag:s13], $0x800  }
0x2d9: {  	[sflag:s13] =	ssyncset.done $0x0  }
0x2da: {  	[sflag:s13] =	ssyncadd.s32 $0xFFFFF800  }
0x2db: {  	_ =	swait.ge [sflag:s13], $0x800  }
0x2dc: {  	[sflag:s13] =	ssyncset.done $0x0  }
0x2dd: {  	[sflag:s13] =	ssyncadd.s32 $0xFFFFF800  }
0x2de: {  	_ =	swait.ge [sflag:s13], $0x800  }
0x2df: {  	[sflag:s13] =	ssyncset.done $0x0  }
0x2e0: {  	[sflag:s13] =	ssyncadd.s32 $0xFFFFF800  }
0x2e1: {  	_ =	swait.ge [sflag:s13], $0x800  }
0x2e2: {  	[sflag:s13] =	ssyncset.done $0x0  }
0x2e3: {  	[sflag:s13] =	ssyncadd.s32 $0xFFFFF800  }
0x2e4: {  	_ =	swait.ge [sflag:s13], $0x800  }
0x2e5: {  	[sflag:s13] =	ssyncset.done $0x0  }
0x2e6: {  	[sflag:s13] =	ssyncadd.s32 $0xFFFFF800  }
0x2e7: {  	_ =	swait.ge [sflag:s13], $0x800  }
0x2e8: {  	[sflag:s13] =	ssyncset.done $0x0  }
0x2e9: {  	[sflag:s13] =	ssyncadd.s32 $0xFFFFF800  }
0x2ea: {  	_ =	swait.ge [sflag:s13], $0x800  }
0x2eb: {  	[sflag:s13] =	ssyncset.done $0x0  }
0x2ec: {  	[sflag:s13] =	ssyncadd.s32 $0xFFFFF800  }
0x2ed: {  	_ =	swait.ge [sflag:s13], $0x800  }
0x2ee: {  	[sflag:s13] =	ssyncset.done $0x0  }
0x2ef: {  	[sflag:s13] =	ssyncadd.s32 $0xFFFFF800  }
0x2f0: {  	_ =	swait.ge [sflag:s13], $0x800  }
0x2f1: {  	[sflag:s13] =	ssyncset.done $0x0  }
0x2f2: {  	[sflag:s13] =	ssyncadd.s32 $0xFFFFF800  }
0x2f3: {  	_ =	swait.ge [sflag:s13], $0x800  }
0x2f4: {  	[sflag:s13] =	ssyncset.done $0x0  }
0x2f5: {  	[sflag:s13] =	ssyncadd.s32 $0xFFFFF800  }
0x2f6: {  	_ =	swait.ge [sflag:s13], $0x800  }
0x2f7: {  	[sflag:s13] =	ssyncset.done $0x0  }
0x2f8: {  	s17 =	simm.s32 $0x0;
	s21 =	rddreg [dreg:$0x12];
	[sflag:s13] =	ssyncadd.s32 $0xFFFFF800  }
0x2f9: {  	[hbm4b:s21+s17] =	stream.linear.scatter [tilespmem:s30], [sflag:$0x3], $0xA000, $0x38;
	[tilespmem:$0x10000] =	vst v63  }
0x2fa: {  	_ =	swait.ge [sflag:s31], $0xA000  }
0x2fb: {  	[sflag:s31] =	ssyncset.done $0x0  }
0x2fc: {  	s21 =	rddreg [dreg:$0xf];
	[sflag:s31] =	ssyncadd.s32 $0xFFFF6000  }
0x2fd: {  	[tilespmem:s17], [sflag:$0x3] =	stream.linear.gather [hbm4b:s21+s17], $0xA00, $0x38;
	[tilespmem:$0x10000] =	vst v63  }
0x2fe: {  	_ =	swait.ge [sflag:s31], $0xA00  }
0x2ff: {  	[sflag:s31] =	ssyncset.done $0x0  }
0x300: {  	s17 =	simm.s32 $0x0;
	[sflag:s31] =	ssyncadd.s32 $0xFFFFF600  }
0x301: {  	v0 =	vld [tilespmem:s17+$0x0]  }
0x302: {  	s19 =	simm.s32 $0x40;
	v1 =	vld [tilespmem:s17+$0xF600]  }
.LBB2_14:
0x303: {  	p0 =	sne.s32 s19, $0x27C0  }
.Ltmp6:
0x304: {  	_ = 	snop;
	(pc) =	sbr.rel @p0 .LBB2_14-.Ltmp6, $4  }
0x305: {  	_ = 	snop  }
0x306: {  	s21 =	sshra.s32 s19, $0x2;
	s19 =	sadd.s32 $0x40, s19;
	v2 =	vshll.u32 v0, $0x2  }
0x307: {  	v0 =	vld [tilespmem:s21+$0x0];
	v2 =	vadd.s32 v1, v2  }
0x308: {  	v1 =	vld [tilespmem:s21+$0xF600];
	[tilespmem:s17+$0xA00] =	vst v2;
	s17 =	smov.u32 s21  }
0x309: {  	_ =	sdelay $0x2  }
0x30a: {  	v0 =	vshll.u32 v0, $0x2  }
0x30b: {  	v0 =	vadd.s32 v1, v0  }
0x30c: {  	s19 =	simm.s32 $0xA00;
	[tilespmem:s17+$0xA00] =	vst v0  }
0x30d: {  	[tilespmem:s30], [sflag:$0x1] =	stream.indirect.gather [hbm4b:s25+s0], $0x10, s19, s0, $0xb8;
	[tilespmem:$0x10000] =	vst v63  }
0x30e: {  	s21 =	simm.s32 $0xA80;
	s19 =	simm.s32 $0x1C00  }
0x30f: {  	[tilespmem:s19], [sflag:$0x1] =	stream.indirect.gather [hbm4b:s25+s0], $0x10, s21, s0, $0xb8;
	[tilespmem:$0x10000] =	vst v63  }
0x310: {  	s19 =	simm.s32 $0xB00;
	s21 =	simm.s32 $0x2400  }
0x311: {  	[tilespmem:s21], [sflag:$0x1] =	stream.indirect.gather [hbm4b:s25+s0], $0x10, s19, s0, $0xb8;
	[tilespmem:$0x10000] =	vst v63  }
0x312: {  	s19 =	simm.s32 $0xB80;
	s21 =	simm.s32 $0x2C00  }
0x313: {  	[tilespmem:s21], [sflag:$0x1] =	stream.indirect.gather [hbm4b:s25+s0], $0x10, s19, s0, $0xb8;
	[tilespmem:$0x10000] =	vst v63  }
0x314: {  	s19 =	simm.s32 $0xC00;
	s21 =	simm.s32 $0x3400  }
0x315: {  	[tilespmem:s21], [sflag:$0x1] =	stream.indirect.gather [hbm4b:s25+s0], $0x10, s19, s0, $0xb8;
	[tilespmem:$0x10000] =	vst v63  }
0x316: {  	s19 =	simm.s32 $0xC80;
	s21 =	simm.s32 $0x3C00  }
0x317: {  	[tilespmem:s21], [sflag:$0x1] =	stream.indirect.gather [hbm4b:s25+s0], $0x10, s19, s0, $0xb8;
	[tilespmem:$0x10000] =	vst v63  }
0x318: {  	s19 =	simm.s32 $0xD00;
	s21 =	simm.s32 $0x4400  }
0x319: {  	[tilespmem:s21], [sflag:$0x1] =	stream.indirect.gather [hbm4b:s25+s0], $0x10, s19, s0, $0xb8;
	[tilespmem:$0x10000] =	vst v63  }
0x31a: {  	s19 =	simm.s32 $0xD80;
	s21 =	simm.s32 $0x4C00  }
0x31b: {  	[tilespmem:s21], [sflag:$0x1] =	stream.indirect.gather [hbm4b:s25+s0], $0x10, s19, s0, $0xb8;
	[tilespmem:$0x10000] =	vst v63  }
0x31c: {  	s19 =	simm.s32 $0xE00;
	s21 =	simm.s32 $0x5400  }
0x31d: {  	[tilespmem:s21], [sflag:$0x1] =	stream.indirect.gather [hbm4b:s25+s0], $0x10, s19, s0, $0xb8;
	[tilespmem:$0x10000] =	vst v63  }
0x31e: {  	s19 =	simm.s32 $0xE80;
	s21 =	simm.s32 $0x5C00  }
0x31f: {  	[tilespmem:s21], [sflag:$0x1] =	stream.indirect.gather [hbm4b:s25+s0], $0x10, s19, s0, $0xb8;
	[tilespmem:$0x10000] =	vst v63  }
0x320: {  	s19 =	simm.s32 $0xF00  }
0x321: {  	[tilespmem:s23], [sflag:$0x1] =	stream.indirect.gather [hbm4b:s25+s0], $0x10, s19, s0, $0xb8;
	[tilespmem:$0x10000] =	vst v63  }
0x322: {  	_ = 	snop  }
0x323: {  	[tilespmem:s26], [sflag:$0x1] =	stream.indirect.gather [hbm4b:s25+s0], $0x10, s24, s0, $0xb8;
	[tilespmem:$0x10000] =	vst v63  }
0x324: {  	_ = 	snop  }
0x325: {  	[tilespmem:s29], [sflag:$0x1] =	stream.indirect.gather [hbm4b:s25+s0], $0x10, s28, s0, $0xb8;
	[tilespmem:$0x10000] =	vst v63  }
0x326: {  	_ = 	snop  }
0x327: {  	[tilespmem:s20], [sflag:$0x1] =	stream.indirect.gather [hbm4b:s25+s0], $0x10, s22, s0, $0xb8;
	[tilespmem:$0x10000] =	vst v63  }
0x328: {  	_ = 	snop  }
0x329: {  	[tilespmem:s2], [sflag:$0x1] =	stream.indirect.gather [hbm4b:s25+s0], $0x10, s1, s0, $0xb8;
	[tilespmem:$0x10000] =	vst v63  }
0x32a: {  	_ = 	snop  }
0x32b: {  	[tilespmem:s4], [sflag:$0x1] =	stream.indirect.gather [hbm4b:s25+s0], $0x10, s3, s0, $0xb8;
	[tilespmem:$0x10000] =	vst v63  }
0x32c: {  	_ = 	snop  }
0x32d: {  	[tilespmem:s6], [sflag:$0x1] =	stream.indirect.gather [hbm4b:s25+s0], $0x10, s5, s0, $0xb8;
	[tilespmem:$0x10000] =	vst v63  }
0x32e: {  	_ = 	snop  }
0x32f: {  	[tilespmem:s8], [sflag:$0x1] =	stream.indirect.gather [hbm4b:s25+s0], $0x10, s7, s0, $0xb8;
	[tilespmem:$0x10000] =	vst v63  }
0x330: {  	_ = 	snop  }
0x331: {  	[tilespmem:s10], [sflag:$0x1] =	stream.indirect.gather [hbm4b:s25+s0], $0x10, s9, s0, $0xb8;
	[tilespmem:$0x10000] =	vst v63  }
0x332: {  	_ = 	snop  }
0x333: {  	[tilespmem:s12], [sflag:$0x1] =	stream.indirect.gather [hbm4b:s25+s0], $0x10, s11, s0, $0xb8;
	[tilespmem:$0x10000] =	vst v63  }
0x334: {  	_ =	swait.ge [sflag:s13], $0x800  }
0x335: {  	[sflag:s13] =	ssyncset.done $0x0  }
0x336: {  	[sflag:s13] =	ssyncadd.s32 $0xFFFFF800  }
0x337: {  	_ =	swait.ge [sflag:s13], $0x800  }
0x338: {  	[sflag:s13] =	ssyncset.done $0x0  }
0x339: {  	[sflag:s13] =	ssyncadd.s32 $0xFFFFF800  }
0x33a: {  	_ =	swait.ge [sflag:s13], $0x800  }
0x33b: {  	[sflag:s13] =	ssyncset.done $0x0  }
0x33c: {  	[sflag:s13] =	ssyncadd.s32 $0xFFFFF800  }
0x33d: {  	_ =	swait.ge [sflag:s13], $0x800  }
0x33e: {  	[sflag:s13] =	ssyncset.done $0x0  }
0x33f: {  	[sflag:s13] =	ssyncadd.s32 $0xFFFFF800  }
0x340: {  	_ =	swait.ge [sflag:s13], $0x800  }
0x341: {  	[sflag:s13] =	ssyncset.done $0x0  }
0x342: {  	[sflag:s13] =	ssyncadd.s32 $0xFFFFF800  }
0x343: {  	_ =	swait.ge [sflag:s13], $0x800  }
0x344: {  	[sflag:s13] =	ssyncset.done $0x0  }
0x345: {  	[sflag:s13] =	ssyncadd.s32 $0xFFFFF800  }
0x346: {  	_ =	swait.ge [sflag:s13], $0x800  }
0x347: {  	[sflag:s13] =	ssyncset.done $0x0  }
0x348: {  	[sflag:s13] =	ssyncadd.s32 $0xFFFFF800  }
0x349: {  	_ =	swait.ge [sflag:s13], $0x800  }
0x34a: {  	[sflag:s13] =	ssyncset.done $0x0  }
0x34b: {  	[sflag:s13] =	ssyncadd.s32 $0xFFFFF800  }
0x34c: {  	_ =	swait.ge [sflag:s13], $0x800  }
0x34d: {  	[sflag:s13] =	ssyncset.done $0x0  }
0x34e: {  	[sflag:s13] =	ssyncadd.s32 $0xFFFFF800  }
0x34f: {  	_ =	swait.ge [sflag:s13], $0x800  }
0x350: {  	[sflag:s13] =	ssyncset.done $0x0  }
0x351: {  	[sflag:s13] =	ssyncadd.s32 $0xFFFFF800  }
0x352: {  	_ =	swait.ge [sflag:s13], $0x800  }
0x353: {  	[sflag:s13] =	ssyncset.done $0x0  }
0x354: {  	[sflag:s13] =	ssyncadd.s32 $0xFFFFF800  }
0x355: {  	_ =	swait.ge [sflag:s13], $0x800  }
0x356: {  	[sflag:s13] =	ssyncset.done $0x0  }
0x357: {  	[sflag:s13] =	ssyncadd.s32 $0xFFFFF800  }
0x358: {  	_ =	swait.ge [sflag:s13], $0x800  }
0x359: {  	[sflag:s13] =	ssyncset.done $0x0  }
0x35a: {  	[sflag:s13] =	ssyncadd.s32 $0xFFFFF800  }
0x35b: {  	_ =	swait.ge [sflag:s13], $0x800  }
0x35c: {  	[sflag:s13] =	ssyncset.done $0x0  }
0x35d: {  	[sflag:s13] =	ssyncadd.s32 $0xFFFFF800  }
0x35e: {  	_ =	swait.ge [sflag:s13], $0x800  }
0x35f: {  	[sflag:s13] =	ssyncset.done $0x0  }
0x360: {  	[sflag:s13] =	ssyncadd.s32 $0xFFFFF800  }
0x361: {  	_ =	swait.ge [sflag:s13], $0x800  }
0x362: {  	[sflag:s13] =	ssyncset.done $0x0  }
0x363: {  	[sflag:s13] =	ssyncadd.s32 $0xFFFFF800  }
0x364: {  	_ =	swait.ge [sflag:s13], $0x800  }
0x365: {  	[sflag:s13] =	ssyncset.done $0x0  }
0x366: {  	[sflag:s13] =	ssyncadd.s32 $0xFFFFF800  }
0x367: {  	_ =	swait.ge [sflag:s13], $0x800  }
0x368: {  	[sflag:s13] =	ssyncset.done $0x0  }
0x369: {  	[sflag:s13] =	ssyncadd.s32 $0xFFFFF800  }
0x36a: {  	_ =	swait.ge [sflag:s13], $0x800  }
0x36b: {  	[sflag:s13] =	ssyncset.done $0x0  }
0x36c: {  	[sflag:s13] =	ssyncadd.s32 $0xFFFFF800  }
0x36d: {  	_ =	swait.ge [sflag:s13], $0x800  }
0x36e: {  	[sflag:s13] =	ssyncset.done $0x0  }
0x36f: {  	s17 =	simm.s32 $0x0;
	s21 =	rddreg [dreg:$0x13];
	[sflag:s13] =	ssyncadd.s32 $0xFFFFF800  }
0x370: {  	[hbm4b:s21+s17] =	stream.linear.scatter [tilespmem:s30], [sflag:$0x3], $0xA000, $0x38;
	[tilespmem:$0x10000] =	vst v63  }
0x371: {  	_ =	swait.ge [sflag:s31], $0xA000  }
0x372: {  	[sflag:s31] =	ssyncset.done $0x0  }
0x373: {  	s21 =	rddreg [dreg:$0x10];
	[sflag:s31] =	ssyncadd.s32 $0xFFFF6000  }
0x374: {  	[tilespmem:s17], [sflag:$0x3] =	stream.linear.gather [hbm4b:s21+s17], $0xA00, $0x38;
	[tilespmem:$0x10000] =	vst v63  }
0x375: {  	_ =	swait.ge [sflag:s31], $0xA00  }
0x376: {  	[sflag:s31] =	ssyncset.done $0x0  }
0x377: {  	s17 =	simm.s32 $0x0;
	[sflag:s31] =	ssyncadd.s32 $0xFFFFF600  }
0x378: {  	v0 =	vld [tilespmem:s17+$0x0]  }
0x379: {  	s19 =	simm.s32 $0x40;
	v1 =	vld [tilespmem:s17+$0xF600]  }
.LBB2_16:
0x37a: {  	p0 =	sne.s32 s19, $0x27C0  }
.Ltmp7:
0x37b: {  	_ = 	snop;
	(pc) =	sbr.rel @p0 .LBB2_16-.Ltmp7, $4  }
0x37c: {  	_ = 	snop  }
0x37d: {  	s21 =	sshra.s32 s19, $0x2;
	s19 =	sadd.s32 $0x40, s19;
	v2 =	vshll.u32 v0, $0x2  }
0x37e: {  	v0 =	vld [tilespmem:s21+$0x0];
	v2 =	vadd.s32 v1, v2  }
0x37f: {  	v1 =	vld [tilespmem:s21+$0xF600];
	[tilespmem:s17+$0xA00] =	vst v2;
	s17 =	smov.u32 s21  }
0x380: {  	_ =	sdelay $0x2  }
0x381: {  	v0 =	vshll.u32 v0, $0x2  }
0x382: {  	v0 =	vadd.s32 v1, v0  }
0x383: {  	s19 =	simm.s32 $0xA00;
	[tilespmem:s17+$0xA00] =	vst v0  }
0x384: {  	[tilespmem:s30], [sflag:$0x1] =	stream.indirect.gather [hbm4b:s25+s0], $0x10, s19, s0, $0xb8;
	[tilespmem:$0x10000] =	vst v63  }
0x385: {  	s21 =	simm.s32 $0xA80;
	s19 =	simm.s32 $0x1C00  }
0x386: {  	[tilespmem:s19], [sflag:$0x1] =	stream.indirect.gather [hbm4b:s25+s0], $0x10, s21, s0, $0xb8;
	[tilespmem:$0x10000] =	vst v63  }
0x387: {  	s19 =	simm.s32 $0xB00;
	s21 =	simm.s32 $0x2400  }
0x388: {  	[tilespmem:s21], [sflag:$0x1] =	stream.indirect.gather [hbm4b:s25+s0], $0x10, s19, s0, $0xb8;
	[tilespmem:$0x10000] =	vst v63  }
0x389: {  	s19 =	simm.s32 $0xB80;
	s21 =	simm.s32 $0x2C00  }
0x38a: {  	[tilespmem:s21], [sflag:$0x1] =	stream.indirect.gather [hbm4b:s25+s0], $0x10, s19, s0, $0xb8;
	[tilespmem:$0x10000] =	vst v63  }
0x38b: {  	s19 =	simm.s32 $0xC00;
	s21 =	simm.s32 $0x3400  }
0x38c: {  	[tilespmem:s21], [sflag:$0x1] =	stream.indirect.gather [hbm4b:s25+s0], $0x10, s19, s0, $0xb8;
	[tilespmem:$0x10000] =	vst v63  }
0x38d: {  	s19 =	simm.s32 $0xC80;
	s21 =	simm.s32 $0x3C00  }
0x38e: {  	[tilespmem:s21], [sflag:$0x1] =	stream.indirect.gather [hbm4b:s25+s0], $0x10, s19, s0, $0xb8;
	[tilespmem:$0x10000] =	vst v63  }
0x38f: {  	s19 =	simm.s32 $0xD00;
	s21 =	simm.s32 $0x4400  }
0x390: {  	[tilespmem:s21], [sflag:$0x1] =	stream.indirect.gather [hbm4b:s25+s0], $0x10, s19, s0, $0xb8;
	[tilespmem:$0x10000] =	vst v63  }
0x391: {  	s19 =	simm.s32 $0xD80;
	s21 =	simm.s32 $0x4C00  }
0x392: {  	[tilespmem:s21], [sflag:$0x1] =	stream.indirect.gather [hbm4b:s25+s0], $0x10, s19, s0, $0xb8;
	[tilespmem:$0x10000] =	vst v63  }
0x393: {  	s19 =	simm.s32 $0xE00;
	s21 =	simm.s32 $0x5400  }
0x394: {  	[tilespmem:s21], [sflag:$0x1] =	stream.indirect.gather [hbm4b:s25+s0], $0x10, s19, s0, $0xb8;
	[tilespmem:$0x10000] =	vst v63  }
0x395: {  	s19 =	simm.s32 $0xE80;
	s21 =	simm.s32 $0x5C00  }
0x396: {  	[tilespmem:s21], [sflag:$0x1] =	stream.indirect.gather [hbm4b:s25+s0], $0x10, s19, s0, $0xb8;
	[tilespmem:$0x10000] =	vst v63  }
0x397: {  	s19 =	simm.s32 $0xF00  }
0x398: {  	[tilespmem:s23], [sflag:$0x1] =	stream.indirect.gather [hbm4b:s25+s0], $0x10, s19, s0, $0xb8;
	[tilespmem:$0x10000] =	vst v63  }
0x399: {  	_ = 	snop  }
0x39a: {  	[tilespmem:s26], [sflag:$0x1] =	stream.indirect.gather [hbm4b:s25+s0], $0x10, s24, s0, $0xb8;
	[tilespmem:$0x10000] =	vst v63  }
0x39b: {  	_ = 	snop  }
0x39c: {  	[tilespmem:s29], [sflag:$0x1] =	stream.indirect.gather [hbm4b:s25+s0], $0x10, s28, s0, $0xb8;
	[tilespmem:$0x10000] =	vst v63  }
0x39d: {  	_ = 	snop  }
0x39e: {  	[tilespmem:s20], [sflag:$0x1] =	stream.indirect.gather [hbm4b:s25+s0], $0x10, s22, s0, $0xb8;
	[tilespmem:$0x10000] =	vst v63  }
0x39f: {  	_ = 	snop  }
0x3a0: {  	[tilespmem:s2], [sflag:$0x1] =	stream.indirect.gather [hbm4b:s25+s0], $0x10, s1, s0, $0xb8;
	[tilespmem:$0x10000] =	vst v63  }
0x3a1: {  	_ = 	snop  }
0x3a2: {  	[tilespmem:s4], [sflag:$0x1] =	stream.indirect.gather [hbm4b:s25+s0], $0x10, s3, s0, $0xb8;
	[tilespmem:$0x10000] =	vst v63  }
0x3a3: {  	_ = 	snop  }
0x3a4: {  	[tilespmem:s6], [sflag:$0x1] =	stream.indirect.gather [hbm4b:s25+s0], $0x10, s5, s0, $0xb8;
	[tilespmem:$0x10000] =	vst v63  }
0x3a5: {  	_ = 	snop  }
0x3a6: {  	[tilespmem:s8], [sflag:$0x1] =	stream.indirect.gather [hbm4b:s25+s0], $0x10, s7, s0, $0xb8;
	[tilespmem:$0x10000] =	vst v63  }
0x3a7: {  	_ = 	snop  }
0x3a8: {  	[tilespmem:s10], [sflag:$0x1] =	stream.indirect.gather [hbm4b:s25+s0], $0x10, s9, s0, $0xb8;
	[tilespmem:$0x10000] =	vst v63  }
0x3a9: {  	_ = 	snop  }
0x3aa: {  	[tilespmem:s12], [sflag:$0x1] =	stream.indirect.gather [hbm4b:s25+s0], $0x10, s11, s0, $0xb8;
	[tilespmem:$0x10000] =	vst v63  }
0x3ab: {  	_ =	swait.ge [sflag:s13], $0x800  }
0x3ac: {  	[sflag:s13] =	ssyncset.done $0x0  }
0x3ad: {  	[sflag:s13] =	ssyncadd.s32 $0xFFFFF800  }
0x3ae: {  	_ =	swait.ge [sflag:s13], $0x800  }
0x3af: {  	[sflag:s13] =	ssyncset.done $0x0  }
0x3b0: {  	[sflag:s13] =	ssyncadd.s32 $0xFFFFF800  }
0x3b1: {  	_ =	swait.ge [sflag:s13], $0x800  }
0x3b2: {  	[sflag:s13] =	ssyncset.done $0x0  }
0x3b3: {  	[sflag:s13] =	ssyncadd.s32 $0xFFFFF800  }
0x3b4: {  	_ =	swait.ge [sflag:s13], $0x800  }
0x3b5: {  	[sflag:s13] =	ssyncset.done $0x0  }
0x3b6: {  	[sflag:s13] =	ssyncadd.s32 $0xFFFFF800  }
0x3b7: {  	_ =	swait.ge [sflag:s13], $0x800  }
0x3b8: {  	[sflag:s13] =	ssyncset.done $0x0  }
0x3b9: {  	[sflag:s13] =	ssyncadd.s32 $0xFFFFF800  }
0x3ba: {  	_ =	swait.ge [sflag:s13], $0x800  }
0x3bb: {  	[sflag:s13] =	ssyncset.done $0x0  }
0x3bc: {  	[sflag:s13] =	ssyncadd.s32 $0xFFFFF800  }
0x3bd: {  	_ =	swait.ge [sflag:s13], $0x800  }
0x3be: {  	[sflag:s13] =	ssyncset.done $0x0  }
0x3bf: {  	[sflag:s13] =	ssyncadd.s32 $0xFFFFF800  }
0x3c0: {  	_ =	swait.ge [sflag:s13], $0x800  }
0x3c1: {  	[sflag:s13] =	ssyncset.done $0x0  }
0x3c2: {  	[sflag:s13] =	ssyncadd.s32 $0xFFFFF800  }
0x3c3: {  	_ =	swait.ge [sflag:s13], $0x800  }
0x3c4: {  	[sflag:s13] =	ssyncset.done $0x0  }
0x3c5: {  	[sflag:s13] =	ssyncadd.s32 $0xFFFFF800  }
0x3c6: {  	_ =	swait.ge [sflag:s13], $0x800  }
0x3c7: {  	[sflag:s13] =	ssyncset.done $0x0  }
0x3c8: {  	[sflag:s13] =	ssyncadd.s32 $0xFFFFF800  }
0x3c9: {  	_ =	swait.ge [sflag:s13], $0x800  }
0x3ca: {  	[sflag:s13] =	ssyncset.done $0x0  }
0x3cb: {  	[sflag:s13] =	ssyncadd.s32 $0xFFFFF800  }
0x3cc: {  	_ =	swait.ge [sflag:s13], $0x800  }
0x3cd: {  	[sflag:s13] =	ssyncset.done $0x0  }
0x3ce: {  	[sflag:s13] =	ssyncadd.s32 $0xFFFFF800  }
0x3cf: {  	_ =	swait.ge [sflag:s13], $0x800  }
0x3d0: {  	[sflag:s13] =	ssyncset.done $0x0  }
0x3d1: {  	[sflag:s13] =	ssyncadd.s32 $0xFFFFF800  }
0x3d2: {  	_ =	swait.ge [sflag:s13], $0x800  }
0x3d3: {  	[sflag:s13] =	ssyncset.done $0x0  }
0x3d4: {  	[sflag:s13] =	ssyncadd.s32 $0xFFFFF800  }
0x3d5: {  	_ =	swait.ge [sflag:s13], $0x800  }
0x3d6: {  	[sflag:s13] =	ssyncset.done $0x0  }
0x3d7: {  	[sflag:s13] =	ssyncadd.s32 $0xFFFFF800  }
0x3d8: {  	_ =	swait.ge [sflag:s13], $0x800  }
0x3d9: {  	[sflag:s13] =	ssyncset.done $0x0  }
0x3da: {  	[sflag:s13] =	ssyncadd.s32 $0xFFFFF800  }
0x3db: {  	_ =	swait.ge [sflag:s13], $0x800  }
0x3dc: {  	[sflag:s13] =	ssyncset.done $0x0  }
0x3dd: {  	[sflag:s13] =	ssyncadd.s32 $0xFFFFF800  }
0x3de: {  	_ =	swait.ge [sflag:s13], $0x800  }
0x3df: {  	[sflag:s13] =	ssyncset.done $0x0  }
0x3e0: {  	[sflag:s13] =	ssyncadd.s32 $0xFFFFF800  }
0x3e1: {  	_ =	swait.ge [sflag:s13], $0x800  }
0x3e2: {  	[sflag:s13] =	ssyncset.done $0x0  }
0x3e3: {  	[sflag:s13] =	ssyncadd.s32 $0xFFFFF800  }
0x3e4: {  	_ =	swait.ge [sflag:s13], $0x800  }
0x3e5: {  	[sflag:s13] =	ssyncset.done $0x0  }
0x3e6: {  	s21 =	rddreg [dreg:$0x14];
	[sflag:s13] =	ssyncadd.s32 $0xFFFFF800  }
0x3e7: {  	[hbm4b:s21+s18] =	stream.linear.scatter [tilespmem:s30], [sflag:$0x3], $0xA000, $0x38;
	[tilespmem:$0x10000] =	vst v63  }
0x3e8: {  	_ =	swait.ge [sflag:s31], $0xA000  }
0x3e9: {  	[sflag:s31] =	ssyncset.done $0x0  }
0x3ea: {  	s21 =	simm.s32 $0xB400;
	s19 =	rddreg [dreg:$0x15];
	[sflag:s31] =	ssyncadd.s32 $0xFFFF6000  }
0x3eb: {  	[tilespmem:s21], [sflag:$0x3] =	stream.linear.gather [hbm4b:s19+s18], $0x200, $0x38;
	[tilespmem:$0x10000] =	vst v63  }
0x3ec: {  	_ =	swait.ge [sflag:s31], $0x200  }
0x3ed: {  	[sflag:s31] =	ssyncset.done $0x0  }
0x3ee: {  	[sflag:s31] =	ssyncadd.s32 $0xFFFFFE00  }
0x3ef: {  	s19 =	rddreg [dreg:$0x2]  }
0x3f0: {  	[tilespmem:s14], [sflag:$0x2] =	stream.indirect.gather [hbm4b:s19+s0], $0x80, s21, s0, $0xb8;
	[tilespmem:$0x10000] =	vst v63  }
0x3f1: {  	_ =	swait.ge [sflag:s15], $0x4000  }
0x3f2: {  	[sflag:s15] =	ssyncset.done $0x0  }
0x3f3: {  	s21 =	rddreg [dreg:$0x16];
	[sflag:s15] =	ssyncadd.s32 $0xFFFFC000  }
0x3f4: {  	[hbm4b:s21+s18] =	stream.linear.scatter [tilespmem:s14], [sflag:$0x3], $0x4000, $0x38;
	[tilespmem:$0x10000] =	vst v63  }
0x3f5: {  	_ =	swait.ge [sflag:s31], $0x4000  }
0x3f6: {  	[sflag:s31] =	ssyncset.done $0x0  }
0x3f7: {  	s21 =	simm.s32 $0xB480;
	[sflag:s31] =	ssyncadd.s32 $0xFFFFC000  }
0x3f8: {  	[tilespmem:s14], [sflag:$0x2] =	stream.indirect.gather [hbm4b:s19+s0], $0x80, s21, s0, $0xb8;
	[tilespmem:$0x10000] =	vst v63  }
0x3f9: {  	_ =	swait.ge [sflag:s15], $0x4000  }
0x3fa: {  	[sflag:s15] =	ssyncset.done $0x0  }
0x3fb: {  	s21 =	rddreg [dreg:$0x17];
	[sflag:s15] =	ssyncadd.s32 $0xFFFFC000  }
0x3fc: {  	[hbm4b:s21+s18] =	stream.linear.scatter [tilespmem:s14], [sflag:$0x3], $0x4000, $0x38;
	[tilespmem:$0x10000] =	vst v63  }
0x3fd: {  	_ =	swait.ge [sflag:s31], $0x4000  }
0x3fe: {  	[sflag:s31] =	ssyncset.done $0x0  }
0x3ff: {  	s21 =	simm.s32 $0xB500;
	[sflag:s31] =	ssyncadd.s32 $0xFFFFC000  }
0x400: {  	[tilespmem:s14], [sflag:$0x2] =	stream.indirect.gather [hbm4b:s19+s0], $0x80, s21, s0, $0xb8;
	[tilespmem:$0x10000] =	vst v63  }
0x401: {  	_ =	swait.ge [sflag:s15], $0x4000  }
0x402: {  	[sflag:s15] =	ssyncset.done $0x0  }
0x403: {  	s21 =	rddreg [dreg:$0x18];
	[sflag:s15] =	ssyncadd.s32 $0xFFFFC000  }
0x404: {  	[hbm4b:s21+s18] =	stream.linear.scatter [tilespmem:s14], [sflag:$0x3], $0x4000, $0x38;
	[tilespmem:$0x10000] =	vst v63  }
0x405: {  	_ =	swait.ge [sflag:s31], $0x4000  }
0x406: {  	[sflag:s31] =	ssyncset.done $0x0  }
0x407: {  	s21 =	simm.s32 $0xB580;
	[sflag:s31] =	ssyncadd.s32 $0xFFFFC000  }
0x408: {  	[tilespmem:s14], [sflag:$0x2] =	stream.indirect.gather [hbm4b:s19+s0], $0x80, s21, s0, $0xb8;
	[tilespmem:$0x10000] =	vst v63  }
0x409: {  	_ =	swait.ge [sflag:s15], $0x4000  }
0x40a: {  	[sflag:s15] =	ssyncset.done $0x0  }
0x40b: {  	s19 =	rddreg [dreg:$0x19];
	[sflag:s15] =	ssyncadd.s32 $0xFFFFC000  }
0x40c: {  	[hbm4b:s19+s18] =	stream.linear.scatter [tilespmem:s14], [sflag:$0x3], $0x4000, $0x38;
	[tilespmem:$0x10000] =	vst v63  }
0x40d: {  	_ =	swait.ge [sflag:s31], $0x4000  }
0x40e: {  	s16 =	sadd.s32 $0x1, s16;
	s21 =	rddreg [dreg:$0x1c]  }
0x40f: {  	p0 =	sne.s32 s16, s21  }
.Ltmp8:
0x410: {  	_ = 	snop;
	(pc) =	sbr.rel @p0 .LBB2_1-.Ltmp8, $3  }
0x411: {  	_ =	sdelay $0x1  }
0x412: {  	[sflag:s31] =	ssyncset.done $0x0  }
0x413: {  	[sflag:s31] =	ssyncadd.s32 $0xFFFFC000  }
0x414: {  	_ =	sfence.sel $0x180000  }
0x415: {  	[bflag:$0x0] =	sbarrier.arrive $0xFFFF  }
0x416: {  	_ =	strace $0x90000047  }
0x417: {  	s0 =	stileid.u32;
	[bflag:$0x2] =	sbarrier.arrive $0xFFFF  }
0x418: {  	p0 =	sne.s32 s0, $0x0;
	s0 =	rddreg [dreg:$0x4]  }
0x419: {  	s0 =	sadd.s32 @!p0 $0x100000, s0  }
0x41a: {  	[sflag:s0] =	ssyncadd.tile.s32 @!p0 $0x1;
	_ =	shalt  }
.Lfunc_end2:
_tile_overlayer_lowered:
.L_overlay_start_2:
0x41b: {  	(tag) =	ssettag $0x2  }
0x41c: {  	s0 =	rddreg [dreg:$0x0];
	s2 =	stileid.u32  }
0x41d: {  	s1 =	rddreg [dreg:$0x1];
	p0 =	sne.s32 s2, $0x0  }
0x41e: {  	s3 =	rddreg [dreg:$0x2];
	[bflag:$0x3] =	sbarrier.arrive $0xFFFF;
	s2 =	simm.s32 @!p0 $0x1C03  }
0x41f: {  	[timem:s3], [sflag:s2] =	dma.local @!p0 [hbm:s0], s1  }
0x420: {  	s0 =	simm.s32 @!p0 $0x3  }
0x421: {  	_ =	swait.ge @!p0 [sflag:s0], s1  }
0x422: {  	s1 =	ssub.s32 @!p0 $0x0, s1;
	[sflag:s0] =	ssyncset.done @!p0 $0x0  }
0x423: {  	[sflag:s0] =	ssyncadd.s32 @!p0 s1  }
0x424: {  	[bflag:$0x3] =	sbarrier.arrive $0xFFFF  }
0x425: {  	_ =	shalt  }

</sc_bundles>
